<compile_context>
chip_gen: v7x
topology: tpu7x:2x2x1
jax: 0.10.2.dev20260603
libtpu: 0.0.44.dev20260713+nightly
codegen_flags: <defaults>
</compile_context>

<pallas_src>
import jax
import jax.numpy as jnp
from jax import lax
from jax.experimental import pallas as pl
from jax.experimental.pallas import tpu as pltpu
from jax.experimental.pallas import tpu_sc as plsc

N = 10000
E = 320000
H = 128
HH = 64
V = 800
T = 512
NP = 10240
CH = 80
F32 = jnp.float32

_mesh = plsc.VectorSubcoreMesh(core_axis_name="c", subcore_axis_name="s")


def _sds(shape, dtype=F32):
    return jax.ShapeDtypeStruct(shape, dtype)


def _prep_body(emb, wza, wha, wr, ur, bz, bh, bur,
               tm, ct, er, az, ah):
    e = emb[...]
    azv = jnp.dot(e, wza[...], preferred_element_type=F32) + bz[...]
    ahv = jnp.dot(e, wha[...], preferred_element_type=F32) + bh[...]
    erv = jnp.dot(e, wr[...], preferred_element_type=F32) + bur[...]
    m1 = (1.0 / (1.0 + jnp.exp(-azv))) * jnp.tanh(ahv)
    m1u = jnp.dot(m1, ur[...], preferred_element_type=F32)
    az[...] = azv
    ah[...] = ahv
    tm[...] = m1
    ct[...] = jnp.concatenate([m1, -m1u], axis=1)
    er[...] = -erv


_prep = pl.pallas_call(
    _prep_body,
    out_shape=[_sds((V, H)), _sds((V, 2 * H)), _sds((V, H)),
               _sds((V, H)), _sds((V, H))],
)


def _gather_body(widp, n2tp, tm, ct, er, az, ah, emb, tvp,
                 ttm, tct, ter, taz, tah, tx, ttv,
                 idxv, b128, b256, sem):
    c = lax.axis_index("c")
    s = lax.axis_index("s")
    w = s * 2 + c
    for i in range(4):
        base = pl.multiple_of(w * 320 + i * CH, 8)
        pltpu.sync_copy(widp.at[pl.ds(base, CH)], idxv)
        for tab, out in ((tm, ttm), (er, ter),
                         (az, taz), (ah, tah), (emb, tx)):
            pltpu.async_copy(tab.at[idxv], b128, sem).wait()
            pltpu.sync_copy(b128, out.at[pl.ds(base, CH)])
        pltpu.async_copy(ct.at[idxv], b256, sem).wait()
        pltpu.sync_copy(b256, tct.at[pl.ds(base, CH)])
        pltpu.sync_copy(n2tp.at[pl.ds(base, CH)], idxv)
        pltpu.async_copy(tvp.at[idxv], b128, sem).wait()
        pltpu.sync_copy(b128, ttv.at[pl.ds(base, CH)])


_gather = pl.kernel(
    _gather_body,
    out_type=[_sds((NP, H)), _sds((NP, 2 * H)), _sds((NP, H)), _sds((NP, H)),
              _sds((NP, H)), _sds((NP, H)), _sds((NP, H))],
    mesh=_mesh,
    scratch_types=[pltpu.VMEM((CH,), jnp.int32),
                   pltpu.VMEM((CH, H), F32), pltpu.VMEM((CH, 2 * H), F32),
                   pltpu.SemaphoreType.DMA],
)


NHALF = 5120
NACC = NHALF + 128
RPT = NACC // 16


def _seg_body(src, dst, tab, out_a, out_b,
              sidx, didx, didx2, gbuf, zbuf, acc, sem):
    c = lax.axis_index("c")
    s = lax.axis_index("s")

    def zrow(i, carry):
        z = jnp.zeros((16,), F32)
        for j in range(8):
            zbuf[i, pl.ds(j * 16, 16)] = z
        return carry

    lax.fori_loop(0, RPT, zrow, 0)
    pltpu.sync_copy(zbuf, acc.at[pl.ds(s * RPT, RPT)])
    plsc.subcore_barrier()
    lo = c * NHALF

    def chunk(i, carry):
        base = pl.multiple_of(s * (E // 16) + i * CH, 8)
        pltpu.sync_copy(src.at[pl.ds(base, CH)], sidx)
        pltpu.sync_copy(dst.at[pl.ds(base, CH)], didx)
        cp = pltpu.async_copy(tab.at[sidx], gbuf, sem)
        for k in range(CH // 16):
            v = didx[pl.ds(k * 16, 16)]
            lv = v - lo
            ok = (lv >= 0) & (lv < NHALF)
            didx2[pl.ds(k * 16, 16)] = jnp.where(ok, lv, NHALF)
        cp.wait()
        pltpu.sync_copy(gbuf, acc.at[didx2], add=True)
        return carry

    lax.fori_loop(0, E // 16 // CH, chunk, 0)
    plsc.subcore_barrier()

    @pl.when(c == 0)
    def _():
        pltpu.sync_copy(acc.at[pl.ds(s * RPT, RPT)],
                        out_a.at[pl.ds(s * RPT, RPT)])

    @pl.when(c == 1)
    def _():
        pltpu.sync_copy(acc.at[pl.ds(s * RPT, RPT)],
                        out_b.at[pl.ds(s * RPT, RPT)])


_seg = pl.kernel(
    _seg_body,
    out_type=[_sds((NACC, H)), _sds((NACC, H))],
    mesh=_mesh,
    scratch_types=[pltpu.VMEM((CH,), jnp.int32), pltpu.VMEM((CH,), jnp.int32),
                   pltpu.VMEM((CH,), jnp.int32), pltpu.VMEM((CH, H), F32),
                   pltpu.VMEM((RPT, H), F32),
                   pltpu.VMEM_SHARED((NACC, H), F32),
                   pltpu.SemaphoreType.DMA],
)


def _rm_body(src, dst, tct, ter,
             orm_a, orm_b,
             sidx, didx, didx2, gbuf, cbuf, rmbuf, zbuf, accrm, sem):
    c = lax.axis_index("c")
    s = lax.axis_index("s")

    def zrow(i, carry):
        z = jnp.zeros((16,), F32)
        for j in range(8):
            zbuf[i, pl.ds(j * 16, 16)] = z
        return carry

    lax.fori_loop(0, RPT, zrow, 0)
    pltpu.sync_copy(zbuf, accrm.at[pl.ds(s * RPT, RPT)])
    plsc.subcore_barrier()
    lo = c * NHALF

    def chunk(i, carry):
        base = pl.multiple_of(s * (E // 16) + i * CH, 8)
        pltpu.sync_copy(src.at[pl.ds(base, CH)], sidx)
        pltpu.sync_copy(dst.at[pl.ds(base, CH)], didx)
        cp1 = pltpu.async_copy(tct.at[sidx], gbuf, sem)
        cp2 = pltpu.async_copy(ter.at[didx], cbuf, sem)
        for k in range(CH // 16):
            v = didx[pl.ds(k * 16, 16)]
            lv = v - lo
            ok = (lv >= 0) & (lv < NHALF)
            didx2[pl.ds(k * 16, 16)] = jnp.where(ok, lv, NHALF)
        cp1.wait()
        cp2.wait()

        def crow(r, cc):
            for j in range(8):
                av = gbuf[r, pl.ds(j * 16, 16)]
                bv = gbuf[r, pl.ds(H + j * 16, 16)]
                cv = cbuf[r, pl.ds(j * 16, 16)]
                rmbuf[r, pl.ds(j * 16, 16)] = av / (1.0 + jnp.exp(bv + cv))
            return cc

        lax.fori_loop(0, CH, crow, 0)
        pltpu.sync_copy(rmbuf, accrm.at[didx2], add=True)
        return carry

    lax.fori_loop(0, E // 16 // CH, chunk, 0)
    plsc.subcore_barrier()

    @pl.when(c == 0)
    def _():
        pltpu.sync_copy(accrm.at[pl.ds(s * RPT, RPT)],
                        orm_a.at[pl.ds(s * RPT, RPT)])

    @pl.when(c == 1)
    def _():
        pltpu.sync_copy(accrm.at[pl.ds(s * RPT, RPT)],
                        orm_b.at[pl.ds(s * RPT, RPT)])


_rm = pl.kernel(
    _rm_body,
    out_type=[_sds((NACC, H)), _sds((NACC, H))],
    mesh=_mesh,
    scratch_types=[pltpu.VMEM((CH,), jnp.int32), pltpu.VMEM((CH,), jnp.int32),
                   pltpu.VMEM((CH,), jnp.int32), pltpu.VMEM((CH, 2 * H), F32),
                   pltpu.VMEM((CH, H), F32), pltpu.VMEM((CH, H), F32),
                   pltpu.VMEM((RPT, H), F32),
                   pltpu.VMEM_SHARED((NACC, H), F32),
                   pltpu.SemaphoreType.DMA],
)


def _mid_body(nm_ref, nrm_ref, azw, ahw, wzb, whb, mn):
    nm = nm_ref[...]
    nrm = nrm_ref[...]
    z = 1.0 / (1.0 + jnp.exp(-(azw[...] +
                               jnp.dot(nm, wzb[...],
                                       preferred_element_type=F32))))
    t = jnp.tanh(ahw[...] + jnp.dot(nrm, whb[...],
                                    preferred_element_type=F32))
    mn[...] = (1.0 - z) * nm + z * t


_mid = pl.pallas_call(
    _mid_body,
    grid=(10,),
    in_specs=[pl.BlockSpec((1000, H), lambda i: (i, 0)),
              pl.BlockSpec((1000, H), lambda i: (i, 0)),
              pl.BlockSpec((1000, H), lambda i: (i, 0)),
              pl.BlockSpec((1000, H), lambda i: (i, 0)),
              pl.BlockSpec((H, H), lambda i: (0, 0)),
              pl.BlockSpec((H, H), lambda i: (0, 0))],
    out_specs=pl.BlockSpec((1000, H), lambda i: (i, 0)),
    out_shape=_sds((N, H)),
)


def _final_body(hw, xw, tvw, wid4, pt4,
                w1, w2, bw, u1, u2, u3, bu, wo, bwo, usr, bus, out):
    i = pl.program_id(0)
    h = hw[...]
    xv = xw[...]
    tv = tvw[...]
    qpre = jnp.maximum(jnp.dot(h, w1[...], preferred_element_type=F32) +
                       jnp.dot(tv, w2[...], preferred_element_type=F32) +
                       bw[...], 0.0)
    q = jnp.dot(qpre, wo[...], preferred_element_type=F32) + bwo[...]
    widb = wid4[0]
    ptb = pt4[0]
    qmax = jnp.max(q, axis=1, keepdims=True)
    lse = qmax[:, 0] + jnp.log(jnp.sum(jnp.exp(q - qmax), axis=1))
    ii = lax.broadcasted_iota(jnp.int32, (1000, V), 1)
    qsel = jnp.sum(jnp.where(ii == widb, q, 0.0), axis=1)
    s1 = jnp.sum(lse - qsel)
    am = jnp.min(jnp.where(q == qmax, ii, V), axis=1)
    s3 = jnp.sum((am[:, None] == widb).astype(F32))
    ppre = jnp.maximum(jnp.dot(xv, u1[...], preferred_element_type=F32) +
                       jnp.dot(h, u2[...], preferred_element_type=F32) +
                       jnp.dot(tv, u3[...], preferred_element_type=F32) +
                       bu[...], 0.0)
    p = jnp.sum(ppre * usr[...], axis=1, keepdims=True) + bus[0, 0]
    ptf = ptb.astype(F32)
    s2 = jnp.sum(jnp.maximum(p, 0.0) - p * ptf +
                 jnp.log(1.0 + jnp.exp(-jnp.abs(p))))
    s4 = jnp.sum(((p > 0.0).astype(jnp.int32) == ptb).astype(F32))
    li = lax.broadcasted_iota(jnp.int32, (1, H), 1)
    vec = (jnp.where(li == 0, s1 / T, 0.0) +
           jnp.where(li == 1, s2 / T, 0.0) +
           jnp.where(li == 2, s3 / N, 0.0) +
           jnp.where(li == 3, s4 / N, 0.0))

    @pl.when(i == 0)
    def _():
        out[...] = jnp.zeros_like(out)

    out[...] += vec


_final = pl.pallas_call(
    _final_body,
    grid=(10,),
    in_specs=[pl.BlockSpec((1000, H), lambda i: (i, 0)),
              pl.BlockSpec((1000, H), lambda i: (i, 0)),
              pl.BlockSpec((1000, H), lambda i: (i, 0)),
              pl.BlockSpec((1, 1000, 1), lambda i: (i, 0, 0)),
              pl.BlockSpec((1, 1000, 1), lambda i: (i, 0, 0)),
              pl.BlockSpec((H, H), lambda i: (0, 0)),
              pl.BlockSpec((H, H), lambda i: (0, 0)),
              pl.BlockSpec((1, H), lambda i: (0, 0)),
              pl.BlockSpec((H, H), lambda i: (0, 0)),
              pl.BlockSpec((H, H), lambda i: (0, 0)),
              pl.BlockSpec((H, H), lambda i: (0, 0)),
              pl.BlockSpec((1, H), lambda i: (0, 0)),
              pl.BlockSpec((H, V), lambda i: (0, 0)),
              pl.BlockSpec((1, V), lambda i: (0, 0)),
              pl.BlockSpec((1, H), lambda i: (0, 0)),
              pl.BlockSpec((1, H), lambda i: (0, 0))],
    out_specs=pl.BlockSpec((1, H), lambda i: (0, 0)),
    out_shape=_sds((1, H)),
)


def kernel(wid, edge_index, node2tree, p_targets, tree_vec, emb,
           Wz, bz, Wr, Ur, bur, Wh, bh, W, bW, U, bU, Wo, bWo, Us, bUs):
    wid = wid.astype(jnp.int32)
    node2tree = node2tree.astype(jnp.int32)
    src = edge_index[0].astype(jnp.int32)
    dst = edge_index[1].astype(jnp.int32)

    widp = jnp.pad(wid, (0, NP - N))
    n2tp = jnp.pad(node2tree, (0, NP - N))
    tvp = jnp.pad(tree_vec, ((0, 0), (0, H - tree_vec.shape[1])))

    tm, ct, er, az, ah = _prep(
        emb, Wz[:H], Wh[:H], Wr, Ur,
        bz.reshape(1, H), bh.reshape(1, H), bur.reshape(1, H))

    ttm, tct, ter, taz, tah, tx, ttv = _gather(
        widp, n2tp, tm, ct, er, az, ah, emb, tvp)

    om_a, om_b = _seg(src, dst, ttm)
    orm_a, orm_b = _rm(src, dst, tct, ter)

    nm = jnp.concatenate([om_a[:NHALF], om_b[:N - NHALF]], axis=0)
    nrm = jnp.concatenate([orm_a[:NHALF], orm_b[:N - NHALF]], axis=0)
    mn = _mid(nm, nrm, taz, tah, Wz[H:], Wh[H:])

    oh_a, oh_b = _seg(src, dst, mn)
    h = jnp.concatenate([oh_a[:NHALF], oh_b[:N - NHALF]], axis=0)

    accrow = _final(
        h, tx, ttv,
        wid.reshape(10, 1000, 1), p_targets.astype(jnp.int32).reshape(10, 1000, 1),
        W[:H], jnp.pad(W[H:], ((0, H - (W.shape[0] - H)), (0, 0))),
        bW.reshape(1, H),
        U[:H], U[H:2 * H], jnp.pad(U[2 * H:], ((0, H - (U.shape[0] - 2 * H)), (0, 0))),
        bU.reshape(1, H),
        Wo, bWo.reshape(1, V),
        Us[:, 0].reshape(1, H), bUs[0] * jnp.ones((1, H), F32))

    o = accrow[0]
    return jnp.stack([o[0], o[1], o[2], o[3]])

# --- scband reference (transcript-rebuilt; emitter-appended) ---
"""Pipeline reference for scband-dgljtnndecoder-2379411882640 (READ-ONLY COPY).

The authoritative reference and input builder live on the scoring server;
editing this copy changes nothing except your own understanding.
"""

import jax, jax.numpy as jnp
import numpy as np

N = 10000
E = 320000
H = 128
L = 56
V = 800
T = 512


def setup_inputs(seed: int = 0):
    key = jax.random.key(seed)
    ks = jax.random.split(key, 24)

    def w(k, shape):
        return (jax.random.normal(k, shape, dtype=jnp.float32) / np.sqrt(shape[0])).astype(jnp.float32)

    inp = {}
    inp["wid"] = jax.random.randint(ks[0], (N,), 0, V)
    inp["edge_index"] = jax.random.randint(ks[1], (2, E), 0, N)
    inp["node2tree"] = jnp.sort(jax.random.randint(ks[2], (N,), 0, T))
    inp["p_targets"] = jax.random.randint(ks[3], (N,), 0, 2)
    inp["tree_vec"] = jax.random.normal(ks[4], (T, L), dtype=jnp.float32)
    inp["emb"] = jax.random.normal(ks[5], (V, H), dtype=jnp.float32) * 0.05
    inp["Wz"] = w(ks[6], (2 * H, H)); inp["bz"] = jnp.zeros((H,), jnp.float32)
    inp["Wr"] = w(ks[7], (H, H))
    inp["Ur"] = w(ks[8], (H, H)); inp["bur"] = jnp.zeros((H,), jnp.float32)
    inp["Wh"] = w(ks[9], (2 * H, H)); inp["bh"] = jnp.zeros((H,), jnp.float32)
    inp["W"] = w(ks[10], (L + H, H)); inp["bW"] = jnp.zeros((H,), jnp.float32)
    inp["U"] = w(ks[11], (L + 2 * H, H)); inp["bU"] = jnp.zeros((H,), jnp.float32)
    inp["Wo"] = w(ks[12], (H, V)); inp["bWo"] = jnp.zeros((V,), jnp.float32)
    inp["Us"] = w(ks[13], (H, 1)); inp["bUs"] = jnp.zeros((1,), jnp.float32)
    return inp


def reference(wid, edge_index, node2tree, p_targets, tree_vec, emb, Wz, bz, Wr, Ur, bur, Wh, bh, W, bW, U, bU, Wo, bWo, Us, bUs):
    # node embedding lookup (memory-bound gather)
    x = jnp.take(emb, wid, axis=0)
    src = edge_index[0]
    dst = edge_index[1]
    src_x = jnp.take(x, src, axis=0)
    dst_x = jnp.take(x, dst, axis=0)
    # GRUUpdate line-graph message passing, statically unrolled (2 synchronous sweeps
    # replacing the data-dependent DFS pull schedule of the original decoder)
    m = jnp.zeros((E, H), jnp.float32)
    rm = jnp.zeros((E, H), jnp.float32)
    for _ in range(2):
        node_m = jax.ops.segment_sum(m, dst, num_segments=N)
        node_rm = jax.ops.segment_sum(rm, dst, num_segments=N)
        s = jnp.take(node_m, src, axis=0)
        accum_rm = jnp.take(node_rm, src, axis=0)
        z = jax.nn.sigmoid(jnp.concatenate([src_x, s], axis=1) @ Wz + bz)
        m = (1.0 - z) * s + z * jnp.tanh(jnp.concatenate([src_x, accum_rm], axis=1) @ Wh + bh)
        r = jax.nn.sigmoid(dst_x @ Wr + m @ Ur + bur)
        rm = r * m
    # node pull: h = sum of incoming edge messages
    h = jax.ops.segment_sum(m, dst, num_segments=N)
    tv = jnp.take(tree_vec, node2tree, axis=0)
    p_in = jnp.concatenate([x, h, tv], axis=1)
    q_in = jnp.concatenate([h, tv], axis=1)
    q = jax.nn.relu(q_in @ W + bW) @ Wo + bWo
    p = (jax.nn.relu(p_in @ U + bU) @ Us + bUs)[:, 0]
    pt = p_targets.astype(jnp.float32)
    p_loss = jnp.sum(jnp.maximum(p, 0.0) - p * pt + jnp.log1p(jnp.exp(-jnp.abs(p)))) / T
    lse = jax.scipy.special.logsumexp(q, axis=1)
    q_loss = jnp.sum(lse - jnp.take_along_axis(q, wid[:, None], axis=1)[:, 0]) / T
    qd = jax.lax.stop_gradient(q)
    pd = jax.lax.stop_gradient(p)
    p_acc = jnp.mean(((pd > 0).astype(jnp.int32) == p_targets).astype(jnp.float32))
    q_acc = jnp.mean((jnp.argmax(qd, axis=1) == wid).astype(jnp.float32))
    return jnp.stack([q_loss, p_loss, q_acc, p_acc])

if __name__ == "__main__":
    import jax
    _d = setup_inputs()
    print(jax.jit(kernel)(*tuple(_d.values())))

</pallas_src>

<mosaic_0001>
#map = affine_map<(d0, d1) -> (0)>
#map1 = affine_map<(d0, d1) -> (0, 0)>
module attributes {stable_mosaic.version = 14 : i64} {
  func.func @_gather_body(%arg0: i32, %arg1: i32, %arg2: memref<10240xi32, #tpu.memory_space<hbm>>, %arg3: memref<10240xi32, #tpu.memory_space<hbm>>, %arg4: memref<800x128xf32, #tpu.memory_space<hbm>>, %arg5: memref<800x256xf32, #tpu.memory_space<hbm>>, %arg6: memref<800x128xf32, #tpu.memory_space<hbm>>, %arg7: memref<800x128xf32, #tpu.memory_space<hbm>>, %arg8: memref<800x128xf32, #tpu.memory_space<hbm>>, %arg9: memref<800x128xf32, #tpu.memory_space<hbm>>, %arg10: memref<512x128xf32, #tpu.memory_space<hbm>>, %arg11: memref<10240x128xf32, #tpu.memory_space<hbm>>, %arg12: memref<10240x256xf32, #tpu.memory_space<hbm>>, %arg13: memref<10240x128xf32, #tpu.memory_space<hbm>>, %arg14: memref<10240x128xf32, #tpu.memory_space<hbm>>, %arg15: memref<10240x128xf32, #tpu.memory_space<hbm>>, %arg16: memref<10240x128xf32, #tpu.memory_space<hbm>>, %arg17: memref<10240x128xf32, #tpu.memory_space<hbm>>, %arg18: memref<80xi32, #tpu.memory_space<vmem>>, %arg19: memref<80x128xf32, #tpu.memory_space<vmem>>, %arg20: memref<80x256xf32, #tpu.memory_space<vmem>>, %arg21: memref<!tpu.dma_semaphore, #tpu.memory_space<semaphore_mem>>) attributes {dimension_semantics = [#tpu.dimension_semantics<core_parallel>, #tpu.dimension_semantics<subcore_parallel>], iteration_bounds = array<i64: 2, 16>, scalar_prefetch = 0 : i64, scratch_operands = 4 : i64, tpu.core_type = #tpu.core_type<sc_vector_subcore>, window_params = [{transform_indices = #map}, {transform_indices = #map}, {transform_indices = #map1}, {transform_indices = #map1}, {transform_indices = #map1}, {transform_indices = #map1}, {transform_indices = #map1}, {transform_indices = #map1}, {transform_indices = #map1}, {transform_indices = #map1}, {transform_indices = #map1}, {transform_indices = #map1}, {transform_indices = #map1}, {transform_indices = #map1}, {transform_indices = #map1}, {transform_indices = #map1}]} {
    %mul3A = arith.constant 2 : i32
    %mul3A_0 = arith.muli %arg1, %mul3A : i32
    %add3A = arith.addi %mul3A_0, %arg0 : i32
    %mul3A_1 = arith.constant 320 : i32
    %mul3A_2 = arith.muli %add3A, %mul3A_1 : i32
    %add3A_3 = arith.constant 0 : i32
    %add3A_4 = arith.addi %mul3A_2, %add3A_3 : i32
    %multiple_of3A = tpu.assume_multiple %add3A_4, 8 : i32
    "tpu.region"() ({
      %run_scoped3A = tpu.sem_alloc : memref<!tpu.dma_semaphore, #tpu.memory_space<semaphore_mem>>
      %dma_start3A_186 = tpu.memref_slice %arg2[%multiple_of3A] : memref<10240xi32, #tpu.memory_space<hbm>> -> memref<80xi32, #tpu.memory_space<hbm>>
      %dma_start3A_187 = tpu.memref_slice %arg2[%multiple_of3A] : memref<10240xi32, #tpu.memory_space<hbm>> -> memref<80xi32, #tpu.memory_space<hbm>>
      tpu.enqueue_dma source(%dma_start3A_187 : memref<80xi32, #tpu.memory_space<hbm>>) target(%arg18 : memref<80xi32, #tpu.memory_space<vmem>>) target_semaphore(%run_scoped3A : memref<!tpu.dma_semaphore, #tpu.memory_space<semaphore_mem>>)
      %dma_wait3A_188 = tpu.memref_slice %arg2[%multiple_of3A] : memref<10240xi32, #tpu.memory_space<hbm>> -> memref<80xi32, #tpu.memory_space<hbm>>
      %dma_wait3A_189 = tpu.memref_slice %arg2[%multiple_of3A] : memref<10240xi32, #tpu.memory_space<hbm>> -> memref<80xi32, #tpu.memory_space<hbm>>
      tpu.wait_dma2 semaphore(%run_scoped3A : memref<!tpu.dma_semaphore, #tpu.memory_space<semaphore_mem>>) src(%dma_wait3A_189 : memref<80xi32, #tpu.memory_space<hbm>>) dst(%arg18 : memref<80xi32, #tpu.memory_space<vmem>>)
      tpu.yield
    }) : () -> ()
    %dma_start3A = arith.constant 0 : i32
    %dma_start3A_5 = arith.constant 0 : i32
    %dma_start3A_6 = tpu.memref_slice %arg4[%dma_start3A, %dma_start3A_5] : memref<800x128xf32, #tpu.memory_space<hbm>> -> memref<800x128xf32, #tpu.memory_space<hbm>>
    tpu.enqueue_indirect_dma source(%dma_start3A_6 : memref<800x128xf32, #tpu.memory_space<hbm>>) target(%arg19 : memref<80x128xf32, #tpu.memory_space<vmem>>) offsets(%arg18 : memref<80xi32, #tpu.memory_space<vmem>>) semaphore(%arg21 : memref<!tpu.dma_semaphore, #tpu.memory_space<semaphore_mem>>)
    %dma_wait3A = arith.constant 0 : i32
    %dma_wait3A_7 = arith.constant 0 : i32
    %dma_wait3A_8 = tpu.memref_slice %arg4[%dma_wait3A, %dma_wait3A_7] : memref<800x128xf32, #tpu.memory_space<hbm>> -> memref<800x128xf32, #tpu.memory_space<hbm>>
    tpu.wait_indirect_dma semaphore(%arg21 : memref<!tpu.dma_semaphore, #tpu.memory_space<semaphore_mem>>) src(%dma_wait3A_8 : memref<800x128xf32, #tpu.memory_space<hbm>>) dst(%arg19 : memref<80x128xf32, #tpu.memory_space<vmem>>)
    "tpu.region"() ({
      %run_scoped3A = tpu.sem_alloc : memref<!tpu.dma_semaphore, #tpu.memory_space<semaphore_mem>>
      %dma_start3A_186 = arith.constant 0 : i32
      %dma_start3A_187 = tpu.memref_slice %arg11[%multiple_of3A, %dma_start3A_186] : memref<10240x128xf32, #tpu.memory_space<hbm>> -> memref<80x128xf32, #tpu.memory_space<hbm>>
      %dma_start3A_188 = arith.constant 0 : i32
      %dma_start3A_189 = tpu.memref_slice %arg11[%multiple_of3A, %dma_start3A_188] : memref<10240x128xf32, #tpu.memory_space<hbm>> -> memref<80x128xf32, #tpu.memory_space<hbm>>
      tpu.enqueue_dma source(%arg19 : memref<80x128xf32, #tpu.memory_space<vmem>>) target(%dma_start3A_189 : memref<80x128xf32, #tpu.memory_space<hbm>>) target_semaphore(%run_scoped3A : memref<!tpu.dma_semaphore, #tpu.memory_space<semaphore_mem>>)
      %dma_wait3A_190 = arith.constant 0 : i32
      %dma_wait3A_191 = tpu.memref_slice %arg11[%multiple_of3A, %dma_wait3A_190] : memref<10240x128xf32, #tpu.memory_space<hbm>> -> memref<80x128xf32, #tpu.memory_space<hbm>>
      %dma_wait3A_192 = arith.constant 0 : i32
      %dma_wait3A_193 = tpu.memref_slice %arg11[%multiple_of3A, %dma_wait3A_192] : memref<10240x128xf32, #tpu.memory_space<hbm>> -> memref<80x128xf32, #tpu.memory_space<hbm>>
      tpu.wait_dma2 semaphore(%run_scoped3A : memref<!tpu.dma_semaphore, #tpu.memory_space<semaphore_mem>>) src(%arg19 : memref<80x128xf32, #tpu.memory_space<vmem>>) dst(%dma_wait3A_193 : memref<80x128xf32, #tpu.memory_space<hbm>>)
      tpu.yield
    }) : () -> ()
    %dma_start3A_9 = arith.constant 0 : i32
    %dma_start3A_10 = arith.constant 0 : i32
    %dma_start3A_11 = tpu.memref_slice %arg6[%dma_start3A_9, %dma_start3A_10] : memref<800x128xf32, #tpu.memory_space<hbm>> -> memref<800x128xf32, #tpu.memory_space<hbm>>
    tpu.enqueue_indirect_dma source(%dma_start3A_11 : memref<800x128xf32, #tpu.memory_space<hbm>>) target(%arg19 : memref<80x128xf32, #tpu.memory_space<vmem>>) offsets(%arg18 : memref<80xi32, #tpu.memory_space<vmem>>) semaphore(%arg21 : memref<!tpu.dma_semaphore, #tpu.memory_space<semaphore_mem>>)
    %dma_wait3A_12 = arith.constant 0 : i32
    %dma_wait3A_13 = arith.constant 0 : i32
    %dma_wait3A_14 = tpu.memref_slice %arg6[%dma_wait3A_12, %dma_wait3A_13] : memref<800x128xf32, #tpu.memory_space<hbm>> -> memref<800x128xf32, #tpu.memory_space<hbm>>
    tpu.wait_indirect_dma semaphore(%arg21 : memref<!tpu.dma_semaphore, #tpu.memory_space<semaphore_mem>>) src(%dma_wait3A_14 : memref<800x128xf32, #tpu.memory_space<hbm>>) dst(%arg19 : memref<80x128xf32, #tpu.memory_space<vmem>>)
    "tpu.region"() ({
      %run_scoped3A = tpu.sem_alloc : memref<!tpu.dma_semaphore, #tpu.memory_space<semaphore_mem>>
      %dma_start3A_186 = arith.constant 0 : i32
      %dma_start3A_187 = tpu.memref_slice %arg13[%multiple_of3A, %dma_start3A_186] : memref<10240x128xf32, #tpu.memory_space<hbm>> -> memref<80x128xf32, #tpu.memory_space<hbm>>
      %dma_start3A_188 = arith.constant 0 : i32
      %dma_start3A_189 = tpu.memref_slice %arg13[%multiple_of3A, %dma_start3A_188] : memref<10240x128xf32, #tpu.memory_space<hbm>> -> memref<80x128xf32, #tpu.memory_space<hbm>>
      tpu.enqueue_dma source(%arg19 : memref<80x128xf32, #tpu.memory_space<vmem>>) target(%dma_start3A_189 : memref<80x128xf32, #tpu.memory_space<hbm>>) target_semaphore(%run_scoped3A : memref<!tpu.dma_semaphore, #tpu.memory_space<semaphore_mem>>)
      %dma_wait3A_190 = arith.constant 0 : i32
      %dma_wait3A_191 = tpu.memref_slice %arg13[%multiple_of3A, %dma_wait3A_190] : memref<10240x128xf32, #tpu.memory_space<hbm>> -> memref<80x128xf32, #tpu.memory_space<hbm>>
      %dma_wait3A_192 = arith.constant 0 : i32
      %dma_wait3A_193 = tpu.memref_slice %arg13[%multiple_of3A, %dma_wait3A_192] : memref<10240x128xf32, #tpu.memory_space<hbm>> -> memref<80x128xf32, #tpu.memory_space<hbm>>
      tpu.wait_dma2 semaphore(%run_scoped3A : memref<!tpu.dma_semaphore, #tpu.memory_space<semaphore_mem>>) src(%arg19 : memref<80x128xf32, #tpu.memory_space<vmem>>) dst(%dma_wait3A_193 : memref<80x128xf32, #tpu.memory_space<hbm>>)
      tpu.yield
    }) : () -> ()
    %dma_start3A_15 = arith.constant 0 : i32
    %dma_start3A_16 = arith.constant 0 : i32
    %dma_start3A_17 = tpu.memref_slice %arg7[%dma_start3A_15, %dma_start3A_16] : memref<800x128xf32, #tpu.memory_space<hbm>> -> memref<800x128xf32, #tpu.memory_space<hbm>>
    tpu.enqueue_indirect_dma source(%dma_start3A_17 : memref<800x128xf32, #tpu.memory_space<hbm>>) target(%arg19 : memref<80x128xf32, #tpu.memory_space<vmem>>) offsets(%arg18 : memref<80xi32, #tpu.memory_space<vmem>>) semaphore(%arg21 : memref<!tpu.dma_semaphore, #tpu.memory_space<semaphore_mem>>)
    %dma_wait3A_18 = arith.constant 0 : i32
    %dma_wait3A_19 = arith.constant 0 : i32
    %dma_wait3A_20 = tpu.memref_slice %arg7[%dma_wait3A_18, %dma_wait3A_19] : memref<800x128xf32, #tpu.memory_space<hbm>> -> memref<800x128xf32, #tpu.memory_space<hbm>>
    tpu.wait_indirect_dma semaphore(%arg21 : memref<!tpu.dma_semaphore, #tpu.memory_space<semaphore_mem>>) src(%dma_wait3A_20 : memref<800x128xf32, #tpu.memory_space<hbm>>) dst(%arg19 : memref<80x128xf32, #tpu.memory_space<vmem>>)
    "tpu.region"() ({
      %run_scoped3A = tpu.sem_alloc : memref<!tpu.dma_semaphore, #tpu.memory_space<semaphore_mem>>
      %dma_start3A_186 = arith.constant 0 : i32
      %dma_start3A_187 = tpu.memref_slice %arg14[%multiple_of3A, %dma_start3A_186] : memref<10240x128xf32, #tpu.memory_space<hbm>> -> memref<80x128xf32, #tpu.memory_space<hbm>>
      %dma_start3A_188 = arith.constant 0 : i32
      %dma_start3A_189 = tpu.memref_slice %arg14[%multiple_of3A, %dma_start3A_188] : memref<10240x128xf32, #tpu.memory_space<hbm>> -> memref<80x128xf32, #tpu.memory_space<hbm>>
      tpu.enqueue_dma source(%arg19 : memref<80x128xf32, #tpu.memory_space<vmem>>) target(%dma_start3A_189 : memref<80x128xf32, #tpu.memory_space<hbm>>) target_semaphore(%run_scoped3A : memref<!tpu.dma_semaphore, #tpu.memory_space<semaphore_mem>>)
      %dma_wait3A_190 = arith.constant 0 : i32
      %dma_wait3A_191 = tpu.memref_slice %arg14[%multiple_of3A, %dma_wait3A_190] : memref<10240x128xf32, #tpu.memory_space<hbm>> -> memref<80x128xf32, #tpu.memory_space<hbm>>
      %dma_wait3A_192 = arith.constant 0 : i32
      %dma_wait3A_193 = tpu.memref_slice %arg14[%multiple_of3A, %dma_wait3A_192] : memref<10240x128xf32, #tpu.memory_space<hbm>> -> memref<80x128xf32, #tpu.memory_space<hbm>>
      tpu.wait_dma2 semaphore(%run_scoped3A : memref<!tpu.dma_semaphore, #tpu.memory_space<semaphore_mem>>) src(%arg19 : memref<80x128xf32, #tpu.memory_space<vmem>>) dst(%dma_wait3A_193 : memref<80x128xf32, #tpu.memory_space<hbm>>)
      tpu.yield
    }) : () -> ()
    %dma_start3A_21 = arith.constant 0 : i32
    %dma_start3A_22 = arith.constant 0 : i32
    %dma_start3A_23 = tpu.memref_slice %arg8[%dma_start3A_21, %dma_start3A_22] : memref<800x128xf32, #tpu.memory_space<hbm>> -> memref<800x128xf32, #tpu.memory_space<hbm>>
    tpu.enqueue_indirect_dma source(%dma_start3A_23 : memref<800x128xf32, #tpu.memory_space<hbm>>) target(%arg19 : memref<80x128xf32, #tpu.memory_space<vmem>>) offsets(%arg18 : memref<80xi32, #tpu.memory_space<vmem>>) semaphore(%arg21 : memref<!tpu.dma_semaphore, #tpu.memory_space<semaphore_mem>>)
    %dma_wait3A_24 = arith.constant 0 : i32
    %dma_wait3A_25 = arith.constant 0 : i32
    %dma_wait3A_26 = tpu.memref_slice %arg8[%dma_wait3A_24, %dma_wait3A_25] : memref<800x128xf32, #tpu.memory_space<hbm>> -> memref<800x128xf32, #tpu.memory_space<hbm>>
    tpu.wait_indirect_dma semaphore(%arg21 : memref<!tpu.dma_semaphore, #tpu.memory_space<semaphore_mem>>) src(%dma_wait3A_26 : memref<800x128xf32, #tpu.memory_space<hbm>>) dst(%arg19 : memref<80x128xf32, #tpu.memory_space<vmem>>)
    "tpu.region"() ({
      %run_scoped3A = tpu.sem_alloc : memref<!tpu.dma_semaphore, #tpu.memory_space<semaphore_mem>>
      %dma_start3A_186 = arith.constant 0 : i32
      %dma_start3A_187 = tpu.memref_slice %arg15[%multiple_of3A, %dma_start3A_186] : memref<10240x128xf32, #tpu.memory_space<hbm>> -> memref<80x128xf32, #tpu.memory_space<hbm>>
      %dma_start3A_188 = arith.constant 0 : i32
      %dma_start3A_189 = tpu.memref_slice %arg15[%multiple_of3A, %dma_start3A_188] : memref<10240x128xf32, #tpu.memory_space<hbm>> -> memref<80x128xf32, #tpu.memory_space<hbm>>
      tpu.enqueue_dma source(%arg19 : memref<80x128xf32, #tpu.memory_space<vmem>>) target(%dma_start3A_189 : memref<80x128xf32, #tpu.memory_space<hbm>>) target_semaphore(%run_scoped3A : memref<!tpu.dma_semaphore, #tpu.memory_space<semaphore_mem>>)
      %dma_wait3A_190 = arith.constant 0 : i32
      %dma_wait3A_191 = tpu.memref_slice %arg15[%multiple_of3A, %dma_wait3A_190] : memref<10240x128xf32, #tpu.memory_space<hbm>> -> memref<80x128xf32, #tpu.memory_space<hbm>>
      %dma_wait3A_192 = arith.constant 0 : i32
      %dma_wait3A_193 = tpu.memref_slice %arg15[%multiple_of3A, %dma_wait3A_192] : memref<10240x128xf32, #tpu.memory_space<hbm>> -> memref<80x128xf32, #tpu.memory_space<hbm>>
      tpu.wait_dma2 semaphore(%run_scoped3A : memref<!tpu.dma_semaphore, #tpu.memory_space<semaphore_mem>>) src(%arg19 : memref<80x128xf32, #tpu.memory_space<vmem>>) dst(%dma_wait3A_193 : memref<80x128xf32, #tpu.memory_space<hbm>>)
      tpu.yield
    }) : () -> ()
    %dma_start3A_27 = arith.constant 0 : i32
    %dma_start3A_28 = arith.constant 0 : i32
    %dma_start3A_29 = tpu.memref_slice %arg9[%dma_start3A_27, %dma_start3A_28] : memref<800x128xf32, #tpu.memory_space<hbm>> -> memref<800x128xf32, #tpu.memory_space<hbm>>
    tpu.enqueue_indirect_dma source(%dma_start3A_29 : memref<800x128xf32, #tpu.memory_space<hbm>>) target(%arg19 : memref<80x128xf32, #tpu.memory_space<vmem>>) offsets(%arg18 : memref<80xi32, #tpu.memory_space<vmem>>) semaphore(%arg21 : memref<!tpu.dma_semaphore, #tpu.memory_space<semaphore_mem>>)
    %dma_wait3A_30 = arith.constant 0 : i32
    %dma_wait3A_31 = arith.constant 0 : i32
    %dma_wait3A_32 = tpu.memref_slice %arg9[%dma_wait3A_30, %dma_wait3A_31] : memref<800x128xf32, #tpu.memory_space<hbm>> -> memref<800x128xf32, #tpu.memory_space<hbm>>
    tpu.wait_indirect_dma semaphore(%arg21 : memref<!tpu.dma_semaphore, #tpu.memory_space<semaphore_mem>>) src(%dma_wait3A_32 : memref<800x128xf32, #tpu.memory_space<hbm>>) dst(%arg19 : memref<80x128xf32, #tpu.memory_space<vmem>>)
    "tpu.region"() ({
      %run_scoped3A = tpu.sem_alloc : memref<!tpu.dma_semaphore, #tpu.memory_space<semaphore_mem>>
      %dma_start3A_186 = arith.constant 0 : i32
      %dma_start3A_187 = tpu.memref_slice %arg16[%multiple_of3A, %dma_start3A_186] : memref<10240x128xf32, #tpu.memory_space<hbm>> -> memref<80x128xf32, #tpu.memory_space<hbm>>
      %dma_start3A_188 = arith.constant 0 : i32
      %dma_start3A_189 = tpu.memref_slice %arg16[%multiple_of3A, %dma_start3A_188] : memref<10240x128xf32, #tpu.memory_space<hbm>> -> memref<80x128xf32, #tpu.memory_space<hbm>>
      tpu.enqueue_dma source(%arg19 : memref<80x128xf32, #tpu.memory_space<vmem>>) target(%dma_start3A_189 : memref<80x128xf32, #tpu.memory_space<hbm>>) target_semaphore(%run_scoped3A : memref<!tpu.dma_semaphore, #tpu.memory_space<semaphore_mem>>)
      %dma_wait3A_190 = arith.constant 0 : i32
      %dma_wait3A_191 = tpu.memref_slice %arg16[%multiple_of3A, %dma_wait3A_190] : memref<10240x128xf32, #tpu.memory_space<hbm>> -> memref<80x128xf32, #tpu.memory_space<hbm>>
      %dma_wait3A_192 = arith.constant 0 : i32
      %dma_wait3A_193 = tpu.memref_slice %arg16[%multiple_of3A, %dma_wait3A_192] : memref<10240x128xf32, #tpu.memory_space<hbm>> -> memref<80x128xf32, #tpu.memory_space<hbm>>
      tpu.wait_dma2 semaphore(%run_scoped3A : memref<!tpu.dma_semaphore, #tpu.memory_space<semaphore_mem>>) src(%arg19 : memref<80x128xf32, #tpu.memory_space<vmem>>) dst(%dma_wait3A_193 : memref<80x128xf32, #tpu.memory_space<hbm>>)
      tpu.yield
    }) : () -> ()
    %dma_start3A_33 = arith.constant 0 : i32
    %dma_start3A_34 = arith.constant 0 : i32
    %dma_start3A_35 = tpu.memref_slice %arg5[%dma_start3A_33, %dma_start3A_34] : memref<800x256xf32, #tpu.memory_space<hbm>> -> memref<800x256xf32, #tpu.memory_space<hbm>>
    tpu.enqueue_indirect_dma source(%dma_start3A_35 : memref<800x256xf32, #tpu.memory_space<hbm>>) target(%arg20 : memref<80x256xf32, #tpu.memory_space<vmem>>) offsets(%arg18 : memref<80xi32, #tpu.memory_space<vmem>>) semaphore(%arg21 : memref<!tpu.dma_semaphore, #tpu.memory_space<semaphore_mem>>)
    %dma_wait3A_36 = arith.constant 0 : i32
    %dma_wait3A_37 = arith.constant 0 : i32
    %dma_wait3A_38 = tpu.memref_slice %arg5[%dma_wait3A_36, %dma_wait3A_37] : memref<800x256xf32, #tpu.memory_space<hbm>> -> memref<800x256xf32, #tpu.memory_space<hbm>>
    tpu.wait_indirect_dma semaphore(%arg21 : memref<!tpu.dma_semaphore, #tpu.memory_space<semaphore_mem>>) src(%dma_wait3A_38 : memref<800x256xf32, #tpu.memory_space<hbm>>) dst(%arg20 : memref<80x256xf32, #tpu.memory_space<vmem>>)
    "tpu.region"() ({
      %run_scoped3A = tpu.sem_alloc : memref<!tpu.dma_semaphore, #tpu.memory_space<semaphore_mem>>
      %dma_start3A_186 = arith.constant 0 : i32
      %dma_start3A_187 = tpu.memref_slice %arg12[%multiple_of3A, %dma_start3A_186] : memref<10240x256xf32, #tpu.memory_space<hbm>> -> memref<80x256xf32, #tpu.memory_space<hbm>>
      %dma_start3A_188 = arith.constant 0 : i32
      %dma_start3A_189 = tpu.memref_slice %arg12[%multiple_of3A, %dma_start3A_188] : memref<10240x256xf32, #tpu.memory_space<hbm>> -> memref<80x256xf32, #tpu.memory_space<hbm>>
      tpu.enqueue_dma source(%arg20 : memref<80x256xf32, #tpu.memory_space<vmem>>) target(%dma_start3A_189 : memref<80x256xf32, #tpu.memory_space<hbm>>) target_semaphore(%run_scoped3A : memref<!tpu.dma_semaphore, #tpu.memory_space<semaphore_mem>>)
      %dma_wait3A_190 = arith.constant 0 : i32
      %dma_wait3A_191 = tpu.memref_slice %arg12[%multiple_of3A, %dma_wait3A_190] : memref<10240x256xf32, #tpu.memory_space<hbm>> -> memref<80x256xf32, #tpu.memory_space<hbm>>
      %dma_wait3A_192 = arith.constant 0 : i32
      %dma_wait3A_193 = tpu.memref_slice %arg12[%multiple_of3A, %dma_wait3A_192] : memref<10240x256xf32, #tpu.memory_space<hbm>> -> memref<80x256xf32, #tpu.memory_space<hbm>>
      tpu.wait_dma2 semaphore(%run_scoped3A : memref<!tpu.dma_semaphore, #tpu.memory_space<semaphore_mem>>) src(%arg20 : memref<80x256xf32, #tpu.memory_space<vmem>>) dst(%dma_wait3A_193 : memref<80x256xf32, #tpu.memory_space<hbm>>)
      tpu.yield
    }) : () -> ()
    "tpu.region"() ({
      %run_scoped3A = tpu.sem_alloc : memref<!tpu.dma_semaphore, #tpu.memory_space<semaphore_mem>>
      %dma_start3A_186 = tpu.memref_slice %arg3[%multiple_of3A] : memref<10240xi32, #tpu.memory_space<hbm>> -> memref<80xi32, #tpu.memory_space<hbm>>
      %dma_start3A_187 = tpu.memref_slice %arg3[%multiple_of3A] : memref<10240xi32, #tpu.memory_space<hbm>> -> memref<80xi32, #tpu.memory_space<hbm>>
      tpu.enqueue_dma source(%dma_start3A_187 : memref<80xi32, #tpu.memory_space<hbm>>) target(%arg18 : memref<80xi32, #tpu.memory_space<vmem>>) target_semaphore(%run_scoped3A : memref<!tpu.dma_semaphore, #tpu.memory_space<semaphore_mem>>)
      %dma_wait3A_188 = tpu.memref_slice %arg3[%multiple_of3A] : memref<10240xi32, #tpu.memory_space<hbm>> -> memref<80xi32, #tpu.memory_space<hbm>>
      %dma_wait3A_189 = tpu.memref_slice %arg3[%multiple_of3A] : memref<10240xi32, #tpu.memory_space<hbm>> -> memref<80xi32, #tpu.memory_space<hbm>>
      tpu.wait_dma2 semaphore(%run_scoped3A : memref<!tpu.dma_semaphore, #tpu.memory_space<semaphore_mem>>) src(%dma_wait3A_189 : memref<80xi32, #tpu.memory_space<hbm>>) dst(%arg18 : memref<80xi32, #tpu.memory_space<vmem>>)
      tpu.yield
    }) : () -> ()
    %dma_start3A_39 = arith.constant 0 : i32
    %dma_start3A_40 = arith.constant 0 : i32
    %dma_start3A_41 = tpu.memref_slice %arg10[%dma_start3A_39, %dma_start3A_40] : memref<512x128xf32, #tpu.memory_space<hbm>> -> memref<512x128xf32, #tpu.memory_space<hbm>>
    tpu.enqueue_indirect_dma source(%dma_start3A_41 : memref<512x128xf32, #tpu.memory_space<hbm>>) target(%arg19 : memref<80x128xf32, #tpu.memory_space<vmem>>) offsets(%arg18 : memref<80xi32, #tpu.memory_space<vmem>>) semaphore(%arg21 : memref<!tpu.dma_semaphore, #tpu.memory_space<semaphore_mem>>)
    %dma_wait3A_42 = arith.constant 0 : i32
    %dma_wait3A_43 = arith.constant 0 : i32
    %dma_wait3A_44 = tpu.memref_slice %arg10[%dma_wait3A_42, %dma_wait3A_43] : memref<512x128xf32, #tpu.memory_space<hbm>> -> memref<512x128xf32, #tpu.memory_space<hbm>>
    tpu.wait_indirect_dma semaphore(%arg21 : memref<!tpu.dma_semaphore, #tpu.memory_space<semaphore_mem>>) src(%dma_wait3A_44 : memref<512x128xf32, #tpu.memory_space<hbm>>) dst(%arg19 : memref<80x128xf32, #tpu.memory_space<vmem>>)
    "tpu.region"() ({
      %run_scoped3A = tpu.sem_alloc : memref<!tpu.dma_semaphore, #tpu.memory_space<semaphore_mem>>
      %dma_start3A_186 = arith.constant 0 : i32
      %dma_start3A_187 = tpu.memref_slice %arg17[%multiple_of3A, %dma_start3A_186] : memref<10240x128xf32, #tpu.memory_space<hbm>> -> memref<80x128xf32, #tpu.memory_space<hbm>>
      %dma_start3A_188 = arith.constant 0 : i32
      %dma_start3A_189 = tpu.memref_slice %arg17[%multiple_of3A, %dma_start3A_188] : memref<10240x128xf32, #tpu.memory_space<hbm>> -> memref<80x128xf32, #tpu.memory_space<hbm>>
      tpu.enqueue_dma source(%arg19 : memref<80x128xf32, #tpu.memory_space<vmem>>) target(%dma_start3A_189 : memref<80x128xf32, #tpu.memory_space<hbm>>) target_semaphore(%run_scoped3A : memref<!tpu.dma_semaphore, #tpu.memory_space<semaphore_mem>>)
      %dma_wait3A_190 = arith.constant 0 : i32
      %dma_wait3A_191 = tpu.memref_slice %arg17[%multiple_of3A, %dma_wait3A_190] : memref<10240x128xf32, #tpu.memory_space<hbm>> -> memref<80x128xf32, #tpu.memory_space<hbm>>
      %dma_wait3A_192 = arith.constant 0 : i32
      %dma_wait3A_193 = tpu.memref_slice %arg17[%multiple_of3A, %dma_wait3A_192] : memref<10240x128xf32, #tpu.memory_space<hbm>> -> memref<80x128xf32, #tpu.memory_space<hbm>>
      tpu.wait_dma2 semaphore(%run_scoped3A : memref<!tpu.dma_semaphore, #tpu.memory_space<semaphore_mem>>) src(%arg19 : memref<80x128xf32, #tpu.memory_space<vmem>>) dst(%dma_wait3A_193 : memref<80x128xf32, #tpu.memory_space<hbm>>)
      tpu.yield
    }) : () -> ()
    %mul3A_45 = arith.constant 320 : i32
    %mul3A_46 = arith.muli %add3A, %mul3A_45 : i32
    %add3A_47 = arith.constant 80 : i32
    %add3A_48 = arith.addi %mul3A_46, %add3A_47 : i32
    %multiple_of3A_49 = tpu.assume_multiple %add3A_48, 8 : i32
    "tpu.region"() ({
      %run_scoped3A = tpu.sem_alloc : memref<!tpu.dma_semaphore, #tpu.memory_space<semaphore_mem>>
      %dma_start3A_186 = tpu.memref_slice %arg2[%multiple_of3A_49] : memref<10240xi32, #tpu.memory_space<hbm>> -> memref<80xi32, #tpu.memory_space<hbm>>
      %dma_start3A_187 = tpu.memref_slice %arg2[%multiple_of3A_49] : memref<10240xi32, #tpu.memory_space<hbm>> -> memref<80xi32, #tpu.memory_space<hbm>>
      tpu.enqueue_dma source(%dma_start3A_187 : memref<80xi32, #tpu.memory_space<hbm>>) target(%arg18 : memref<80xi32, #tpu.memory_space<vmem>>) target_semaphore(%run_scoped3A : memref<!tpu.dma_semaphore, #tpu.memory_space<semaphore_mem>>)
      %dma_wait3A_188 = tpu.memref_slice %arg2[%multiple_of3A_49] : memref<10240xi32, #tpu.memory_space<hbm>> -> memref<80xi32, #tpu.memory_space<hbm>>
      %dma_wait3A_189 = tpu.memref_slice %arg2[%multiple_of3A_49] : memref<10240xi32, #tpu.memory_space<hbm>> -> memref<80xi32, #tpu.memory_space<hbm>>
      tpu.wait_dma2 semaphore(%run_scoped3A : memref<!tpu.dma_semaphore, #tpu.memory_space<semaphore_mem>>) src(%dma_wait3A_189 : memref<80xi32, #tpu.memory_space<hbm>>) dst(%arg18 : memref<80xi32, #tpu.memory_space<vmem>>)
      tpu.yield
    }) : () -> ()
    %dma_start3A_50 = arith.constant 0 : i32
    %dma_start3A_51 = arith.constant 0 : i32
    %dma_start3A_52 = tpu.memref_slice %arg4[%dma_start3A_50, %dma_start3A_51] : memref<800x128xf32, #tpu.memory_space<hbm>> -> memref<800x128xf32, #tpu.memory_space<hbm>>
    tpu.enqueue_indirect_dma source(%dma_start3A_52 : memref<800x128xf32, #tpu.memory_space<hbm>>) target(%arg19 : memref<80x128xf32, #tpu.memory_space<vmem>>) offsets(%arg18 : memref<80xi32, #tpu.memory_space<vmem>>) semaphore(%arg21 : memref<!tpu.dma_semaphore, #tpu.memory_space<semaphore_mem>>)
    %dma_wait3A_53 = arith.constant 0 : i32
    %dma_wait3A_54 = arith.constant 0 : i32
    %dma_wait3A_55 = tpu.memref_slice %arg4[%dma_wait3A_53, %dma_wait3A_54] : memref<800x128xf32, #tpu.memory_space<hbm>> -> memref<800x128xf32, #tpu.memory_space<hbm>>
    tpu.wait_indirect_dma semaphore(%arg21 : memref<!tpu.dma_semaphore, #tpu.memory_space<semaphore_mem>>) src(%dma_wait3A_55 : memref<800x128xf32, #tpu.memory_space<hbm>>) dst(%arg19 : memref<80x128xf32, #tpu.memory_space<vmem>>)
    "tpu.region"() ({
      %run_scoped3A = tpu.sem_alloc : memref<!tpu.dma_semaphore, #tpu.memory_space<semaphore_mem>>
      %dma_start3A_186 = arith.constant 0 : i32
      %dma_start3A_187 = tpu.memref_slice %arg11[%multiple_of3A_49, %dma_start3A_186] : memref<10240x128xf32, #tpu.memory_space<hbm>> -> memref<80x128xf32, #tpu.memory_space<hbm>>
      %dma_start3A_188 = arith.constant 0 : i32
      %dma_start3A_189 = tpu.memref_slice %arg11[%multiple_of3A_49, %dma_start3A_188] : memref<10240x128xf32, #tpu.memory_space<hbm>> -> memref<80x128xf32, #tpu.memory_space<hbm>>
      tpu.enqueue_dma source(%arg19 : memref<80x128xf32, #tpu.memory_space<vmem>>) target(%dma_start3A_189 : memref<80x128xf32, #tpu.memory_space<hbm>>) target_semaphore(%run_scoped3A : memref<!tpu.dma_semaphore, #tpu.memory_space<semaphore_mem>>)
      %dma_wait3A_190 = arith.constant 0 : i32
      %dma_wait3A_191 = tpu.memref_slice %arg11[%multiple_of3A_49, %dma_wait3A_190] : memref<10240x128xf32, #tpu.memory_space<hbm>> -> memref<80x128xf32, #tpu.memory_space<hbm>>
      %dma_wait3A_192 = arith.constant 0 : i32
      %dma_wait3A_193 = tpu.memref_slice %arg11[%multiple_of3A_49, %dma_wait3A_192] : memref<10240x128xf32, #tpu.memory_space<hbm>> -> memref<80x128xf32, #tpu.memory_space<hbm>>
      tpu.wait_dma2 semaphore(%run_scoped3A : memref<!tpu.dma_semaphore, #tpu.memory_space<semaphore_mem>>) src(%arg19 : memref<80x128xf32, #tpu.memory_space<vmem>>) dst(%dma_wait3A_193 : memref<80x128xf32, #tpu.memory_space<hbm>>)
      tpu.yield
    }) : () -> ()
    %dma_start3A_56 = arith.constant 0 : i32
    %dma_start3A_57 = arith.constant 0 : i32
    %dma_start3A_58 = tpu.memref_slice %arg6[%dma_start3A_56, %dma_start3A_57] : memref<800x128xf32, #tpu.memory_space<hbm>> -> memref<800x128xf32, #tpu.memory_space<hbm>>
    tpu.enqueue_indirect_dma source(%dma_start3A_58 : memref<800x128xf32, #tpu.memory_space<hbm>>) target(%arg19 : memref<80x128xf32, #tpu.memory_space<vmem>>) offsets(%arg18 : memref<80xi32, #tpu.memory_space<vmem>>) semaphore(%arg21 : memref<!tpu.dma_semaphore, #tpu.memory_space<semaphore_mem>>)
    %dma_wait3A_59 = arith.constant 0 : i32
    %dma_wait3A_60 = arith.constant 0 : i32
    %dma_wait3A_61 = tpu.memref_slice %arg6[%dma_wait3A_59, %dma_wait3A_60] : memref<800x128xf32, #tpu.memory_space<hbm>> -> memref<800x128xf32, #tpu.memory_space<hbm>>
    tpu.wait_indirect_dma semaphore(%arg21 : memref<!tpu.dma_semaphore, #tpu.memory_space<semaphore_mem>>) src(%dma_wait3A_61 : memref<800x128xf32, #tpu.memory_space<hbm>>) dst(%arg19 : memref<80x128xf32, #tpu.memory_space<vmem>>)
    "tpu.region"() ({
      %run_scoped3A = tpu.sem_alloc : memref<!tpu.dma_semaphore, #tpu.memory_space<semaphore_mem>>
      %dma_start3A_186 = arith.constant 0 : i32
      %dma_start3A_187 = tpu.memref_slice %arg13[%multiple_of3A_49, %dma_start3A_186] : memref<10240x128xf32, #tpu.memory_space<hbm>> -> memref<80x128xf32, #tpu.memory_space<hbm>>
      %dma_start3A_188 = arith.constant 0 : i32
      %dma_start3A_189 = tpu.memref_slice %arg13[%multiple_of3A_49, %dma_start3A_188] : memref<10240x128xf32, #tpu.memory_space<hbm>> -> memref<80x128xf32, #tpu.memory_space<hbm>>
      tpu.enqueue_dma source(%arg19 : memref<80x128xf32, #tpu.memory_space<vmem>>) target(%dma_start3A_189 : memref<80x128xf32, #tpu.memory_space<hbm>>) target_semaphore(%run_scoped3A : memref<!tpu.dma_semaphore, #tpu.memory_space<semaphore_mem>>)
      %dma_wait3A_190 = arith.constant 0 : i32
      %dma_wait3A_191 = tpu.memref_slice %arg13[%multiple_of3A_49, %dma_wait3A_190] : memref<10240x128xf32, #tpu.memory_space<hbm>> -> memref<80x128xf32, #tpu.memory_space<hbm>>
      %dma_wait3A_192 = arith.constant 0 : i32
      %dma_wait3A_193 = tpu.memref_slice %arg13[%multiple_of3A_49, %dma_wait3A_192] : memref<10240x128xf32, #tpu.memory_space<hbm>> -> memref<80x128xf32, #tpu.memory_space<hbm>>
      tpu.wait_dma2 semaphore(%run_scoped3A : memref<!tpu.dma_semaphore, #tpu.memory_space<semaphore_mem>>) src(%arg19 : memref<80x128xf32, #tpu.memory_space<vmem>>) dst(%dma_wait3A_193 : memref<80x128xf32, #tpu.memory_space<hbm>>)
      tpu.yield
    }) : () -> ()
    %dma_start3A_62 = arith.constant 0 : i32
    %dma_start3A_63 = arith.constant 0 : i32
    %dma_start3A_64 = tpu.memref_slice %arg7[%dma_start3A_62, %dma_start3A_63] : memref<800x128xf32, #tpu.memory_space<hbm>> -> memref<800x128xf32, #tpu.memory_space<hbm>>
    tpu.enqueue_indirect_dma source(%dma_start3A_64 : memref<800x128xf32, #tpu.memory_space<hbm>>) target(%arg19 : memref<80x128xf32, #tpu.memory_space<vmem>>) offsets(%arg18 : memref<80xi32, #tpu.memory_space<vmem>>) semaphore(%arg21 : memref<!tpu.dma_semaphore, #tpu.memory_space<semaphore_mem>>)
    %dma_wait3A_65 = arith.constant 0 : i32
    %dma_wait3A_66 = arith.constant 0 : i32
    %dma_wait3A_67 = tpu.memref_slice %arg7[%dma_wait3A_65, %dma_wait3A_66] : memref<800x128xf32, #tpu.memory_space<hbm>> -> memref<800x128xf32, #tpu.memory_space<hbm>>
    tpu.wait_indirect_dma semaphore(%arg21 : memref<!tpu.dma_semaphore, #tpu.memory_space<semaphore_mem>>) src(%dma_wait3A_67 : memref<800x128xf32, #tpu.memory_space<hbm>>) dst(%arg19 : memref<80x128xf32, #tpu.memory_space<vmem>>)
    "tpu.region"() ({
      %run_scoped3A = tpu.sem_alloc : memref<!tpu.dma_semaphore, #tpu.memory_space<semaphore_mem>>
      %dma_start3A_186 = arith.constant 0 : i32
      %dma_start3A_187 = tpu.memref_slice %arg14[%multiple_of3A_49, %dma_start3A_186] : memref<10240x128xf32, #tpu.memory_space<hbm>> -> memref<80x128xf32, #tpu.memory_space<hbm>>
      %dma_start3A_188 = arith.constant 0 : i32
      %dma_start3A_189 = tpu.memref_slice %arg14[%multiple_of3A_49, %dma_start3A_188] : memref<10240x128xf32, #tpu.memory_space<hbm>> -> memref<80x128xf32, #tpu.memory_space<hbm>>
      tpu.enqueue_dma source(%arg19 : memref<80x128xf32, #tpu.memory_space<vmem>>) target(%dma_start3A_189 : memref<80x128xf32, #tpu.memory_space<hbm>>) target_semaphore(%run_scoped3A : memref<!tpu.dma_semaphore, #tpu.memory_space<semaphore_mem>>)
      %dma_wait3A_190 = arith.constant 0 : i32
      %dma_wait3A_191 = tpu.memref_slice %arg14[%multiple_of3A_49, %dma_wait3A_190] : memref<10240x128xf32, #tpu.memory_space<hbm>> -> memref<80x128xf32, #tpu.memory_space<hbm>>
      %dma_wait3A_192 = arith.constant 0 : i32
      %dma_wait3A_193 = tpu.memref_slice %arg14[%multiple_of3A_49, %dma_wait3A_192] : memref<10240x128xf32, #tpu.memory_space<hbm>> -> memref<80x128xf32, #tpu.memory_space<hbm>>
      tpu.wait_dma2 semaphore(%run_scoped3A : memref<!tpu.dma_semaphore, #tpu.memory_space<semaphore_mem>>) src(%arg19 : memref<80x128xf32, #tpu.memory_space<vmem>>) dst(%dma_wait3A_193 : memref<80x128xf32, #tpu.memory_space<hbm>>)
      tpu.yield
    }) : () -> ()
    %dma_start3A_68 = arith.constant 0 : i32
    %dma_start3A_69 = arith.constant 0 : i32
    %dma_start3A_70 = tpu.memref_slice %arg8[%dma_start3A_68, %dma_start3A_69] : memref<800x128xf32, #tpu.memory_space<hbm>> -> memref<800x128xf32, #tpu.memory_space<hbm>>
    tpu.enqueue_indirect_dma source(%dma_start3A_70 : memref<800x128xf32, #tpu.memory_space<hbm>>) target(%arg19 : memref<80x128xf32, #tpu.memory_space<vmem>>) offsets(%arg18 : memref<80xi32, #tpu.memory_space<vmem>>) semaphore(%arg21 : memref<!tpu.dma_semaphore, #tpu.memory_space<semaphore_mem>>)
    %dma_wait3A_71 = arith.constant 0 : i32
    %dma_wait3A_72 = arith.constant 0 : i32
    %dma_wait3A_73 = tpu.memref_slice %arg8[%dma_wait3A_71, %dma_wait3A_72] : memref<800x128xf32, #tpu.memory_space<hbm>> -> memref<800x128xf32, #tpu.memory_space<hbm>>
    tpu.wait_indirect_dma semaphore(%arg21 : memref<!tpu.dma_semaphore, #tpu.memory_space<semaphore_mem>>) src(%dma_wait3A_73 : memref<800x128xf32, #tpu.memory_space<hbm>>) dst(%arg19 : memref<80x128xf32, #tpu.memory_space<vmem>>)
    "tpu.region"() ({
      %run_scoped3A = tpu.sem_alloc : memref<!tpu.dma_semaphore, #tpu.memory_space<semaphore_mem>>
      %dma_start3A_186 = arith.constant 0 : i32
      %dma_start3A_187 = tpu.memref_slice %arg15[%multiple_of3A_49, %dma_start3A_186] : memref<10240x128xf32, #tpu.memory_space<hbm>> -> memref<80x128xf32, #tpu.memory_space<hbm>>
      %dma_start3A_188 = arith.constant 0 : i32
      %dma_start3A_189 = tpu.memref_slice %arg15[%multiple_of3A_49, %dma_start3A_188] : memref<10240x128xf32, #tpu.memory_space<hbm>> -> memref<80x128xf32, #tpu.memory_space<hbm>>
      tpu.enqueue_dma source(%arg19 : memref<80x128xf32, #tpu.memory_space<vmem>>) target(%dma_start3A_189 : memref<80x128xf32, #tpu.memory_space<hbm>>) target_semaphore(%run_scoped3A : memref<!tpu.dma_semaphore, #tpu.memory_space<semaphore_mem>>)
      %dma_wait3A_190 = arith.constant 0 : i32
      %dma_wait3A_191 = tpu.memref_slice %arg15[%multiple_of3A_49, %dma_wait3A_190] : memref<10240x128xf32, #tpu.memory_space<hbm>> -> memref<80x128xf32, #tpu.memory_space<hbm>>
      %dma_wait3A_192 = arith.constant 0 : i32
      %dma_wait3A_193 = tpu.memref_slice %arg15[%multiple_of3A_49, %dma_wait3A_192] : memref<10240x128xf32, #tpu.memory_space<hbm>> -> memref<80x128xf32, #tpu.memory_space<hbm>>
      tpu.wait_dma2 semaphore(%run_scoped3A : memref<!tpu.dma_semaphore, #tpu.memory_space<semaphore_mem>>) src(%arg19 : memref<80x128xf32, #tpu.memory_space<vmem>>) dst(%dma_wait3A_193 : memref<80x128xf32, #tpu.memory_space<hbm>>)
      tpu.yield
    }) : () -> ()
    %dma_start3A_74 = arith.constant 0 : i32
    %dma_start3A_75 = arith.constant 0 : i32
    %dma_start3A_76 = tpu.memref_slice %arg9[%dma_start3A_74, %dma_start3A_75] : memref<800x128xf32, #tpu.memory_space<hbm>> -> memref<800x128xf32, #tpu.memory_space<hbm>>
    tpu.enqueue_indirect_dma source(%dma_start3A_76 : memref<800x128xf32, #tpu.memory_space<hbm>>) target(%arg19 : memref<80x128xf32, #tpu.memory_space<vmem>>) offsets(%arg18 : memref<80xi32, #tpu.memory_space<vmem>>) semaphore(%arg21 : memref<!tpu.dma_semaphore, #tpu.memory_space<semaphore_mem>>)
    %dma_wait3A_77 = arith.constant 0 : i32
    %dma_wait3A_78 = arith.constant 0 : i32
    %dma_wait3A_79 = tpu.memref_slice %arg9[%dma_wait3A_77, %dma_wait3A_78] : memref<800x128xf32, #tpu.memory_space<hbm>> -> memref<800x128xf32, #tpu.memory_space<hbm>>
    tpu.wait_indirect_dma semaphore(%arg21 : memref<!tpu.dma_semaphore, #tpu.memory_space<semaphore_mem>>) src(%dma_wait3A_79 : memref<800x128xf32, #tpu.memory_space<hbm>>) dst(%arg19 : memref<80x128xf32, #tpu.memory_space<vmem>>)
    "tpu.region"() ({
      %run_scoped3A = tpu.sem_alloc : memref<!tpu.dma_semaphore, #tpu.memory_space<semaphore_mem>>
      %dma_start3A_186 = arith.constant 0 : i32
      %dma_start3A_187 = tpu.memref_slice %arg16[%multiple_of3A_49, %dma_start3A_186] : memref<10240x128xf32, #tpu.memory_space<hbm>> -> memref<80x128xf32, #tpu.memory_space<hbm>>
      %dma_start3A_188 = arith.constant 0 : i32
      %dma_start3A_189 = tpu.memref_slice %arg16[%multiple_of3A_49, %dma_start3A_188] : memref<10240x128xf32, #tpu.memory_space<hbm>> -> memref<80x128xf32, #tpu.memory_space<hbm>>
      tpu.enqueue_dma source(%arg19 : memref<80x128xf32, #tpu.memory_space<vmem>>) target(%dma_start3A_189 : memref<80x128xf32, #tpu.memory_space<hbm>>) target_semaphore(%run_scoped3A : memref<!tpu.dma_semaphore, #tpu.memory_space<semaphore_mem>>)
      %dma_wait3A_190 = arith.constant 0 : i32
      %dma_wait3A_191 = tpu.memref_slice %arg16[%multiple_of3A_49, %dma_wait3A_190] : memref<10240x128xf32, #tpu.memory_space<hbm>> -> memref<80x128xf32, #tpu.memory_space<hbm>>
      %dma_wait3A_192 = arith.constant 0 : i32
      %dma_wait3A_193 = tpu.memref_slice %arg16[%multiple_of3A_49, %dma_wait3A_192] : memref<10240x128xf32, #tpu.memory_space<hbm>> -> memref<80x128xf32, #tpu.memory_space<hbm>>
      tpu.wait_dma2 semaphore(%run_scoped3A : memref<!tpu.dma_semaphore, #tpu.memory_space<semaphore_mem>>) src(%arg19 : memref<80x128xf32, #tpu.memory_space<vmem>>) dst(%dma_wait3A_193 : memref<80x128xf32, #tpu.memory_space<hbm>>)
      tpu.yield
    }) : () -> ()
    %dma_start3A_80 = arith.constant 0 : i32
    %dma_start3A_81 = arith.constant 0 : i32
    %dma_start3A_82 = tpu.memref_slice %arg5[%dma_start3A_80, %dma_start3A_81] : memref<800x256xf32, #tpu.memory_space<hbm>> -> memref<800x256xf32, #tpu.memory_space<hbm>>
    tpu.enqueue_indirect_dma source(%dma_start3A_82 : memref<800x256xf32, #tpu.memory_space<hbm>>) target(%arg20 : memref<80x256xf32, #tpu.memory_space<vmem>>) offsets(%arg18 : memref<80xi32, #tpu.memory_space<vmem>>) semaphore(%arg21 : memref<!tpu.dma_semaphore, #tpu.memory_space<semaphore_mem>>)
    %dma_wait3A_83 = arith.constant 0 : i32
    %dma_wait3A_84 = arith.constant 0 : i32
    %dma_wait3A_85 = tpu.memref_slice %arg5[%dma_wait3A_83, %dma_wait3A_84] : memref<800x256xf32, #tpu.memory_space<hbm>> -> memref<800x256xf32, #tpu.memory_space<hbm>>
    tpu.wait_indirect_dma semaphore(%arg21 : memref<!tpu.dma_semaphore, #tpu.memory_space<semaphore_mem>>) src(%dma_wait3A_85 : memref<800x256xf32, #tpu.memory_space<hbm>>) dst(%arg20 : memref<80x256xf32, #tpu.memory_space<vmem>>)
    "tpu.region"() ({
      %run_scoped3A = tpu.sem_alloc : memref<!tpu.dma_semaphore, #tpu.memory_space<semaphore_mem>>
      %dma_start3A_186 = arith.constant 0 : i32
      %dma_start3A_187 = tpu.memref_slice %arg12[%multiple_of3A_49, %dma_start3A_186] : memref<10240x256xf32, #tpu.memory_space<hbm>> -> memref<80x256xf32, #tpu.memory_space<hbm>>
      %dma_start3A_188 = arith.constant 0 : i32
      %dma_start3A_189 = tpu.memref_slice %arg12[%multiple_of3A_49, %dma_start3A_188] : memref<10240x256xf32, #tpu.memory_space<hbm>> -> memref<80x256xf32, #tpu.memory_space<hbm>>
      tpu.enqueue_dma source(%arg20 : memref<80x256xf32, #tpu.memory_space<vmem>>) target(%dma_start3A_189 : memref<80x256xf32, #tpu.memory_space<hbm>>) target_semaphore(%run_scoped3A : memref<!tpu.dma_semaphore, #tpu.memory_space<semaphore_mem>>)
      %dma_wait3A_190 = arith.constant 0 : i32
      %dma_wait3A_191 = tpu.memref_slice %arg12[%multiple_of3A_49, %dma_wait3A_190] : memref<10240x256xf32, #tpu.memory_space<hbm>> -> memref<80x256xf32, #tpu.memory_space<hbm>>
      %dma_wait3A_192 = arith.constant 0 : i32
      %dma_wait3A_193 = tpu.memref_slice %arg12[%multiple_of3A_49, %dma_wait3A_192] : memref<10240x256xf32, #tpu.memory_space<hbm>> -> memref<80x256xf32, #tpu.memory_space<hbm>>
      tpu.wait_dma2 semaphore(%run_scoped3A : memref<!tpu.dma_semaphore, #tpu.memory_space<semaphore_mem>>) src(%arg20 : memref<80x256xf32, #tpu.memory_space<vmem>>) dst(%dma_wait3A_193 : memref<80x256xf32, #tpu.memory_space<hbm>>)
      tpu.yield
    }) : () -> ()
    "tpu.region"() ({
      %run_scoped3A = tpu.sem_alloc : memref<!tpu.dma_semaphore, #tpu.memory_space<semaphore_mem>>
      %dma_start3A_186 = tpu.memref_slice %arg3[%multiple_of3A_49] : memref<10240xi32, #tpu.memory_space<hbm>> -> memref<80xi32, #tpu.memory_space<hbm>>
      %dma_start3A_187 = tpu.memref_slice %arg3[%multiple_of3A_49] : memref<10240xi32, #tpu.memory_space<hbm>> -> memref<80xi32, #tpu.memory_space<hbm>>
      tpu.enqueue_dma source(%dma_start3A_187 : memref<80xi32, #tpu.memory_space<hbm>>) target(%arg18 : memref<80xi32, #tpu.memory_space<vmem>>) target_semaphore(%run_scoped3A : memref<!tpu.dma_semaphore, #tpu.memory_space<semaphore_mem>>)
      %dma_wait3A_188 = tpu.memref_slice %arg3[%multiple_of3A_49] : memref<10240xi32, #tpu.memory_space<hbm>> -> memref<80xi32, #tpu.memory_space<hbm>>
      %dma_wait3A_189 = tpu.memref_slice %arg3[%multiple_of3A_49] : memref<10240xi32, #tpu.memory_space<hbm>> -> memref<80xi32, #tpu.memory_space<hbm>>
      tpu.wait_dma2 semaphore(%run_scoped3A : memref<!tpu.dma_semaphore, #tpu.memory_space<semaphore_mem>>) src(%dma_wait3A_189 : memref<80xi32, #tpu.memory_space<hbm>>) dst(%arg18 : memref<80xi32, #tpu.memory_space<vmem>>)
      tpu.yield
    }) : () -> ()
    %dma_start3A_86 = arith.constant 0 : i32
    %dma_start3A_87 = arith.constant 0 : i32
    %dma_start3A_88 = tpu.memref_slice %arg10[%dma_start3A_86, %dma_start3A_87] : memref<512x128xf32, #tpu.memory_space<hbm>> -> memref<512x128xf32, #tpu.memory_space<hbm>>
    tpu.enqueue_indirect_dma source(%dma_start3A_88 : memref<512x128xf32, #tpu.memory_space<hbm>>) target(%arg19 : memref<80x128xf32, #tpu.memory_space<vmem>>) offsets(%arg18 : memref<80xi32, #tpu.memory_space<vmem>>) semaphore(%arg21 : memref<!tpu.dma_semaphore, #tpu.memory_space<semaphore_mem>>)
    %dma_wait3A_89 = arith.constant 0 : i32
    %dma_wait3A_90 = arith.constant 0 : i32
    %dma_wait3A_91 = tpu.memref_slice %arg10[%dma_wait3A_89, %dma_wait3A_90] : memref<512x128xf32, #tpu.memory_space<hbm>> -> memref<512x128xf32, #tpu.memory_space<hbm>>
    tpu.wait_indirect_dma semaphore(%arg21 : memref<!tpu.dma_semaphore, #tpu.memory_space<semaphore_mem>>) src(%dma_wait3A_91 : memref<512x128xf32, #tpu.memory_space<hbm>>) dst(%arg19 : memref<80x128xf32, #tpu.memory_space<vmem>>)
    "tpu.region"() ({
      %run_scoped3A = tpu.sem_alloc : memref<!tpu.dma_semaphore, #tpu.memory_space<semaphore_mem>>
      %dma_start3A_186 = arith.constant 0 : i32
      %dma_start3A_187 = tpu.memref_slice %arg17[%multiple_of3A_49, %dma_start3A_186] : memref<10240x128xf32, #tpu.memory_space<hbm>> -> memref<80x128xf32, #tpu.memory_space<hbm>>
      %dma_start3A_188 = arith.constant 0 : i32
      %dma_start3A_189 = tpu.memref_slice %arg17[%multiple_of3A_49, %dma_start3A_188] : memref<10240x128xf32, #tpu.memory_space<hbm>> -> memref<80x128xf32, #tpu.memory_space<hbm>>
      tpu.enqueue_dma source(%arg19 : memref<80x128xf32, #tpu.memory_space<vmem>>) target(%dma_start3A_189 : memref<80x128xf32, #tpu.memory_space<hbm>>) target_semaphore(%run_scoped3A : memref<!tpu.dma_semaphore, #tpu.memory_space<semaphore_mem>>)
      %dma_wait3A_190 = arith.constant 0 : i32
      %dma_wait3A_191 = tpu.memref_slice %arg17[%multiple_of3A_49, %dma_wait3A_190] : memref<10240x128xf32, #tpu.memory_space<hbm>> -> memref<80x128xf32, #tpu.memory_space<hbm>>
      %dma_wait3A_192 = arith.constant 0 : i32
      %dma_wait3A_193 = tpu.memref_slice %arg17[%multiple_of3A_49, %dma_wait3A_192] : memref<10240x128xf32, #tpu.memory_space<hbm>> -> memref<80x128xf32, #tpu.memory_space<hbm>>
      tpu.wait_dma2 semaphore(%run_scoped3A : memref<!tpu.dma_semaphore, #tpu.memory_space<semaphore_mem>>) src(%arg19 : memref<80x128xf32, #tpu.memory_space<vmem>>) dst(%dma_wait3A_193 : memref<80x128xf32, #tpu.memory_space<hbm>>)
      tpu.yield
    }) : () -> ()
    %mul3A_92 = arith.constant 320 : i32
    %mul3A_93 = arith.muli %add3A, %mul3A_92 : i32
    %add3A_94 = arith.constant 160 : i32
    %add3A_95 = arith.addi %mul3A_93, %add3A_94 : i32
    %multiple_of3A_96 = tpu.assume_multiple %add3A_95, 8 : i32
    "tpu.region"() ({
      %run_scoped3A = tpu.sem_alloc : memref<!tpu.dma_semaphore, #tpu.memory_space<semaphore_mem>>
      %dma_start3A_186 = tpu.memref_slice %arg2[%multiple_of3A_96] : memref<10240xi32, #tpu.memory_space<hbm>> -> memref<80xi32, #tpu.memory_space<hbm>>
      %dma_start3A_187 = tpu.memref_slice %arg2[%multiple_of3A_96] : memref<10240xi32, #tpu.memory_space<hbm>> -> memref<80xi32, #tpu.memory_space<hbm>>
      tpu.enqueue_dma source(%dma_start3A_187 : memref<80xi32, #tpu.memory_space<hbm>>) target(%arg18 : memref<80xi32, #tpu.memory_space<vmem>>) target_semaphore(%run_scoped3A : memref<!tpu.dma_semaphore, #tpu.memory_space<semaphore_mem>>)
      %dma_wait3A_188 = tpu.memref_slice %arg2[%multiple_of3A_96] : memref<10240xi32, #tpu.memory_space<hbm>> -> memref<80xi32, #tpu.memory_space<hbm>>
      %dma_wait3A_189 = tpu.memref_slice %arg2[%multiple_of3A_96] : memref<10240xi32, #tpu.memory_space<hbm>> -> memref<80xi32, #tpu.memory_space<hbm>>
      tpu.wait_dma2 semaphore(%run_scoped3A : memref<!tpu.dma_semaphore, #tpu.memory_space<semaphore_mem>>) src(%dma_wait3A_189 : memref<80xi32, #tpu.memory_space<hbm>>) dst(%arg18 : memref<80xi32, #tpu.memory_space<vmem>>)
      tpu.yield
    }) : () -> ()
    %dma_start3A_97 = arith.constant 0 : i32
    %dma_start3A_98 = arith.constant 0 : i32
    %dma_start3A_99 = tpu.memref_slice %arg4[%dma_start3A_97, %dma_start3A_98] : memref<800x128xf32, #tpu.memory_space<hbm>> -> memref<800x128xf32, #tpu.memory_space<hbm>>
    tpu.enqueue_indirect_dma source(%dma_start3A_99 : memref<800x128xf32, #tpu.memory_space<hbm>>) target(%arg19 : memref<80x128xf32, #tpu.memory_space<vmem>>) offsets(%arg18 : memref<80xi32, #tpu.memory_space<vmem>>) semaphore(%arg21 : memref<!tpu.dma_semaphore, #tpu.memory_space<semaphore_mem>>)
    %dma_wait3A_100 = arith.constant 0 : i32
    %dma_wait3A_101 = arith.constant 0 : i32
    %dma_wait3A_102 = tpu.memref_slice %arg4[%dma_wait3A_100, %dma_wait3A_101] : memref<800x128xf32, #tpu.memory_space<hbm>> -> memref<800x128xf32, #tpu.memory_space<hbm>>
    tpu.wait_indirect_dma semaphore(%arg21 : memref<!tpu.dma_semaphore, #tpu.memory_space<semaphore_mem>>) src(%dma_wait3A_102 : memref<800x128xf32, #tpu.memory_space<hbm>>) dst(%arg19 : memref<80x128xf32, #tpu.memory_space<vmem>>)
    "tpu.region"() ({
      %run_scoped3A = tpu.sem_alloc : memref<!tpu.dma_semaphore, #tpu.memory_space<semaphore_mem>>
      %dma_start3A_186 = arith.constant 0 : i32
      %dma_start3A_187 = tpu.memref_slice %arg11[%multiple_of3A_96, %dma_start3A_186] : memref<10240x128xf32, #tpu.memory_space<hbm>> -> memref<80x128xf32, #tpu.memory_space<hbm>>
      %dma_start3A_188 = arith.constant 0 : i32
      %dma_start3A_189 = tpu.memref_slice %arg11[%multiple_of3A_96, %dma_start3A_188] : memref<10240x128xf32, #tpu.memory_space<hbm>> -> memref<80x128xf32, #tpu.memory_space<hbm>>
      tpu.enqueue_dma source(%arg19 : memref<80x128xf32, #tpu.memory_space<vmem>>) target(%dma_start3A_189 : memref<80x128xf32, #tpu.memory_space<hbm>>) target_semaphore(%run_scoped3A : memref<!tpu.dma_semaphore, #tpu.memory_space<semaphore_mem>>)
      %dma_wait3A_190 = arith.constant 0 : i32
      %dma_wait3A_191 = tpu.memref_slice %arg11[%multiple_of3A_96, %dma_wait3A_190] : memref<10240x128xf32, #tpu.memory_space<hbm>> -> memref<80x128xf32, #tpu.memory_space<hbm>>
      %dma_wait3A_192 = arith.constant 0 : i32
      %dma_wait3A_193 = tpu.memref_slice %arg11[%multiple_of3A_96, %dma_wait3A_192] : memref<10240x128xf32, #tpu.memory_space<hbm>> -> memref<80x128xf32, #tpu.memory_space<hbm>>
      tpu.wait_dma2 semaphore(%run_scoped3A : memref<!tpu.dma_semaphore, #tpu.memory_space<semaphore_mem>>) src(%arg19 : memref<80x128xf32, #tpu.memory_space<vmem>>) dst(%dma_wait3A_193 : memref<80x128xf32, #tpu.memory_space<hbm>>)
      tpu.yield
    }) : () -> ()
    %dma_start3A_103 = arith.constant 0 : i32
    %dma_start3A_104 = arith.constant 0 : i32
    %dma_start3A_105 = tpu.memref_slice %arg6[%dma_start3A_103, %dma_start3A_104] : memref<800x128xf32, #tpu.memory_space<hbm>> -> memref<800x128xf32, #tpu.memory_space<hbm>>
    tpu.enqueue_indirect_dma source(%dma_start3A_105 : memref<800x128xf32, #tpu.memory_space<hbm>>) target(%arg19 : memref<80x128xf32, #tpu.memory_space<vmem>>) offsets(%arg18 : memref<80xi32, #tpu.memory_space<vmem>>) semaphore(%arg21 : memref<!tpu.dma_semaphore, #tpu.memory_space<semaphore_mem>>)
    %dma_wait3A_106 = arith.constant 0 : i32
    %dma_wait3A_107 = arith.constant 0 : i32
    %dma_wait3A_108 = tpu.memref_slice %arg6[%dma_wait3A_106, %dma_wait3A_107] : memref<800x128xf32, #tpu.memory_space<hbm>> -> memref<800x128xf32, #tpu.memory_space<hbm>>
    tpu.wait_indirect_dma semaphore(%arg21 : memref<!tpu.dma_semaphore, #tpu.memory_space<semaphore_mem>>) src(%dma_wait3A_108 : memref<800x128xf32, #tpu.memory_space<hbm>>) dst(%arg19 : memref<80x128xf32, #tpu.memory_space<vmem>>)
    "tpu.region"() ({
      %run_scoped3A = tpu.sem_alloc : memref<!tpu.dma_semaphore, #tpu.memory_space<semaphore_mem>>
      %dma_start3A_186 = arith.constant 0 : i32
      %dma_start3A_187 = tpu.memref_slice %arg13[%multiple_of3A_96, %dma_start3A_186] : memref<10240x128xf32, #tpu.memory_space<hbm>> -> memref<80x128xf32, #tpu.memory_space<hbm>>
      %dma_start3A_188 = arith.constant 0 : i32
      %dma_start3A_189 = tpu.memref_slice %arg13[%multiple_of3A_96, %dma_start3A_188] : memref<10240x128xf32, #tpu.memory_space<hbm>> -> memref<80x128xf32, #tpu.memory_space<hbm>>
      tpu.enqueue_dma source(%arg19 : memref<80x128xf32, #tpu.memory_space<vmem>>) target(%dma_start3A_189 : memref<80x128xf32, #tpu.memory_space<hbm>>) target_semaphore(%run_scoped3A : memref<!tpu.dma_semaphore, #tpu.memory_space<semaphore_mem>>)
      %dma_wait3A_190 = arith.constant 0 : i32
      %dma_wait3A_191 = tpu.memref_slice %arg13[%multiple_of3A_96, %dma_wait3A_190] : memref<10240x128xf32, #tpu.memory_space<hbm>> -> memref<80x128xf32, #tpu.memory_space<hbm>>
      %dma_wait3A_192 = arith.constant 0 : i32
      %dma_wait3A_193 = tpu.memref_slice %arg13[%multiple_of3A_96, %dma_wait3A_192] : memref<10240x128xf32, #tpu.memory_space<hbm>> -> memref<80x128xf32, #tpu.memory_space<hbm>>
      tpu.wait_dma2 semaphore(%run_scoped3A : memref<!tpu.dma_semaphore, #tpu.memory_space<semaphore_mem>>) src(%arg19 : memref<80x128xf32, #tpu.memory_space<vmem>>) dst(%dma_wait3A_193 : memref<80x128xf32, #tpu.memory_space<hbm>>)
      tpu.yield
    }) : () -> ()
    %dma_start3A_109 = arith.constant 0 : i32
    %dma_start3A_110 = arith.constant 0 : i32
    %dma_start3A_111 = tpu.memref_slice %arg7[%dma_start3A_109, %dma_start3A_110] : memref<800x128xf32, #tpu.memory_space<hbm>> -> memref<800x128xf32, #tpu.memory_space<hbm>>
    tpu.enqueue_indirect_dma source(%dma_start3A_111 : memref<800x128xf32, #tpu.memory_space<hbm>>) target(%arg19 : memref<80x128xf32, #tpu.memory_space<vmem>>) offsets(%arg18 : memref<80xi32, #tpu.memory_space<vmem>>) semaphore(%arg21 : memref<!tpu.dma_semaphore, #tpu.memory_space<semaphore_mem>>)
    %dma_wait3A_112 = arith.constant 0 : i32
    %dma_wait3A_113 = arith.constant 0 : i32
    %dma_wait3A_114 = tpu.memref_slice %arg7[%dma_wait3A_112, %dma_wait3A_113] : memref<800x128xf32, #tpu.memory_space<hbm>> -> memref<800x128xf32, #tpu.memory_space<hbm>>
    tpu.wait_indirect_dma semaphore(%arg21 : memref<!tpu.dma_semaphore, #tpu.memory_space<semaphore_mem>>) src(%dma_wait3A_114 : memref<800x128xf32, #tpu.memory_space<hbm>>) dst(%arg19 : memref<80x128xf32, #tpu.memory_space<vmem>>)
    "tpu.region"() ({
      %run_scoped3A = tpu.sem_alloc : memref<!tpu.dma_semaphore, #tpu.memory_space<semaphore_mem>>
      %dma_start3A_186 = arith.constant 0 : i32
      %dma_start3A_187 = tpu.memref_slice %arg14[%multiple_of3A_96, %dma_start3A_186] : memref<10240x128xf32, #tpu.memory_space<hbm>> -> memref<80x128xf32, #tpu.memory_space<hbm>>
      %dma_start3A_188 = arith.constant 0 : i32
      %dma_start3A_189 = tpu.memref_slice %arg14[%multiple_of3A_96, %dma_start3A_188] : memref<10240x128xf32, #tpu.memory_space<hbm>> -> memref<80x128xf32, #tpu.memory_space<hbm>>
      tpu.enqueue_dma source(%arg19 : memref<80x128xf32, #tpu.memory_space<vmem>>) target(%dma_start3A_189 : memref<80x128xf32, #tpu.memory_space<hbm>>) target_semaphore(%run_scoped3A : memref<!tpu.dma_semaphore, #tpu.memory_space<semaphore_mem>>)
      %dma_wait3A_190 = arith.constant 0 : i32
      %dma_wait3A_191 = tpu.memref_slice %arg14[%multiple_of3A_96, %dma_wait3A_190] : memref<10240x128xf32, #tpu.memory_space<hbm>> -> memref<80x128xf32, #tpu.memory_space<hbm>>
      %dma_wait3A_192 = arith.constant 0 : i32
      %dma_wait3A_193 = tpu.memref_slice %arg14[%multiple_of3A_96, %dma_wait3A_192] : memref<10240x128xf32, #tpu.memory_space<hbm>> -> memref<80x128xf32, #tpu.memory_space<hbm>>
      tpu.wait_dma2 semaphore(%run_scoped3A : memref<!tpu.dma_semaphore, #tpu.memory_space<semaphore_mem>>) src(%arg19 : memref<80x128xf32, #tpu.memory_space<vmem>>) dst(%dma_wait3A_193 : memref<80x128xf32, #tpu.memory_space<hbm>>)
      tpu.yield
    }) : () -> ()
    %dma_start3A_115 = arith.constant 0 : i32
    %dma_start3A_116 = arith.constant 0 : i32
    %dma_start3A_117 = tpu.memref_slice %arg8[%dma_start3A_115, %dma_start3A_116] : memref<800x128xf32, #tpu.memory_space<hbm>> -> memref<800x128xf32, #tpu.memory_space<hbm>>
    tpu.enqueue_indirect_dma source(%dma_start3A_117 : memref<800x128xf32, #tpu.memory_space<hbm>>) target(%arg19 : memref<80x128xf32, #tpu.memory_space<vmem>>) offsets(%arg18 : memref<80xi32, #tpu.memory_space<vmem>>) semaphore(%arg21 : memref<!tpu.dma_semaphore, #tpu.memory_space<semaphore_mem>>)
    %dma_wait3A_118 = arith.constant 0 : i32
    %dma_wait3A_119 = arith.constant 0 : i32
    %dma_wait3A_120 = tpu.memref_slice %arg8[%dma_wait3A_118, %dma_wait3A_119] : memref<800x128xf32, #tpu.memory_space<hbm>> -> memref<800x128xf32, #tpu.memory_space<hbm>>
    tpu.wait_indirect_dma semaphore(%arg21 : memref<!tpu.dma_semaphore, #tpu.memory_space<semaphore_mem>>) src(%dma_wait3A_120 : memref<800x128xf32, #tpu.memory_space<hbm>>) dst(%arg19 : memref<80x128xf32, #tpu.memory_space<vmem>>)
    "tpu.region"() ({
      %run_scoped3A = tpu.sem_alloc : memref<!tpu.dma_semaphore, #tpu.memory_space<semaphore_mem>>
      %dma_start3A_186 = arith.constant 0 : i32
      %dma_start3A_187 = tpu.memref_slice %arg15[%multiple_of3A_96, %dma_start3A_186] : memref<10240x128xf32, #tpu.memory_space<hbm>> -> memref<80x128xf32, #tpu.memory_space<hbm>>
      %dma_start3A_188 = arith.constant 0 : i32
      %dma_start3A_189 = tpu.memref_slice %arg15[%multiple_of3A_96, %dma_start3A_188] : memref<10240x128xf32, #tpu.memory_space<hbm>> -> memref<80x128xf32, #tpu.memory_space<hbm>>
      tpu.enqueue_dma source(%arg19 : memref<80x128xf32, #tpu.memory_space<vmem>>) target(%dma_start3A_189 : memref<80x128xf32, #tpu.memory_space<hbm>>) target_semaphore(%run_scoped3A : memref<!tpu.dma_semaphore, #tpu.memory_space<semaphore_mem>>)
      %dma_wait3A_190 = arith.constant 0 : i32
      %dma_wait3A_191 = tpu.memref_slice %arg15[%multiple_of3A_96, %dma_wait3A_190] : memref<10240x128xf32, #tpu.memory_space<hbm>> -> memref<80x128xf32, #tpu.memory_space<hbm>>
      %dma_wait3A_192 = arith.constant 0 : i32
      %dma_wait3A_193 = tpu.memref_slice %arg15[%multiple_of3A_96, %dma_wait3A_192] : memref<10240x128xf32, #tpu.memory_space<hbm>> -> memref<80x128xf32, #tpu.memory_space<hbm>>
      tpu.wait_dma2 semaphore(%run_scoped3A : memref<!tpu.dma_semaphore, #tpu.memory_space<semaphore_mem>>) src(%arg19 : memref<80x128xf32, #tpu.memory_space<vmem>>) dst(%dma_wait3A_193 : memref<80x128xf32, #tpu.memory_space<hbm>>)
      tpu.yield
    }) : () -> ()
    %dma_start3A_121 = arith.constant 0 : i32
    %dma_start3A_122 = arith.constant 0 : i32
    %dma_start3A_123 = tpu.memref_slice %arg9[%dma_start3A_121, %dma_start3A_122] : memref<800x128xf32, #tpu.memory_space<hbm>> -> memref<800x128xf32, #tpu.memory_space<hbm>>
    tpu.enqueue_indirect_dma source(%dma_start3A_123 : memref<800x128xf32, #tpu.memory_space<hbm>>) target(%arg19 : memref<80x128xf32, #tpu.memory_space<vmem>>) offsets(%arg18 : memref<80xi32, #tpu.memory_space<vmem>>) semaphore(%arg21 : memref<!tpu.dma_semaphore, #tpu.memory_space<semaphore_mem>>)
    %dma_wait3A_124 = arith.constant 0 : i32
    %dma_wait3A_125 = arith.constant 0 : i32
    %dma_wait3A_126 = tpu.memref_slice %arg9[%dma_wait3A_124, %dma_wait3A_125] : memref<800x128xf32, #tpu.memory_space<hbm>> -> memref<800x128xf32, #tpu.memory_space<hbm>>
    tpu.wait_indirect_dma semaphore(%arg21 : memref<!tpu.dma_semaphore, #tpu.memory_space<semaphore_mem>>) src(%dma_wait3A_126 : memref<800x128xf32, #tpu.memory_space<hbm>>) dst(%arg19 : memref<80x128xf32, #tpu.memory_space<vmem>>)
    "tpu.region"() ({
      %run_scoped3A = tpu.sem_alloc : memref<!tpu.dma_semaphore, #tpu.memory_space<semaphore_mem>>
      %dma_start3A_186 = arith.constant 0 : i32
      %dma_start3A_187 = tpu.memref_slice %arg16[%multiple_of3A_96, %dma_start3A_186] : memref<10240x128xf32, #tpu.memory_space<hbm>> -> memref<80x128xf32, #tpu.memory_space<hbm>>
      %dma_start3A_188 = arith.constant 0 : i32
      %dma_start3A_189 = tpu.memref_slice %arg16[%multiple_of3A_96, %dma_start3A_188] : memref<10240x128xf32, #tpu.memory_space<hbm>> -> memref<80x128xf32, #tpu.memory_space<hbm>>
      tpu.enqueue_dma source(%arg19 : memref<80x128xf32, #tpu.memory_space<vmem>>) target(%dma_start3A_189 : memref<80x128xf32, #tpu.memory_space<hbm>>) target_semaphore(%run_scoped3A : memref<!tpu.dma_semaphore, #tpu.memory_space<semaphore_mem>>)
      %dma_wait3A_190 = arith.constant 0 : i32
      %dma_wait3A_191 = tpu.memref_slice %arg16[%multiple_of3A_96, %dma_wait3A_190] : memref<10240x128xf32, #tpu.memory_space<hbm>> -> memref<80x128xf32, #tpu.memory_space<hbm>>
      %dma_wait3A_192 = arith.constant 0 : i32
      %dma_wait3A_193 = tpu.memref_slice %arg16[%multiple_of3A_96, %dma_wait3A_192] : memref<10240x128xf32, #tpu.memory_space<hbm>> -> memref<80x128xf32, #tpu.memory_space<hbm>>
      tpu.wait_dma2 semaphore(%run_scoped3A : memref<!tpu.dma_semaphore, #tpu.memory_space<semaphore_mem>>) src(%arg19 : memref<80x128xf32, #tpu.memory_space<vmem>>) dst(%dma_wait3A_193 : memref<80x128xf32, #tpu.memory_space<hbm>>)
      tpu.yield
    }) : () -> ()
    %dma_start3A_127 = arith.constant 0 : i32
    %dma_start3A_128 = arith.constant 0 : i32
    %dma_start3A_129 = tpu.memref_slice %arg5[%dma_start3A_127, %dma_start3A_128] : memref<800x256xf32, #tpu.memory_space<hbm>> -> memref<800x256xf32, #tpu.memory_space<hbm>>
    tpu.enqueue_indirect_dma source(%dma_start3A_129 : memref<800x256xf32, #tpu.memory_space<hbm>>) target(%arg20 : memref<80x256xf32, #tpu.memory_space<vmem>>) offsets(%arg18 : memref<80xi32, #tpu.memory_space<vmem>>) semaphore(%arg21 : memref<!tpu.dma_semaphore, #tpu.memory_space<semaphore_mem>>)
    %dma_wait3A_130 = arith.constant 0 : i32
    %dma_wait3A_131 = arith.constant 0 : i32
    %dma_wait3A_132 = tpu.memref_slice %arg5[%dma_wait3A_130, %dma_wait3A_131] : memref<800x256xf32, #tpu.memory_space<hbm>> -> memref<800x256xf32, #tpu.memory_space<hbm>>
    tpu.wait_indirect_dma semaphore(%arg21 : memref<!tpu.dma_semaphore, #tpu.memory_space<semaphore_mem>>) src(%dma_wait3A_132 : memref<800x256xf32, #tpu.memory_space<hbm>>) dst(%arg20 : memref<80x256xf32, #tpu.memory_space<vmem>>)
    "tpu.region"() ({
      %run_scoped3A = tpu.sem_alloc : memref<!tpu.dma_semaphore, #tpu.memory_space<semaphore_mem>>
      %dma_start3A_186 = arith.constant 0 : i32
      %dma_start3A_187 = tpu.memref_slice %arg12[%multiple_of3A_96, %dma_start3A_186] : memref<10240x256xf32, #tpu.memory_space<hbm>> -> memref<80x256xf32, #tpu.memory_space<hbm>>
      %dma_start3A_188 = arith.constant 0 : i32
      %dma_start3A_189 = tpu.memref_slice %arg12[%multiple_of3A_96, %dma_start3A_188] : memref<10240x256xf32, #tpu.memory_space<hbm>> -> memref<80x256xf32, #tpu.memory_space<hbm>>
      tpu.enqueue_dma source(%arg20 : memref<80x256xf32, #tpu.memory_space<vmem>>) target(%dma_start3A_189 : memref<80x256xf32, #tpu.memory_space<hbm>>) target_semaphore(%run_scoped3A : memref<!tpu.dma_semaphore, #tpu.memory_space<semaphore_mem>>)
      %dma_wait3A_190 = arith.constant 0 : i32
      %dma_wait3A_191 = tpu.memref_slice %arg12[%multiple_of3A_96, %dma_wait3A_190] : memref<10240x256xf32, #tpu.memory_space<hbm>> -> memref<80x256xf32, #tpu.memory_space<hbm>>
      %dma_wait3A_192 = arith.constant 0 : i32
      %dma_wait3A_193 = tpu.memref_slice %arg12[%multiple_of3A_96, %dma_wait3A_192] : memref<10240x256xf32, #tpu.memory_space<hbm>> -> memref<80x256xf32, #tpu.memory_space<hbm>>
      tpu.wait_dma2 semaphore(%run_scoped3A : memref<!tpu.dma_semaphore, #tpu.memory_space<semaphore_mem>>) src(%arg20 : memref<80x256xf32, #tpu.memory_space<vmem>>) dst(%dma_wait3A_193 : memref<80x256xf32, #tpu.memory_space<hbm>>)
      tpu.yield
    }) : () -> ()
    "tpu.region"() ({
      %run_scoped3A = tpu.sem_alloc : memref<!tpu.dma_semaphore, #tpu.memory_space<semaphore_mem>>
      %dma_start3A_186 = tpu.memref_slice %arg3[%multiple_of3A_96] : memref<10240xi32, #tpu.memory_space<hbm>> -> memref<80xi32, #tpu.memory_space<hbm>>
      %dma_start3A_187 = tpu.memref_slice %arg3[%multiple_of3A_96] : memref<10240xi32, #tpu.memory_space<hbm>> -> memref<80xi32, #tpu.memory_space<hbm>>
      tpu.enqueue_dma source(%dma_start3A_187 : memref<80xi32, #tpu.memory_space<hbm>>) target(%arg18 : memref<80xi32, #tpu.memory_space<vmem>>) target_semaphore(%run_scoped3A : memref<!tpu.dma_semaphore, #tpu.memory_space<semaphore_mem>>)
      %dma_wait3A_188 = tpu.memref_slice %arg3[%multiple_of3A_96] : memref<10240xi32, #tpu.memory_space<hbm>> -> memref<80xi32, #tpu.memory_space<hbm>>
      %dma_wait3A_189 = tpu.memref_slice %arg3[%multiple_of3A_96] : memref<10240xi32, #tpu.memory_space<hbm>> -> memref<80xi32, #tpu.memory_space<hbm>>
      tpu.wait_dma2 semaphore(%run_scoped3A : memref<!tpu.dma_semaphore, #tpu.memory_space<semaphore_mem>>) src(%dma_wait3A_189 : memref<80xi32, #tpu.memory_space<hbm>>) dst(%arg18 : memref<80xi32, #tpu.memory_space<vmem>>)
      tpu.yield
    }) : () -> ()
    %dma_start3A_133 = arith.constant 0 : i32
    %dma_start3A_134 = arith.constant 0 : i32
    %dma_start3A_135 = tpu.memref_slice %arg10[%dma_start3A_133, %dma_start3A_134] : memref<512x128xf32, #tpu.memory_space<hbm>> -> memref<512x128xf32, #tpu.memory_space<hbm>>
    tpu.enqueue_indirect_dma source(%dma_start3A_135 : memref<512x128xf32, #tpu.memory_space<hbm>>) target(%arg19 : memref<80x128xf32, #tpu.memory_space<vmem>>) offsets(%arg18 : memref<80xi32, #tpu.memory_space<vmem>>) semaphore(%arg21 : memref<!tpu.dma_semaphore, #tpu.memory_space<semaphore_mem>>)
    %dma_wait3A_136 = arith.constant 0 : i32
    %dma_wait3A_137 = arith.constant 0 : i32
    %dma_wait3A_138 = tpu.memref_slice %arg10[%dma_wait3A_136, %dma_wait3A_137] : memref<512x128xf32, #tpu.memory_space<hbm>> -> memref<512x128xf32, #tpu.memory_space<hbm>>
    tpu.wait_indirect_dma semaphore(%arg21 : memref<!tpu.dma_semaphore, #tpu.memory_space<semaphore_mem>>) src(%dma_wait3A_138 : memref<512x128xf32, #tpu.memory_space<hbm>>) dst(%arg19 : memref<80x128xf32, #tpu.memory_space<vmem>>)
    "tpu.region"() ({
      %run_scoped3A = tpu.sem_alloc : memref<!tpu.dma_semaphore, #tpu.memory_space<semaphore_mem>>
      %dma_start3A_186 = arith.constant 0 : i32
      %dma_start3A_187 = tpu.memref_slice %arg17[%multiple_of3A_96, %dma_start3A_186] : memref<10240x128xf32, #tpu.memory_space<hbm>> -> memref<80x128xf32, #tpu.memory_space<hbm>>
      %dma_start3A_188 = arith.constant 0 : i32
      %dma_start3A_189 = tpu.memref_slice %arg17[%multiple_of3A_96, %dma_start3A_188] : memref<10240x128xf32, #tpu.memory_space<hbm>> -> memref<80x128xf32, #tpu.memory_space<hbm>>
      tpu.enqueue_dma source(%arg19 : memref<80x128xf32, #tpu.memory_space<vmem>>) target(%dma_start3A_189 : memref<80x128xf32, #tpu.memory_space<hbm>>) target_semaphore(%run_scoped3A : memref<!tpu.dma_semaphore, #tpu.memory_space<semaphore_mem>>)
      %dma_wait3A_190 = arith.constant 0 : i32
      %dma_wait3A_191 = tpu.memref_slice %arg17[%multiple_of3A_96, %dma_wait3A_190] : memref<10240x128xf32, #tpu.memory_space<hbm>> -> memref<80x128xf32, #tpu.memory_space<hbm>>
      %dma_wait3A_192 = arith.constant 0 : i32
      %dma_wait3A_193 = tpu.memref_slice %arg17[%multiple_of3A_96, %dma_wait3A_192] : memref<10240x128xf32, #tpu.memory_space<hbm>> -> memref<80x128xf32, #tpu.memory_space<hbm>>
      tpu.wait_dma2 semaphore(%run_scoped3A : memref<!tpu.dma_semaphore, #tpu.memory_space<semaphore_mem>>) src(%arg19 : memref<80x128xf32, #tpu.memory_space<vmem>>) dst(%dma_wait3A_193 : memref<80x128xf32, #tpu.memory_space<hbm>>)
      tpu.yield
    }) : () -> ()
    %mul3A_139 = arith.constant 320 : i32
    %mul3A_140 = arith.muli %add3A, %mul3A_139 : i32
    %add3A_141 = arith.constant 240 : i32
    %add3A_142 = arith.addi %mul3A_140, %add3A_141 : i32
    %multiple_of3A_143 = tpu.assume_multiple %add3A_142, 8 : i32
    "tpu.region"() ({
      %run_scoped3A = tpu.sem_alloc : memref<!tpu.dma_semaphore, #tpu.memory_space<semaphore_mem>>
      %dma_start3A_186 = tpu.memref_slice %arg2[%multiple_of3A_143] : memref<10240xi32, #tpu.memory_space<hbm>> -> memref<80xi32, #tpu.memory_space<hbm>>
      %dma_start3A_187 = tpu.memref_slice %arg2[%multiple_of3A_143] : memref<10240xi32, #tpu.memory_space<hbm>> -> memref<80xi32, #tpu.memory_space<hbm>>
      tpu.enqueue_dma source(%dma_start3A_187 : memref<80xi32, #tpu.memory_space<hbm>>) target(%arg18 : memref<80xi32, #tpu.memory_space<vmem>>) target_semaphore(%run_scoped3A : memref<!tpu.dma_semaphore, #tpu.memory_space<semaphore_mem>>)
      %dma_wait3A_188 = tpu.memref_slice %arg2[%multiple_of3A_143] : memref<10240xi32, #tpu.memory_space<hbm>> -> memref<80xi32, #tpu.memory_space<hbm>>
      %dma_wait3A_189 = tpu.memref_slice %arg2[%multiple_of3A_143] : memref<10240xi32, #tpu.memory_space<hbm>> -> memref<80xi32, #tpu.memory_space<hbm>>
      tpu.wait_dma2 semaphore(%run_scoped3A : memref<!tpu.dma_semaphore, #tpu.memory_space<semaphore_mem>>) src(%dma_wait3A_189 : memref<80xi32, #tpu.memory_space<hbm>>) dst(%arg18 : memref<80xi32, #tpu.memory_space<vmem>>)
      tpu.yield
    }) : () -> ()
    %dma_start3A_144 = arith.constant 0 : i32
    %dma_start3A_145 = arith.constant 0 : i32
    %dma_start3A_146 = tpu.memref_slice %arg4[%dma_start3A_144, %dma_start3A_145] : memref<800x128xf32, #tpu.memory_space<hbm>> -> memref<800x128xf32, #tpu.memory_space<hbm>>
    tpu.enqueue_indirect_dma source(%dma_start3A_146 : memref<800x128xf32, #tpu.memory_space<hbm>>) target(%arg19 : memref<80x128xf32, #tpu.memory_space<vmem>>) offsets(%arg18 : memref<80xi32, #tpu.memory_space<vmem>>) semaphore(%arg21 : memref<!tpu.dma_semaphore, #tpu.memory_space<semaphore_mem>>)
    %dma_wait3A_147 = arith.constant 0 : i32
    %dma_wait3A_148 = arith.constant 0 : i32
    %dma_wait3A_149 = tpu.memref_slice %arg4[%dma_wait3A_147, %dma_wait3A_148] : memref<800x128xf32, #tpu.memory_space<hbm>> -> memref<800x128xf32, #tpu.memory_space<hbm>>
    tpu.wait_indirect_dma semaphore(%arg21 : memref<!tpu.dma_semaphore, #tpu.memory_space<semaphore_mem>>) src(%dma_wait3A_149 : memref<800x128xf32, #tpu.memory_space<hbm>>) dst(%arg19 : memref<80x128xf32, #tpu.memory_space<vmem>>)
    "tpu.region"() ({
      %run_scoped3A = tpu.sem_alloc : memref<!tpu.dma_semaphore, #tpu.memory_space<semaphore_mem>>
      %dma_start3A_186 = arith.constant 0 : i32
      %dma_start3A_187 = tpu.memref_slice %arg11[%multiple_of3A_143, %dma_start3A_186] : memref<10240x128xf32, #tpu.memory_space<hbm>> -> memref<80x128xf32, #tpu.memory_space<hbm>>
      %dma_start3A_188 = arith.constant 0 : i32
      %dma_start3A_189 = tpu.memref_slice %arg11[%multiple_of3A_143, %dma_start3A_188] : memref<10240x128xf32, #tpu.memory_space<hbm>> -> memref<80x128xf32, #tpu.memory_space<hbm>>
      tpu.enqueue_dma source(%arg19 : memref<80x128xf32, #tpu.memory_space<vmem>>) target(%dma_start3A_189 : memref<80x128xf32, #tpu.memory_space<hbm>>) target_semaphore(%run_scoped3A : memref<!tpu.dma_semaphore, #tpu.memory_space<semaphore_mem>>)
      %dma_wait3A_190 = arith.constant 0 : i32
      %dma_wait3A_191 = tpu.memref_slice %arg11[%multiple_of3A_143, %dma_wait3A_190] : memref<10240x128xf32, #tpu.memory_space<hbm>> -> memref<80x128xf32, #tpu.memory_space<hbm>>
      %dma_wait3A_192 = arith.constant 0 : i32
      %dma_wait3A_193 = tpu.memref_slice %arg11[%multiple_of3A_143, %dma_wait3A_192] : memref<10240x128xf32, #tpu.memory_space<hbm>> -> memref<80x128xf32, #tpu.memory_space<hbm>>
      tpu.wait_dma2 semaphore(%run_scoped3A : memref<!tpu.dma_semaphore, #tpu.memory_space<semaphore_mem>>) src(%arg19 : memref<80x128xf32, #tpu.memory_space<vmem>>) dst(%dma_wait3A_193 : memref<80x128xf32, #tpu.memory_space<hbm>>)
      tpu.yield
    }) : () -> ()
    %dma_start3A_150 = arith.constant 0 : i32
    %dma_start3A_151 = arith.constant 0 : i32
    %dma_start3A_152 = tpu.memref_slice %arg6[%dma_start3A_150, %dma_start3A_151] : memref<800x128xf32, #tpu.memory_space<hbm>> -> memref<800x128xf32, #tpu.memory_space<hbm>>
    tpu.enqueue_indirect_dma source(%dma_start3A_152 : memref<800x128xf32, #tpu.memory_space<hbm>>) target(%arg19 : memref<80x128xf32, #tpu.memory_space<vmem>>) offsets(%arg18 : memref<80xi32, #tpu.memory_space<vmem>>) semaphore(%arg21 : memref<!tpu.dma_semaphore, #tpu.memory_space<semaphore_mem>>)
    %dma_wait3A_153 = arith.constant 0 : i32
    %dma_wait3A_154 = arith.constant 0 : i32
    %dma_wait3A_155 = tpu.memref_slice %arg6[%dma_wait3A_153, %dma_wait3A_154] : memref<800x128xf32, #tpu.memory_space<hbm>> -> memref<800x128xf32, #tpu.memory_space<hbm>>
    tpu.wait_indirect_dma semaphore(%arg21 : memref<!tpu.dma_semaphore, #tpu.memory_space<semaphore_mem>>) src(%dma_wait3A_155 : memref<800x128xf32, #tpu.memory_space<hbm>>) dst(%arg19 : memref<80x128xf32, #tpu.memory_space<vmem>>)
    "tpu.region"() ({
      %run_scoped3A = tpu.sem_alloc : memref<!tpu.dma_semaphore, #tpu.memory_space<semaphore_mem>>
      %dma_start3A_186 = arith.constant 0 : i32
      %dma_start3A_187 = tpu.memref_slice %arg13[%multiple_of3A_143, %dma_start3A_186] : memref<10240x128xf32, #tpu.memory_space<hbm>> -> memref<80x128xf32, #tpu.memory_space<hbm>>
      %dma_start3A_188 = arith.constant 0 : i32
      %dma_start3A_189 = tpu.memref_slice %arg13[%multiple_of3A_143, %dma_start3A_188] : memref<10240x128xf32, #tpu.memory_space<hbm>> -> memref<80x128xf32, #tpu.memory_space<hbm>>
      tpu.enqueue_dma source(%arg19 : memref<80x128xf32, #tpu.memory_space<vmem>>) target(%dma_start3A_189 : memref<80x128xf32, #tpu.memory_space<hbm>>) target_semaphore(%run_scoped3A : memref<!tpu.dma_semaphore, #tpu.memory_space<semaphore_mem>>)
      %dma_wait3A_190 = arith.constant 0 : i32
      %dma_wait3A_191 = tpu.memref_slice %arg13[%multiple_of3A_143, %dma_wait3A_190] : memref<10240x128xf32, #tpu.memory_space<hbm>> -> memref<80x128xf32, #tpu.memory_space<hbm>>
      %dma_wait3A_192 = arith.constant 0 : i32
      %dma_wait3A_193 = tpu.memref_slice %arg13[%multiple_of3A_143, %dma_wait3A_192] : memref<10240x128xf32, #tpu.memory_space<hbm>> -> memref<80x128xf32, #tpu.memory_space<hbm>>
      tpu.wait_dma2 semaphore(%run_scoped3A : memref<!tpu.dma_semaphore, #tpu.memory_space<semaphore_mem>>) src(%arg19 : memref<80x128xf32, #tpu.memory_space<vmem>>) dst(%dma_wait3A_193 : memref<80x128xf32, #tpu.memory_space<hbm>>)
      tpu.yield
    }) : () -> ()
    %dma_start3A_156 = arith.constant 0 : i32
    %dma_start3A_157 = arith.constant 0 : i32
    %dma_start3A_158 = tpu.memref_slice %arg7[%dma_start3A_156, %dma_start3A_157] : memref<800x128xf32, #tpu.memory_space<hbm>> -> memref<800x128xf32, #tpu.memory_space<hbm>>
    tpu.enqueue_indirect_dma source(%dma_start3A_158 : memref<800x128xf32, #tpu.memory_space<hbm>>) target(%arg19 : memref<80x128xf32, #tpu.memory_space<vmem>>) offsets(%arg18 : memref<80xi32, #tpu.memory_space<vmem>>) semaphore(%arg21 : memref<!tpu.dma_semaphore, #tpu.memory_space<semaphore_mem>>)
    %dma_wait3A_159 = arith.constant 0 : i32
    %dma_wait3A_160 = arith.constant 0 : i32
    %dma_wait3A_161 = tpu.memref_slice %arg7[%dma_wait3A_159, %dma_wait3A_160] : memref<800x128xf32, #tpu.memory_space<hbm>> -> memref<800x128xf32, #tpu.memory_space<hbm>>
    tpu.wait_indirect_dma semaphore(%arg21 : memref<!tpu.dma_semaphore, #tpu.memory_space<semaphore_mem>>) src(%dma_wait3A_161 : memref<800x128xf32, #tpu.memory_space<hbm>>) dst(%arg19 : memref<80x128xf32, #tpu.memory_space<vmem>>)
    "tpu.region"() ({
      %run_scoped3A = tpu.sem_alloc : memref<!tpu.dma_semaphore, #tpu.memory_space<semaphore_mem>>
      %dma_start3A_186 = arith.constant 0 : i32
      %dma_start3A_187 = tpu.memref_slice %arg14[%multiple_of3A_143, %dma_start3A_186] : memref<10240x128xf32, #tpu.memory_space<hbm>> -> memref<80x128xf32, #tpu.memory_space<hbm>>
      %dma_start3A_188 = arith.constant 0 : i32
      %dma_start3A_189 = tpu.memref_slice %arg14[%multiple_of3A_143, %dma_start3A_188] : memref<10240x128xf32, #tpu.memory_space<hbm>> -> memref<80x128xf32, #tpu.memory_space<hbm>>
      tpu.enqueue_dma source(%arg19 : memref<80x128xf32, #tpu.memory_space<vmem>>) target(%dma_start3A_189 : memref<80x128xf32, #tpu.memory_space<hbm>>) target_semaphore(%run_scoped3A : memref<!tpu.dma_semaphore, #tpu.memory_space<semaphore_mem>>)
      %dma_wait3A_190 = arith.constant 0 : i32
      %dma_wait3A_191 = tpu.memref_slice %arg14[%multiple_of3A_143, %dma_wait3A_190] : memref<10240x128xf32, #tpu.memory_space<hbm>> -> memref<80x128xf32, #tpu.memory_space<hbm>>
      %dma_wait3A_192 = arith.constant 0 : i32
      %dma_wait3A_193 = tpu.memref_slice %arg14[%multiple_of3A_143, %dma_wait3A_192] : memref<10240x128xf32, #tpu.memory_space<hbm>> -> memref<80x128xf32, #tpu.memory_space<hbm>>
      tpu.wait_dma2 semaphore(%run_scoped3A : memref<!tpu.dma_semaphore, #tpu.memory_space<semaphore_mem>>) src(%arg19 : memref<80x128xf32, #tpu.memory_space<vmem>>) dst(%dma_wait3A_193 : memref<80x128xf32, #tpu.memory_space<hbm>>)
      tpu.yield
    }) : () -> ()
    %dma_start3A_162 = arith.constant 0 : i32
    %dma_start3A_163 = arith.constant 0 : i32
    %dma_start3A_164 = tpu.memref_slice %arg8[%dma_start3A_162, %dma_start3A_163] : memref<800x128xf32, #tpu.memory_space<hbm>> -> memref<800x128xf32, #tpu.memory_space<hbm>>
    tpu.enqueue_indirect_dma source(%dma_start3A_164 : memref<800x128xf32, #tpu.memory_space<hbm>>) target(%arg19 : memref<80x128xf32, #tpu.memory_space<vmem>>) offsets(%arg18 : memref<80xi32, #tpu.memory_space<vmem>>) semaphore(%arg21 : memref<!tpu.dma_semaphore, #tpu.memory_space<semaphore_mem>>)
    %dma_wait3A_165 = arith.constant 0 : i32
    %dma_wait3A_166 = arith.constant 0 : i32
    %dma_wait3A_167 = tpu.memref_slice %arg8[%dma_wait3A_165, %dma_wait3A_166] : memref<800x128xf32, #tpu.memory_space<hbm>> -> memref<800x128xf32, #tpu.memory_space<hbm>>
    tpu.wait_indirect_dma semaphore(%arg21 : memref<!tpu.dma_semaphore, #tpu.memory_space<semaphore_mem>>) src(%dma_wait3A_167 : memref<800x128xf32, #tpu.memory_space<hbm>>) dst(%arg19 : memref<80x128xf32, #tpu.memory_space<vmem>>)
    "tpu.region"() ({
      %run_scoped3A = tpu.sem_alloc : memref<!tpu.dma_semaphore, #tpu.memory_space<semaphore_mem>>
      %dma_start3A_186 = arith.constant 0 : i32
      %dma_start3A_187 = tpu.memref_slice %arg15[%multiple_of3A_143, %dma_start3A_186] : memref<10240x128xf32, #tpu.memory_space<hbm>> -> memref<80x128xf32, #tpu.memory_space<hbm>>
      %dma_start3A_188 = arith.constant 0 : i32
      %dma_start3A_189 = tpu.memref_slice %arg15[%multiple_of3A_143, %dma_start3A_188] : memref<10240x128xf32, #tpu.memory_space<hbm>> -> memref<80x128xf32, #tpu.memory_space<hbm>>
      tpu.enqueue_dma source(%arg19 : memref<80x128xf32, #tpu.memory_space<vmem>>) target(%dma_start3A_189 : memref<80x128xf32, #tpu.memory_space<hbm>>) target_semaphore(%run_scoped3A : memref<!tpu.dma_semaphore, #tpu.memory_space<semaphore_mem>>)
      %dma_wait3A_190 = arith.constant 0 : i32
      %dma_wait3A_191 = tpu.memref_slice %arg15[%multiple_of3A_143, %dma_wait3A_190] : memref<10240x128xf32, #tpu.memory_space<hbm>> -> memref<80x128xf32, #tpu.memory_space<hbm>>
      %dma_wait3A_192 = arith.constant 0 : i32
      %dma_wait3A_193 = tpu.memref_slice %arg15[%multiple_of3A_143, %dma_wait3A_192] : memref<10240x128xf32, #tpu.memory_space<hbm>> -> memref<80x128xf32, #tpu.memory_space<hbm>>
      tpu.wait_dma2 semaphore(%run_scoped3A : memref<!tpu.dma_semaphore, #tpu.memory_space<semaphore_mem>>) src(%arg19 : memref<80x128xf32, #tpu.memory_space<vmem>>) dst(%dma_wait3A_193 : memref<80x128xf32, #tpu.memory_space<hbm>>)
      tpu.yield
    }) : () -> ()
    %dma_start3A_168 = arith.constant 0 : i32
    %dma_start3A_169 = arith.constant 0 : i32
    %dma_start3A_170 = tpu.memref_slice %arg9[%dma_start3A_168, %dma_start3A_169] : memref<800x128xf32, #tpu.memory_space<hbm>> -> memref<800x128xf32, #tpu.memory_space<hbm>>
    tpu.enqueue_indirect_dma source(%dma_start3A_170 : memref<800x128xf32, #tpu.memory_space<hbm>>) target(%arg19 : memref<80x128xf32, #tpu.memory_space<vmem>>) offsets(%arg18 : memref<80xi32, #tpu.memory_space<vmem>>) semaphore(%arg21 : memref<!tpu.dma_semaphore, #tpu.memory_space<semaphore_mem>>)
    %dma_wait3A_171 = arith.constant 0 : i32
    %dma_wait3A_172 = arith.constant 0 : i32
    %dma_wait3A_173 = tpu.memref_slice %arg9[%dma_wait3A_171, %dma_wait3A_172] : memref<800x128xf32, #tpu.memory_space<hbm>> -> memref<800x128xf32, #tpu.memory_space<hbm>>
    tpu.wait_indirect_dma semaphore(%arg21 : memref<!tpu.dma_semaphore, #tpu.memory_space<semaphore_mem>>) src(%dma_wait3A_173 : memref<800x128xf32, #tpu.memory_space<hbm>>) dst(%arg19 : memref<80x128xf32, #tpu.memory_space<vmem>>)
    "tpu.region"() ({
      %run_scoped3A = tpu.sem_alloc : memref<!tpu.dma_semaphore, #tpu.memory_space<semaphore_mem>>
      %dma_start3A_186 = arith.constant 0 : i32
      %dma_start3A_187 = tpu.memref_slice %arg16[%multiple_of3A_143, %dma_start3A_186] : memref<10240x128xf32, #tpu.memory_space<hbm>> -> memref<80x128xf32, #tpu.memory_space<hbm>>
      %dma_start3A_188 = arith.constant 0 : i32
      %dma_start3A_189 = tpu.memref_slice %arg16[%multiple_of3A_143, %dma_start3A_188] : memref<10240x128xf32, #tpu.memory_space<hbm>> -> memref<80x128xf32, #tpu.memory_space<hbm>>
      tpu.enqueue_dma source(%arg19 : memref<80x128xf32, #tpu.memory_space<vmem>>) target(%dma_start3A_189 : memref<80x128xf32, #tpu.memory_space<hbm>>) target_semaphore(%run_scoped3A : memref<!tpu.dma_semaphore, #tpu.memory_space<semaphore_mem>>)
      %dma_wait3A_190 = arith.constant 0 : i32
      %dma_wait3A_191 = tpu.memref_slice %arg16[%multiple_of3A_143, %dma_wait3A_190] : memref<10240x128xf32, #tpu.memory_space<hbm>> -> memref<80x128xf32, #tpu.memory_space<hbm>>
      %dma_wait3A_192 = arith.constant 0 : i32
      %dma_wait3A_193 = tpu.memref_slice %arg16[%multiple_of3A_143, %dma_wait3A_192] : memref<10240x128xf32, #tpu.memory_space<hbm>> -> memref<80x128xf32, #tpu.memory_space<hbm>>
      tpu.wait_dma2 semaphore(%run_scoped3A : memref<!tpu.dma_semaphore, #tpu.memory_space<semaphore_mem>>) src(%arg19 : memref<80x128xf32, #tpu.memory_space<vmem>>) dst(%dma_wait3A_193 : memref<80x128xf32, #tpu.memory_space<hbm>>)
      tpu.yield
    }) : () -> ()
    %dma_start3A_174 = arith.constant 0 : i32
    %dma_start3A_175 = arith.constant 0 : i32
    %dma_start3A_176 = tpu.memref_slice %arg5[%dma_start3A_174, %dma_start3A_175] : memref<800x256xf32, #tpu.memory_space<hbm>> -> memref<800x256xf32, #tpu.memory_space<hbm>>
    tpu.enqueue_indirect_dma source(%dma_start3A_176 : memref<800x256xf32, #tpu.memory_space<hbm>>) target(%arg20 : memref<80x256xf32, #tpu.memory_space<vmem>>) offsets(%arg18 : memref<80xi32, #tpu.memory_space<vmem>>) semaphore(%arg21 : memref<!tpu.dma_semaphore, #tpu.memory_space<semaphore_mem>>)
    %dma_wait3A_177 = arith.constant 0 : i32
    %dma_wait3A_178 = arith.constant 0 : i32
    %dma_wait3A_179 = tpu.memref_slice %arg5[%dma_wait3A_177, %dma_wait3A_178] : memref<800x256xf32, #tpu.memory_space<hbm>> -> memref<800x256xf32, #tpu.memory_space<hbm>>
    tpu.wait_indirect_dma semaphore(%arg21 : memref<!tpu.dma_semaphore, #tpu.memory_space<semaphore_mem>>) src(%dma_wait3A_179 : memref<800x256xf32, #tpu.memory_space<hbm>>) dst(%arg20 : memref<80x256xf32, #tpu.memory_space<vmem>>)
    "tpu.region"() ({
      %run_scoped3A = tpu.sem_alloc : memref<!tpu.dma_semaphore, #tpu.memory_space<semaphore_mem>>
      %dma_start3A_186 = arith.constant 0 : i32
      %dma_start3A_187 = tpu.memref_slice %arg12[%multiple_of3A_143, %dma_start3A_186] : memref<10240x256xf32, #tpu.memory_space<hbm>> -> memref<80x256xf32, #tpu.memory_space<hbm>>
      %dma_start3A_188 = arith.constant 0 : i32
      %dma_start3A_189 = tpu.memref_slice %arg12[%multiple_of3A_143, %dma_start3A_188] : memref<10240x256xf32, #tpu.memory_space<hbm>> -> memref<80x256xf32, #tpu.memory_space<hbm>>
      tpu.enqueue_dma source(%arg20 : memref<80x256xf32, #tpu.memory_space<vmem>>) target(%dma_start3A_189 : memref<80x256xf32, #tpu.memory_space<hbm>>) target_semaphore(%run_scoped3A : memref<!tpu.dma_semaphore, #tpu.memory_space<semaphore_mem>>)
      %dma_wait3A_190 = arith.constant 0 : i32
      %dma_wait3A_191 = tpu.memref_slice %arg12[%multiple_of3A_143, %dma_wait3A_190] : memref<10240x256xf32, #tpu.memory_space<hbm>> -> memref<80x256xf32, #tpu.memory_space<hbm>>
      %dma_wait3A_192 = arith.constant 0 : i32
      %dma_wait3A_193 = tpu.memref_slice %arg12[%multiple_of3A_143, %dma_wait3A_192] : memref<10240x256xf32, #tpu.memory_space<hbm>> -> memref<80x256xf32, #tpu.memory_space<hbm>>
      tpu.wait_dma2 semaphore(%run_scoped3A : memref<!tpu.dma_semaphore, #tpu.memory_space<semaphore_mem>>) src(%arg20 : memref<80x256xf32, #tpu.memory_space<vmem>>) dst(%dma_wait3A_193 : memref<80x256xf32, #tpu.memory_space<hbm>>)
      tpu.yield
    }) : () -> ()
    "tpu.region"() ({
      %run_scoped3A = tpu.sem_alloc : memref<!tpu.dma_semaphore, #tpu.memory_space<semaphore_mem>>
      %dma_start3A_186 = tpu.memref_slice %arg3[%multiple_of3A_143] : memref<10240xi32, #tpu.memory_space<hbm>> -> memref<80xi32, #tpu.memory_space<hbm>>
      %dma_start3A_187 = tpu.memref_slice %arg3[%multiple_of3A_143] : memref<10240xi32, #tpu.memory_space<hbm>> -> memref<80xi32, #tpu.memory_space<hbm>>
      tpu.enqueue_dma source(%dma_start3A_187 : memref<80xi32, #tpu.memory_space<hbm>>) target(%arg18 : memref<80xi32, #tpu.memory_space<vmem>>) target_semaphore(%run_scoped3A : memref<!tpu.dma_semaphore, #tpu.memory_space<semaphore_mem>>)
      %dma_wait3A_188 = tpu.memref_slice %arg3[%multiple_of3A_143] : memref<10240xi32, #tpu.memory_space<hbm>> -> memref<80xi32, #tpu.memory_space<hbm>>
      %dma_wait3A_189 = tpu.memref_slice %arg3[%multiple_of3A_143] : memref<10240xi32, #tpu.memory_space<hbm>> -> memref<80xi32, #tpu.memory_space<hbm>>
      tpu.wait_dma2 semaphore(%run_scoped3A : memref<!tpu.dma_semaphore, #tpu.memory_space<semaphore_mem>>) src(%dma_wait3A_189 : memref<80xi32, #tpu.memory_space<hbm>>) dst(%arg18 : memref<80xi32, #tpu.memory_space<vmem>>)
      tpu.yield
    }) : () -> ()
    %dma_start3A_180 = arith.constant 0 : i32
    %dma_start3A_181 = arith.constant 0 : i32
    %dma_start3A_182 = tpu.memref_slice %arg10[%dma_start3A_180, %dma_start3A_181] : memref<512x128xf32, #tpu.memory_space<hbm>> -> memref<512x128xf32, #tpu.memory_space<hbm>>
    tpu.enqueue_indirect_dma source(%dma_start3A_182 : memref<512x128xf32, #tpu.memory_space<hbm>>) target(%arg19 : memref<80x128xf32, #tpu.memory_space<vmem>>) offsets(%arg18 : memref<80xi32, #tpu.memory_space<vmem>>) semaphore(%arg21 : memref<!tpu.dma_semaphore, #tpu.memory_space<semaphore_mem>>)
    %dma_wait3A_183 = arith.constant 0 : i32
    %dma_wait3A_184 = arith.constant 0 : i32
    %dma_wait3A_185 = tpu.memref_slice %arg10[%dma_wait3A_183, %dma_wait3A_184] : memref<512x128xf32, #tpu.memory_space<hbm>> -> memref<512x128xf32, #tpu.memory_space<hbm>>
    tpu.wait_indirect_dma semaphore(%arg21 : memref<!tpu.dma_semaphore, #tpu.memory_space<semaphore_mem>>) src(%dma_wait3A_185 : memref<512x128xf32, #tpu.memory_space<hbm>>) dst(%arg19 : memref<80x128xf32, #tpu.memory_space<vmem>>)
    "tpu.region"() ({
      %run_scoped3A = tpu.sem_alloc : memref<!tpu.dma_semaphore, #tpu.memory_space<semaphore_mem>>
      %dma_start3A_186 = arith.constant 0 : i32
      %dma_start3A_187 = tpu.memref_slice %arg17[%multiple_of3A_143, %dma_start3A_186] : memref<10240x128xf32, #tpu.memory_space<hbm>> -> memref<80x128xf32, #tpu.memory_space<hbm>>
      %dma_start3A_188 = arith.constant 0 : i32
      %dma_start3A_189 = tpu.memref_slice %arg17[%multiple_of3A_143, %dma_start3A_188] : memref<10240x128xf32, #tpu.memory_space<hbm>> -> memref<80x128xf32, #tpu.memory_space<hbm>>
      tpu.enqueue_dma source(%arg19 : memref<80x128xf32, #tpu.memory_space<vmem>>) target(%dma_start3A_189 : memref<80x128xf32, #tpu.memory_space<hbm>>) target_semaphore(%run_scoped3A : memref<!tpu.dma_semaphore, #tpu.memory_space<semaphore_mem>>)
      %dma_wait3A_190 = arith.constant 0 : i32
      %dma_wait3A_191 = tpu.memref_slice %arg17[%multiple_of3A_143, %dma_wait3A_190] : memref<10240x128xf32, #tpu.memory_space<hbm>> -> memref<80x128xf32, #tpu.memory_space<hbm>>
      %dma_wait3A_192 = arith.constant 0 : i32
      %dma_wait3A_193 = tpu.memref_slice %arg17[%multiple_of3A_143, %dma_wait3A_192] : memref<10240x128xf32, #tpu.memory_space<hbm>> -> memref<80x128xf32, #tpu.memory_space<hbm>>
      tpu.wait_dma2 semaphore(%run_scoped3A : memref<!tpu.dma_semaphore, #tpu.memory_space<semaphore_mem>>) src(%arg19 : memref<80x128xf32, #tpu.memory_space<vmem>>) dst(%dma_wait3A_193 : memref<80x128xf32, #tpu.memory_space<hbm>>)
      tpu.yield
    }) : () -> ()
    return
  }
}

#map = affine_map<(d0, d1) -> (0)>
#map1 = affine_map<(d0, d1) -> (0, 0)>
module attributes {stable_mosaic.version = 14 : i64} {
  func.func @_seg_body(%arg0: i32, %arg1: i32, %arg2: memref<320000xi32, #tpu.memory_space<hbm>>, %arg3: memref<320000xi32, #tpu.memory_space<hbm>>, %arg4: memref<10000x128xf32, #tpu.memory_space<hbm>>, %arg5: memref<5248x128xf32, #tpu.memory_space<hbm>>, %arg6: memref<5248x128xf32, #tpu.memory_space<hbm>>, %arg7: memref<80xi32, #tpu.memory_space<vmem>>, %arg8: memref<80xi32, #tpu.memory_space<vmem>>, %arg9: memref<80xi32, #tpu.memory_space<vmem>>, %arg10: memref<80x128xf32, #tpu.memory_space<vmem>>, %arg11: memref<328x128xf32, #tpu.memory_space<vmem>>, %arg12: memref<5248x128xf32, #tpu.memory_space<vmem_shared>>, %arg13: memref<!tpu.dma_semaphore, #tpu.memory_space<semaphore_mem>>) attributes {dimension_semantics = [#tpu.dimension_semantics<core_parallel>, #tpu.dimension_semantics<subcore_parallel>], iteration_bounds = array<i64: 2, 16>, scalar_prefetch = 0 : i64, scratch_operands = 7 : i64, tpu.core_type = #tpu.core_type<sc_vector_subcore>, window_params = [{transform_indices = #map}, {transform_indices = #map}, {transform_indices = #map1}, {transform_indices = #map1}, {transform_indices = #map1}]} {
    %scan3A = arith.constant 0 : i32
    %scan3A_0 = arith.constant 0 : i32
    %scan3A_1 = arith.constant 328 : i32
    %scan3A_2 = arith.addi %scan3A_0, %scan3A_1 : i32
    %scan3A_3 = arith.constant 1 : i32
    scf.for %scan3A_22 = %scan3A_0 to %scan3A_2 step %scan3A_3  : i32 {
      %broadcast_in_dim3A = arith.constant 0.000000e+00 : f32
      %broadcast_in_dim3A_23 = vector.broadcast %broadcast_in_dim3A : f32 to vector<16xf32>
      %swap3A = arith.index_cast %scan3A_22 : i32 to index
      %swap3A_24 = arith.constant 0 : index
      %swap3A_25 = tpu.vector_load %arg11[%swap3A, %swap3A_24] {strides = array<i32>} : memref<328x128xf32, #tpu.memory_space<vmem>>, vector<1x16xf32>,
      %swap3A_26 = vector.shape_cast %swap3A_25 : vector<1x16xf32> to vector<16xf32>
      %swap3A_27 = vector.shape_cast %broadcast_in_dim3A_23 : vector<16xf32> to vector<1x16xf32>
      tpu.vector_store %arg11[%swap3A, %swap3A_24], %swap3A_27 {strides = array<i32>} : memref<328x128xf32, #tpu.memory_space<vmem>>, vector<1x16xf32>,
      %swap3A_28 = arith.index_cast %scan3A_22 : i32 to index
      %swap3A_29 = arith.constant 16 : index
      %swap3A_30 = tpu.vector_load %arg11[%swap3A_28, %swap3A_29] {strides = array<i32>} : memref<328x128xf32, #tpu.memory_space<vmem>>, vector<1x16xf32>,
      %swap3A_31 = vector.shape_cast %swap3A_30 : vector<1x16xf32> to vector<16xf32>
      %swap3A_32 = vector.shape_cast %broadcast_in_dim3A_23 : vector<16xf32> to vector<1x16xf32>
      tpu.vector_store %arg11[%swap3A_28, %swap3A_29], %swap3A_32 {strides = array<i32>} : memref<328x128xf32, #tpu.memory_space<vmem>>, vector<1x16xf32>,
      %swap3A_33 = arith.index_cast %scan3A_22 : i32 to index
      %swap3A_34 = arith.constant 32 : index
      %swap3A_35 = tpu.vector_load %arg11[%swap3A_33, %swap3A_34] {strides = array<i32>} : memref<328x128xf32, #tpu.memory_space<vmem>>, vector<1x16xf32>,
      %swap3A_36 = vector.shape_cast %swap3A_35 : vector<1x16xf32> to vector<16xf32>
      %swap3A_37 = vector.shape_cast %broadcast_in_dim3A_23 : vector<16xf32> to vector<1x16xf32>
      tpu.vector_store %arg11[%swap3A_33, %swap3A_34], %swap3A_37 {strides = array<i32>} : memref<328x128xf32, #tpu.memory_space<vmem>>, vector<1x16xf32>,
      %swap3A_38 = arith.index_cast %scan3A_22 : i32 to index
      %swap3A_39 = arith.constant 48 : index
      %swap3A_40 = tpu.vector_load %arg11[%swap3A_38, %swap3A_39] {strides = array<i32>} : memref<328x128xf32, #tpu.memory_space<vmem>>, vector<1x16xf32>,
      %swap3A_41 = vector.shape_cast %swap3A_40 : vector<1x16xf32> to vector<16xf32>
      %swap3A_42 = vector.shape_cast %broadcast_in_dim3A_23 : vector<16xf32> to vector<1x16xf32>
      tpu.vector_store %arg11[%swap3A_38, %swap3A_39], %swap3A_42 {strides = array<i32>} : memref<328x128xf32, #tpu.memory_space<vmem>>, vector<1x16xf32>,
      %swap3A_43 = arith.index_cast %scan3A_22 : i32 to index
      %swap3A_44 = arith.constant 64 : index
      %swap3A_45 = tpu.vector_load %arg11[%swap3A_43, %swap3A_44] {strides = array<i32>} : memref<328x128xf32, #tpu.memory_space<vmem>>, vector<1x16xf32>,
      %swap3A_46 = vector.shape_cast %swap3A_45 : vector<1x16xf32> to vector<16xf32>
      %swap3A_47 = vector.shape_cast %broadcast_in_dim3A_23 : vector<16xf32> to vector<1x16xf32>
      tpu.vector_store %arg11[%swap3A_43, %swap3A_44], %swap3A_47 {strides = array<i32>} : memref<328x128xf32, #tpu.memory_space<vmem>>, vector<1x16xf32>,
      %swap3A_48 = arith.index_cast %scan3A_22 : i32 to index
      %swap3A_49 = arith.constant 80 : index
      %swap3A_50 = tpu.vector_load %arg11[%swap3A_48, %swap3A_49] {strides = array<i32>} : memref<328x128xf32, #tpu.memory_space<vmem>>, vector<1x16xf32>,
      %swap3A_51 = vector.shape_cast %swap3A_50 : vector<1x16xf32> to vector<16xf32>
      %swap3A_52 = vector.shape_cast %broadcast_in_dim3A_23 : vector<16xf32> to vector<1x16xf32>
      tpu.vector_store %arg11[%swap3A_48, %swap3A_49], %swap3A_52 {strides = array<i32>} : memref<328x128xf32, #tpu.memory_space<vmem>>, vector<1x16xf32>,
      %swap3A_53 = arith.index_cast %scan3A_22 : i32 to index
      %swap3A_54 = arith.constant 96 : index
      %swap3A_55 = tpu.vector_load %arg11[%swap3A_53, %swap3A_54] {strides = array<i32>} : memref<328x128xf32, #tpu.memory_space<vmem>>, vector<1x16xf32>,
      %swap3A_56 = vector.shape_cast %swap3A_55 : vector<1x16xf32> to vector<16xf32>
      %swap3A_57 = vector.shape_cast %broadcast_in_dim3A_23 : vector<16xf32> to vector<1x16xf32>
      tpu.vector_store %arg11[%swap3A_53, %swap3A_54], %swap3A_57 {strides = array<i32>} : memref<328x128xf32, #tpu.memory_space<vmem>>, vector<1x16xf32>,
      %swap3A_58 = arith.index_cast %scan3A_22 : i32 to index
      %swap3A_59 = arith.constant 112 : index
      %swap3A_60 = tpu.vector_load %arg11[%swap3A_58, %swap3A_59] {strides = array<i32>} : memref<328x128xf32, #tpu.memory_space<vmem>>, vector<1x16xf32>,
      %swap3A_61 = vector.shape_cast %swap3A_60 : vector<1x16xf32> to vector<16xf32>
      %swap3A_62 = vector.shape_cast %broadcast_in_dim3A_23 : vector<16xf32> to vector<1x16xf32>
      tpu.vector_store %arg11[%swap3A_58, %swap3A_59], %swap3A_62 {strides = array<i32>} : memref<328x128xf32, #tpu.memory_space<vmem>>, vector<1x16xf32>,
    }
    %scan3A_4 = arith.constant 328 : i32
    %mul3A = arith.constant 328 : i32
    %mul3A_5 = arith.muli %arg1, %mul3A : i32
    "tpu.region"() ({
      %run_scoped3A = tpu.sem_alloc : memref<!tpu.dma_semaphore, #tpu.memory_space<semaphore_mem>>
      %dma_start3A = arith.constant 0 : i32
      %dma_start3A_22 = tpu.memref_slice %arg12[%mul3A_5, %dma_start3A] : memref<5248x128xf32, #tpu.memory_space<vmem_shared>> -> memref<328x128xf32, #tpu.memory_space<vmem_shared>>
      %dma_start3A_23 = arith.constant 0 : i32
      %dma_start3A_24 = tpu.memref_slice %arg12[%mul3A_5, %dma_start3A_23] : memref<5248x128xf32, #tpu.memory_space<vmem_shared>> -> memref<328x128xf32, #tpu.memory_space<vmem_shared>>
      tpu.enqueue_dma source(%arg11 : memref<328x128xf32, #tpu.memory_space<vmem>>) target(%dma_start3A_24 : memref<328x128xf32, #tpu.memory_space<vmem_shared>>) target_semaphore(%run_scoped3A : memref<!tpu.dma_semaphore, #tpu.memory_space<semaphore_mem>>)
      %dma_wait3A = arith.constant 0 : i32
      %dma_wait3A_25 = tpu.memref_slice %arg12[%mul3A_5, %dma_wait3A] : memref<5248x128xf32, #tpu.memory_space<vmem_shared>> -> memref<328x128xf32, #tpu.memory_space<vmem_shared>>
      %dma_wait3A_26 = arith.constant 0 : i32
      %dma_wait3A_27 = tpu.memref_slice %arg12[%mul3A_5, %dma_wait3A_26] : memref<5248x128xf32, #tpu.memory_space<vmem_shared>> -> memref<328x128xf32, #tpu.memory_space<vmem_shared>>
      tpu.wait_dma2 semaphore(%run_scoped3A : memref<!tpu.dma_semaphore, #tpu.memory_space<semaphore_mem>>) src(%arg11 : memref<328x128xf32, #tpu.memory_space<vmem>>) dst(%dma_wait3A_27 : memref<328x128xf32, #tpu.memory_space<vmem_shared>>)
      tpu.yield
    }) : () -> ()
    %barrier3A = arith.constant 0 : index
    tpu.barrier barrier_id(%barrier3A)
    %mul3A_6 = arith.constant 5120 : i32
    %mul3A_7 = arith.muli %arg0, %mul3A_6 : i32
    %scan3A_8 = arith.constant 0 : i32
    %scan3A_9 = arith.constant 0 : i32
    %scan3A_10 = arith.constant 250 : i32
    %scan3A_11 = arith.addi %scan3A_9, %scan3A_10 : i32
    %scan3A_12 = arith.constant 1 : i32
    scf.for %scan3A_22 = %scan3A_9 to %scan3A_11 step %scan3A_12  : i32 {
      %mul3A_23 = arith.constant 20000 : i32
      %mul3A_24 = arith.muli %arg1, %mul3A_23 : i32
      %mul3A_25 = arith.constant 80 : i32
      %mul3A_26 = arith.muli %scan3A_22, %mul3A_25 : i32
      %add3A = arith.addi %mul3A_24, %mul3A_26 : i32
      %multiple_of3A = tpu.assume_multiple %add3A, 8 : i32
      "tpu.region"() ({
        %run_scoped3A = tpu.sem_alloc : memref<!tpu.dma_semaphore, #tpu.memory_space<semaphore_mem>>
        %dma_start3A_117 = tpu.memref_slice %arg2[%multiple_of3A] : memref<320000xi32, #tpu.memory_space<hbm>> -> memref<80xi32, #tpu.memory_space<hbm>>
        %dma_start3A_118 = tpu.memref_slice %arg2[%multiple_of3A] : memref<320000xi32, #tpu.memory_space<hbm>> -> memref<80xi32, #tpu.memory_space<hbm>>
        tpu.enqueue_dma source(%dma_start3A_118 : memref<80xi32, #tpu.memory_space<hbm>>) target(%arg7 : memref<80xi32, #tpu.memory_space<vmem>>) target_semaphore(%run_scoped3A : memref<!tpu.dma_semaphore, #tpu.memory_space<semaphore_mem>>)
        %dma_wait3A_119 = tpu.memref_slice %arg2[%multiple_of3A] : memref<320000xi32, #tpu.memory_space<hbm>> -> memref<80xi32, #tpu.memory_space<hbm>>
        %dma_wait3A_120 = tpu.memref_slice %arg2[%multiple_of3A] : memref<320000xi32, #tpu.memory_space<hbm>> -> memref<80xi32, #tpu.memory_space<hbm>>
        tpu.wait_dma2 semaphore(%run_scoped3A : memref<!tpu.dma_semaphore, #tpu.memory_space<semaphore_mem>>) src(%dma_wait3A_120 : memref<80xi32, #tpu.memory_space<hbm>>) dst(%arg7 : memref<80xi32, #tpu.memory_space<vmem>>)
        tpu.yield
      }) : () -> ()
      "tpu.region"() ({
        %run_scoped3A = tpu.sem_alloc : memref<!tpu.dma_semaphore, #tpu.memory_space<semaphore_mem>>
        %dma_start3A_117 = tpu.memref_slice %arg3[%multiple_of3A] : memref<320000xi32, #tpu.memory_space<hbm>> -> memref<80xi32, #tpu.memory_space<hbm>>
        %dma_start3A_118 = tpu.memref_slice %arg3[%multiple_of3A] : memref<320000xi32, #tpu.memory_space<hbm>> -> memref<80xi32, #tpu.memory_space<hbm>>
        tpu.enqueue_dma source(%dma_start3A_118 : memref<80xi32, #tpu.memory_space<hbm>>) target(%arg8 : memref<80xi32, #tpu.memory_space<vmem>>) target_semaphore(%run_scoped3A : memref<!tpu.dma_semaphore, #tpu.memory_space<semaphore_mem>>)
        %dma_wait3A_119 = tpu.memref_slice %arg3[%multiple_of3A] : memref<320000xi32, #tpu.memory_space<hbm>> -> memref<80xi32, #tpu.memory_space<hbm>>
        %dma_wait3A_120 = tpu.memref_slice %arg3[%multiple_of3A] : memref<320000xi32, #tpu.memory_space<hbm>> -> memref<80xi32, #tpu.memory_space<hbm>>
        tpu.wait_dma2 semaphore(%run_scoped3A : memref<!tpu.dma_semaphore, #tpu.memory_space<semaphore_mem>>) src(%dma_wait3A_120 : memref<80xi32, #tpu.memory_space<hbm>>) dst(%arg8 : memref<80xi32, #tpu.memory_space<vmem>>)
        tpu.yield
      }) : () -> ()
      %dma_start3A = arith.constant 0 : i32
      %dma_start3A_27 = arith.constant 0 : i32
      %dma_start3A_28 = tpu.memref_slice %arg4[%dma_start3A, %dma_start3A_27] : memref<10000x128xf32, #tpu.memory_space<hbm>> -> memref<10000x128xf32, #tpu.memory_space<hbm>>
      tpu.enqueue_indirect_dma source(%dma_start3A_28 : memref<10000x128xf32, #tpu.memory_space<hbm>>) target(%arg10 : memref<80x128xf32, #tpu.memory_space<vmem>>) offsets(%arg7 : memref<80xi32, #tpu.memory_space<vmem>>) semaphore(%arg13 : memref<!tpu.dma_semaphore, #tpu.memory_space<semaphore_mem>>)
      %get3A = arith.constant 0 : index
      %get3A_29 = tpu.vector_load %arg8[%get3A] {strides = array<i32>} : memref<80xi32, #tpu.memory_space<vmem>>, vector<16xi32>,
      %get3A_30 = vector.shape_cast %get3A_29 : vector<16xi32> to vector<16xi32>
      %sub3A = vector.broadcast %mul3A_7 : i32 to vector<16xi32>
      %sub3A_31 = arith.subi %get3A_30, %sub3A : vector<16xi32>
      %ge3A = arith.constant 0 : i32
      %ge3A_32 = vector.broadcast %ge3A : i32 to vector<16xi32>
      %ge3A_33 = arith.cmpi sge, %sub3A_31, %ge3A_32 : vector<16xi32>
      %lt3A = arith.constant 5120 : i32
      %lt3A_34 = vector.broadcast %lt3A : i32 to vector<16xi32>
      %lt3A_35 = arith.cmpi slt, %sub3A_31, %lt3A_34 : vector<16xi32>
      %and3A = arith.andi %ge3A_33, %lt3A_35 : vector<16xi1>
      %jit3A = arith.constant 5120 : i32
      %broadcast_in_dim3A = vector.broadcast %jit3A : i32 to vector<16xi32>
      %select_n3A = arith.select %and3A, %sub3A_31, %broadcast_in_dim3A : vector<16xi1>, vector<16xi32>
      %swap3A = arith.constant 0 : index
      %swap3A_36 = tpu.vector_load %arg9[%swap3A] {strides = array<i32>} : memref<80xi32, #tpu.memory_space<vmem>>, vector<16xi32>,
      %swap3A_37 = vector.shape_cast %swap3A_36 : vector<16xi32> to vector<16xi32>
      %swap3A_38 = vector.shape_cast %select_n3A : vector<16xi32> to vector<16xi32>
      tpu.vector_store %arg9[%swap3A], %swap3A_38 {strides = array<i32>} : memref<80xi32, #tpu.memory_space<vmem>>, vector<16xi32>,
      %get3A_39 = arith.constant 16 : index
      %get3A_40 = tpu.vector_load %arg8[%get3A_39] {strides = array<i32>} : memref<80xi32, #tpu.memory_space<vmem>>, vector<16xi32>,
      %get3A_41 = vector.shape_cast %get3A_40 : vector<16xi32> to vector<16xi32>
      %sub3A_42 = vector.broadcast %mul3A_7 : i32 to vector<16xi32>
      %sub3A_43 = arith.subi %get3A_41, %sub3A_42 : vector<16xi32>
      %ge3A_44 = arith.constant 0 : i32
      %ge3A_45 = vector.broadcast %ge3A_44 : i32 to vector<16xi32>
      %ge3A_46 = arith.cmpi sge, %sub3A_43, %ge3A_45 : vector<16xi32>
      %lt3A_47 = arith.constant 5120 : i32
      %lt3A_48 = vector.broadcast %lt3A_47 : i32 to vector<16xi32>
      %lt3A_49 = arith.cmpi slt, %sub3A_43, %lt3A_48 : vector<16xi32>
      %and3A_50 = arith.andi %ge3A_46, %lt3A_49 : vector<16xi1>
      %jit3A_51 = arith.constant 5120 : i32
      %broadcast_in_dim3A_52 = vector.broadcast %jit3A_51 : i32 to vector<16xi32>
      %select_n3A_53 = arith.select %and3A_50, %sub3A_43, %broadcast_in_dim3A_52 : vector<16xi1>, vector<16xi32>
      %swap3A_54 = arith.constant 16 : index
      %swap3A_55 = tpu.vector_load %arg9[%swap3A_54] {strides = array<i32>} : memref<80xi32, #tpu.memory_space<vmem>>, vector<16xi32>,
      %swap3A_56 = vector.shape_cast %swap3A_55 : vector<16xi32> to vector<16xi32>
      %swap3A_57 = vector.shape_cast %select_n3A_53 : vector<16xi32> to vector<16xi32>
      tpu.vector_store %arg9[%swap3A_54], %swap3A_57 {strides = array<i32>} : memref<80xi32, #tpu.memory_space<vmem>>, vector<16xi32>,
      %get3A_58 = arith.constant 32 : index
      %get3A_59 = tpu.vector_load %arg8[%get3A_58] {strides = array<i32>} : memref<80xi32, #tpu.memory_space<vmem>>, vector<16xi32>,
      %get3A_60 = vector.shape_cast %get3A_59 : vector<16xi32> to vector<16xi32>
      %sub3A_61 = vector.broadcast %mul3A_7 : i32 to vector<16xi32>
      %sub3A_62 = arith.subi %get3A_60, %sub3A_61 : vector<16xi32>
      %ge3A_63 = arith.constant 0 : i32
      %ge3A_64 = vector.broadcast %ge3A_63 : i32 to vector<16xi32>
      %ge3A_65 = arith.cmpi sge, %sub3A_62, %ge3A_64 : vector<16xi32>
      %lt3A_66 = arith.constant 5120 : i32
      %lt3A_67 = vector.broadcast %lt3A_66 : i32 to vector<16xi32>
      %lt3A_68 = arith.cmpi slt, %sub3A_62, %lt3A_67 : vector<16xi32>
      %and3A_69 = arith.andi %ge3A_65, %lt3A_68 : vector<16xi1>
      %jit3A_70 = arith.constant 5120 : i32
      %broadcast_in_dim3A_71 = vector.broadcast %jit3A_70 : i32 to vector<16xi32>
      %select_n3A_72 = arith.select %and3A_69, %sub3A_62, %broadcast_in_dim3A_71 : vector<16xi1>, vector<16xi32>
      %swap3A_73 = arith.constant 32 : index
      %swap3A_74 = tpu.vector_load %arg9[%swap3A_73] {strides = array<i32>} : memref<80xi32, #tpu.memory_space<vmem>>, vector<16xi32>,
      %swap3A_75 = vector.shape_cast %swap3A_74 : vector<16xi32> to vector<16xi32>
      %swap3A_76 = vector.shape_cast %select_n3A_72 : vector<16xi32> to vector<16xi32>
      tpu.vector_store %arg9[%swap3A_73], %swap3A_76 {strides = array<i32>} : memref<80xi32, #tpu.memory_space<vmem>>, vector<16xi32>,
      %get3A_77 = arith.constant 48 : index
      %get3A_78 = tpu.vector_load %arg8[%get3A_77] {strides = array<i32>} : memref<80xi32, #tpu.memory_space<vmem>>, vector<16xi32>,
      %get3A_79 = vector.shape_cast %get3A_78 : vector<16xi32> to vector<16xi32>
      %sub3A_80 = vector.broadcast %mul3A_7 : i32 to vector<16xi32>
      %sub3A_81 = arith.subi %get3A_79, %sub3A_80 : vector<16xi32>
      %ge3A_82 = arith.constant 0 : i32
      %ge3A_83 = vector.broadcast %ge3A_82 : i32 to vector<16xi32>
      %ge3A_84 = arith.cmpi sge, %sub3A_81, %ge3A_83 : vector<16xi32>
      %lt3A_85 = arith.constant 5120 : i32
      %lt3A_86 = vector.broadcast %lt3A_85 : i32 to vector<16xi32>
      %lt3A_87 = arith.cmpi slt, %sub3A_81, %lt3A_86 : vector<16xi32>
      %and3A_88 = arith.andi %ge3A_84, %lt3A_87 : vector<16xi1>
      %jit3A_89 = arith.constant 5120 : i32
      %broadcast_in_dim3A_90 = vector.broadcast %jit3A_89 : i32 to vector<16xi32>
      %select_n3A_91 = arith.select %and3A_88, %sub3A_81, %broadcast_in_dim3A_90 : vector<16xi1>, vector<16xi32>
      %swap3A_92 = arith.constant 48 : index
      %swap3A_93 = tpu.vector_load %arg9[%swap3A_92] {strides = array<i32>} : memref<80xi32, #tpu.memory_space<vmem>>, vector<16xi32>,
      %swap3A_94 = vector.shape_cast %swap3A_93 : vector<16xi32> to vector<16xi32>
      %swap3A_95 = vector.shape_cast %select_n3A_91 : vector<16xi32> to vector<16xi32>
      tpu.vector_store %arg9[%swap3A_92], %swap3A_95 {strides = array<i32>} : memref<80xi32, #tpu.memory_space<vmem>>, vector<16xi32>,
      %get3A_96 = arith.constant 64 : index
      %get3A_97 = tpu.vector_load %arg8[%get3A_96] {strides = array<i32>} : memref<80xi32, #tpu.memory_space<vmem>>, vector<16xi32>,
      %get3A_98 = vector.shape_cast %get3A_97 : vector<16xi32> to vector<16xi32>
      %sub3A_99 = vector.broadcast %mul3A_7 : i32 to vector<16xi32>
      %sub3A_100 = arith.subi %get3A_98, %sub3A_99 : vector<16xi32>
      %ge3A_101 = arith.constant 0 : i32
      %ge3A_102 = vector.broadcast %ge3A_101 : i32 to vector<16xi32>
      %ge3A_103 = arith.cmpi sge, %sub3A_100, %ge3A_102 : vector<16xi32>
      %lt3A_104 = arith.constant 5120 : i32
      %lt3A_105 = vector.broadcast %lt3A_104 : i32 to vector<16xi32>
      %lt3A_106 = arith.cmpi slt, %sub3A_100, %lt3A_105 : vector<16xi32>
      %and3A_107 = arith.andi %ge3A_103, %lt3A_106 : vector<16xi1>
      %jit3A_108 = arith.constant 5120 : i32
      %broadcast_in_dim3A_109 = vector.broadcast %jit3A_108 : i32 to vector<16xi32>
      %select_n3A_110 = arith.select %and3A_107, %sub3A_100, %broadcast_in_dim3A_109 : vector<16xi1>, vector<16xi32>
      %swap3A_111 = arith.constant 64 : index
      %swap3A_112 = tpu.vector_load %arg9[%swap3A_111] {strides = array<i32>} : memref<80xi32, #tpu.memory_space<vmem>>, vector<16xi32>,
      %swap3A_113 = vector.shape_cast %swap3A_112 : vector<16xi32> to vector<16xi32>
      %swap3A_114 = vector.shape_cast %select_n3A_110 : vector<16xi32> to vector<16xi32>
      tpu.vector_store %arg9[%swap3A_111], %swap3A_114 {strides = array<i32>} : memref<80xi32, #tpu.memory_space<vmem>>, vector<16xi32>,
      %dma_wait3A = arith.constant 0 : i32
      %dma_wait3A_115 = arith.constant 0 : i32
      %dma_wait3A_116 = tpu.memref_slice %arg4[%dma_wait3A, %dma_wait3A_115] : memref<10000x128xf32, #tpu.memory_space<hbm>> -> memref<10000x128xf32, #tpu.memory_space<hbm>>
      tpu.wait_indirect_dma semaphore(%arg13 : memref<!tpu.dma_semaphore, #tpu.memory_space<semaphore_mem>>) src(%dma_wait3A_116 : memref<10000x128xf32, #tpu.memory_space<hbm>>) dst(%arg10 : memref<80x128xf32, #tpu.memory_space<vmem>>)
      "tpu.region"() ({
        %run_scoped3A = tpu.sem_alloc : memref<!tpu.dma_semaphore, #tpu.memory_space<semaphore_mem>>
        %dma_start3A_117 = arith.constant 0 : i32
        %dma_start3A_118 = arith.constant 0 : i32
        %dma_start3A_119 = tpu.memref_slice %arg12[%dma_start3A_117, %dma_start3A_118] : memref<5248x128xf32, #tpu.memory_space<vmem_shared>> -> memref<5248x128xf32, #tpu.memory_space<vmem_shared>>
        tpu.enqueue_indirect_dma source(%arg10 : memref<80x128xf32, #tpu.memory_space<vmem>>) target(%dma_start3A_119 : memref<5248x128xf32, #tpu.memory_space<vmem_shared>>) offsets(%arg9 : memref<80xi32, #tpu.memory_space<vmem>>) semaphore(%run_scoped3A : memref<!tpu.dma_semaphore, #tpu.memory_space<semaphore_mem>>) {add = true}
        %dma_wait3A_120 = arith.constant 0 : i32
        %dma_wait3A_121 = arith.constant 0 : i32
        %dma_wait3A_122 = tpu.memref_slice %arg12[%dma_wait3A_120, %dma_wait3A_121] : memref<5248x128xf32, #tpu.memory_space<vmem_shared>> -> memref<5248x128xf32, #tpu.memory_space<vmem_shared>>
        tpu.wait_indirect_dma semaphore(%run_scoped3A : memref<!tpu.dma_semaphore, #tpu.memory_space<semaphore_mem>>) src(%arg10 : memref<80x128xf32, #tpu.memory_space<vmem>>) dst(%dma_wait3A_122 : memref<5248x128xf32, #tpu.memory_space<vmem_shared>>)
        tpu.yield
      }) : () -> ()
    }
    %scan3A_13 = arith.constant 250 : i32
    %barrier3A_14 = arith.constant 0 : index
    tpu.barrier barrier_id(%barrier3A_14)
    %eq3A = arith.constant 0 : i32
    %eq3A_15 = arith.cmpi eq, %arg0, %eq3A : i32
    %convert_element_type3A = arith.extui %eq3A_15 : i1 to i32
    %cond3A = arith.constant 0 : i32
    %cond3A_16 = arith.cmpi ne, %convert_element_type3A, %cond3A : i32
    scf.if %cond3A_16 {
      %mul3A_22 = arith.constant 328 : i32
      %mul3A_23 = arith.muli %arg1, %mul3A_22 : i32
      %mul3A_24 = arith.constant 328 : i32
      %mul3A_25 = arith.muli %arg1, %mul3A_24 : i32
      "tpu.region"() ({
        %run_scoped3A = tpu.sem_alloc : memref<!tpu.dma_semaphore, #tpu.memory_space<semaphore_mem>>
        %dma_start3A = arith.constant 0 : i32
        %dma_start3A_26 = tpu.memref_slice %arg5[%mul3A_25, %dma_start3A] : memref<5248x128xf32, #tpu.memory_space<hbm>> -> memref<328x128xf32, #tpu.memory_space<hbm>>
        %dma_start3A_27 = arith.constant 0 : i32
        %dma_start3A_28 = tpu.memref_slice %arg12[%mul3A_23, %dma_start3A_27] : memref<5248x128xf32, #tpu.memory_space<vmem_shared>> -> memref<328x128xf32, #tpu.memory_space<vmem_shared>>
        tpu.enqueue_dma source(%dma_start3A_28 : memref<328x128xf32, #tpu.memory_space<vmem_shared>>) target(%dma_start3A_26 : memref<328x128xf32, #tpu.memory_space<hbm>>) target_semaphore(%run_scoped3A : memref<!tpu.dma_semaphore, #tpu.memory_space<semaphore_mem>>)
        %dma_wait3A = arith.constant 0 : i32
        %dma_wait3A_29 = tpu.memref_slice %arg5[%mul3A_25, %dma_wait3A] : memref<5248x128xf32, #tpu.memory_space<hbm>> -> memref<328x128xf32, #tpu.memory_space<hbm>>
        %dma_wait3A_30 = arith.constant 0 : i32
        %dma_wait3A_31 = tpu.memref_slice %arg12[%mul3A_23, %dma_wait3A_30] : memref<5248x128xf32, #tpu.memory_space<vmem_shared>> -> memref<328x128xf32, #tpu.memory_space<vmem_shared>>
        tpu.wait_dma2 semaphore(%run_scoped3A : memref<!tpu.dma_semaphore, #tpu.memory_space<semaphore_mem>>) src(%dma_wait3A_31 : memref<328x128xf32, #tpu.memory_space<vmem_shared>>) dst(%dma_wait3A_29 : memref<328x128xf32, #tpu.memory_space<hbm>>)
        tpu.yield
      }) : () -> ()
    } else {
    }
    %eq3A_17 = arith.constant 1 : i32
    %eq3A_18 = arith.cmpi eq, %arg0, %eq3A_17 : i32
    %convert_element_type3A_19 = arith.extui %eq3A_18 : i1 to i32
    %cond3A_20 = arith.constant 0 : i32
    %cond3A_21 = arith.cmpi ne, %convert_element_type3A_19, %cond3A_20 : i32
    scf.if %cond3A_21 {
      %mul3A_22 = arith.constant 328 : i32
      %mul3A_23 = arith.muli %arg1, %mul3A_22 : i32
      %mul3A_24 = arith.constant 328 : i32
      %mul3A_25 = arith.muli %arg1, %mul3A_24 : i32
      "tpu.region"() ({
        %run_scoped3A = tpu.sem_alloc : memref<!tpu.dma_semaphore, #tpu.memory_space<semaphore_mem>>
        %dma_start3A = arith.constant 0 : i32
        %dma_start3A_26 = tpu.memref_slice %arg6[%mul3A_25, %dma_start3A] : memref<5248x128xf32, #tpu.memory_space<hbm>> -> memref<328x128xf32, #tpu.memory_space<hbm>>
        %dma_start3A_27 = arith.constant 0 : i32
        %dma_start3A_28 = tpu.memref_slice %arg12[%mul3A_23, %dma_start3A_27] : memref<5248x128xf32, #tpu.memory_space<vmem_shared>> -> memref<328x128xf32, #tpu.memory_space<vmem_shared>>
        tpu.enqueue_dma source(%dma_start3A_28 : memref<328x128xf32, #tpu.memory_space<vmem_shared>>) target(%dma_start3A_26 : memref<328x128xf32, #tpu.memory_space<hbm>>) target_semaphore(%run_scoped3A : memref<!tpu.dma_semaphore, #tpu.memory_space<semaphore_mem>>)
        %dma_wait3A = arith.constant 0 : i32
        %dma_wait3A_29 = tpu.memref_slice %arg6[%mul3A_25, %dma_wait3A] : memref<5248x128xf32, #tpu.memory_space<hbm>> -> memref<328x128xf32, #tpu.memory_space<hbm>>
        %dma_wait3A_30 = arith.constant 0 : i32
        %dma_wait3A_31 = tpu.memref_slice %arg12[%mul3A_23, %dma_wait3A_30] : memref<5248x128xf32, #tpu.memory_space<vmem_shared>> -> memref<328x128xf32, #tpu.memory_space<vmem_shared>>
        tpu.wait_dma2 semaphore(%run_scoped3A : memref<!tpu.dma_semaphore, #tpu.memory_space<semaphore_mem>>) src(%dma_wait3A_31 : memref<328x128xf32, #tpu.memory_space<vmem_shared>>) dst(%dma_wait3A_29 : memref<328x128xf32, #tpu.memory_space<hbm>>)
        tpu.yield
      }) : () -> ()
    } else {
    }
    return
  }
}

#map = affine_map<(d0, d1) -> (0)>
#map1 = affine_map<(d0, d1) -> (0, 0)>
module attributes {stable_mosaic.version = 14 : i64} {
  func.func @_rm_body(%arg0: i32, %arg1: i32, %arg2: memref<320000xi32, #tpu.memory_space<hbm>>, %arg3: memref<320000xi32, #tpu.memory_space<hbm>>, %arg4: memref<10240x256xf32, #tpu.memory_space<hbm>>, %arg5: memref<10240x128xf32, #tpu.memory_space<hbm>>, %arg6: memref<5248x128xf32, #tpu.memory_space<hbm>>, %arg7: memref<5248x128xf32, #tpu.memory_space<hbm>>, %arg8: memref<80xi32, #tpu.memory_space<vmem>>, %arg9: memref<80xi32, #tpu.memory_space<vmem>>, %arg10: memref<80xi32, #tpu.memory_space<vmem>>, %arg11: memref<80x256xf32, #tpu.memory_space<vmem>>, %arg12: memref<80x128xf32, #tpu.memory_space<vmem>>, %arg13: memref<80x128xf32, #tpu.memory_space<vmem>>, %arg14: memref<328x128xf32, #tpu.memory_space<vmem>>, %arg15: memref<5248x128xf32, #tpu.memory_space<vmem_shared>>, %arg16: memref<!tpu.dma_semaphore, #tpu.memory_space<semaphore_mem>>) attributes {dimension_semantics = [#tpu.dimension_semantics<core_parallel>, #tpu.dimension_semantics<subcore_parallel>], iteration_bounds = array<i64: 2, 16>, scalar_prefetch = 0 : i64, scratch_operands = 9 : i64, tpu.core_type = #tpu.core_type<sc_vector_subcore>, window_params = [{transform_indices = #map}, {transform_indices = #map}, {transform_indices = #map1}, {transform_indices = #map1}, {transform_indices = #map1}, {transform_indices = #map1}]} {
    %scan3A = arith.constant 0 : i32
    %scan3A_0 = arith.constant 0 : i32
    %scan3A_1 = arith.constant 328 : i32
    %scan3A_2 = arith.addi %scan3A_0, %scan3A_1 : i32
    %scan3A_3 = arith.constant 1 : i32
    scf.for %scan3A_22 = %scan3A_0 to %scan3A_2 step %scan3A_3  : i32 {
      %broadcast_in_dim3A = arith.constant 0.000000e+00 : f32
      %broadcast_in_dim3A_23 = vector.broadcast %broadcast_in_dim3A : f32 to vector<16xf32>
      %swap3A = arith.index_cast %scan3A_22 : i32 to index
      %swap3A_24 = arith.constant 0 : index
      %swap3A_25 = tpu.vector_load %arg14[%swap3A, %swap3A_24] {strides = array<i32>} : memref<328x128xf32, #tpu.memory_space<vmem>>, vector<1x16xf32>,
      %swap3A_26 = vector.shape_cast %swap3A_25 : vector<1x16xf32> to vector<16xf32>
      %swap3A_27 = vector.shape_cast %broadcast_in_dim3A_23 : vector<16xf32> to vector<1x16xf32>
      tpu.vector_store %arg14[%swap3A, %swap3A_24], %swap3A_27 {strides = array<i32>} : memref<328x128xf32, #tpu.memory_space<vmem>>, vector<1x16xf32>,
      %swap3A_28 = arith.index_cast %scan3A_22 : i32 to index
      %swap3A_29 = arith.constant 16 : index
      %swap3A_30 = tpu.vector_load %arg14[%swap3A_28, %swap3A_29] {strides = array<i32>} : memref<328x128xf32, #tpu.memory_space<vmem>>, vector<1x16xf32>,
      %swap3A_31 = vector.shape_cast %swap3A_30 : vector<1x16xf32> to vector<16xf32>
      %swap3A_32 = vector.shape_cast %broadcast_in_dim3A_23 : vector<16xf32> to vector<1x16xf32>
      tpu.vector_store %arg14[%swap3A_28, %swap3A_29], %swap3A_32 {strides = array<i32>} : memref<328x128xf32, #tpu.memory_space<vmem>>, vector<1x16xf32>,
      %swap3A_33 = arith.index_cast %scan3A_22 : i32 to index
      %swap3A_34 = arith.constant 32 : index
      %swap3A_35 = tpu.vector_load %arg14[%swap3A_33, %swap3A_34] {strides = array<i32>} : memref<328x128xf32, #tpu.memory_space<vmem>>, vector<1x16xf32>,
      %swap3A_36 = vector.shape_cast %swap3A_35 : vector<1x16xf32> to vector<16xf32>
      %swap3A_37 = vector.shape_cast %broadcast_in_dim3A_23 : vector<16xf32> to vector<1x16xf32>
      tpu.vector_store %arg14[%swap3A_33, %swap3A_34], %swap3A_37 {strides = array<i32>} : memref<328x128xf32, #tpu.memory_space<vmem>>, vector<1x16xf32>,
      %swap3A_38 = arith.index_cast %scan3A_22 : i32 to index
      %swap3A_39 = arith.constant 48 : index
      %swap3A_40 = tpu.vector_load %arg14[%swap3A_38, %swap3A_39] {strides = array<i32>} : memref<328x128xf32, #tpu.memory_space<vmem>>, vector<1x16xf32>,
      %swap3A_41 = vector.shape_cast %swap3A_40 : vector<1x16xf32> to vector<16xf32>
      %swap3A_42 = vector.shape_cast %broadcast_in_dim3A_23 : vector<16xf32> to vector<1x16xf32>
      tpu.vector_store %arg14[%swap3A_38, %swap3A_39], %swap3A_42 {strides = array<i32>} : memref<328x128xf32, #tpu.memory_space<vmem>>, vector<1x16xf32>,
      %swap3A_43 = arith.index_cast %scan3A_22 : i32 to index
      %swap3A_44 = arith.constant 64 : index
      %swap3A_45 = tpu.vector_load %arg14[%swap3A_43, %swap3A_44] {strides = array<i32>} : memref<328x128xf32, #tpu.memory_space<vmem>>, vector<1x16xf32>,
      %swap3A_46 = vector.shape_cast %swap3A_45 : vector<1x16xf32> to vector<16xf32>
      %swap3A_47 = vector.shape_cast %broadcast_in_dim3A_23 : vector<16xf32> to vector<1x16xf32>
      tpu.vector_store %arg14[%swap3A_43, %swap3A_44], %swap3A_47 {strides = array<i32>} : memref<328x128xf32, #tpu.memory_space<vmem>>, vector<1x16xf32>,
      %swap3A_48 = arith.index_cast %scan3A_22 : i32 to index
      %swap3A_49 = arith.constant 80 : index
      %swap3A_50 = tpu.vector_load %arg14[%swap3A_48, %swap3A_49] {strides = array<i32>} : memref<328x128xf32, #tpu.memory_space<vmem>>, vector<1x16xf32>,
      %swap3A_51 = vector.shape_cast %swap3A_50 : vector<1x16xf32> to vector<16xf32>
      %swap3A_52 = vector.shape_cast %broadcast_in_dim3A_23 : vector<16xf32> to vector<1x16xf32>
      tpu.vector_store %arg14[%swap3A_48, %swap3A_49], %swap3A_52 {strides = array<i32>} : memref<328x128xf32, #tpu.memory_space<vmem>>, vector<1x16xf32>,
      %swap3A_53 = arith.index_cast %scan3A_22 : i32 to index
      %swap3A_54 = arith.constant 96 : index
      %swap3A_55 = tpu.vector_load %arg14[%swap3A_53, %swap3A_54] {strides = array<i32>} : memref<328x128xf32, #tpu.memory_space<vmem>>, vector<1x16xf32>,
      %swap3A_56 = vector.shape_cast %swap3A_55 : vector<1x16xf32> to vector<16xf32>
      %swap3A_57 = vector.shape_cast %broadcast_in_dim3A_23 : vector<16xf32> to vector<1x16xf32>
      tpu.vector_store %arg14[%swap3A_53, %swap3A_54], %swap3A_57 {strides = array<i32>} : memref<328x128xf32, #tpu.memory_space<vmem>>, vector<1x16xf32>,
      %swap3A_58 = arith.index_cast %scan3A_22 : i32 to index
      %swap3A_59 = arith.constant 112 : index
      %swap3A_60 = tpu.vector_load %arg14[%swap3A_58, %swap3A_59] {strides = array<i32>} : memref<328x128xf32, #tpu.memory_space<vmem>>, vector<1x16xf32>,
      %swap3A_61 = vector.shape_cast %swap3A_60 : vector<1x16xf32> to vector<16xf32>
      %swap3A_62 = vector.shape_cast %broadcast_in_dim3A_23 : vector<16xf32> to vector<1x16xf32>
      tpu.vector_store %arg14[%swap3A_58, %swap3A_59], %swap3A_62 {strides = array<i32>} : memref<328x128xf32, #tpu.memory_space<vmem>>, vector<1x16xf32>,
    }
    %scan3A_4 = arith.constant 328 : i32
    %mul3A = arith.constant 328 : i32
    %mul3A_5 = arith.muli %arg1, %mul3A : i32
    "tpu.region"() ({
      %run_scoped3A = tpu.sem_alloc : memref<!tpu.dma_semaphore, #tpu.memory_space<semaphore_mem>>
      %dma_start3A = arith.constant 0 : i32
      %dma_start3A_22 = tpu.memref_slice %arg15[%mul3A_5, %dma_start3A] : memref<5248x128xf32, #tpu.memory_space<vmem_shared>> -> memref<328x128xf32, #tpu.memory_space<vmem_shared>>
      %dma_start3A_23 = arith.constant 0 : i32
      %dma_start3A_24 = tpu.memref_slice %arg15[%mul3A_5, %dma_start3A_23] : memref<5248x128xf32, #tpu.memory_space<vmem_shared>> -> memref<328x128xf32, #tpu.memory_space<vmem_shared>>
      tpu.enqueue_dma source(%arg14 : memref<328x128xf32, #tpu.memory_space<vmem>>) target(%dma_start3A_24 : memref<328x128xf32, #tpu.memory_space<vmem_shared>>) target_semaphore(%run_scoped3A : memref<!tpu.dma_semaphore, #tpu.memory_space<semaphore_mem>>)
      %dma_wait3A = arith.constant 0 : i32
      %dma_wait3A_25 = tpu.memref_slice %arg15[%mul3A_5, %dma_wait3A] : memref<5248x128xf32, #tpu.memory_space<vmem_shared>> -> memref<328x128xf32, #tpu.memory_space<vmem_shared>>
      %dma_wait3A_26 = arith.constant 0 : i32
      %dma_wait3A_27 = tpu.memref_slice %arg15[%mul3A_5, %dma_wait3A_26] : memref<5248x128xf32, #tpu.memory_space<vmem_shared>> -> memref<328x128xf32, #tpu.memory_space<vmem_shared>>
      tpu.wait_dma2 semaphore(%run_scoped3A : memref<!tpu.dma_semaphore, #tpu.memory_space<semaphore_mem>>) src(%arg14 : memref<328x128xf32, #tpu.memory_space<vmem>>) dst(%dma_wait3A_27 : memref<328x128xf32, #tpu.memory_space<vmem_shared>>)
      tpu.yield
    }) : () -> ()
    %barrier3A = arith.constant 0 : index
    tpu.barrier barrier_id(%barrier3A)
    %mul3A_6 = arith.constant 5120 : i32
    %mul3A_7 = arith.muli %arg0, %mul3A_6 : i32
    %scan3A_8 = arith.constant 0 : i32
    %scan3A_9 = arith.constant 0 : i32
    %scan3A_10 = arith.constant 250 : i32
    %scan3A_11 = arith.addi %scan3A_9, %scan3A_10 : i32
    %scan3A_12 = arith.constant 1 : i32
    scf.for %scan3A_22 = %scan3A_9 to %scan3A_11 step %scan3A_12  : i32 {
      %mul3A_23 = arith.constant 20000 : i32
      %mul3A_24 = arith.muli %arg1, %mul3A_23 : i32
      %mul3A_25 = arith.constant 80 : i32
      %mul3A_26 = arith.muli %scan3A_22, %mul3A_25 : i32
      %add3A = arith.addi %mul3A_24, %mul3A_26 : i32
      %multiple_of3A = tpu.assume_multiple %add3A, 8 : i32
      "tpu.region"() ({
        %run_scoped3A = tpu.sem_alloc : memref<!tpu.dma_semaphore, #tpu.memory_space<semaphore_mem>>
        %dma_start3A_129 = tpu.memref_slice %arg2[%multiple_of3A] : memref<320000xi32, #tpu.memory_space<hbm>> -> memref<80xi32, #tpu.memory_space<hbm>>
        %dma_start3A_130 = tpu.memref_slice %arg2[%multiple_of3A] : memref<320000xi32, #tpu.memory_space<hbm>> -> memref<80xi32, #tpu.memory_space<hbm>>
        tpu.enqueue_dma source(%dma_start3A_130 : memref<80xi32, #tpu.memory_space<hbm>>) target(%arg8 : memref<80xi32, #tpu.memory_space<vmem>>) target_semaphore(%run_scoped3A : memref<!tpu.dma_semaphore, #tpu.memory_space<semaphore_mem>>)
        %dma_wait3A_131 = tpu.memref_slice %arg2[%multiple_of3A] : memref<320000xi32, #tpu.memory_space<hbm>> -> memref<80xi32, #tpu.memory_space<hbm>>
        %dma_wait3A_132 = tpu.memref_slice %arg2[%multiple_of3A] : memref<320000xi32, #tpu.memory_space<hbm>> -> memref<80xi32, #tpu.memory_space<hbm>>
        tpu.wait_dma2 semaphore(%run_scoped3A : memref<!tpu.dma_semaphore, #tpu.memory_space<semaphore_mem>>) src(%dma_wait3A_132 : memref<80xi32, #tpu.memory_space<hbm>>) dst(%arg8 : memref<80xi32, #tpu.memory_space<vmem>>)
        tpu.yield
      }) : () -> ()
      "tpu.region"() ({
        %run_scoped3A = tpu.sem_alloc : memref<!tpu.dma_semaphore, #tpu.memory_space<semaphore_mem>>
        %dma_start3A_129 = tpu.memref_slice %arg3[%multiple_of3A] : memref<320000xi32, #tpu.memory_space<hbm>> -> memref<80xi32, #tpu.memory_space<hbm>>
        %dma_start3A_130 = tpu.memref_slice %arg3[%multiple_of3A] : memref<320000xi32, #tpu.memory_space<hbm>> -> memref<80xi32, #tpu.memory_space<hbm>>
        tpu.enqueue_dma source(%dma_start3A_130 : memref<80xi32, #tpu.memory_space<hbm>>) target(%arg9 : memref<80xi32, #tpu.memory_space<vmem>>) target_semaphore(%run_scoped3A : memref<!tpu.dma_semaphore, #tpu.memory_space<semaphore_mem>>)
        %dma_wait3A_131 = tpu.memref_slice %arg3[%multiple_of3A] : memref<320000xi32, #tpu.memory_space<hbm>> -> memref<80xi32, #tpu.memory_space<hbm>>
        %dma_wait3A_132 = tpu.memref_slice %arg3[%multiple_of3A] : memref<320000xi32, #tpu.memory_space<hbm>> -> memref<80xi32, #tpu.memory_space<hbm>>
        tpu.wait_dma2 semaphore(%run_scoped3A : memref<!tpu.dma_semaphore, #tpu.memory_space<semaphore_mem>>) src(%dma_wait3A_132 : memref<80xi32, #tpu.memory_space<hbm>>) dst(%arg9 : memref<80xi32, #tpu.memory_space<vmem>>)
        tpu.yield
      }) : () -> ()
      %dma_start3A = arith.constant 0 : i32
      %dma_start3A_27 = arith.constant 0 : i32
      %dma_start3A_28 = tpu.memref_slice %arg4[%dma_start3A, %dma_start3A_27] : memref<10240x256xf32, #tpu.memory_space<hbm>> -> memref<10240x256xf32, #tpu.memory_space<hbm>>
      tpu.enqueue_indirect_dma source(%dma_start3A_28 : memref<10240x256xf32, #tpu.memory_space<hbm>>) target(%arg11 : memref<80x256xf32, #tpu.memory_space<vmem>>) offsets(%arg8 : memref<80xi32, #tpu.memory_space<vmem>>) semaphore(%arg16 : memref<!tpu.dma_semaphore, #tpu.memory_space<semaphore_mem>>)
      %dma_start3A_29 = arith.constant 0 : i32
      %dma_start3A_30 = arith.constant 0 : i32
      %dma_start3A_31 = tpu.memref_slice %arg5[%dma_start3A_29, %dma_start3A_30] : memref<10240x128xf32, #tpu.memory_space<hbm>> -> memref<10240x128xf32, #tpu.memory_space<hbm>>
      tpu.enqueue_indirect_dma source(%dma_start3A_31 : memref<10240x128xf32, #tpu.memory_space<hbm>>) target(%arg12 : memref<80x128xf32, #tpu.memory_space<vmem>>) offsets(%arg9 : memref<80xi32, #tpu.memory_space<vmem>>) semaphore(%arg16 : memref<!tpu.dma_semaphore, #tpu.memory_space<semaphore_mem>>)
      %get3A = arith.constant 0 : index
      %get3A_32 = tpu.vector_load %arg9[%get3A] {strides = array<i32>} : memref<80xi32, #tpu.memory_space<vmem>>, vector<16xi32>,
      %get3A_33 = vector.shape_cast %get3A_32 : vector<16xi32> to vector<16xi32>
      %sub3A = vector.broadcast %mul3A_7 : i32 to vector<16xi32>
      %sub3A_34 = arith.subi %get3A_33, %sub3A : vector<16xi32>
      %ge3A = arith.constant 0 : i32
      %ge3A_35 = vector.broadcast %ge3A : i32 to vector<16xi32>
      %ge3A_36 = arith.cmpi sge, %sub3A_34, %ge3A_35 : vector<16xi32>
      %lt3A = arith.constant 5120 : i32
      %lt3A_37 = vector.broadcast %lt3A : i32 to vector<16xi32>
      %lt3A_38 = arith.cmpi slt, %sub3A_34, %lt3A_37 : vector<16xi32>
      %and3A = arith.andi %ge3A_36, %lt3A_38 : vector<16xi1>
      %jit3A = arith.constant 5120 : i32
      %broadcast_in_dim3A = vector.broadcast %jit3A : i32 to vector<16xi32>
      %select_n3A = arith.select %and3A, %sub3A_34, %broadcast_in_dim3A : vector<16xi1>, vector<16xi32>
      %swap3A = arith.constant 0 : index
      %swap3A_39 = tpu.vector_load %arg10[%swap3A] {strides = array<i32>} : memref<80xi32, #tpu.memory_space<vmem>>, vector<16xi32>,
      %swap3A_40 = vector.shape_cast %swap3A_39 : vector<16xi32> to vector<16xi32>
      %swap3A_41 = vector.shape_cast %select_n3A : vector<16xi32> to vector<16xi32>
      tpu.vector_store %arg10[%swap3A], %swap3A_41 {strides = array<i32>} : memref<80xi32, #tpu.memory_space<vmem>>, vector<16xi32>,
      %get3A_42 = arith.constant 16 : index
      %get3A_43 = tpu.vector_load %arg9[%get3A_42] {strides = array<i32>} : memref<80xi32, #tpu.memory_space<vmem>>, vector<16xi32>,
      %get3A_44 = vector.shape_cast %get3A_43 : vector<16xi32> to vector<16xi32>
      %sub3A_45 = vector.broadcast %mul3A_7 : i32 to vector<16xi32>
      %sub3A_46 = arith.subi %get3A_44, %sub3A_45 : vector<16xi32>
      %ge3A_47 = arith.constant 0 : i32
      %ge3A_48 = vector.broadcast %ge3A_47 : i32 to vector<16xi32>
      %ge3A_49 = arith.cmpi sge, %sub3A_46, %ge3A_48 : vector<16xi32>
      %lt3A_50 = arith.constant 5120 : i32
      %lt3A_51 = vector.broadcast %lt3A_50 : i32 to vector<16xi32>
      %lt3A_52 = arith.cmpi slt, %sub3A_46, %lt3A_51 : vector<16xi32>
      %and3A_53 = arith.andi %ge3A_49, %lt3A_52 : vector<16xi1>
      %jit3A_54 = arith.constant 5120 : i32
      %broadcast_in_dim3A_55 = vector.broadcast %jit3A_54 : i32 to vector<16xi32>
      %select_n3A_56 = arith.select %and3A_53, %sub3A_46, %broadcast_in_dim3A_55 : vector<16xi1>, vector<16xi32>
      %swap3A_57 = arith.constant 16 : index
      %swap3A_58 = tpu.vector_load %arg10[%swap3A_57] {strides = array<i32>} : memref<80xi32, #tpu.memory_space<vmem>>, vector<16xi32>,
      %swap3A_59 = vector.shape_cast %swap3A_58 : vector<16xi32> to vector<16xi32>
      %swap3A_60 = vector.shape_cast %select_n3A_56 : vector<16xi32> to vector<16xi32>
      tpu.vector_store %arg10[%swap3A_57], %swap3A_60 {strides = array<i32>} : memref<80xi32, #tpu.memory_space<vmem>>, vector<16xi32>,
      %get3A_61 = arith.constant 32 : index
      %get3A_62 = tpu.vector_load %arg9[%get3A_61] {strides = array<i32>} : memref<80xi32, #tpu.memory_space<vmem>>, vector<16xi32>,
      %get3A_63 = vector.shape_cast %get3A_62 : vector<16xi32> to vector<16xi32>
      %sub3A_64 = vector.broadcast %mul3A_7 : i32 to vector<16xi32>
      %sub3A_65 = arith.subi %get3A_63, %sub3A_64 : vector<16xi32>
      %ge3A_66 = arith.constant 0 : i32
      %ge3A_67 = vector.broadcast %ge3A_66 : i32 to vector<16xi32>
      %ge3A_68 = arith.cmpi sge, %sub3A_65, %ge3A_67 : vector<16xi32>
      %lt3A_69 = arith.constant 5120 : i32
      %lt3A_70 = vector.broadcast %lt3A_69 : i32 to vector<16xi32>
      %lt3A_71 = arith.cmpi slt, %sub3A_65, %lt3A_70 : vector<16xi32>
      %and3A_72 = arith.andi %ge3A_68, %lt3A_71 : vector<16xi1>
      %jit3A_73 = arith.constant 5120 : i32
      %broadcast_in_dim3A_74 = vector.broadcast %jit3A_73 : i32 to vector<16xi32>
      %select_n3A_75 = arith.select %and3A_72, %sub3A_65, %broadcast_in_dim3A_74 : vector<16xi1>, vector<16xi32>
      %swap3A_76 = arith.constant 32 : index
      %swap3A_77 = tpu.vector_load %arg10[%swap3A_76] {strides = array<i32>} : memref<80xi32, #tpu.memory_space<vmem>>, vector<16xi32>,
      %swap3A_78 = vector.shape_cast %swap3A_77 : vector<16xi32> to vector<16xi32>
      %swap3A_79 = vector.shape_cast %select_n3A_75 : vector<16xi32> to vector<16xi32>
      tpu.vector_store %arg10[%swap3A_76], %swap3A_79 {strides = array<i32>} : memref<80xi32, #tpu.memory_space<vmem>>, vector<16xi32>,
      %get3A_80 = arith.constant 48 : index
      %get3A_81 = tpu.vector_load %arg9[%get3A_80] {strides = array<i32>} : memref<80xi32, #tpu.memory_space<vmem>>, vector<16xi32>,
      %get3A_82 = vector.shape_cast %get3A_81 : vector<16xi32> to vector<16xi32>
      %sub3A_83 = vector.broadcast %mul3A_7 : i32 to vector<16xi32>
      %sub3A_84 = arith.subi %get3A_82, %sub3A_83 : vector<16xi32>
      %ge3A_85 = arith.constant 0 : i32
      %ge3A_86 = vector.broadcast %ge3A_85 : i32 to vector<16xi32>
      %ge3A_87 = arith.cmpi sge, %sub3A_84, %ge3A_86 : vector<16xi32>
      %lt3A_88 = arith.constant 5120 : i32
      %lt3A_89 = vector.broadcast %lt3A_88 : i32 to vector<16xi32>
      %lt3A_90 = arith.cmpi slt, %sub3A_84, %lt3A_89 : vector<16xi32>
      %and3A_91 = arith.andi %ge3A_87, %lt3A_90 : vector<16xi1>
      %jit3A_92 = arith.constant 5120 : i32
      %broadcast_in_dim3A_93 = vector.broadcast %jit3A_92 : i32 to vector<16xi32>
      %select_n3A_94 = arith.select %and3A_91, %sub3A_84, %broadcast_in_dim3A_93 : vector<16xi1>, vector<16xi32>
      %swap3A_95 = arith.constant 48 : index
      %swap3A_96 = tpu.vector_load %arg10[%swap3A_95] {strides = array<i32>} : memref<80xi32, #tpu.memory_space<vmem>>, vector<16xi32>,
      %swap3A_97 = vector.shape_cast %swap3A_96 : vector<16xi32> to vector<16xi32>
      %swap3A_98 = vector.shape_cast %select_n3A_94 : vector<16xi32> to vector<16xi32>
      tpu.vector_store %arg10[%swap3A_95], %swap3A_98 {strides = array<i32>} : memref<80xi32, #tpu.memory_space<vmem>>, vector<16xi32>,
      %get3A_99 = arith.constant 64 : index
      %get3A_100 = tpu.vector_load %arg9[%get3A_99] {strides = array<i32>} : memref<80xi32, #tpu.memory_space<vmem>>, vector<16xi32>,
      %get3A_101 = vector.shape_cast %get3A_100 : vector<16xi32> to vector<16xi32>
      %sub3A_102 = vector.broadcast %mul3A_7 : i32 to vector<16xi32>
      %sub3A_103 = arith.subi %get3A_101, %sub3A_102 : vector<16xi32>
      %ge3A_104 = arith.constant 0 : i32
      %ge3A_105 = vector.broadcast %ge3A_104 : i32 to vector<16xi32>
      %ge3A_106 = arith.cmpi sge, %sub3A_103, %ge3A_105 : vector<16xi32>
      %lt3A_107 = arith.constant 5120 : i32
      %lt3A_108 = vector.broadcast %lt3A_107 : i32 to vector<16xi32>
      %lt3A_109 = arith.cmpi slt, %sub3A_103, %lt3A_108 : vector<16xi32>
      %and3A_110 = arith.andi %ge3A_106, %lt3A_109 : vector<16xi1>
      %jit3A_111 = arith.constant 5120 : i32
      %broadcast_in_dim3A_112 = vector.broadcast %jit3A_111 : i32 to vector<16xi32>
      %select_n3A_113 = arith.select %and3A_110, %sub3A_103, %broadcast_in_dim3A_112 : vector<16xi1>, vector<16xi32>
      %swap3A_114 = arith.constant 64 : index
      %swap3A_115 = tpu.vector_load %arg10[%swap3A_114] {strides = array<i32>} : memref<80xi32, #tpu.memory_space<vmem>>, vector<16xi32>,
      %swap3A_116 = vector.shape_cast %swap3A_115 : vector<16xi32> to vector<16xi32>
      %swap3A_117 = vector.shape_cast %select_n3A_113 : vector<16xi32> to vector<16xi32>
      tpu.vector_store %arg10[%swap3A_114], %swap3A_117 {strides = array<i32>} : memref<80xi32, #tpu.memory_space<vmem>>, vector<16xi32>,
      %dma_wait3A = arith.constant 0 : i32
      %dma_wait3A_118 = arith.constant 0 : i32
      %dma_wait3A_119 = tpu.memref_slice %arg4[%dma_wait3A, %dma_wait3A_118] : memref<10240x256xf32, #tpu.memory_space<hbm>> -> memref<10240x256xf32, #tpu.memory_space<hbm>>
      tpu.wait_indirect_dma semaphore(%arg16 : memref<!tpu.dma_semaphore, #tpu.memory_space<semaphore_mem>>) src(%dma_wait3A_119 : memref<10240x256xf32, #tpu.memory_space<hbm>>) dst(%arg11 : memref<80x256xf32, #tpu.memory_space<vmem>>)
      %dma_wait3A_120 = arith.constant 0 : i32
      %dma_wait3A_121 = arith.constant 0 : i32
      %dma_wait3A_122 = tpu.memref_slice %arg5[%dma_wait3A_120, %dma_wait3A_121] : memref<10240x128xf32, #tpu.memory_space<hbm>> -> memref<10240x128xf32, #tpu.memory_space<hbm>>
      tpu.wait_indirect_dma semaphore(%arg16 : memref<!tpu.dma_semaphore, #tpu.memory_space<semaphore_mem>>) src(%dma_wait3A_122 : memref<10240x128xf32, #tpu.memory_space<hbm>>) dst(%arg12 : memref<80x128xf32, #tpu.memory_space<vmem>>)
      %scan3A_123 = arith.constant 0 : i32
      %scan3A_124 = arith.constant 0 : i32
      %scan3A_125 = arith.constant 80 : i32
      %scan3A_126 = arith.addi %scan3A_124, %scan3A_125 : i32
      %scan3A_127 = arith.constant 1 : i32
      scf.for %scan3A_129 = %scan3A_124 to %scan3A_126 step %scan3A_127  : i32 {
        %get3A_130 = arith.index_cast %scan3A_129 : i32 to index
        %get3A_131 = arith.constant 0 : index
        %get3A_132 = tpu.vector_load %arg11[%get3A_130, %get3A_131] {strides = array<i32>} : memref<80x256xf32, #tpu.memory_space<vmem>>, vector<1x16xf32>,
        %get3A_133 = vector.shape_cast %get3A_132 : vector<1x16xf32> to vector<16xf32>
        %get3A_134 = arith.index_cast %scan3A_129 : i32 to index
        %get3A_135 = arith.constant 128 : index
        %get3A_136 = tpu.vector_load %arg11[%get3A_134, %get3A_135] {strides = array<i32>} : memref<80x256xf32, #tpu.memory_space<vmem>>, vector<1x16xf32>,
        %get3A_137 = vector.shape_cast %get3A_136 : vector<1x16xf32> to vector<16xf32>
        %get3A_138 = arith.index_cast %scan3A_129 : i32 to index
        %get3A_139 = arith.constant 0 : index
        %get3A_140 = tpu.vector_load %arg12[%get3A_138, %get3A_139] {strides = array<i32>} : memref<80x128xf32, #tpu.memory_space<vmem>>, vector<1x16xf32>,
        %get3A_141 = vector.shape_cast %get3A_140 : vector<1x16xf32> to vector<16xf32>
        %add3A_142 = arith.addf %get3A_137, %get3A_141 : vector<16xf32>
        %exp3A = math.exp %add3A_142 : vector<16xf32>
        %add3A_143 = arith.constant 1.000000e+00 : f32
        %add3A_144 = vector.broadcast %add3A_143 : f32 to vector<16xf32>
        %add3A_145 = arith.addf %add3A_144, %exp3A : vector<16xf32>
        %div3A = arith.divf %get3A_133, %add3A_145 : vector<16xf32>
        %swap3A_146 = arith.index_cast %scan3A_129 : i32 to index
        %swap3A_147 = arith.constant 0 : index
        %swap3A_148 = tpu.vector_load %arg13[%swap3A_146, %swap3A_147] {strides = array<i32>} : memref<80x128xf32, #tpu.memory_space<vmem>>, vector<1x16xf32>,
        %swap3A_149 = vector.shape_cast %swap3A_148 : vector<1x16xf32> to vector<16xf32>
        %swap3A_150 = vector.shape_cast %div3A : vector<16xf32> to vector<1x16xf32>
        tpu.vector_store %arg13[%swap3A_146, %swap3A_147], %swap3A_150 {strides = array<i32>} : memref<80x128xf32, #tpu.memory_space<vmem>>, vector<1x16xf32>,
        %get3A_151 = arith.index_cast %scan3A_129 : i32 to index
        %get3A_152 = arith.constant 16 : index
        %get3A_153 = tpu.vector_load %arg11[%get3A_151, %get3A_152] {strides = array<i32>} : memref<80x256xf32, #tpu.memory_space<vmem>>, vector<1x16xf32>,
        %get3A_154 = vector.shape_cast %get3A_153 : vector<1x16xf32> to vector<16xf32>
        %get3A_155 = arith.index_cast %scan3A_129 : i32 to index
        %get3A_156 = arith.constant 144 : index
        %get3A_157 = tpu.vector_load %arg11[%get3A_155, %get3A_156] {strides = array<i32>} : memref<80x256xf32, #tpu.memory_space<vmem>>, vector<1x16xf32>,
        %get3A_158 = vector.shape_cast %get3A_157 : vector<1x16xf32> to vector<16xf32>
        %get3A_159 = arith.index_cast %scan3A_129 : i32 to index
        %get3A_160 = arith.constant 16 : index
        %get3A_161 = tpu.vector_load %arg12[%get3A_159, %get3A_160] {strides = array<i32>} : memref<80x128xf32, #tpu.memory_space<vmem>>, vector<1x16xf32>,
        %get3A_162 = vector.shape_cast %get3A_161 : vector<1x16xf32> to vector<16xf32>
        %add3A_163 = arith.addf %get3A_158, %get3A_162 : vector<16xf32>
        %exp3A_164 = math.exp %add3A_163 : vector<16xf32>
        %add3A_165 = arith.constant 1.000000e+00 : f32
        %add3A_166 = vector.broadcast %add3A_165 : f32 to vector<16xf32>
        %add3A_167 = arith.addf %add3A_166, %exp3A_164 : vector<16xf32>
        %div3A_168 = arith.divf %get3A_154, %add3A_167 : vector<16xf32>
        %swap3A_169 = arith.index_cast %scan3A_129 : i32 to index
        %swap3A_170 = arith.constant 16 : index
        %swap3A_171 = tpu.vector_load %arg13[%swap3A_169, %swap3A_170] {strides = array<i32>} : memref<80x128xf32, #tpu.memory_space<vmem>>, vector<1x16xf32>,
        %swap3A_172 = vector.shape_cast %swap3A_171 : vector<1x16xf32> to vector<16xf32>
        %swap3A_173 = vector.shape_cast %div3A_168 : vector<16xf32> to vector<1x16xf32>
        tpu.vector_store %arg13[%swap3A_169, %swap3A_170], %swap3A_173 {strides = array<i32>} : memref<80x128xf32, #tpu.memory_space<vmem>>, vector<1x16xf32>,
        %get3A_174 = arith.index_cast %scan3A_129 : i32 to index
        %get3A_175 = arith.constant 32 : index
        %get3A_176 = tpu.vector_load %arg11[%get3A_174, %get3A_175] {strides = array<i32>} : memref<80x256xf32, #tpu.memory_space<vmem>>, vector<1x16xf32>,
        %get3A_177 = vector.shape_cast %get3A_176 : vector<1x16xf32> to vector<16xf32>
        %get3A_178 = arith.index_cast %scan3A_129 : i32 to index
        %get3A_179 = arith.constant 160 : index
        %get3A_180 = tpu.vector_load %arg11[%get3A_178, %get3A_179] {strides = array<i32>} : memref<80x256xf32, #tpu.memory_space<vmem>>, vector<1x16xf32>,
        %get3A_181 = vector.shape_cast %get3A_180 : vector<1x16xf32> to vector<16xf32>
        %get3A_182 = arith.index_cast %scan3A_129 : i32 to index
        %get3A_183 = arith.constant 32 : index
        %get3A_184 = tpu.vector_load %arg12[%get3A_182, %get3A_183] {strides = array<i32>} : memref<80x128xf32, #tpu.memory_space<vmem>>, vector<1x16xf32>,
        %get3A_185 = vector.shape_cast %get3A_184 : vector<1x16xf32> to vector<16xf32>
        %add3A_186 = arith.addf %get3A_181, %get3A_185 : vector<16xf32>
        %exp3A_187 = math.exp %add3A_186 : vector<16xf32>
        %add3A_188 = arith.constant 1.000000e+00 : f32
        %add3A_189 = vector.broadcast %add3A_188 : f32 to vector<16xf32>
        %add3A_190 = arith.addf %add3A_189, %exp3A_187 : vector<16xf32>
        %div3A_191 = arith.divf %get3A_177, %add3A_190 : vector<16xf32>
        %swap3A_192 = arith.index_cast %scan3A_129 : i32 to index
        %swap3A_193 = arith.constant 32 : index
        %swap3A_194 = tpu.vector_load %arg13[%swap3A_192, %swap3A_193] {strides = array<i32>} : memref<80x128xf32, #tpu.memory_space<vmem>>, vector<1x16xf32>,
        %swap3A_195 = vector.shape_cast %swap3A_194 : vector<1x16xf32> to vector<16xf32>
        %swap3A_196 = vector.shape_cast %div3A_191 : vector<16xf32> to vector<1x16xf32>
        tpu.vector_store %arg13[%swap3A_192, %swap3A_193], %swap3A_196 {strides = array<i32>} : memref<80x128xf32, #tpu.memory_space<vmem>>, vector<1x16xf32>,
        %get3A_197 = arith.index_cast %scan3A_129 : i32 to index
        %get3A_198 = arith.constant 48 : index
        %get3A_199 = tpu.vector_load %arg11[%get3A_197, %get3A_198] {strides = array<i32>} : memref<80x256xf32, #tpu.memory_space<vmem>>, vector<1x16xf32>,
        %get3A_200 = vector.shape_cast %get3A_199 : vector<1x16xf32> to vector<16xf32>
        %get3A_201 = arith.index_cast %scan3A_129 : i32 to index
        %get3A_202 = arith.constant 176 : index
        %get3A_203 = tpu.vector_load %arg11[%get3A_201, %get3A_202] {strides = array<i32>} : memref<80x256xf32, #tpu.memory_space<vmem>>, vector<1x16xf32>,
        %get3A_204 = vector.shape_cast %get3A_203 : vector<1x16xf32> to vector<16xf32>
        %get3A_205 = arith.index_cast %scan3A_129 : i32 to index
        %get3A_206 = arith.constant 48 : index
        %get3A_207 = tpu.vector_load %arg12[%get3A_205, %get3A_206] {strides = array<i32>} : memref<80x128xf32, #tpu.memory_space<vmem>>, vector<1x16xf32>,
        %get3A_208 = vector.shape_cast %get3A_207 : vector<1x16xf32> to vector<16xf32>
        %add3A_209 = arith.addf %get3A_204, %get3A_208 : vector<16xf32>
        %exp3A_210 = math.exp %add3A_209 : vector<16xf32>
        %add3A_211 = arith.constant 1.000000e+00 : f32
        %add3A_212 = vector.broadcast %add3A_211 : f32 to vector<16xf32>
        %add3A_213 = arith.addf %add3A_212, %exp3A_210 : vector<16xf32>
        %div3A_214 = arith.divf %get3A_200, %add3A_213 : vector<16xf32>
        %swap3A_215 = arith.index_cast %scan3A_129 : i32 to index
        %swap3A_216 = arith.constant 48 : index
        %swap3A_217 = tpu.vector_load %arg13[%swap3A_215, %swap3A_216] {strides = array<i32>} : memref<80x128xf32, #tpu.memory_space<vmem>>, vector<1x16xf32>,
        %swap3A_218 = vector.shape_cast %swap3A_217 : vector<1x16xf32> to vector<16xf32>
        %swap3A_219 = vector.shape_cast %div3A_214 : vector<16xf32> to vector<1x16xf32>
        tpu.vector_store %arg13[%swap3A_215, %swap3A_216], %swap3A_219 {strides = array<i32>} : memref<80x128xf32, #tpu.memory_space<vmem>>, vector<1x16xf32>,
        %get3A_220 = arith.index_cast %scan3A_129 : i32 to index
        %get3A_221 = arith.constant 64 : index
        %get3A_222 = tpu.vector_load %arg11[%get3A_220, %get3A_221] {strides = array<i32>} : memref<80x256xf32, #tpu.memory_space<vmem>>, vector<1x16xf32>,
        %get3A_223 = vector.shape_cast %get3A_222 : vector<1x16xf32> to vector<16xf32>
        %get3A_224 = arith.index_cast %scan3A_129 : i32 to index
        %get3A_225 = arith.constant 192 : index
        %get3A_226 = tpu.vector_load %arg11[%get3A_224, %get3A_225] {strides = array<i32>} : memref<80x256xf32, #tpu.memory_space<vmem>>, vector<1x16xf32>,
        %get3A_227 = vector.shape_cast %get3A_226 : vector<1x16xf32> to vector<16xf32>
        %get3A_228 = arith.index_cast %scan3A_129 : i32 to index
        %get3A_229 = arith.constant 64 : index
        %get3A_230 = tpu.vector_load %arg12[%get3A_228, %get3A_229] {strides = array<i32>} : memref<80x128xf32, #tpu.memory_space<vmem>>, vector<1x16xf32>,
        %get3A_231 = vector.shape_cast %get3A_230 : vector<1x16xf32> to vector<16xf32>
        %add3A_232 = arith.addf %get3A_227, %get3A_231 : vector<16xf32>
        %exp3A_233 = math.exp %add3A_232 : vector<16xf32>
        %add3A_234 = arith.constant 1.000000e+00 : f32
        %add3A_235 = vector.broadcast %add3A_234 : f32 to vector<16xf32>
        %add3A_236 = arith.addf %add3A_235, %exp3A_233 : vector<16xf32>
        %div3A_237 = arith.divf %get3A_223, %add3A_236 : vector<16xf32>
        %swap3A_238 = arith.index_cast %scan3A_129 : i32 to index
        %swap3A_239 = arith.constant 64 : index
        %swap3A_240 = tpu.vector_load %arg13[%swap3A_238, %swap3A_239] {strides = array<i32>} : memref<80x128xf32, #tpu.memory_space<vmem>>, vector<1x16xf32>,
        %swap3A_241 = vector.shape_cast %swap3A_240 : vector<1x16xf32> to vector<16xf32>
        %swap3A_242 = vector.shape_cast %div3A_237 : vector<16xf32> to vector<1x16xf32>
        tpu.vector_store %arg13[%swap3A_238, %swap3A_239], %swap3A_242 {strides = array<i32>} : memref<80x128xf32, #tpu.memory_space<vmem>>, vector<1x16xf32>,
        %get3A_243 = arith.index_cast %scan3A_129 : i32 to index
        %get3A_244 = arith.constant 80 : index
        %get3A_245 = tpu.vector_load %arg11[%get3A_243, %get3A_244] {strides = array<i32>} : memref<80x256xf32, #tpu.memory_space<vmem>>, vector<1x16xf32>,
        %get3A_246 = vector.shape_cast %get3A_245 : vector<1x16xf32> to vector<16xf32>
        %get3A_247 = arith.index_cast %scan3A_129 : i32 to index
        %get3A_248 = arith.constant 208 : index
        %get3A_249 = tpu.vector_load %arg11[%get3A_247, %get3A_248] {strides = array<i32>} : memref<80x256xf32, #tpu.memory_space<vmem>>, vector<1x16xf32>,
        %get3A_250 = vector.shape_cast %get3A_249 : vector<1x16xf32> to vector<16xf32>
        %get3A_251 = arith.index_cast %scan3A_129 : i32 to index
        %get3A_252 = arith.constant 80 : index
        %get3A_253 = tpu.vector_load %arg12[%get3A_251, %get3A_252] {strides = array<i32>} : memref<80x128xf32, #tpu.memory_space<vmem>>, vector<1x16xf32>,
        %get3A_254 = vector.shape_cast %get3A_253 : vector<1x16xf32> to vector<16xf32>
        %add3A_255 = arith.addf %get3A_250, %get3A_254 : vector<16xf32>
        %exp3A_256 = math.exp %add3A_255 : vector<16xf32>
        %add3A_257 = arith.constant 1.000000e+00 : f32
        %add3A_258 = vector.broadcast %add3A_257 : f32 to vector<16xf32>
        %add3A_259 = arith.addf %add3A_258, %exp3A_256 : vector<16xf32>
        %div3A_260 = arith.divf %get3A_246, %add3A_259 : vector<16xf32>
        %swap3A_261 = arith.index_cast %scan3A_129 : i32 to index
        %swap3A_262 = arith.constant 80 : index
        %swap3A_263 = tpu.vector_load %arg13[%swap3A_261, %swap3A_262] {strides = array<i32>} : memref<80x128xf32, #tpu.memory_space<vmem>>, vector<1x16xf32>,
        %swap3A_264 = vector.shape_cast %swap3A_263 : vector<1x16xf32> to vector<16xf32>
        %swap3A_265 = vector.shape_cast %div3A_260 : vector<16xf32> to vector<1x16xf32>
        tpu.vector_store %arg13[%swap3A_261, %swap3A_262], %swap3A_265 {strides = array<i32>} : memref<80x128xf32, #tpu.memory_space<vmem>>, vector<1x16xf32>,
        %get3A_266 = arith.index_cast %scan3A_129 : i32 to index
        %get3A_267 = arith.constant 96 : index
        %get3A_268 = tpu.vector_load %arg11[%get3A_266, %get3A_267] {strides = array<i32>} : memref<80x256xf32, #tpu.memory_space<vmem>>, vector<1x16xf32>,
        %get3A_269 = vector.shape_cast %get3A_268 : vector<1x16xf32> to vector<16xf32>
        %get3A_270 = arith.index_cast %scan3A_129 : i32 to index
        %get3A_271 = arith.constant 224 : index
        %get3A_272 = tpu.vector_load %arg11[%get3A_270, %get3A_271] {strides = array<i32>} : memref<80x256xf32, #tpu.memory_space<vmem>>, vector<1x16xf32>,
        %get3A_273 = vector.shape_cast %get3A_272 : vector<1x16xf32> to vector<16xf32>
        %get3A_274 = arith.index_cast %scan3A_129 : i32 to index
        %get3A_275 = arith.constant 96 : index
        %get3A_276 = tpu.vector_load %arg12[%get3A_274, %get3A_275] {strides = array<i32>} : memref<80x128xf32, #tpu.memory_space<vmem>>, vector<1x16xf32>,
        %get3A_277 = vector.shape_cast %get3A_276 : vector<1x16xf32> to vector<16xf32>
        %add3A_278 = arith.addf %get3A_273, %get3A_277 : vector<16xf32>
        %exp3A_279 = math.exp %add3A_278 : vector<16xf32>
        %add3A_280 = arith.constant 1.000000e+00 : f32
        %add3A_281 = vector.broadcast %add3A_280 : f32 to vector<16xf32>
        %add3A_282 = arith.addf %add3A_281, %exp3A_279 : vector<16xf32>
        %div3A_283 = arith.divf %get3A_269, %add3A_282 : vector<16xf32>
        %swap3A_284 = arith.index_cast %scan3A_129 : i32 to index
        %swap3A_285 = arith.constant 96 : index
        %swap3A_286 = tpu.vector_load %arg13[%swap3A_284, %swap3A_285] {strides = array<i32>} : memref<80x128xf32, #tpu.memory_space<vmem>>, vector<1x16xf32>,
        %swap3A_287 = vector.shape_cast %swap3A_286 : vector<1x16xf32> to vector<16xf32>
        %swap3A_288 = vector.shape_cast %div3A_283 : vector<16xf32> to vector<1x16xf32>
        tpu.vector_store %arg13[%swap3A_284, %swap3A_285], %swap3A_288 {strides = array<i32>} : memref<80x128xf32, #tpu.memory_space<vmem>>, vector<1x16xf32>,
        %get3A_289 = arith.index_cast %scan3A_129 : i32 to index
        %get3A_290 = arith.constant 112 : index
        %get3A_291 = tpu.vector_load %arg11[%get3A_289, %get3A_290] {strides = array<i32>} : memref<80x256xf32, #tpu.memory_space<vmem>>, vector<1x16xf32>,
        %get3A_292 = vector.shape_cast %get3A_291 : vector<1x16xf32> to vector<16xf32>
        %get3A_293 = arith.index_cast %scan3A_129 : i32 to index
        %get3A_294 = arith.constant 240 : index
        %get3A_295 = tpu.vector_load %arg11[%get3A_293, %get3A_294] {strides = array<i32>} : memref<80x256xf32, #tpu.memory_space<vmem>>, vector<1x16xf32>,
        %get3A_296 = vector.shape_cast %get3A_295 : vector<1x16xf32> to vector<16xf32>
        %get3A_297 = arith.index_cast %scan3A_129 : i32 to index
        %get3A_298 = arith.constant 112 : index
        %get3A_299 = tpu.vector_load %arg12[%get3A_297, %get3A_298] {strides = array<i32>} : memref<80x128xf32, #tpu.memory_space<vmem>>, vector<1x16xf32>,
        %get3A_300 = vector.shape_cast %get3A_299 : vector<1x16xf32> to vector<16xf32>
        %add3A_301 = arith.addf %get3A_296, %get3A_300 : vector<16xf32>
        %exp3A_302 = math.exp %add3A_301 : vector<16xf32>
        %add3A_303 = arith.constant 1.000000e+00 : f32
        %add3A_304 = vector.broadcast %add3A_303 : f32 to vector<16xf32>
        %add3A_305 = arith.addf %add3A_304, %exp3A_302 : vector<16xf32>
        %div3A_306 = arith.divf %get3A_292, %add3A_305 : vector<16xf32>
        %swap3A_307 = arith.index_cast %scan3A_129 : i32 to index
        %swap3A_308 = arith.constant 112 : index
        %swap3A_309 = tpu.vector_load %arg13[%swap3A_307, %swap3A_308] {strides = array<i32>} : memref<80x128xf32, #tpu.memory_space<vmem>>, vector<1x16xf32>,
        %swap3A_310 = vector.shape_cast %swap3A_309 : vector<1x16xf32> to vector<16xf32>
        %swap3A_311 = vector.shape_cast %div3A_306 : vector<16xf32> to vector<1x16xf32>
        tpu.vector_store %arg13[%swap3A_307, %swap3A_308], %swap3A_311 {strides = array<i32>} : memref<80x128xf32, #tpu.memory_space<vmem>>, vector<1x16xf32>,
      }
      %scan3A_128 = arith.constant 80 : i32
      "tpu.region"() ({
        %run_scoped3A = tpu.sem_alloc : memref<!tpu.dma_semaphore, #tpu.memory_space<semaphore_mem>>
        %dma_start3A_129 = arith.constant 0 : i32
        %dma_start3A_130 = arith.constant 0 : i32
        %dma_start3A_131 = tpu.memref_slice %arg15[%dma_start3A_129, %dma_start3A_130] : memref<5248x128xf32, #tpu.memory_space<vmem_shared>> -> memref<5248x128xf32, #tpu.memory_space<vmem_shared>>
        tpu.enqueue_indirect_dma source(%arg13 : memref<80x128xf32, #tpu.memory_space<vmem>>) target(%dma_start3A_131 : memref<5248x128xf32, #tpu.memory_space<vmem_shared>>) offsets(%arg10 : memref<80xi32, #tpu.memory_space<vmem>>) semaphore(%run_scoped3A : memref<!tpu.dma_semaphore, #tpu.memory_space<semaphore_mem>>) {add = true}
        %dma_wait3A_132 = arith.constant 0 : i32
        %dma_wait3A_133 = arith.constant 0 : i32
        %dma_wait3A_134 = tpu.memref_slice %arg15[%dma_wait3A_132, %dma_wait3A_133] : memref<5248x128xf32, #tpu.memory_space<vmem_shared>> -> memref<5248x128xf32, #tpu.memory_space<vmem_shared>>
        tpu.wait_indirect_dma semaphore(%run_scoped3A : memref<!tpu.dma_semaphore, #tpu.memory_space<semaphore_mem>>) src(%arg13 : memref<80x128xf32, #tpu.memory_space<vmem>>) dst(%dma_wait3A_134 : memref<5248x128xf32, #tpu.memory_space<vmem_shared>>)
        tpu.yield
      }) : () -> ()
    }
    %scan3A_13 = arith.constant 250 : i32
    %barrier3A_14 = arith.constant 0 : index
    tpu.barrier barrier_id(%barrier3A_14)
    %eq3A = arith.constant 0 : i32
    %eq3A_15 = arith.cmpi eq, %arg0, %eq3A : i32
    %convert_element_type3A = arith.extui %eq3A_15 : i1 to i32
    %cond3A = arith.constant 0 : i32
    %cond3A_16 = arith.cmpi ne, %convert_element_type3A, %cond3A : i32
    scf.if %cond3A_16 {
      %mul3A_22 = arith.constant 328 : i32
      %mul3A_23 = arith.muli %arg1, %mul3A_22 : i32
      %mul3A_24 = arith.constant 328 : i32
      %mul3A_25 = arith.muli %arg1, %mul3A_24 : i32
      "tpu.region"() ({
        %run_scoped3A = tpu.sem_alloc : memref<!tpu.dma_semaphore, #tpu.memory_space<semaphore_mem>>
        %dma_start3A = arith.constant 0 : i32
        %dma_start3A_26 = tpu.memref_slice %arg6[%mul3A_25, %dma_start3A] : memref<5248x128xf32, #tpu.memory_space<hbm>> -> memref<328x128xf32, #tpu.memory_space<hbm>>
        %dma_start3A_27 = arith.constant 0 : i32
        %dma_start3A_28 = tpu.memref_slice %arg15[%mul3A_23, %dma_start3A_27] : memref<5248x128xf32, #tpu.memory_space<vmem_shared>> -> memref<328x128xf32, #tpu.memory_space<vmem_shared>>
        tpu.enqueue_dma source(%dma_start3A_28 : memref<328x128xf32, #tpu.memory_space<vmem_shared>>) target(%dma_start3A_26 : memref<328x128xf32, #tpu.memory_space<hbm>>) target_semaphore(%run_scoped3A : memref<!tpu.dma_semaphore, #tpu.memory_space<semaphore_mem>>)
        %dma_wait3A = arith.constant 0 : i32
        %dma_wait3A_29 = tpu.memref_slice %arg6[%mul3A_25, %dma_wait3A] : memref<5248x128xf32, #tpu.memory_space<hbm>> -> memref<328x128xf32, #tpu.memory_space<hbm>>
        %dma_wait3A_30 = arith.constant 0 : i32
        %dma_wait3A_31 = tpu.memref_slice %arg15[%mul3A_23, %dma_wait3A_30] : memref<5248x128xf32, #tpu.memory_space<vmem_shared>> -> memref<328x128xf32, #tpu.memory_space<vmem_shared>>
        tpu.wait_dma2 semaphore(%run_scoped3A : memref<!tpu.dma_semaphore, #tpu.memory_space<semaphore_mem>>) src(%dma_wait3A_31 : memref<328x128xf32, #tpu.memory_space<vmem_shared>>) dst(%dma_wait3A_29 : memref<328x128xf32, #tpu.memory_space<hbm>>)
        tpu.yield
      }) : () -> ()
    } else {
    }
    %eq3A_17 = arith.constant 1 : i32
    %eq3A_18 = arith.cmpi eq, %arg0, %eq3A_17 : i32
    %convert_element_type3A_19 = arith.extui %eq3A_18 : i1 to i32
    %cond3A_20 = arith.constant 0 : i32
    %cond3A_21 = arith.cmpi ne, %convert_element_type3A_19, %cond3A_20 : i32
    scf.if %cond3A_21 {
      %mul3A_22 = arith.constant 328 : i32
      %mul3A_23 = arith.muli %arg1, %mul3A_22 : i32
      %mul3A_24 = arith.constant 328 : i32
      %mul3A_25 = arith.muli %arg1, %mul3A_24 : i32
      "tpu.region"() ({
        %run_scoped3A = tpu.sem_alloc : memref<!tpu.dma_semaphore, #tpu.memory_space<semaphore_mem>>
        %dma_start3A = arith.constant 0 : i32
        %dma_start3A_26 = tpu.memref_slice %arg7[%mul3A_25, %dma_start3A] : memref<5248x128xf32, #tpu.memory_space<hbm>> -> memref<328x128xf32, #tpu.memory_space<hbm>>
        %dma_start3A_27 = arith.constant 0 : i32
        %dma_start3A_28 = tpu.memref_slice %arg15[%mul3A_23, %dma_start3A_27] : memref<5248x128xf32, #tpu.memory_space<vmem_shared>> -> memref<328x128xf32, #tpu.memory_space<vmem_shared>>
        tpu.enqueue_dma source(%dma_start3A_28 : memref<328x128xf32, #tpu.memory_space<vmem_shared>>) target(%dma_start3A_26 : memref<328x128xf32, #tpu.memory_space<hbm>>) target_semaphore(%run_scoped3A : memref<!tpu.dma_semaphore, #tpu.memory_space<semaphore_mem>>)
        %dma_wait3A = arith.constant 0 : i32
        %dma_wait3A_29 = tpu.memref_slice %arg7[%mul3A_25, %dma_wait3A] : memref<5248x128xf32, #tpu.memory_space<hbm>> -> memref<328x128xf32, #tpu.memory_space<hbm>>
        %dma_wait3A_30 = arith.constant 0 : i32
        %dma_wait3A_31 = tpu.memref_slice %arg15[%mul3A_23, %dma_wait3A_30] : memref<5248x128xf32, #tpu.memory_space<vmem_shared>> -> memref<328x128xf32, #tpu.memory_space<vmem_shared>>
        tpu.wait_dma2 semaphore(%run_scoped3A : memref<!tpu.dma_semaphore, #tpu.memory_space<semaphore_mem>>) src(%dma_wait3A_31 : memref<328x128xf32, #tpu.memory_space<vmem_shared>>) dst(%dma_wait3A_29 : memref<328x128xf32, #tpu.memory_space<hbm>>)
        tpu.yield
      }) : () -> ()
    } else {
    }
    return
  }
}

#map = affine_map<(d0, d1) -> (0)>
#map1 = affine_map<(d0, d1) -> (0, 0)>
module attributes {stable_mosaic.version = 14 : i64} {
  func.func @_seg_body(%arg0: i32, %arg1: i32, %arg2: memref<320000xi32, #tpu.memory_space<hbm>>, %arg3: memref<320000xi32, #tpu.memory_space<hbm>>, %arg4: memref<10240x128xf32, #tpu.memory_space<hbm>>, %arg5: memref<5248x128xf32, #tpu.memory_space<hbm>>, %arg6: memref<5248x128xf32, #tpu.memory_space<hbm>>, %arg7: memref<80xi32, #tpu.memory_space<vmem>>, %arg8: memref<80xi32, #tpu.memory_space<vmem>>, %arg9: memref<80xi32, #tpu.memory_space<vmem>>, %arg10: memref<80x128xf32, #tpu.memory_space<vmem>>, %arg11: memref<328x128xf32, #tpu.memory_space<vmem>>, %arg12: memref<5248x128xf32, #tpu.memory_space<vmem_shared>>, %arg13: memref<!tpu.dma_semaphore, #tpu.memory_space<semaphore_mem>>) attributes {dimension_semantics = [#tpu.dimension_semantics<core_parallel>, #tpu.dimension_semantics<subcore_parallel>], iteration_bounds = array<i64: 2, 16>, scalar_prefetch = 0 : i64, scratch_operands = 7 : i64, tpu.core_type = #tpu.core_type<sc_vector_subcore>, window_params = [{transform_indices = #map}, {transform_indices = #map}, {transform_indices = #map1}, {transform_indices = #map1}, {transform_indices = #map1}]} {
    %scan3A = arith.constant 0 : i32
    %scan3A_0 = arith.constant 0 : i32
    %scan3A_1 = arith.constant 328 : i32
    %scan3A_2 = arith.addi %scan3A_0, %scan3A_1 : i32
    %scan3A_3 = arith.constant 1 : i32
    scf.for %scan3A_22 = %scan3A_0 to %scan3A_2 step %scan3A_3  : i32 {
      %broadcast_in_dim3A = arith.constant 0.000000e+00 : f32
      %broadcast_in_dim3A_23 = vector.broadcast %broadcast_in_dim3A : f32 to vector<16xf32>
      %swap3A = arith.index_cast %scan3A_22 : i32 to index
      %swap3A_24 = arith.constant 0 : index
      %swap3A_25 = tpu.vector_load %arg11[%swap3A, %swap3A_24] {strides = array<i32>} : memref<328x128xf32, #tpu.memory_space<vmem>>, vector<1x16xf32>,
      %swap3A_26 = vector.shape_cast %swap3A_25 : vector<1x16xf32> to vector<16xf32>
      %swap3A_27 = vector.shape_cast %broadcast_in_dim3A_23 : vector<16xf32> to vector<1x16xf32>
      tpu.vector_store %arg11[%swap3A, %swap3A_24], %swap3A_27 {strides = array<i32>} : memref<328x128xf32, #tpu.memory_space<vmem>>, vector<1x16xf32>,
      %swap3A_28 = arith.index_cast %scan3A_22 : i32 to index
      %swap3A_29 = arith.constant 16 : index
      %swap3A_30 = tpu.vector_load %arg11[%swap3A_28, %swap3A_29] {strides = array<i32>} : memref<328x128xf32, #tpu.memory_space<vmem>>, vector<1x16xf32>,
      %swap3A_31 = vector.shape_cast %swap3A_30 : vector<1x16xf32> to vector<16xf32>
      %swap3A_32 = vector.shape_cast %broadcast_in_dim3A_23 : vector<16xf32> to vector<1x16xf32>
      tpu.vector_store %arg11[%swap3A_28, %swap3A_29], %swap3A_32 {strides = array<i32>} : memref<328x128xf32, #tpu.memory_space<vmem>>, vector<1x16xf32>,
      %swap3A_33 = arith.index_cast %scan3A_22 : i32 to index
      %swap3A_34 = arith.constant 32 : index
      %swap3A_35 = tpu.vector_load %arg11[%swap3A_33, %swap3A_34] {strides = array<i32>} : memref<328x128xf32, #tpu.memory_space<vmem>>, vector<1x16xf32>,
      %swap3A_36 = vector.shape_cast %swap3A_35 : vector<1x16xf32> to vector<16xf32>
      %swap3A_37 = vector.shape_cast %broadcast_in_dim3A_23 : vector<16xf32> to vector<1x16xf32>
      tpu.vector_store %arg11[%swap3A_33, %swap3A_34], %swap3A_37 {strides = array<i32>} : memref<328x128xf32, #tpu.memory_space<vmem>>, vector<1x16xf32>,
      %swap3A_38 = arith.index_cast %scan3A_22 : i32 to index
      %swap3A_39 = arith.constant 48 : index
      %swap3A_40 = tpu.vector_load %arg11[%swap3A_38, %swap3A_39] {strides = array<i32>} : memref<328x128xf32, #tpu.memory_space<vmem>>, vector<1x16xf32>,
      %swap3A_41 = vector.shape_cast %swap3A_40 : vector<1x16xf32> to vector<16xf32>
      %swap3A_42 = vector.shape_cast %broadcast_in_dim3A_23 : vector<16xf32> to vector<1x16xf32>
      tpu.vector_store %arg11[%swap3A_38, %swap3A_39], %swap3A_42 {strides = array<i32>} : memref<328x128xf32, #tpu.memory_space<vmem>>, vector<1x16xf32>,
      %swap3A_43 = arith.index_cast %scan3A_22 : i32 to index
      %swap3A_44 = arith.constant 64 : index
      %swap3A_45 = tpu.vector_load %arg11[%swap3A_43, %swap3A_44] {strides = array<i32>} : memref<328x128xf32, #tpu.memory_space<vmem>>, vector<1x16xf32>,
      %swap3A_46 = vector.shape_cast %swap3A_45 : vector<1x16xf32> to vector<16xf32>
      %swap3A_47 = vector.shape_cast %broadcast_in_dim3A_23 : vector<16xf32> to vector<1x16xf32>
      tpu.vector_store %arg11[%swap3A_43, %swap3A_44], %swap3A_47 {strides = array<i32>} : memref<328x128xf32, #tpu.memory_space<vmem>>, vector<1x16xf32>,
      %swap3A_48 = arith.index_cast %scan3A_22 : i32 to index
      %swap3A_49 = arith.constant 80 : index
      %swap3A_50 = tpu.vector_load %arg11[%swap3A_48, %swap3A_49] {strides = array<i32>} : memref<328x128xf32, #tpu.memory_space<vmem>>, vector<1x16xf32>,
      %swap3A_51 = vector.shape_cast %swap3A_50 : vector<1x16xf32> to vector<16xf32>
      %swap3A_52 = vector.shape_cast %broadcast_in_dim3A_23 : vector<16xf32> to vector<1x16xf32>
      tpu.vector_store %arg11[%swap3A_48, %swap3A_49], %swap3A_52 {strides = array<i32>} : memref<328x128xf32, #tpu.memory_space<vmem>>, vector<1x16xf32>,
      %swap3A_53 = arith.index_cast %scan3A_22 : i32 to index
      %swap3A_54 = arith.constant 96 : index
      %swap3A_55 = tpu.vector_load %arg11[%swap3A_53, %swap3A_54] {strides = array<i32>} : memref<328x128xf32, #tpu.memory_space<vmem>>, vector<1x16xf32>,
      %swap3A_56 = vector.shape_cast %swap3A_55 : vector<1x16xf32> to vector<16xf32>
      %swap3A_57 = vector.shape_cast %broadcast_in_dim3A_23 : vector<16xf32> to vector<1x16xf32>
      tpu.vector_store %arg11[%swap3A_53, %swap3A_54], %swap3A_57 {strides = array<i32>} : memref<328x128xf32, #tpu.memory_space<vmem>>, vector<1x16xf32>,
      %swap3A_58 = arith.index_cast %scan3A_22 : i32 to index
      %swap3A_59 = arith.constant 112 : index
      %swap3A_60 = tpu.vector_load %arg11[%swap3A_58, %swap3A_59] {strides = array<i32>} : memref<328x128xf32, #tpu.memory_space<vmem>>, vector<1x16xf32>,
      %swap3A_61 = vector.shape_cast %swap3A_60 : vector<1x16xf32> to vector<16xf32>
      %swap3A_62 = vector.shape_cast %broadcast_in_dim3A_23 : vector<16xf32> to vector<1x16xf32>
      tpu.vector_store %arg11[%swap3A_58, %swap3A_59], %swap3A_62 {strides = array<i32>} : memref<328x128xf32, #tpu.memory_space<vmem>>, vector<1x16xf32>,
    }
    %scan3A_4 = arith.constant 328 : i32
    %mul3A = arith.constant 328 : i32
    %mul3A_5 = arith.muli %arg1, %mul3A : i32
    "tpu.region"() ({
      %run_scoped3A = tpu.sem_alloc : memref<!tpu.dma_semaphore, #tpu.memory_space<semaphore_mem>>
      %dma_start3A = arith.constant 0 : i32
      %dma_start3A_22 = tpu.memref_slice %arg12[%mul3A_5, %dma_start3A] : memref<5248x128xf32, #tpu.memory_space<vmem_shared>> -> memref<328x128xf32, #tpu.memory_space<vmem_shared>>
      %dma_start3A_23 = arith.constant 0 : i32
      %dma_start3A_24 = tpu.memref_slice %arg12[%mul3A_5, %dma_start3A_23] : memref<5248x128xf32, #tpu.memory_space<vmem_shared>> -> memref<328x128xf32, #tpu.memory_space<vmem_shared>>
      tpu.enqueue_dma source(%arg11 : memref<328x128xf32, #tpu.memory_space<vmem>>) target(%dma_start3A_24 : memref<328x128xf32, #tpu.memory_space<vmem_shared>>) target_semaphore(%run_scoped3A : memref<!tpu.dma_semaphore, #tpu.memory_space<semaphore_mem>>)
      %dma_wait3A = arith.constant 0 : i32
      %dma_wait3A_25 = tpu.memref_slice %arg12[%mul3A_5, %dma_wait3A] : memref<5248x128xf32, #tpu.memory_space<vmem_shared>> -> memref<328x128xf32, #tpu.memory_space<vmem_shared>>
      %dma_wait3A_26 = arith.constant 0 : i32
      %dma_wait3A_27 = tpu.memref_slice %arg12[%mul3A_5, %dma_wait3A_26] : memref<5248x128xf32, #tpu.memory_space<vmem_shared>> -> memref<328x128xf32, #tpu.memory_space<vmem_shared>>
      tpu.wait_dma2 semaphore(%run_scoped3A : memref<!tpu.dma_semaphore, #tpu.memory_space<semaphore_mem>>) src(%arg11 : memref<328x128xf32, #tpu.memory_space<vmem>>) dst(%dma_wait3A_27 : memref<328x128xf32, #tpu.memory_space<vmem_shared>>)
      tpu.yield
    }) : () -> ()
    %barrier3A = arith.constant 0 : index
    tpu.barrier barrier_id(%barrier3A)
    %mul3A_6 = arith.constant 5120 : i32
    %mul3A_7 = arith.muli %arg0, %mul3A_6 : i32
    %scan3A_8 = arith.constant 0 : i32
    %scan3A_9 = arith.constant 0 : i32
    %scan3A_10 = arith.constant 250 : i32
    %scan3A_11 = arith.addi %scan3A_9, %scan3A_10 : i32
    %scan3A_12 = arith.constant 1 : i32
    scf.for %scan3A_22 = %scan3A_9 to %scan3A_11 step %scan3A_12  : i32 {
      %mul3A_23 = arith.constant 20000 : i32
      %mul3A_24 = arith.muli %arg1, %mul3A_23 : i32
      %mul3A_25 = arith.constant 80 : i32
      %mul3A_26 = arith.muli %scan3A_22, %mul3A_25 : i32
      %add3A = arith.addi %mul3A_24, %mul3A_26 : i32
      %multiple_of3A = tpu.assume_multiple %add3A, 8 : i32
      "tpu.region"() ({
        %run_scoped3A = tpu.sem_alloc : memref<!tpu.dma_semaphore, #tpu.memory_space<semaphore_mem>>
        %dma_start3A_117 = tpu.memref_slice %arg2[%multiple_of3A] : memref<320000xi32, #tpu.memory_space<hbm>> -> memref<80xi32, #tpu.memory_space<hbm>>
        %dma_start3A_118 = tpu.memref_slice %arg2[%multiple_of3A] : memref<320000xi32, #tpu.memory_space<hbm>> -> memref<80xi32, #tpu.memory_space<hbm>>
        tpu.enqueue_dma source(%dma_start3A_118 : memref<80xi32, #tpu.memory_space<hbm>>) target(%arg7 : memref<80xi32, #tpu.memory_space<vmem>>) target_semaphore(%run_scoped3A : memref<!tpu.dma_semaphore, #tpu.memory_space<semaphore_mem>>)
        %dma_wait3A_119 = tpu.memref_slice %arg2[%multiple_of3A] : memref<320000xi32, #tpu.memory_space<hbm>> -> memref<80xi32, #tpu.memory_space<hbm>>
        %dma_wait3A_120 = tpu.memref_slice %arg2[%multiple_of3A] : memref<320000xi32, #tpu.memory_space<hbm>> -> memref<80xi32, #tpu.memory_space<hbm>>
        tpu.wait_dma2 semaphore(%run_scoped3A : memref<!tpu.dma_semaphore, #tpu.memory_space<semaphore_mem>>) src(%dma_wait3A_120 : memref<80xi32, #tpu.memory_space<hbm>>) dst(%arg7 : memref<80xi32, #tpu.memory_space<vmem>>)
        tpu.yield
      }) : () -> ()
      "tpu.region"() ({
        %run_scoped3A = tpu.sem_alloc : memref<!tpu.dma_semaphore, #tpu.memory_space<semaphore_mem>>
        %dma_start3A_117 = tpu.memref_slice %arg3[%multiple_of3A] : memref<320000xi32, #tpu.memory_space<hbm>> -> memref<80xi32, #tpu.memory_space<hbm>>
        %dma_start3A_118 = tpu.memref_slice %arg3[%multiple_of3A] : memref<320000xi32, #tpu.memory_space<hbm>> -> memref<80xi32, #tpu.memory_space<hbm>>
        tpu.enqueue_dma source(%dma_start3A_118 : memref<80xi32, #tpu.memory_space<hbm>>) target(%arg8 : memref<80xi32, #tpu.memory_space<vmem>>) target_semaphore(%run_scoped3A : memref<!tpu.dma_semaphore, #tpu.memory_space<semaphore_mem>>)
        %dma_wait3A_119 = tpu.memref_slice %arg3[%multiple_of3A] : memref<320000xi32, #tpu.memory_space<hbm>> -> memref<80xi32, #tpu.memory_space<hbm>>
        %dma_wait3A_120 = tpu.memref_slice %arg3[%multiple_of3A] : memref<320000xi32, #tpu.memory_space<hbm>> -> memref<80xi32, #tpu.memory_space<hbm>>
        tpu.wait_dma2 semaphore(%run_scoped3A : memref<!tpu.dma_semaphore, #tpu.memory_space<semaphore_mem>>) src(%dma_wait3A_120 : memref<80xi32, #tpu.memory_space<hbm>>) dst(%arg8 : memref<80xi32, #tpu.memory_space<vmem>>)
        tpu.yield
      }) : () -> ()
      %dma_start3A = arith.constant 0 : i32
      %dma_start3A_27 = arith.constant 0 : i32
      %dma_start3A_28 = tpu.memref_slice %arg4[%dma_start3A, %dma_start3A_27] : memref<10240x128xf32, #tpu.memory_space<hbm>> -> memref<10240x128xf32, #tpu.memory_space<hbm>>
      tpu.enqueue_indirect_dma source(%dma_start3A_28 : memref<10240x128xf32, #tpu.memory_space<hbm>>) target(%arg10 : memref<80x128xf32, #tpu.memory_space<vmem>>) offsets(%arg7 : memref<80xi32, #tpu.memory_space<vmem>>) semaphore(%arg13 : memref<!tpu.dma_semaphore, #tpu.memory_space<semaphore_mem>>)
      %get3A = arith.constant 0 : index
      %get3A_29 = tpu.vector_load %arg8[%get3A] {strides = array<i32>} : memref<80xi32, #tpu.memory_space<vmem>>, vector<16xi32>,
      %get3A_30 = vector.shape_cast %get3A_29 : vector<16xi32> to vector<16xi32>
      %sub3A = vector.broadcast %mul3A_7 : i32 to vector<16xi32>
      %sub3A_31 = arith.subi %get3A_30, %sub3A : vector<16xi32>
      %ge3A = arith.constant 0 : i32
      %ge3A_32 = vector.broadcast %ge3A : i32 to vector<16xi32>
      %ge3A_33 = arith.cmpi sge, %sub3A_31, %ge3A_32 : vector<16xi32>
      %lt3A = arith.constant 5120 : i32
      %lt3A_34 = vector.broadcast %lt3A : i32 to vector<16xi32>
      %lt3A_35 = arith.cmpi slt, %sub3A_31, %lt3A_34 : vector<16xi32>
      %and3A = arith.andi %ge3A_33, %lt3A_35 : vector<16xi1>
      %jit3A = arith.constant 5120 : i32
      %broadcast_in_dim3A = vector.broadcast %jit3A : i32 to vector<16xi32>
      %select_n3A = arith.select %and3A, %sub3A_31, %broadcast_in_dim3A : vector<16xi1>, vector<16xi32>
      %swap3A = arith.constant 0 : index
      %swap3A_36 = tpu.vector_load %arg9[%swap3A] {strides = array<i32>} : memref<80xi32, #tpu.memory_space<vmem>>, vector<16xi32>,
      %swap3A_37 = vector.shape_cast %swap3A_36 : vector<16xi32> to vector<16xi32>
      %swap3A_38 = vector.shape_cast %select_n3A : vector<16xi32> to vector<16xi32>
      tpu.vector_store %arg9[%swap3A], %swap3A_38 {strides = array<i32>} : memref<80xi32, #tpu.memory_space<vmem>>, vector<16xi32>,
      %get3A_39 = arith.constant 16 : index
      %get3A_40 = tpu.vector_load %arg8[%get3A_39] {strides = array<i32>} : memref<80xi32, #tpu.memory_space<vmem>>, vector<16xi32>,
      %get3A_41 = vector.shape_cast %get3A_40 : vector<16xi32> to vector<16xi32>
      %sub3A_42 = vector.broadcast %mul3A_7 : i32 to vector<16xi32>
      %sub3A_43 = arith.subi %get3A_41, %sub3A_42 : vector<16xi32>
      %ge3A_44 = arith.constant 0 : i32
      %ge3A_45 = vector.broadcast %ge3A_44 : i32 to vector<16xi32>
      %ge3A_46 = arith.cmpi sge, %sub3A_43, %ge3A_45 : vector<16xi32>
      %lt3A_47 = arith.constant 5120 : i32
      %lt3A_48 = vector.broadcast %lt3A_47 : i32 to vector<16xi32>
      %lt3A_49 = arith.cmpi slt, %sub3A_43, %lt3A_48 : vector<16xi32>
      %and3A_50 = arith.andi %ge3A_46, %lt3A_49 : vector<16xi1>
      %jit3A_51 = arith.constant 5120 : i32
      %broadcast_in_dim3A_52 = vector.broadcast %jit3A_51 : i32 to vector<16xi32>
      %select_n3A_53 = arith.select %and3A_50, %sub3A_43, %broadcast_in_dim3A_52 : vector<16xi1>, vector<16xi32>
      %swap3A_54 = arith.constant 16 : index
      %swap3A_55 = tpu.vector_load %arg9[%swap3A_54] {strides = array<i32>} : memref<80xi32, #tpu.memory_space<vmem>>, vector<16xi32>,
      %swap3A_56 = vector.shape_cast %swap3A_55 : vector<16xi32> to vector<16xi32>
      %swap3A_57 = vector.shape_cast %select_n3A_53 : vector<16xi32> to vector<16xi32>
      tpu.vector_store %arg9[%swap3A_54], %swap3A_57 {strides = array<i32>} : memref<80xi32, #tpu.memory_space<vmem>>, vector<16xi32>,
      %get3A_58 = arith.constant 32 : index
      %get3A_59 = tpu.vector_load %arg8[%get3A_58] {strides = array<i32>} : memref<80xi32, #tpu.memory_space<vmem>>, vector<16xi32>,
      %get3A_60 = vector.shape_cast %get3A_59 : vector<16xi32> to vector<16xi32>
      %sub3A_61 = vector.broadcast %mul3A_7 : i32 to vector<16xi32>
      %sub3A_62 = arith.subi %get3A_60, %sub3A_61 : vector<16xi32>
      %ge3A_63 = arith.constant 0 : i32
      %ge3A_64 = vector.broadcast %ge3A_63 : i32 to vector<16xi32>
      %ge3A_65 = arith.cmpi sge, %sub3A_62, %ge3A_64 : vector<16xi32>
      %lt3A_66 = arith.constant 5120 : i32
      %lt3A_67 = vector.broadcast %lt3A_66 : i32 to vector<16xi32>
      %lt3A_68 = arith.cmpi slt, %sub3A_62, %lt3A_67 : vector<16xi32>
      %and3A_69 = arith.andi %ge3A_65, %lt3A_68 : vector<16xi1>
      %jit3A_70 = arith.constant 5120 : i32
      %broadcast_in_dim3A_71 = vector.broadcast %jit3A_70 : i32 to vector<16xi32>
      %select_n3A_72 = arith.select %and3A_69, %sub3A_62, %broadcast_in_dim3A_71 : vector<16xi1>, vector<16xi32>
      %swap3A_73 = arith.constant 32 : index
      %swap3A_74 = tpu.vector_load %arg9[%swap3A_73] {strides = array<i32>} : memref<80xi32, #tpu.memory_space<vmem>>, vector<16xi32>,
      %swap3A_75 = vector.shape_cast %swap3A_74 : vector<16xi32> to vector<16xi32>
      %swap3A_76 = vector.shape_cast %select_n3A_72 : vector<16xi32> to vector<16xi32>
      tpu.vector_store %arg9[%swap3A_73], %swap3A_76 {strides = array<i32>} : memref<80xi32, #tpu.memory_space<vmem>>, vector<16xi32>,
      %get3A_77 = arith.constant 48 : index
      %get3A_78 = tpu.vector_load %arg8[%get3A_77] {strides = array<i32>} : memref<80xi32, #tpu.memory_space<vmem>>, vector<16xi32>,
      %get3A_79 = vector.shape_cast %get3A_78 : vector<16xi32> to vector<16xi32>
      %sub3A_80 = vector.broadcast %mul3A_7 : i32 to vector<16xi32>
      %sub3A_81 = arith.subi %get3A_79, %sub3A_80 : vector<16xi32>
      %ge3A_82 = arith.constant 0 : i32
      %ge3A_83 = vector.broadcast %ge3A_82 : i32 to vector<16xi32>
      %ge3A_84 = arith.cmpi sge, %sub3A_81, %ge3A_83 : vector<16xi32>
      %lt3A_85 = arith.constant 5120 : i32
      %lt3A_86 = vector.broadcast %lt3A_85 : i32 to vector<16xi32>
      %lt3A_87 = arith.cmpi slt, %sub3A_81, %lt3A_86 : vector<16xi32>
      %and3A_88 = arith.andi %ge3A_84, %lt3A_87 : vector<16xi1>
      %jit3A_89 = arith.constant 5120 : i32
      %broadcast_in_dim3A_90 = vector.broadcast %jit3A_89 : i32 to vector<16xi32>
      %select_n3A_91 = arith.select %and3A_88, %sub3A_81, %broadcast_in_dim3A_90 : vector<16xi1>, vector<16xi32>
      %swap3A_92 = arith.constant 48 : index
      %swap3A_93 = tpu.vector_load %arg9[%swap3A_92] {strides = array<i32>} : memref<80xi32, #tpu.memory_space<vmem>>, vector<16xi32>,
      %swap3A_94 = vector.shape_cast %swap3A_93 : vector<16xi32> to vector<16xi32>
      %swap3A_95 = vector.shape_cast %select_n3A_91 : vector<16xi32> to vector<16xi32>
      tpu.vector_store %arg9[%swap3A_92], %swap3A_95 {strides = array<i32>} : memref<80xi32, #tpu.memory_space<vmem>>, vector<16xi32>,
      %get3A_96 = arith.constant 64 : index
      %get3A_97 = tpu.vector_load %arg8[%get3A_96] {strides = array<i32>} : memref<80xi32, #tpu.memory_space<vmem>>, vector<16xi32>,
      %get3A_98 = vector.shape_cast %get3A_97 : vector<16xi32> to vector<16xi32>
      %sub3A_99 = vector.broadcast %mul3A_7 : i32 to vector<16xi32>
      %sub3A_100 = arith.subi %get3A_98, %sub3A_99 : vector<16xi32>
      %ge3A_101 = arith.constant 0 : i32
      %ge3A_102 = vector.broadcast %ge3A_101 : i32 to vector<16xi32>
      %ge3A_103 = arith.cmpi sge, %sub3A_100, %ge3A_102 : vector<16xi32>
      %lt3A_104 = arith.constant 5120 : i32
      %lt3A_105 = vector.broadcast %lt3A_104 : i32 to vector<16xi32>
      %lt3A_106 = arith.cmpi slt, %sub3A_100, %lt3A_105 : vector<16xi32>
      %and3A_107 = arith.andi %ge3A_103, %lt3A_106 : vector<16xi1>
      %jit3A_108 = arith.constant 5120 : i32
      %broadcast_in_dim3A_109 = vector.broadcast %jit3A_108 : i32 to vector<16xi32>
      %select_n3A_110 = arith.select %and3A_107, %sub3A_100, %broadcast_in_dim3A_109 : vector<16xi1>, vector<16xi32>
      %swap3A_111 = arith.constant 64 : index
      %swap3A_112 = tpu.vector_load %arg9[%swap3A_111] {strides = array<i32>} : memref<80xi32, #tpu.memory_space<vmem>>, vector<16xi32>,
      %swap3A_113 = vector.shape_cast %swap3A_112 : vector<16xi32> to vector<16xi32>
      %swap3A_114 = vector.shape_cast %select_n3A_110 : vector<16xi32> to vector<16xi32>
      tpu.vector_store %arg9[%swap3A_111], %swap3A_114 {strides = array<i32>} : memref<80xi32, #tpu.memory_space<vmem>>, vector<16xi32>,
      %dma_wait3A = arith.constant 0 : i32
      %dma_wait3A_115 = arith.constant 0 : i32
      %dma_wait3A_116 = tpu.memref_slice %arg4[%dma_wait3A, %dma_wait3A_115] : memref<10240x128xf32, #tpu.memory_space<hbm>> -> memref<10240x128xf32, #tpu.memory_space<hbm>>
      tpu.wait_indirect_dma semaphore(%arg13 : memref<!tpu.dma_semaphore, #tpu.memory_space<semaphore_mem>>) src(%dma_wait3A_116 : memref<10240x128xf32, #tpu.memory_space<hbm>>) dst(%arg10 : memref<80x128xf32, #tpu.memory_space<vmem>>)
      "tpu.region"() ({
        %run_scoped3A = tpu.sem_alloc : memref<!tpu.dma_semaphore, #tpu.memory_space<semaphore_mem>>
        %dma_start3A_117 = arith.constant 0 : i32
        %dma_start3A_118 = arith.constant 0 : i32
        %dma_start3A_119 = tpu.memref_slice %arg12[%dma_start3A_117, %dma_start3A_118] : memref<5248x128xf32, #tpu.memory_space<vmem_shared>> -> memref<5248x128xf32, #tpu.memory_space<vmem_shared>>
        tpu.enqueue_indirect_dma source(%arg10 : memref<80x128xf32, #tpu.memory_space<vmem>>) target(%dma_start3A_119 : memref<5248x128xf32, #tpu.memory_space<vmem_shared>>) offsets(%arg9 : memref<80xi32, #tpu.memory_space<vmem>>) semaphore(%run_scoped3A : memref<!tpu.dma_semaphore, #tpu.memory_space<semaphore_mem>>) {add = true}
        %dma_wait3A_120 = arith.constant 0 : i32
        %dma_wait3A_121 = arith.constant 0 : i32
        %dma_wait3A_122 = tpu.memref_slice %arg12[%dma_wait3A_120, %dma_wait3A_121] : memref<5248x128xf32, #tpu.memory_space<vmem_shared>> -> memref<5248x128xf32, #tpu.memory_space<vmem_shared>>
        tpu.wait_indirect_dma semaphore(%run_scoped3A : memref<!tpu.dma_semaphore, #tpu.memory_space<semaphore_mem>>) src(%arg10 : memref<80x128xf32, #tpu.memory_space<vmem>>) dst(%dma_wait3A_122 : memref<5248x128xf32, #tpu.memory_space<vmem_shared>>)
        tpu.yield
      }) : () -> ()
    }
    %scan3A_13 = arith.constant 250 : i32
    %barrier3A_14 = arith.constant 0 : index
    tpu.barrier barrier_id(%barrier3A_14)
    %eq3A = arith.constant 0 : i32
    %eq3A_15 = arith.cmpi eq, %arg0, %eq3A : i32
    %convert_element_type3A = arith.extui %eq3A_15 : i1 to i32
    %cond3A = arith.constant 0 : i32
    %cond3A_16 = arith.cmpi ne, %convert_element_type3A, %cond3A : i32
    scf.if %cond3A_16 {
      %mul3A_22 = arith.constant 328 : i32
      %mul3A_23 = arith.muli %arg1, %mul3A_22 : i32
      %mul3A_24 = arith.constant 328 : i32
      %mul3A_25 = arith.muli %arg1, %mul3A_24 : i32
      "tpu.region"() ({
        %run_scoped3A = tpu.sem_alloc : memref<!tpu.dma_semaphore, #tpu.memory_space<semaphore_mem>>
        %dma_start3A = arith.constant 0 : i32
        %dma_start3A_26 = tpu.memref_slice %arg5[%mul3A_25, %dma_start3A] : memref<5248x128xf32, #tpu.memory_space<hbm>> -> memref<328x128xf32, #tpu.memory_space<hbm>>
        %dma_start3A_27 = arith.constant 0 : i32
        %dma_start3A_28 = tpu.memref_slice %arg12[%mul3A_23, %dma_start3A_27] : memref<5248x128xf32, #tpu.memory_space<vmem_shared>> -> memref<328x128xf32, #tpu.memory_space<vmem_shared>>
        tpu.enqueue_dma source(%dma_start3A_28 : memref<328x128xf32, #tpu.memory_space<vmem_shared>>) target(%dma_start3A_26 : memref<328x128xf32, #tpu.memory_space<hbm>>) target_semaphore(%run_scoped3A : memref<!tpu.dma_semaphore, #tpu.memory_space<semaphore_mem>>)
        %dma_wait3A = arith.constant 0 : i32
        %dma_wait3A_29 = tpu.memref_slice %arg5[%mul3A_25, %dma_wait3A] : memref<5248x128xf32, #tpu.memory_space<hbm>> -> memref<328x128xf32, #tpu.memory_space<hbm>>
        %dma_wait3A_30 = arith.constant 0 : i32
        %dma_wait3A_31 = tpu.memref_slice %arg12[%mul3A_23, %dma_wait3A_30] : memref<5248x128xf32, #tpu.memory_space<vmem_shared>> -> memref<328x128xf32, #tpu.memory_space<vmem_shared>>
        tpu.wait_dma2 semaphore(%run_scoped3A : memref<!tpu.dma_semaphore, #tpu.memory_space<semaphore_mem>>) src(%dma_wait3A_31 : memref<328x128xf32, #tpu.memory_space<vmem_shared>>) dst(%dma_wait3A_29 : memref<328x128xf32, #tpu.memory_space<hbm>>)
        tpu.yield
      }) : () -> ()
    } else {
    }
    %eq3A_17 = arith.constant 1 : i32
    %eq3A_18 = arith.cmpi eq, %arg0, %eq3A_17 : i32
    %convert_element_type3A_19 = arith.extui %eq3A_18 : i1 to i32
    %cond3A_20 = arith.constant 0 : i32
    %cond3A_21 = arith.cmpi ne, %convert_element_type3A_19, %cond3A_20 : i32
    scf.if %cond3A_21 {
      %mul3A_22 = arith.constant 328 : i32
      %mul3A_23 = arith.muli %arg1, %mul3A_22 : i32
      %mul3A_24 = arith.constant 328 : i32
      %mul3A_25 = arith.muli %arg1, %mul3A_24 : i32
      "tpu.region"() ({
        %run_scoped3A = tpu.sem_alloc : memref<!tpu.dma_semaphore, #tpu.memory_space<semaphore_mem>>
        %dma_start3A = arith.constant 0 : i32
        %dma_start3A_26 = tpu.memref_slice %arg6[%mul3A_25, %dma_start3A] : memref<5248x128xf32, #tpu.memory_space<hbm>> -> memref<328x128xf32, #tpu.memory_space<hbm>>
        %dma_start3A_27 = arith.constant 0 : i32
        %dma_start3A_28 = tpu.memref_slice %arg12[%mul3A_23, %dma_start3A_27] : memref<5248x128xf32, #tpu.memory_space<vmem_shared>> -> memref<328x128xf32, #tpu.memory_space<vmem_shared>>
        tpu.enqueue_dma source(%dma_start3A_28 : memref<328x128xf32, #tpu.memory_space<vmem_shared>>) target(%dma_start3A_26 : memref<328x128xf32, #tpu.memory_space<hbm>>) target_semaphore(%run_scoped3A : memref<!tpu.dma_semaphore, #tpu.memory_space<semaphore_mem>>)
        %dma_wait3A = arith.constant 0 : i32
        %dma_wait3A_29 = tpu.memref_slice %arg6[%mul3A_25, %dma_wait3A] : memref<5248x128xf32, #tpu.memory_space<hbm>> -> memref<328x128xf32, #tpu.memory_space<hbm>>
        %dma_wait3A_30 = arith.constant 0 : i32
        %dma_wait3A_31 = tpu.memref_slice %arg12[%mul3A_23, %dma_wait3A_30] : memref<5248x128xf32, #tpu.memory_space<vmem_shared>> -> memref<328x128xf32, #tpu.memory_space<vmem_shared>>
        tpu.wait_dma2 semaphore(%run_scoped3A : memref<!tpu.dma_semaphore, #tpu.memory_space<semaphore_mem>>) src(%dma_wait3A_31 : memref<328x128xf32, #tpu.memory_space<vmem_shared>>) dst(%dma_wait3A_29 : memref<328x128xf32, #tpu.memory_space<hbm>>)
        tpu.yield
      }) : () -> ()
    } else {
    }
    return
  }
}

module attributes {stable_mosaic.version = 14 : i64} {
  func.func @_prep_body(%arg0: memref<800x128xf32, #tpu.memory_space<vmem>>, %arg1: memref<128x128xf32, #tpu.memory_space<vmem>>, %arg2: memref<128x128xf32, #tpu.memory_space<vmem>>, %arg3: memref<128x128xf32, #tpu.memory_space<vmem>>, %arg4: memref<128x128xf32, #tpu.memory_space<vmem>>, %arg5: memref<1x128xf32, #tpu.memory_space<vmem>>, %arg6: memref<1x128xf32, #tpu.memory_space<vmem>>, %arg7: memref<1x128xf32, #tpu.memory_space<vmem>>, %arg8: memref<800x128xf32, #tpu.memory_space<vmem>>, %arg9: memref<800x256xf32, #tpu.memory_space<vmem>>, %arg10: memref<800x128xf32, #tpu.memory_space<vmem>>, %arg11: memref<800x128xf32, #tpu.memory_space<vmem>>, %arg12: memref<800x128xf32, #tpu.memory_space<vmem>>) attributes {dimension_semantics = [], scalar_prefetch = 0 : i64, scratch_operands = 0 : i64, tpu.core_type = #tpu.core_type<tc>} {
    %get3A = arith.constant 0 : index
    %get3A_0 = arith.constant 0 : index
    %get3A_1 = vector.load %arg0[%get3A, %get3A_0] : memref<800x128xf32, #tpu.memory_space<vmem>>, vector<800x128xf32>
    %get3A_2 = arith.constant 0 : index
    %get3A_3 = arith.constant 0 : index
    %get3A_4 = vector.load %arg1[%get3A_2, %get3A_3] : memref<128x128xf32, #tpu.memory_space<vmem>>, vector<128x128xf32>
    %dot_general3A = arith.constant dense<0.000000e+00> : vector<800x128xf32>
    %dot_general3A_5 = tpu.matmul %get3A_1, %get3A_4, %dot_general3A {dimension_numbers = #tpu.dot_dimension_numbers<[1], [0], [0], [1], [0, 0, 1, 1], [], []>, transpose_lhs_hint = false} : vector<800x128xf32>, vector<128x128xf32>, vector<800x128xf32> -> vector<800x128xf32>
    %get3A_6 = arith.constant 0 : index
    %get3A_7 = arith.constant 0 : index
    %get3A_8 = vector.load %arg5[%get3A_6, %get3A_7] : memref<1x128xf32, #tpu.memory_space<vmem>>, vector<1x128xf32>
    %add3A = vector.broadcast %get3A_8 : vector<1x128xf32> to vector<800x128xf32>
    %add3A_9 = arith.addf %dot_general3A_5, %add3A : vector<800x128xf32>
    %get3A_10 = arith.constant 0 : index
    %get3A_11 = arith.constant 0 : index
    %get3A_12 = vector.load %arg2[%get3A_10, %get3A_11] : memref<128x128xf32, #tpu.memory_space<vmem>>, vector<128x128xf32>
    %dot_general3A_13 = arith.constant dense<0.000000e+00> : vector<800x128xf32>
    %dot_general3A_14 = tpu.matmul %get3A_1, %get3A_12, %dot_general3A_13 {dimension_numbers = #tpu.dot_dimension_numbers<[1], [0], [0], [1], [0, 0, 1, 1], [], []>, transpose_lhs_hint = false} : vector<800x128xf32>, vector<128x128xf32>, vector<800x128xf32> -> vector<800x128xf32>
    %get3A_15 = arith.constant 0 : index
    %get3A_16 = arith.constant 0 : index
    %get3A_17 = vector.load %arg6[%get3A_15, %get3A_16] : memref<1x128xf32, #tpu.memory_space<vmem>>, vector<1x128xf32>
    %add3A_18 = vector.broadcast %get3A_17 : vector<1x128xf32> to vector<800x128xf32>
    %add3A_19 = arith.addf %dot_general3A_14, %add3A_18 : vector<800x128xf32>
    %get3A_20 = arith.constant 0 : index
    %get3A_21 = arith.constant 0 : index
    %get3A_22 = vector.load %arg3[%get3A_20, %get3A_21] : memref<128x128xf32, #tpu.memory_space<vmem>>, vector<128x128xf32>
    %dot_general3A_23 = arith.constant dense<0.000000e+00> : vector<800x128xf32>
    %dot_general3A_24 = tpu.matmul %get3A_1, %get3A_22, %dot_general3A_23 {dimension_numbers = #tpu.dot_dimension_numbers<[1], [0], [0], [1], [0, 0, 1, 1], [], []>, transpose_lhs_hint = false} : vector<800x128xf32>, vector<128x128xf32>, vector<800x128xf32> -> vector<800x128xf32>
    %get3A_25 = arith.constant 0 : index
    %get3A_26 = arith.constant 0 : index
    %get3A_27 = vector.load %arg7[%get3A_25, %get3A_26] : memref<1x128xf32, #tpu.memory_space<vmem>>, vector<1x128xf32>
    %add3A_28 = vector.broadcast %get3A_27 : vector<1x128xf32> to vector<800x128xf32>
    %add3A_29 = arith.addf %dot_general3A_24, %add3A_28 : vector<800x128xf32>
    %neg3A = arith.constant 0.000000e+00 : f32
    %neg3A_30 = vector.broadcast %neg3A : f32 to vector<800x128xf32>
    %neg3A_31 = arith.subf %neg3A_30, %add3A_9 : vector<800x128xf32>
    %exp3A = math.exp %neg3A_31 : vector<800x128xf32>
    %add3A_32 = arith.constant 1.000000e+00 : f32
    %add3A_33 = vector.broadcast %add3A_32 : f32 to vector<800x128xf32>
    %add3A_34 = arith.addf %add3A_33, %exp3A : vector<800x128xf32>
    %div3A = arith.constant 1.000000e+00 : f32
    %div3A_35 = vector.broadcast %div3A : f32 to vector<800x128xf32>
    %div3A_36 = arith.divf %div3A_35, %add3A_34 : vector<800x128xf32>
    %tanh3A = math.tanh %add3A_19 : vector<800x128xf32>
    %mul3A = arith.mulf %div3A_36, %tanh3A : vector<800x128xf32>
    %get3A_37 = arith.constant 0 : index
    %get3A_38 = arith.constant 0 : index
    %get3A_39 = vector.load %arg4[%get3A_37, %get3A_38] : memref<128x128xf32, #tpu.memory_space<vmem>>, vector<128x128xf32>
    %dot_general3A_40 = arith.constant dense<0.000000e+00> : vector<800x128xf32>
    %dot_general3A_41 = tpu.matmul %mul3A, %get3A_39, %dot_general3A_40 {dimension_numbers = #tpu.dot_dimension_numbers<[1], [0], [0], [1], [0, 0, 1, 1], [], []>, transpose_lhs_hint = false} : vector<800x128xf32>, vector<128x128xf32>, vector<800x128xf32> -> vector<800x128xf32>
    %swap3A = arith.constant 0 : index
    %swap3A_42 = arith.constant 0 : index
    %swap3A_43 = vector.load %arg11[%swap3A, %swap3A_42] : memref<800x128xf32, #tpu.memory_space<vmem>>, vector<800x128xf32>
    tpu.vector_store %arg11[%swap3A, %swap3A_42], %add3A_9 {strides = array<i32>} : memref<800x128xf32, #tpu.memory_space<vmem>>, vector<800x128xf32>,
    %swap3A_44 = arith.constant 0 : index
    %swap3A_45 = arith.constant 0 : index
    %swap3A_46 = vector.load %arg12[%swap3A_44, %swap3A_45] : memref<800x128xf32, #tpu.memory_space<vmem>>, vector<800x128xf32>
    tpu.vector_store %arg12[%swap3A_44, %swap3A_45], %add3A_19 {strides = array<i32>} : memref<800x128xf32, #tpu.memory_space<vmem>>, vector<800x128xf32>,
    %swap3A_47 = arith.constant 0 : index
    %swap3A_48 = arith.constant 0 : index
    %swap3A_49 = vector.load %arg8[%swap3A_47, %swap3A_48] : memref<800x128xf32, #tpu.memory_space<vmem>>, vector<800x128xf32>
    tpu.vector_store %arg8[%swap3A_47, %swap3A_48], %mul3A {strides = array<i32>} : memref<800x128xf32, #tpu.memory_space<vmem>>, vector<800x128xf32>,
    %neg3A_50 = arith.constant 0.000000e+00 : f32
    %neg3A_51 = vector.broadcast %neg3A_50 : f32 to vector<800x128xf32>
    %neg3A_52 = arith.subf %neg3A_51, %dot_general3A_41 : vector<800x128xf32>
    %concatenate3A = tpu.concatenate %mul3A, %neg3A_52 in 1 : vector<800x128xf32>, vector<800x128xf32> -> vector<800x256xf32>
    %swap3A_53 = arith.constant 0 : index
    %swap3A_54 = arith.constant 0 : index
    %swap3A_55 = vector.load %arg9[%swap3A_53, %swap3A_54] : memref<800x256xf32, #tpu.memory_space<vmem>>, vector<800x256xf32>
    tpu.vector_store %arg9[%swap3A_53, %swap3A_54], %concatenate3A {strides = array<i32>} : memref<800x256xf32, #tpu.memory_space<vmem>>, vector<800x256xf32>,
    %neg3A_56 = arith.constant 0.000000e+00 : f32
    %neg3A_57 = vector.broadcast %neg3A_56 : f32 to vector<800x128xf32>
    %neg3A_58 = arith.subf %neg3A_57, %add3A_29 : vector<800x128xf32>
    %swap3A_59 = arith.constant 0 : index
    %swap3A_60 = arith.constant 0 : index
    %swap3A_61 = vector.load %arg10[%swap3A_59, %swap3A_60] : memref<800x128xf32, #tpu.memory_space<vmem>>, vector<800x128xf32>
    tpu.vector_store %arg10[%swap3A_59, %swap3A_60], %neg3A_58 {strides = array<i32>} : memref<800x128xf32, #tpu.memory_space<vmem>>, vector<800x128xf32>,
    return
  }
}

module attributes {stable_mosaic.version = 14 : i64} {
  func.func @_mid_body(%arg0: i32, %arg1: memref<1000x128xf32, #tpu.memory_space<vmem>>, %arg2: memref<1000x128xf32, #tpu.memory_space<vmem>>, %arg3: memref<1000x128xf32, #tpu.memory_space<vmem>>, %arg4: memref<1000x128xf32, #tpu.memory_space<vmem>>, %arg5: memref<128x128xf32, #tpu.memory_space<vmem>>, %arg6: memref<128x128xf32, #tpu.memory_space<vmem>>, %arg7: memref<1000x128xf32, #tpu.memory_space<vmem>>) attributes {dimension_semantics = [#tpu.dimension_semantics<arbitrary>], iteration_bounds = array<i64: 10>, scalar_prefetch = 0 : i64, scratch_operands = 0 : i64, tpu.core_type = #tpu.core_type<tc>, window_params = [{transform_indices = @transform_0, window_bounds = array<i64: 1000, 128>}, {transform_indices = @transform_1, window_bounds = array<i64: 1000, 128>}, {transform_indices = @transform_2, window_bounds = array<i64: 1000, 128>}, {transform_indices = @transform_3, window_bounds = array<i64: 1000, 128>}, {pipeline_mode = #tpu.pipeline_mode<synchronous>, transform_indices = @transform_4, window_bounds = array<i64: 128, 128>}, {pipeline_mode = #tpu.pipeline_mode<synchronous>, transform_indices = @transform_5, window_bounds = array<i64: 128, 128>}, {transform_indices = @transform_6, window_bounds = array<i64: 1000, 128>}]} {
    %get3A = arith.constant 0 : index
    %get3A_0 = arith.constant 0 : index
    %get3A_1 = vector.load %arg1[%get3A, %get3A_0] : memref<1000x128xf32, #tpu.memory_space<vmem>>, vector<1000x128xf32>
    %get3A_2 = arith.constant 0 : index
    %get3A_3 = arith.constant 0 : index
    %get3A_4 = vector.load %arg2[%get3A_2, %get3A_3] : memref<1000x128xf32, #tpu.memory_space<vmem>>, vector<1000x128xf32>
    %get3A_5 = arith.constant 0 : index
    %get3A_6 = arith.constant 0 : index
    %get3A_7 = vector.load %arg3[%get3A_5, %get3A_6] : memref<1000x128xf32, #tpu.memory_space<vmem>>, vector<1000x128xf32>
    %get3A_8 = arith.constant 0 : index
    %get3A_9 = arith.constant 0 : index
    %get3A_10 = vector.load %arg5[%get3A_8, %get3A_9] : memref<128x128xf32, #tpu.memory_space<vmem>>, vector<128x128xf32>
    %dot_general3A = arith.constant dense<0.000000e+00> : vector<1000x128xf32>
    %dot_general3A_11 = tpu.matmul %get3A_1, %get3A_10, %dot_general3A {dimension_numbers = #tpu.dot_dimension_numbers<[1], [0], [0], [1], [0, 0, 1, 1], [], []>, transpose_lhs_hint = false} : vector<1000x128xf32>, vector<128x128xf32>, vector<1000x128xf32> -> vector<1000x128xf32>
    %add3A = arith.addf %get3A_7, %dot_general3A_11 : vector<1000x128xf32>
    %neg3A = arith.constant 0.000000e+00 : f32
    %neg3A_12 = vector.broadcast %neg3A : f32 to vector<1000x128xf32>
    %neg3A_13 = arith.subf %neg3A_12, %add3A : vector<1000x128xf32>
    %exp3A = math.exp %neg3A_13 : vector<1000x128xf32>
    %add3A_14 = arith.constant 1.000000e+00 : f32
    %add3A_15 = vector.broadcast %add3A_14 : f32 to vector<1000x128xf32>
    %add3A_16 = arith.addf %add3A_15, %exp3A : vector<1000x128xf32>
    %div3A = arith.constant 1.000000e+00 : f32
    %div3A_17 = vector.broadcast %div3A : f32 to vector<1000x128xf32>
    %div3A_18 = arith.divf %div3A_17, %add3A_16 : vector<1000x128xf32>
    %get3A_19 = arith.constant 0 : index
    %get3A_20 = arith.constant 0 : index
    %get3A_21 = vector.load %arg4[%get3A_19, %get3A_20] : memref<1000x128xf32, #tpu.memory_space<vmem>>, vector<1000x128xf32>
    %get3A_22 = arith.constant 0 : index
    %get3A_23 = arith.constant 0 : index
    %get3A_24 = vector.load %arg6[%get3A_22, %get3A_23] : memref<128x128xf32, #tpu.memory_space<vmem>>, vector<128x128xf32>
    %dot_general3A_25 = arith.constant dense<0.000000e+00> : vector<1000x128xf32>
    %dot_general3A_26 = tpu.matmul %get3A_4, %get3A_24, %dot_general3A_25 {dimension_numbers = #tpu.dot_dimension_numbers<[1], [0], [0], [1], [0, 0, 1, 1], [], []>, transpose_lhs_hint = false} : vector<1000x128xf32>, vector<128x128xf32>, vector<1000x128xf32> -> vector<1000x128xf32>
    %add3A_27 = arith.addf %get3A_21, %dot_general3A_26 : vector<1000x128xf32>
    %tanh3A = math.tanh %add3A_27 : vector<1000x128xf32>
    %sub3A = arith.constant 1.000000e+00 : f32
    %sub3A_28 = vector.broadcast %sub3A : f32 to vector<1000x128xf32>
    %sub3A_29 = arith.subf %sub3A_28, %div3A_18 : vector<1000x128xf32>
    %mul3A = arith.mulf %sub3A_29, %get3A_1 : vector<1000x128xf32>
    %mul3A_30 = arith.mulf %div3A_18, %tanh3A : vector<1000x128xf32>
    %add3A_31 = arith.addf %mul3A, %mul3A_30 : vector<1000x128xf32>
    %swap3A = arith.constant 0 : index
    %swap3A_32 = arith.constant 0 : index
    %swap3A_33 = vector.load %arg7[%swap3A, %swap3A_32] : memref<1000x128xf32, #tpu.memory_space<vmem>>, vector<1000x128xf32>
    tpu.vector_store %arg7[%swap3A, %swap3A_32], %add3A_31 {strides = array<i32>} : memref<1000x128xf32, #tpu.memory_space<vmem>>, vector<1000x128xf32>,
    return
  }
  func.func @transform_0(%arg0: i32) -> (i32, i32) {
    %c0_i32 = arith.constant 0 : i32
    %c0_i32_0 = arith.constant 0 : i32
    return %arg0, %c0_i32 : i32, i32
  }
  func.func @transform_1(%arg0: i32) -> (i32, i32) {
    %c0_i32 = arith.constant 0 : i32
    %c0_i32_0 = arith.constant 0 : i32
    return %arg0, %c0_i32 : i32, i32
  }
  func.func @transform_2(%arg0: i32) -> (i32, i32) {
    %c0_i32 = arith.constant 0 : i32
    %c0_i32_0 = arith.constant 0 : i32
    return %arg0, %c0_i32 : i32, i32
  }
  func.func @transform_3(%arg0: i32) -> (i32, i32) {
    %c0_i32 = arith.constant 0 : i32
    %c0_i32_0 = arith.constant 0 : i32
    return %arg0, %c0_i32 : i32, i32
  }
  func.func @transform_4(%arg0: i32) -> (i32, i32) {
    %c0_i32 = arith.constant 0 : i32
    %c0_i32_0 = arith.constant 0 : i32
    %c0_i32_1 = arith.constant 0 : i32
    return %c0_i32, %c0_i32_0 : i32, i32
  }
  func.func @transform_5(%arg0: i32) -> (i32, i32) {
    %c0_i32 = arith.constant 0 : i32
    %c0_i32_0 = arith.constant 0 : i32
    %c0_i32_1 = arith.constant 0 : i32
    return %c0_i32, %c0_i32_0 : i32, i32
  }
  func.func @transform_6(%arg0: i32) -> (i32, i32) {
    %c0_i32 = arith.constant 0 : i32
    %c0_i32_0 = arith.constant 0 : i32
    return %arg0, %c0_i32 : i32, i32
  }
}

module attributes {stable_mosaic.version = 14 : i64} {
  func.func @_final_body(%arg0: i32, %arg1: memref<1000x128xf32, #tpu.memory_space<vmem>>, %arg2: memref<1000x128xf32, #tpu.memory_space<vmem>>, %arg3: memref<1000x128xf32, #tpu.memory_space<vmem>>, %arg4: memref<1x1000x1xi32, #tpu.memory_space<vmem>>, %arg5: memref<1x1000x1xi32, #tpu.memory_space<vmem>>, %arg6: memref<128x128xf32, #tpu.memory_space<vmem>>, %arg7: memref<128x128xf32, #tpu.memory_space<vmem>>, %arg8: memref<1x128xf32, #tpu.memory_space<vmem>>, %arg9: memref<128x128xf32, #tpu.memory_space<vmem>>, %arg10: memref<128x128xf32, #tpu.memory_space<vmem>>, %arg11: memref<128x128xf32, #tpu.memory_space<vmem>>, %arg12: memref<1x128xf32, #tpu.memory_space<vmem>>, %arg13: memref<128x800xf32, #tpu.memory_space<vmem>>, %arg14: memref<1x800xf32, #tpu.memory_space<vmem>>, %arg15: memref<1x128xf32, #tpu.memory_space<vmem>>, %arg16: memref<1x128xf32, #tpu.memory_space<vmem>>, %arg17: memref<1x128xf32, #tpu.memory_space<vmem>>) attributes {dimension_semantics = [#tpu.dimension_semantics<arbitrary>], iteration_bounds = array<i64: 10>, scalar_prefetch = 0 : i64, scratch_operands = 0 : i64, tpu.core_type = #tpu.core_type<tc>, window_params = [{transform_indices = @transform_0, window_bounds = array<i64: 1000, 128>}, {transform_indices = @transform_1, window_bounds = array<i64: 1000, 128>}, {transform_indices = @transform_2, window_bounds = array<i64: 1000, 128>}, {transform_indices = @transform_3, window_bounds = array<i64: 1, 1000, 1>}, {transform_indices = @transform_4, window_bounds = array<i64: 1, 1000, 1>}, {pipeline_mode = #tpu.pipeline_mode<synchronous>, transform_indices = @transform_5, window_bounds = array<i64: 128, 128>}, {pipeline_mode = #tpu.pipeline_mode<synchronous>, transform_indices = @transform_6, window_bounds = array<i64: 128, 128>}, {pipeline_mode = #tpu.pipeline_mode<synchronous>, transform_indices = @transform_7, window_bounds = array<i64: 1, 128>}, {pipeline_mode = #tpu.pipeline_mode<synchronous>, transform_indices = @transform_8, window_bounds = array<i64: 128, 128>}, {pipeline_mode = #tpu.pipeline_mode<synchronous>, transform_indices = @transform_9, window_bounds = array<i64: 128, 128>}, {pipeline_mode = #tpu.pipeline_mode<synchronous>, transform_indices = @transform_10, window_bounds = array<i64: 128, 128>}, {pipeline_mode = #tpu.pipeline_mode<synchronous>, transform_indices = @transform_11, window_bounds = array<i64: 1, 128>}, {pipeline_mode = #tpu.pipeline_mode<synchronous>, transform_indices = @transform_12, window_bounds = array<i64: 128, 800>}, {pipeline_mode = #tpu.pipeline_mode<synchronous>, transform_indices = @transform_13, window_bounds = array<i64: 1, 800>}, {pipeline_mode = #tpu.pipeline_mode<synchronous>, transform_indices = @transform_14, window_bounds = array<i64: 1, 128>}, {pipeline_mode = #tpu.pipeline_mode<synchronous>, transform_indices = @transform_15, window_bounds = array<i64: 1, 128>}, {pipeline_mode = #tpu.pipeline_mode<synchronous>, transform_indices = @transform_16, window_bounds = array<i64: 1, 128>}]} {
    %get3A = arith.constant 0 : index
    %get3A_0 = arith.constant 0 : index
    %get3A_1 = vector.load %arg1[%get3A, %get3A_0] : memref<1000x128xf32, #tpu.memory_space<vmem>>, vector<1000x128xf32>
    %get3A_2 = arith.constant 0 : index
    %get3A_3 = arith.constant 0 : index
    %get3A_4 = vector.load %arg2[%get3A_2, %get3A_3] : memref<1000x128xf32, #tpu.memory_space<vmem>>, vector<1000x128xf32>
    %get3A_5 = arith.constant 0 : index
    %get3A_6 = arith.constant 0 : index
    %get3A_7 = vector.load %arg3[%get3A_5, %get3A_6] : memref<1000x128xf32, #tpu.memory_space<vmem>>, vector<1000x128xf32>
    %get3A_8 = arith.constant 0 : index
    %get3A_9 = arith.constant 0 : index
    %get3A_10 = vector.load %arg6[%get3A_8, %get3A_9] : memref<128x128xf32, #tpu.memory_space<vmem>>, vector<128x128xf32>
    %dot_general3A = arith.constant dense<0.000000e+00> : vector<1000x128xf32>
    %dot_general3A_11 = tpu.matmul %get3A_1, %get3A_10, %dot_general3A {dimension_numbers = #tpu.dot_dimension_numbers<[1], [0], [0], [1], [0, 0, 1, 1], [], []>, transpose_lhs_hint = false} : vector<1000x128xf32>, vector<128x128xf32>, vector<1000x128xf32> -> vector<1000x128xf32>
    %get3A_12 = arith.constant 0 : index
    %get3A_13 = arith.constant 0 : index
    %get3A_14 = vector.load %arg7[%get3A_12, %get3A_13] : memref<128x128xf32, #tpu.memory_space<vmem>>, vector<128x128xf32>
    %dot_general3A_15 = arith.constant dense<0.000000e+00> : vector<1000x128xf32>
    %dot_general3A_16 = tpu.matmul %get3A_7, %get3A_14, %dot_general3A_15 {dimension_numbers = #tpu.dot_dimension_numbers<[1], [0], [0], [1], [0, 0, 1, 1], [], []>, transpose_lhs_hint = false} : vector<1000x128xf32>, vector<128x128xf32>, vector<1000x128xf32> -> vector<1000x128xf32>
    %add3A = arith.addf %dot_general3A_11, %dot_general3A_16 : vector<1000x128xf32>
    %get3A_17 = arith.constant 0 : index
    %get3A_18 = arith.constant 0 : index
    %get3A_19 = vector.load %arg8[%get3A_17, %get3A_18] : memref<1x128xf32, #tpu.memory_space<vmem>>, vector<1x128xf32>
    %add3A_20 = vector.broadcast %get3A_19 : vector<1x128xf32> to vector<1000x128xf32>
    %add3A_21 = arith.addf %add3A, %add3A_20 : vector<1000x128xf32>
    %max3A = arith.constant 0.000000e+00 : f32
    %max3A_22 = vector.broadcast %max3A : f32 to vector<1000x128xf32>
    %max3A_23 = arith.maximumf %add3A_21, %max3A_22 : vector<1000x128xf32>
    %get3A_24 = arith.constant 0 : index
    %get3A_25 = arith.constant 0 : index
    %get3A_26 = vector.load %arg13[%get3A_24, %get3A_25] : memref<128x800xf32, #tpu.memory_space<vmem>>, vector<128x800xf32>
    %dot_general3A_27 = arith.constant dense<0.000000e+00> : vector<1000x800xf32>
    %dot_general3A_28 = tpu.matmul %max3A_23, %get3A_26, %dot_general3A_27 {dimension_numbers = #tpu.dot_dimension_numbers<[1], [0], [0], [1], [0, 0, 1, 1], [], []>, transpose_lhs_hint = false} : vector<1000x128xf32>, vector<128x800xf32>, vector<1000x800xf32> -> vector<1000x800xf32>
    %get3A_29 = arith.constant 0 : index
    %get3A_30 = arith.constant 0 : index
    %get3A_31 = vector.load %arg14[%get3A_29, %get3A_30] : memref<1x800xf32, #tpu.memory_space<vmem>>, vector<1x800xf32>
    %add3A_32 = vector.broadcast %get3A_31 : vector<1x800xf32> to vector<1000x800xf32>
    %add3A_33 = arith.addf %dot_general3A_28, %add3A_32 : vector<1000x800xf32>
    %get3A_34 = arith.constant 0 : index
    %get3A_35 = arith.constant 0 : index
    %get3A_36 = arith.constant 0 : index
    %get3A_37 = vector.load %arg4[%get3A_34, %get3A_35, %get3A_36] : memref<1x1000x1xi32, #tpu.memory_space<vmem>>, vector<1x1000x1xi32>
    %get3A_38 = vector.shape_cast %get3A_37 : vector<1x1000x1xi32> to vector<1000x1xi32>
    %get3A_39 = arith.constant 0 : index
    %get3A_40 = arith.constant 0 : index
    %get3A_41 = arith.constant 0 : index
    %get3A_42 = vector.load %arg5[%get3A_39, %get3A_40, %get3A_41] : memref<1x1000x1xi32, #tpu.memory_space<vmem>>, vector<1x1000x1xi32>
    %get3A_43 = vector.shape_cast %get3A_42 : vector<1x1000x1xi32> to vector<1000x1xi32>
    %reduce_max3A = arith.constant dense<0xFF800000> : vector<1000xf32>
    %reduce_max3A_44 = vector.multi_reduction <maximumf>, %add3A_33, %reduce_max3A [1] : vector<1000x800xf32> to vector<1000xf32>
    %broadcast_in_dim3A = vector.shape_cast %reduce_max3A_44 : vector<1000xf32> to vector<1000x1xf32>
    %squeeze3A = vector.shape_cast %broadcast_in_dim3A : vector<1000x1xf32> to vector<1000xf32>
    %sub3A = vector.broadcast %broadcast_in_dim3A : vector<1000x1xf32> to vector<1000x800xf32>
    %sub3A_45 = arith.subf %add3A_33, %sub3A : vector<1000x800xf32>
    %exp3A = math.exp %sub3A_45 : vector<1000x800xf32>
    %reduce_sum3A = arith.constant dense<0.000000e+00> : vector<1000xf32>
    %reduce_sum3A_46 = vector.multi_reduction <add>, %exp3A, %reduce_sum3A [1] : vector<1000x800xf32> to vector<1000xf32>
    %log3A = math.log %reduce_sum3A_46 : vector<1000xf32>
    %add3A_47 = arith.addf %squeeze3A, %log3A : vector<1000xf32>
    %iota3A = tpu.iota {dimensions = array<i32: 1>} : vector<1000x800xi32>
    %eq3A = vector.broadcast %get3A_38 : vector<1000x1xi32> to vector<1000x800xi32>
    %eq3A_48 = arith.cmpi eq, %iota3A, %eq3A : vector<1000x800xi32>
    %jit3A = arith.constant 0.000000e+00 : f32
    %broadcast_in_dim3A_49 = vector.broadcast %jit3A : f32 to vector<1000x800xf32>
    %select_n3A = arith.select %eq3A_48, %add3A_33, %broadcast_in_dim3A_49 : vector<1000x800xi1>, vector<1000x800xf32>
    %reduce_sum3A_50 = arith.constant dense<0.000000e+00> : vector<1000xf32>
    %reduce_sum3A_51 = vector.multi_reduction <add>, %select_n3A, %reduce_sum3A_50 [1] : vector<1000x800xf32> to vector<1000xf32>
    %sub3A_52 = arith.subf %add3A_47, %reduce_sum3A_51 : vector<1000xf32>
    %reduce_sum3A_53 = vector.shape_cast %sub3A_52 : vector<1000xf32> to vector<1x1000xf32>
    %reduce_sum3A_54 = arith.constant dense<0.000000e+00> : vector<1xf32>
    %reduce_sum3A_55 = vector.multi_reduction <add>, %reduce_sum3A_53, %reduce_sum3A_54 [1] : vector<1x1000xf32> to vector<1xf32>
    %reduce_sum3A_56 = vector.shape_cast %reduce_sum3A_55 : vector<1xf32> to vector<1x1xf32>
    %reduce_sum3A_57 = vector.extract %reduce_sum3A_56[0, 0] : f32 from vector<1x1xf32>
    %eq3A_58 = vector.broadcast %broadcast_in_dim3A : vector<1000x1xf32> to vector<1000x800xf32>
    %eq3A_59 = arith.cmpf oeq, %add3A_33, %eq3A_58 : vector<1000x800xf32>
    %jit3A_60 = arith.constant 800 : i32
    %broadcast_in_dim3A_61 = vector.broadcast %jit3A_60 : i32 to vector<1000x800xi32>
    %select_n3A_62 = arith.select %eq3A_59, %iota3A, %broadcast_in_dim3A_61 : vector<1000x800xi1>, vector<1000x800xi32>
    %reduce_min3A = arith.constant dense<2147483647> : vector<1000xi32>
    %reduce_min3A_63 = vector.multi_reduction <minsi>, %select_n3A_62, %reduce_min3A [1] : vector<1000x800xi32> to vector<1000xi32>
    %broadcast_in_dim3A_64 = vector.shape_cast %reduce_min3A_63 : vector<1000xi32> to vector<1000x1xi32>
    %eq3A_65 = arith.cmpi eq, %broadcast_in_dim3A_64, %get3A_38 : vector<1000x1xi32>
    %convert_element_type3A = arith.extui %eq3A_65 : vector<1000x1xi1> to vector<1000x1xi32>
    %convert_element_type3A_66 = arith.sitofp %convert_element_type3A : vector<1000x1xi32> to vector<1000x1xf32>
    %reduce_sum3A_67 = vector.shape_cast %convert_element_type3A_66 : vector<1000x1xf32> to vector<1x1000x1xf32>
    %reduce_sum3A_68 = arith.constant dense<0.000000e+00> : vector<1xf32>
    %reduce_sum3A_69 = vector.multi_reduction <add>, %reduce_sum3A_67, %reduce_sum3A_68 [1, 2] : vector<1x1000x1xf32> to vector<1xf32>
    %reduce_sum3A_70 = vector.shape_cast %reduce_sum3A_69 : vector<1xf32> to vector<1x1x1xf32>
    %reduce_sum3A_71 = vector.extract %reduce_sum3A_70[0, 0, 0] : f32 from vector<1x1x1xf32>
    %get3A_72 = arith.constant 0 : index
    %get3A_73 = arith.constant 0 : index
    %get3A_74 = vector.load %arg9[%get3A_72, %get3A_73] : memref<128x128xf32, #tpu.memory_space<vmem>>, vector<128x128xf32>
    %dot_general3A_75 = arith.constant dense<0.000000e+00> : vector<1000x128xf32>
    %dot_general3A_76 = tpu.matmul %get3A_4, %get3A_74, %dot_general3A_75 {dimension_numbers = #tpu.dot_dimension_numbers<[1], [0], [0], [1], [0, 0, 1, 1], [], []>, transpose_lhs_hint = false} : vector<1000x128xf32>, vector<128x128xf32>, vector<1000x128xf32> -> vector<1000x128xf32>
    %get3A_77 = arith.constant 0 : index
    %get3A_78 = arith.constant 0 : index
    %get3A_79 = vector.load %arg10[%get3A_77, %get3A_78] : memref<128x128xf32, #tpu.memory_space<vmem>>, vector<128x128xf32>
    %dot_general3A_80 = arith.constant dense<0.000000e+00> : vector<1000x128xf32>
    %dot_general3A_81 = tpu.matmul %get3A_1, %get3A_79, %dot_general3A_80 {dimension_numbers = #tpu.dot_dimension_numbers<[1], [0], [0], [1], [0, 0, 1, 1], [], []>, transpose_lhs_hint = false} : vector<1000x128xf32>, vector<128x128xf32>, vector<1000x128xf32> -> vector<1000x128xf32>
    %add3A_82 = arith.addf %dot_general3A_76, %dot_general3A_81 : vector<1000x128xf32>
    %get3A_83 = arith.constant 0 : index
    %get3A_84 = arith.constant 0 : index
    %get3A_85 = vector.load %arg11[%get3A_83, %get3A_84] : memref<128x128xf32, #tpu.memory_space<vmem>>, vector<128x128xf32>
    %dot_general3A_86 = arith.constant dense<0.000000e+00> : vector<1000x128xf32>
    %dot_general3A_87 = tpu.matmul %get3A_7, %get3A_85, %dot_general3A_86 {dimension_numbers = #tpu.dot_dimension_numbers<[1], [0], [0], [1], [0, 0, 1, 1], [], []>, transpose_lhs_hint = false} : vector<1000x128xf32>, vector<128x128xf32>, vector<1000x128xf32> -> vector<1000x128xf32>
    %add3A_88 = arith.addf %add3A_82, %dot_general3A_87 : vector<1000x128xf32>
    %get3A_89 = arith.constant 0 : index
    %get3A_90 = arith.constant 0 : index
    %get3A_91 = vector.load %arg12[%get3A_89, %get3A_90] : memref<1x128xf32, #tpu.memory_space<vmem>>, vector<1x128xf32>
    %add3A_92 = vector.broadcast %get3A_91 : vector<1x128xf32> to vector<1000x128xf32>
    %add3A_93 = arith.addf %add3A_88, %add3A_92 : vector<1000x128xf32>
    %max3A_94 = arith.constant 0.000000e+00 : f32
    %max3A_95 = vector.broadcast %max3A_94 : f32 to vector<1000x128xf32>
    %max3A_96 = arith.maximumf %add3A_93, %max3A_95 : vector<1000x128xf32>
    %get3A_97 = arith.constant 0 : index
    %get3A_98 = arith.constant 0 : index
    %get3A_99 = vector.load %arg15[%get3A_97, %get3A_98] : memref<1x128xf32, #tpu.memory_space<vmem>>, vector<1x128xf32>
    %mul3A = vector.broadcast %get3A_99 : vector<1x128xf32> to vector<1000x128xf32>
    %mul3A_100 = arith.mulf %max3A_96, %mul3A : vector<1000x128xf32>
    %reduce_sum3A_101 = arith.constant dense<0.000000e+00> : vector<1000xf32>
    %reduce_sum3A_102 = vector.multi_reduction <add>, %mul3A_100, %reduce_sum3A_101 [1] : vector<1000x128xf32> to vector<1000xf32>
    %broadcast_in_dim3A_103 = vector.shape_cast %reduce_sum3A_102 : vector<1000xf32> to vector<1000x1xf32>
    %get3A_104 = arith.constant 0 : index
    %get3A_105 = arith.constant 0 : index
    %get3A_106 = vector.load %arg16[%get3A_104, %get3A_105] : memref<1x128xf32, #tpu.memory_space<vmem>>, vector<1x1xf32>
    %get3A_107 = vector.extract %get3A_106[0, 0] : f32 from vector<1x1xf32>
    %add3A_108 = vector.broadcast %get3A_107 : f32 to vector<1000x1xf32>
    %add3A_109 = arith.addf %broadcast_in_dim3A_103, %add3A_108 : vector<1000x1xf32>
    %convert_element_type3A_110 = arith.sitofp %get3A_43 : vector<1000x1xi32> to vector<1000x1xf32>
    %max3A_111 = arith.constant 0.000000e+00 : f32
    %max3A_112 = vector.broadcast %max3A_111 : f32 to vector<1000x1xf32>
    %max3A_113 = arith.maximumf %add3A_109, %max3A_112 : vector<1000x1xf32>
    %mul3A_114 = arith.mulf %add3A_109, %convert_element_type3A_110 : vector<1000x1xf32>
    %sub3A_115 = arith.subf %max3A_113, %mul3A_114 : vector<1000x1xf32>
    %abs3A = math.absf %add3A_109 : vector<1000x1xf32>
    %neg3A = arith.constant 0.000000e+00 : f32
    %neg3A_116 = vector.broadcast %neg3A : f32 to vector<1000x1xf32>
    %neg3A_117 = arith.subf %neg3A_116, %abs3A : vector<1000x1xf32>
    %exp3A_118 = math.exp %neg3A_117 : vector<1000x1xf32>
    %add3A_119 = arith.constant 1.000000e+00 : f32
    %add3A_120 = vector.broadcast %add3A_119 : f32 to vector<1000x1xf32>
    %add3A_121 = arith.addf %add3A_120, %exp3A_118 : vector<1000x1xf32>
    %log3A_122 = math.log %add3A_121 : vector<1000x1xf32>
    %add3A_123 = arith.addf %sub3A_115, %log3A_122 : vector<1000x1xf32>
    %reduce_sum3A_124 = vector.shape_cast %add3A_123 : vector<1000x1xf32> to vector<1x1000x1xf32>
    %reduce_sum3A_125 = arith.constant dense<0.000000e+00> : vector<1xf32>
    %reduce_sum3A_126 = vector.multi_reduction <add>, %reduce_sum3A_124, %reduce_sum3A_125 [1, 2] : vector<1x1000x1xf32> to vector<1xf32>
    %reduce_sum3A_127 = vector.shape_cast %reduce_sum3A_126 : vector<1xf32> to vector<1x1x1xf32>
    %reduce_sum3A_128 = vector.extract %reduce_sum3A_127[0, 0, 0] : f32 from vector<1x1x1xf32>
    %gt3A = arith.constant 0.000000e+00 : f32
    %gt3A_129 = vector.broadcast %gt3A : f32 to vector<1000x1xf32>
    %gt3A_130 = arith.cmpf ogt, %add3A_109, %gt3A_129 : vector<1000x1xf32>
    %convert_element_type3A_131 = arith.extui %gt3A_130 : vector<1000x1xi1> to vector<1000x1xi32>
    %eq3A_132 = arith.cmpi eq, %convert_element_type3A_131, %get3A_43 : vector<1000x1xi32>
    %convert_element_type3A_133 = arith.extui %eq3A_132 : vector<1000x1xi1> to vector<1000x1xi32>
    %convert_element_type3A_134 = arith.sitofp %convert_element_type3A_133 : vector<1000x1xi32> to vector<1000x1xf32>
    %reduce_sum3A_135 = vector.shape_cast %convert_element_type3A_134 : vector<1000x1xf32> to vector<1x1000x1xf32>
    %reduce_sum3A_136 = arith.constant dense<0.000000e+00> : vector<1xf32>
    %reduce_sum3A_137 = vector.multi_reduction <add>, %reduce_sum3A_135, %reduce_sum3A_136 [1, 2] : vector<1x1000x1xf32> to vector<1xf32>
    %reduce_sum3A_138 = vector.shape_cast %reduce_sum3A_137 : vector<1xf32> to vector<1x1x1xf32>
    %reduce_sum3A_139 = vector.extract %reduce_sum3A_138[0, 0, 0] : f32 from vector<1x1x1xf32>
    %iota3A_140 = tpu.iota {dimensions = array<i32: 1>} : vector<1x128xi32>
    %eq3A_141 = arith.constant 0 : i32
    %eq3A_142 = vector.broadcast %eq3A_141 : i32 to vector<1x128xi32>
    %eq3A_143 = arith.cmpi eq, %iota3A_140, %eq3A_142 : vector<1x128xi32>
    %div3A = arith.constant 5.120000e+02 : f32
    %div3A_144 = arith.divf %reduce_sum3A_57, %div3A : f32
    %jit3A_145 = arith.constant 0.000000e+00 : f32
    %broadcast_in_dim3A_146 = vector.broadcast %div3A_144 : f32 to vector<1x128xf32>
    %broadcast_in_dim3A_147 = vector.broadcast %jit3A_145 : f32 to vector<1x128xf32>
    %select_n3A_148 = arith.select %eq3A_143, %broadcast_in_dim3A_146, %broadcast_in_dim3A_147 : vector<1x128xi1>, vector<1x128xf32>
    %eq3A_149 = arith.constant 1 : i32
    %eq3A_150 = vector.broadcast %eq3A_149 : i32 to vector<1x128xi32>
    %eq3A_151 = arith.cmpi eq, %iota3A_140, %eq3A_150 : vector<1x128xi32>
    %div3A_152 = arith.constant 5.120000e+02 : f32
    %div3A_153 = arith.divf %reduce_sum3A_128, %div3A_152 : f32
    %jit3A_154 = arith.constant 0.000000e+00 : f32
    %broadcast_in_dim3A_155 = vector.broadcast %div3A_153 : f32 to vector<1x128xf32>
    %broadcast_in_dim3A_156 = vector.broadcast %jit3A_154 : f32 to vector<1x128xf32>
    %select_n3A_157 = arith.select %eq3A_151, %broadcast_in_dim3A_155, %broadcast_in_dim3A_156 : vector<1x128xi1>, vector<1x128xf32>
    %add3A_158 = arith.addf %select_n3A_148, %select_n3A_157 : vector<1x128xf32>
    %eq3A_159 = arith.constant 2 : i32
    %eq3A_160 = vector.broadcast %eq3A_159 : i32 to vector<1x128xi32>
    %eq3A_161 = arith.cmpi eq, %iota3A_140, %eq3A_160 : vector<1x128xi32>
    %div3A_162 = arith.constant 1.000000e+04 : f32
    %div3A_163 = arith.divf %reduce_sum3A_71, %div3A_162 : f32
    %jit3A_164 = arith.constant 0.000000e+00 : f32
    %broadcast_in_dim3A_165 = vector.broadcast %div3A_163 : f32 to vector<1x128xf32>
    %broadcast_in_dim3A_166 = vector.broadcast %jit3A_164 : f32 to vector<1x128xf32>
    %select_n3A_167 = arith.select %eq3A_161, %broadcast_in_dim3A_165, %broadcast_in_dim3A_166 : vector<1x128xi1>, vector<1x128xf32>
    %add3A_168 = arith.addf %add3A_158, %select_n3A_167 : vector<1x128xf32>
    %eq3A_169 = arith.constant 3 : i32
    %eq3A_170 = vector.broadcast %eq3A_169 : i32 to vector<1x128xi32>
    %eq3A_171 = arith.cmpi eq, %iota3A_140, %eq3A_170 : vector<1x128xi32>
    %div3A_172 = arith.constant 1.000000e+04 : f32
    %div3A_173 = arith.divf %reduce_sum3A_139, %div3A_172 : f32
    %jit3A_174 = arith.constant 0.000000e+00 : f32
    %broadcast_in_dim3A_175 = vector.broadcast %div3A_173 : f32 to vector<1x128xf32>
    %broadcast_in_dim3A_176 = vector.broadcast %jit3A_174 : f32 to vector<1x128xf32>
    %select_n3A_177 = arith.select %eq3A_171, %broadcast_in_dim3A_175, %broadcast_in_dim3A_176 : vector<1x128xi1>, vector<1x128xf32>
    %add3A_178 = arith.addf %add3A_168, %select_n3A_177 : vector<1x128xf32>
    %eq3A_179 = arith.constant 0 : i32
    %eq3A_180 = arith.cmpi eq, %arg0, %eq3A_179 : i32
    %convert_element_type3A_181 = arith.extui %eq3A_180 : i1 to i32
    %cond3A = arith.constant 0 : i32
    %cond3A_182 = arith.cmpi ne, %convert_element_type3A_181, %cond3A : i32
    scf.if %cond3A_182 {
      %broadcast_in_dim3A_189 = arith.constant 0.000000e+00 : f32
      %broadcast_in_dim3A_190 = vector.broadcast %broadcast_in_dim3A_189 : f32 to vector<1x128xf32>
      %swap3A_191 = arith.constant 0 : index
      %swap3A_192 = arith.constant 0 : index
      %swap3A_193 = vector.load %arg17[%swap3A_191, %swap3A_192] : memref<1x128xf32, #tpu.memory_space<vmem>>, vector<1x128xf32>
      tpu.vector_store %arg17[%swap3A_191, %swap3A_192], %broadcast_in_dim3A_190 {strides = array<i32>} : memref<1x128xf32, #tpu.memory_space<vmem>>, vector<1x128xf32>,
    } else {
    }
    %get3A_183 = arith.constant 0 : index
    %get3A_184 = arith.constant 0 : index
    %get3A_185 = vector.load %arg17[%get3A_183, %get3A_184] : memref<1x128xf32, #tpu.memory_space<vmem>>, vector<1x128xf32>
    %add3A_186 = arith.addf %get3A_185, %add3A_178 : vector<1x128xf32>
    %swap3A = arith.constant 0 : index
    %swap3A_187 = arith.constant 0 : index
    %swap3A_188 = vector.load %arg17[%swap3A, %swap3A_187] : memref<1x128xf32, #tpu.memory_space<vmem>>, vector<1x128xf32>
    tpu.vector_store %arg17[%swap3A, %swap3A_187], %add3A_186 {strides = array<i32>} : memref<1x128xf32, #tpu.memory_space<vmem>>, vector<1x128xf32>,
    return
  }
  func.func @transform_0(%arg0: i32) -> (i32, i32) {
    %c0_i32 = arith.constant 0 : i32
    %c0_i32_0 = arith.constant 0 : i32
    return %arg0, %c0_i32 : i32, i32
  }
  func.func @transform_1(%arg0: i32) -> (i32, i32) {
    %c0_i32 = arith.constant 0 : i32
    %c0_i32_0 = arith.constant 0 : i32
    return %arg0, %c0_i32 : i32, i32
  }
  func.func @transform_2(%arg0: i32) -> (i32, i32) {
    %c0_i32 = arith.constant 0 : i32
    %c0_i32_0 = arith.constant 0 : i32
    return %arg0, %c0_i32 : i32, i32
  }
  func.func @transform_3(%arg0: i32) -> (i32, i32, i32) {
    %c0_i32 = arith.constant 0 : i32
    %c0_i32_0 = arith.constant 0 : i32
    %c0_i32_1 = arith.constant 0 : i32
    return %arg0, %c0_i32, %c0_i32_0 : i32, i32, i32
  }
  func.func @transform_4(%arg0: i32) -> (i32, i32, i32) {
    %c0_i32 = arith.constant 0 : i32
    %c0_i32_0 = arith.constant 0 : i32
    %c0_i32_1 = arith.constant 0 : i32
    return %arg0, %c0_i32, %c0_i32_0 : i32, i32, i32
  }
  func.func @transform_5(%arg0: i32) -> (i32, i32) {
    %c0_i32 = arith.constant 0 : i32
    %c0_i32_0 = arith.constant 0 : i32
    %c0_i32_1 = arith.constant 0 : i32
    return %c0_i32, %c0_i32_0 : i32, i32
  }
  func.func @transform_6(%arg0: i32) -> (i32, i32) {
    %c0_i32 = arith.constant 0 : i32
    %c0_i32_0 = arith.constant 0 : i32
    %c0_i32_1 = arith.constant 0 : i32
    return %c0_i32, %c0_i32_0 : i32, i32
  }
  func.func @transform_7(%arg0: i32) -> (i32, i32) {
    %c0_i32 = arith.constant 0 : i32
    %c0_i32_0 = arith.constant 0 : i32
    %c0_i32_1 = arith.constant 0 : i32
    return %c0_i32, %c0_i32_0 : i32, i32
  }
  func.func @transform_8(%arg0: i32) -> (i32, i32) {
    %c0_i32 = arith.constant 0 : i32
    %c0_i32_0 = arith.constant 0 : i32
    %c0_i32_1 = arith.constant 0 : i32
    return %c0_i32, %c0_i32_0 : i32, i32
  }
  func.func @transform_9(%arg0: i32) -> (i32, i32) {
    %c0_i32 = arith.constant 0 : i32
    %c0_i32_0 = arith.constant 0 : i32
    %c0_i32_1 = arith.constant 0 : i32
    return %c0_i32, %c0_i32_0 : i32, i32
  }
  func.func @transform_10(%arg0: i32) -> (i32, i32) {
    %c0_i32 = arith.constant 0 : i32
    %c0_i32_0 = arith.constant 0 : i32
    %c0_i32_1 = arith.constant 0 : i32
    return %c0_i32, %c0_i32_0 : i32, i32
  }
  func.func @transform_11(%arg0: i32) -> (i32, i32) {
    %c0_i32 = arith.constant 0 : i32
    %c0_i32_0 = arith.constant 0 : i32
    %c0_i32_1 = arith.constant 0 : i32
    return %c0_i32, %c0_i32_0 : i32, i32
  }
  func.func @transform_12(%arg0: i32) -> (i32, i32) {
    %c0_i32 = arith.constant 0 : i32
    %c0_i32_0 = arith.constant 0 : i32
    %c0_i32_1 = arith.constant 0 : i32
    return %c0_i32, %c0_i32_0 : i32, i32
  }
  func.func @transform_13(%arg0: i32) -> (i32, i32) {
    %c0_i32 = arith.constant 0 : i32
    %c0_i32_0 = arith.constant 0 : i32
    %c0_i32_1 = arith.constant 0 : i32
    return %c0_i32, %c0_i32_0 : i32, i32
  }
  func.func @transform_14(%arg0: i32) -> (i32, i32) {
    %c0_i32 = arith.constant 0 : i32
    %c0_i32_0 = arith.constant 0 : i32
    %c0_i32_1 = arith.constant 0 : i32
    return %c0_i32, %c0_i32_0 : i32, i32
  }
  func.func @transform_15(%arg0: i32) -> (i32, i32) {
    %c0_i32 = arith.constant 0 : i32
    %c0_i32_0 = arith.constant 0 : i32
    %c0_i32_1 = arith.constant 0 : i32
    return %c0_i32, %c0_i32_0 : i32, i32
  }
  func.func @transform_16(%arg0: i32) -> (i32, i32) {
    %c0_i32 = arith.constant 0 : i32
    %c0_i32_0 = arith.constant 0 : i32
    %c0_i32_1 = arith.constant 0 : i32
    return %c0_i32, %c0_i32_0 : i32, i32
  }
}

</mosaic_0001>

<sc_bundles>
// kernel: kernel.12.cloned.1.call-start
scs
__scs_entry_jumppad:
0x0: {  	(pc) =	sbr.rel $0x88, $3  }
0x1: {  	(tag) =	ssettag $0x0;
	lr =	simm.s32 $0x1  }
0x2: {  	[smem:$0x3F8C] =	sst lr;
	_ =	strace $0xD0000000  }
0x3: {  	_ = 	snop  }
0x4: {  	_ = 	snop  }
0x5: {  	_ = 	snop  }
0x6: {  	_ = 	snop  }
0x7: {  	_ = 	snop  }
__scs_overlays_trampoline_lowered:
0x8: {  	[smem:$0x3F9B] =	sst s0  }
0x9: {  	[smem:$0x3F9C] =	sst s1  }
0xa: {  	[smem:$0x3F9D] =	sst s2  }
0xb: {  	[smem:$0x3F9E] =	sst s3  }
0xc: {  	[smem:$0x3F9F] =	sst s4  }
0xd: {  	[smem:$0x3FA0] =	sst s5  }
0xe: {  	[smem:$0x3FA1] =	sst s6  }
0xf: {  	[smem:$0x3FA2] =	sst s7  }
0x10: {  	[smem:$0x3FA3] =	sst s8  }
0x11: {  	[smem:$0x3FA4] =	sst s9;
	s0 =	simm.s32 @!p0 $0x0  }
0x12: {  	s1 =	sld [smem:$0x3F8A];
	s0 =	simm.s32 @p0 $0x1  }
0x13: {  	[smem:$0x3FA5] =	sst s0;
	s0 =	simm.s32 @!p1 $0x0  }
0x14: {  	s2 =	sld [smem:$0x3F89];
	s0 =	simm.s32 @p1 $0x1  }
0x15: {  	[smem:$0x3FA6] =	sst s0;
	s0 =	simm.s32 @!p2 $0x0  }
0x16: {  	s3 =	sld [smem:$0x3FDB];
	s0 =	simm.s32 @p2 $0x1  }
0x17: {  	s4 =	simm.s32 $0x1BF5;
	[smem:$0x3FA8] =	sst s0  }
0x18: {  	s0 =	sld [smem:$0x3F8B];
	_ =	swait.ge [sflag:s4], $0x0  }
0x19: {  	s7 =	sld [smem:$0x3F8C]  }
0x1a: {  	s8 =	sadd.s32 $0xFFFFE003, lr  }
0x1b: {  	s9 =	sadd.s32 $0xFFFFFEF7, lr;
	s5 =	simm.s32 $0xFFFFFFFF;
	p2 =	slt.u32 s8, $0xFFFFF086  }
0x1c: {  	p1 =	slt.u32 s9, $0xF7A;
	s5 =	simm.s32 @!p2 $0x0  }
0x1d: {  	s5 =	simm.s32 @p1 $0x1;
	p0 =	seq.s32 s7, s2  }
0x1e: {  	s7 =	smul.u32 @!p0 $0xF7A, s2;
	p2 =	seq.s32 @!p0 s5, $0x0  }
0x1f: {  	s9 =	smul.u32 $0xF7A, s1;
	s8 =	simm.s32 @!p0 $0x1BF5;
	p2 =	por !p2, p0  }
0x20: {  	[sflag:s8] =	ssyncset.s32 @!p0 $0xFFFFF086;
	s6 =	sadd.s32 @!p0 s3, s7;
	s7 =	simm.s32 @!p0 $0x108  }
0x21: {  	s3 =	sadd.s32 s3, s9;
	s6 =	sadd.s32 @!p0 $0x88, s6;
	s7 =	simm.s32 @p2 $0x1082  }
0x22: {  	[simem:s7], [sflag:s8] =	dma.local @!p0 [hbm:s6], $0xF7A  }
0x23: {  	s9 =	sor.u32 $0xD0000000, s2;
	s6 =	simm.s32 $0x108;
	_ =	swait.ge @!p0 [sflag:s8], $0x0  }
0x24: {  	s3 =	sadd.s32 $0x88, s3;
	s6 =	simm.s32 @!p1 $0x1082;
	[sflag:s4] =	ssyncset.s32 $0xFFFFF086  }
0x25: {  	[simem:s6], [sflag:s4] =	dma.local [hbm:s3], $0xF7A  }
0x26: {  	[smem:$0x3F8C] =	sst s1;
	(tag) =	ssettag s2;
	_ =	strace s9  }
0x27: {  	s1 =	sld [smem:$0x3F9C]  }
0x28: {  	s2 =	sld [smem:$0x3F9D]  }
0x29: {  	s4 =	sld [smem:$0x3F9F]  }
0x2a: {  	p0 =	seq.s32 s5, $0x0;
	s5 =	sld [smem:$0x3FA0]  }
0x2b: {  	s6 =	sld [smem:$0x3FA1]  }
0x2c: {  	s7 =	sld [smem:$0x3FA2]  }
0x2d: {  	s3 =	simm.s32 $0x108;
	s8 =	sld [smem:$0x3FA3]  }
0x2e: {  	s3 =	simm.s32 @!p0 $0x1082;
	s9 =	sld [smem:$0x3FA4]  }
0x2f: {  	lr =	sadd.s32 s0, s3;
	s0 =	sld [smem:$0x3F9B]  }
0x30: {  	s3 =	sld [smem:$0x3F9E]  }
0x31: {  	[smem:$0x3FA7] =	sst s10  }
0x32: {  	s10 =	sld [smem:$0x3FA5];
	_ =	sdelay $0x3  }
0x33: {  	p0 =	seq.s32 s10, $0x1;
	s10 =	sld [smem:$0x3FA7];
	_ =	sdelay $0x3  }
0x34: {  	[smem:$0x3FA7] =	sst s10  }
0x35: {  	s10 =	sld [smem:$0x3FA6];
	_ =	sdelay $0x3  }
0x36: {  	p1 =	seq.s32 s10, $0x1;
	s10 =	sld [smem:$0x3FA7];
	_ =	sdelay $0x3  }
0x37: {  	[smem:$0x3FA7] =	sst s10  }
0x38: {  	s10 =	sld [smem:$0x3FA8]  }
0x39: {  	_ = 	snop;
	(pc) =	sbr.ind lr, $3  }
0x3a: {  	_ = 	snop  }
0x3b: {  	_ = 	snop  }
0x3c: {  	p2 =	seq.s32 s10, $0x1;
	s10 =	sld [smem:$0x3FA7]  }
0x3d: {  	_ =	shalt  }
0x3e: {  	_ =	shalt  }
0x3f: {  	_ =	shalt  }
0x40: {  	_ =	shalt  }
0x41: {  	_ =	shalt  }
0x42: {  	_ =	shalt  }
0x43: {  	_ =	shalt  }
0x44: {  	_ =	shalt  }
0x45: {  	_ =	shalt  }
0x46: {  	_ =	shalt  }
0x47: {  	_ =	shalt  }
0x48: {  	_ =	shalt  }
0x49: {  	_ =	shalt  }
0x4a: {  	_ =	shalt  }
0x4b: {  	_ =	shalt  }
0x4c: {  	_ =	shalt  }
0x4d: {  	_ =	shalt  }
0x4e: {  	_ =	shalt  }
0x4f: {  	_ =	shalt  }
0x50: {  	_ =	shalt  }
0x51: {  	_ =	shalt  }
0x52: {  	_ =	shalt  }
0x53: {  	_ =	shalt  }
0x54: {  	_ =	shalt  }
0x55: {  	_ =	shalt  }
0x56: {  	_ =	shalt  }
0x57: {  	_ =	shalt  }
0x58: {  	_ =	shalt  }
0x59: {  	_ =	shalt  }
0x5a: {  	_ =	shalt  }
0x5b: {  	_ =	shalt  }
0x5c: {  	_ =	shalt  }
0x5d: {  	_ =	shalt  }
0x5e: {  	_ =	shalt  }
0x5f: {  	_ =	shalt  }
0x60: {  	_ =	shalt  }
0x61: {  	_ =	shalt  }
0x62: {  	_ =	shalt  }
0x63: {  	_ =	shalt  }
0x64: {  	_ =	shalt  }
0x65: {  	_ =	shalt  }
0x66: {  	_ =	shalt  }
0x67: {  	_ =	shalt  }
0x68: {  	_ =	shalt  }
0x69: {  	_ =	shalt  }
0x6a: {  	_ =	shalt  }
0x6b: {  	_ =	shalt  }
0x6c: {  	_ =	shalt  }
0x6d: {  	_ =	shalt  }
0x6e: {  	_ =	shalt  }
0x6f: {  	_ =	shalt  }
0x70: {  	_ =	shalt  }
0x71: {  	_ =	shalt  }
0x72: {  	_ =	shalt  }
0x73: {  	_ =	shalt  }
0x74: {  	_ =	shalt  }
0x75: {  	_ =	shalt  }
0x76: {  	_ =	shalt  }
0x77: {  	_ =	shalt  }
0x78: {  	_ =	shalt  }
0x79: {  	_ =	shalt  }
0x7a: {  	_ =	shalt  }
0x7b: {  	_ =	shalt  }
0x7c: {  	_ =	shalt  }
0x7d: {  	_ =	shalt  }
0x7e: {  	_ =	shalt  }
0x7f: {  	_ =	shalt  }
0x80: {  	_ =	shalt  }
0x81: {  	_ =	shalt  }
0x82: {  	_ =	shalt  }
0x83: {  	_ =	shalt  }
0x84: {  	_ =	shalt  }
0x85: {  	_ =	shalt  }
0x86: {  	_ =	shalt  }
0x87: {  	_ =	shalt  }
.Lfunc_end0:
.L_simem_size_0:
called_computation.1_lowered:
.L_overlay_start_0:
0x88: {  	s2 =	sld [smem:$0x3FD9]  }
0x89: {  	s3 =	sld [smem:$0x3FFE];
	_ =	sdelay $0x1  }
0x8a: {  	s1 =	srdreg.scid  }
0x8b: {  	s0 =	sand.u32 $0x1, s1  }
0x8c: {  	s17 =	sshll.u32 s0, $0xA;
	s2 =	sadd.s32 s3, s2  }
0x8d: {  	s2 =	sadd.s32 s2, s17  }
0x8e: {  	[smem:$0x3FB3] =	sst s2  }
0x8f: {  	_ = 	snop  }
0x90: {  	(tm) =	ssettm $0x1  }
0x91: {  	s18 =	sld [smem:$0x3FFB];
	_ =	sdelay $0x3  }
0x92: {  	_ =	strace s18  }
0x93: {  	s2 =	sld [smem:$0x3FFC];
	_ =	sdelay $0x3  }
0x94: {  	_ =	strace s2  }
0x95: {  	s2 =	sld [smem:$0x3FFD];
	_ =	sdelay $0x3  }
0x96: {  	_ =	strace s2  }
0x97: {  	_ =	strace $0x8FFFFFFF  }
0x98: {  	s19 =	sld [smem:$0x3FDB];
	_ =	sdelay $0x1  }
0x99: {  	s20 =	simm.s32 $_scs_section_size  }
0x9a: {  	s4 =	simm.s32 $_size__tile_overlayer_lowered;
	s5 =	simm.s32 $_tile_overlayer_lowered  }
0x9b: {  	s6 =	simm.s32 $0x1BFF;
	s21 =	sshll.u32 s5, $0x1;
	s3 =	sadd.s32 s20, s19  }
0x9c: {  	s22 =	simm.s32 $0x0;
	s4 =	sshll.u32 s4, $0x1;
	s5 =	sadd.s32 s21, s3  }
0x9d: {  	[timem:s22], [sflag:s6] =	dma.local [hbm:s5], s4  }
0x9e: {  	_ =	swait.ge [sflag:s6], s4  }
0x9f: {  	s4 =	ssub.s32 $0x0, s4;
	[sflag:s6] =	ssyncset.done $0x0  }
0xa0: {  	[sflag:s6] =	ssyncadd.s32 s4;
	_ =	sdelay $0x1  }
0xa1: {  	s23 =	simm.s32 $0x1B8B  }
0xa2: {  	_ =	swait.ge [sflag:s23], $0x1  }
0xa3: {  	[sflag:s23] =	ssyncset.done $0x0  }
0xa4: {  	[sflag:s23] =	ssyncadd.s32 $0xFFFFFFFF  }
0xa5: {  	s4 =	sld [smem:$0x0]  }
0xa6: {  	s5 =	sand.u32 $0xFFFFFFFE, s1  }
0xa7: {  	p0 =	sne.s32 s1, s5  }
0xa8: {  	s5 =	sshll.u32 @p0 s5, $0xE  }
0xa9: {  	s5 =	sadd.s32 @p0 $0x11B8D, s5;
	s6 =	sshll.u32 @p0 s4, $0x11  }
0xaa: {  	s5 =	sor.u32 @p0 s6, s5  }
0xab: {  	[sflag:s5] =	ssyncadd.remote.s32 @p0 $0x1;
	_ =	sdelay $0x1  }
0xac: {  	s5 =	simm.s32 @p0 $0x1B8D  }
0xad: {  	_ =	swait.eq @p0 [sflag:s5], $0x1  }
0xae: {  	[sflag:s5] =	ssyncadd.s32 @p0 $0xFFFFFFFF  }
0xaf: {  	s6 =	sshll.u32 @!p0 s1, $0xE  }
0xb0: {  	s6 =	sor.u32 @!p0 $0x4000, s6;
	s5 =	simm.s32 @!p0 $0x1B8D  }
0xb1: {  	s4 =	sshll.u32 @!p0 s4, $0x11;
	s6 =	sadd.s32 @!p0 $0x11B8D, s6;
	_ =	swait.eq @!p0 [sflag:s5], $0x1  }
0xb2: {  	s4 =	sor.u32 @!p0 s4, s6;
	[sflag:s5] =	ssyncadd.s32 @!p0 $0xFFFFFFFF  }
0xb3: {  	s25 =	simm.s32 $0x1B8E;
	s24 =	sld [smem:$0x3FFE];
	[sflag:s4] =	ssyncadd.remote.s32 @!p0 $0x1  }
0xb4: {  	s26 =	simm.s32 $execute0_lowered;
	[smem:$0x3FD2] =	sst s25  }
0xb5: {  	s5 =	sshll.u32 s26, $0x1;
	_ =	strace $0x8000004C;
	[dreg:$0x1] =	wrdreg $0xFFFFFFFF  }
0xb6: {  	s28 =	simm.s32 $_size_execute0_lowered;
	s3 =	sadd.s32 s3, s5;
	[dreg:$0x0] =	wrdreg $0x0  }
0xb7: {  	s5 =	sshll.u32 s28, $0x1;
	[dreg:$0x2] =	wrdreg s3  }
0xb8: {  	[dreg:$0x3] =	wrdreg s5  }
0xb9: {  	[dreg:$0x4] =	wrdreg $0xC0  }
0xba: {  	_ =	task [dreg:s22], $0x5FFFF  }
0xbb: {  	[dreg:$0x1] =	wrdreg $0xFFFFFFFF  }
0xbc: {  	[dreg:$0x0] =	wrdreg $0x60  }
0xbd: {  	[dreg:$0x2] =	wrdreg s24  }
0xbe: {  	[dreg:$0x3] =	wrdreg $0xCD800  }
0xbf: {  	[dreg:$0x4] =	wrdreg $0x9  }
0xc0: {  	_ =	task.clear_ibuf [dreg:s22], $0x5FFFF;
	_ =	strace $0x9000004C  }
0xc1: {  	s29 =	simm.s32 $0x9;
	_ =	strace $0x8000004E  }
0xc2: {  	_ =	swait.ge [sflag:s29], $0x1  }
0xc3: {  	[sflag:s29] =	ssyncadd.s32 $0xFFFFFFFF  }
0xc4: {  	_ =	strace $0x9000004E  }
0xc5: {  	_ =	sfence  }
0xc6: {  	s30 =	sld [smem:$0x0];
	_ =	sdelay $0x2  }
0xc7: {  	s31 =	sshll.u32 s1, $0xD;
	s1 =	sshrl.u32 s1, $0x2  }
0xc8: {  	s4 =	sand.u32 $0x4000, s31;
	s1 =	sadd.s32 s1, s30  }
0xc9: {  	s0 =	sor.u32 s4, s0;
	s1 =	sshll.u32 s1, $0x11  }
0xca: {  	s0 =	sor.u32 s1, s0  }
0xcb: {  	s0 =	sadd.s32 $0x8F2B, s0  }
0xcc: {  	[sflag:s0] =	ssyncadd.remote.s32 $0x1  }
0xcd: {  	_ =	sfence.sel $0xFFFF  }
0xce: {  	[dreg:$0x0] =	wrdreg $0xFFFFFFFF;
	(pc) =	sbr.abs _section_cstart, $3  }
0xcf: {  	[dreg:$0x1] =	wrdreg $0xFFFFFFFF  }
0xd0: {  	_ =	task.clear_ibuf [dreg:s22], $0x2FFFF;
	_ =	strace $0x9FFFFFFF  }
0xd1: {  	(tm) =	ssettm $0x7FFFFFFF  }
tec
execute0_lowered:
.L_overlay_start_1:
0x0: {  	(tag) =	ssettag $0x1  }
0x1: {  	s6 =	rddreg [dreg:$0x0]  }
0x2: {  	s2 =	rddreg [dreg:$0x1]  }
0x3: {  	s0 =	rddreg [dreg:$0x2]  }
0x4: {  	s1 =	stileid.u32;
	s3 =	simm.s32 $0x0;
	s5 =	srdreg.scid  }
0x5: {  	s11 =	simm.s32 $0x198C00;
	s12 =	simm.s32 $0x80;
	s13 =	simm.s32 $0x50  }
0x6: {  	s14 =	simm.s32 $0x180;
	s15 =	simm.s32 $0x1;
	s4 =	smul.u32 $0x9C4, s1  }
0x7: {  	s16 =	simm.s32 $0x100;
	s19 =	simm.s32 $0x0;
	s10 =	smul.u32 $0x29000, s1  }
0x8: {  	[smem:$0x7FF] =	sst s3;
	s7 =	sand.u32 $0x1, s5;
	s30 =	smul.u32 $0x1480, s1  }
0x9: {  	s18 =	sshll.u32 s1, $0x6;
	_ =	strace $0x8000004D;
	s5 =	ssub.s32 $0x2, s7  }
0xa: {  	p0 =	seq.s32 s7, $0x1;
	s17 =	smul.u32 $0x1400, s7;
	s9 =	sadd.s32 s4, s6  }
0xb: {  	s4 =	sadd.s32 $0x94000, s6;
	s8 =	sshrl.u32 s5, $0x1;
	s29 =	sshrl.u32 s10, $0x2  }
0xc: {  	s11 =	simm.s32 @!p0 $0x184400;
	s10 =	simm.s32 $0x2980;
	s8 =	ssub.s32 s5, s8  }
0xd: {  	s5 =	sadd.s32 s29, s2;
	s31 =	sadd.s32 s11, s6;
	s11 =	simm.s32 $0x2  }
0xe: {  	v0 =	vmov s17;
	s17 =	sor.u32 $0x1C02, s18;
	s6 =	smax.u32 s8, $0x1;
	s7 =	sadd.s32 s31, s30  }
0xf: {  	v1 =	vimm.f32 $0.0e+00;
	s8 =	sadd.s32 $0x15C000, s9;
	s9 =	sadd.s32 $0x165E00, s9;
	s18 =	sshrl.u32 s5, $0x3  }
.LBB2_1:
0x10: {  	s20 =	simm.s32 $0x0;
	s21 =	simm.s32 $0x200  }
.LBB2_2:
0x11: {  	p0 =	sne.s32 s21, $0x28E00;
	[tilespmem:s20+$0x29F0] =	vst v1  }
0x12: {  	[tilespmem:s20+$0x2980] =	vst v1  }
0x13: {  	[tilespmem:s20+$0x2990] =	vst v1  }
.Ltmp0:
0x14: {  	[tilespmem:s20+$0x29A0] =	vst v1;
	(pc) =	sbr.rel @p0 .LBB2_2-.Ltmp0, $4  }
0x15: {  	[tilespmem:s20+$0x29B0] =	vst v1  }
0x16: {  	[tilespmem:s20+$0x29C0] =	vst v1  }
0x17: {  	[tilespmem:s20+$0x29D0] =	vst v1  }
0x18: {  	[tilespmem:s20+$0x29E0] =	vst v1;
	s20 =	sshra.s32 s21, $0x2;
	s21 =	sadd.s32 $0x200, s21  }
0x19: {  	[tilespmem:s20+$0x29F0] =	vst v1  }
0x1a: {  	[tilespmem:s20+$0x2980] =	vst v1  }
0x1b: {  	[tilespmem:s20+$0x2990] =	vst v1  }
0x1c: {  	[tilespmem:s20+$0x29A0] =	vst v1  }
0x1d: {  	[tilespmem:s20+$0x29B0] =	vst v1  }
0x1e: {  	[tilespmem:s20+$0x29C0] =	vst v1  }
0x1f: {  	[tilespmem:s20+$0x29D0] =	vst v1  }
0x20: {  	[tilespmem:s20+$0x29E0] =	vst v1  }
0x21: {  	[spmem:s5] =	stream.linear.scatter [tilespmem:s10], [sflag:$0x2], $0xA400, $0x38;
	[tilespmem:$0x17180] =	vst v63  }
0x22: {  	_ =	swait.ge [sflag:s11], $0xA400  }
0x23: {  	[sflag:s11] =	ssyncset.done $0x0  }
0x24: {  	[sflag:s11] =	ssyncadd.s32 $0xFFFF5C00  }
0x25: {  	s30 =	sadd.s32 $0x0, s9;
	[bflag:$0x0] =	sbarrier.arrive $0xFFFF  }
0x26: {  	[tilespmem:s3], [sflag:$0x2] =	stream.linear.gather [hbm4b:s30+s3], $0x50, $0x38;
	[tilespmem:$0x17180] =	vst v63  }
0x27: {  	_ =	swait.ge [sflag:s11], $0x50  }
0x28: {  	[sflag:s11] =	ssyncset.done $0x0  }
0x29: {  	s31 =	sadd.s32 $0x0, s8;
	[sflag:s11] =	ssyncadd.s32 $0xFFFFFFB0  }
0x2a: {  	[tilespmem:s12], [sflag:$0x2] =	stream.linear.gather [hbm4b:s31+s3], $0x50, $0x38;
	[tilespmem:$0x17180] =	vst v63  }
0x2b: {  	_ =	swait.ge [sflag:s11], $0x50  }
0x2c: {  	[sflag:s11] =	ssyncset.done $0x0  }
0x2d: {  	[sflag:s11] =	ssyncadd.s32 $0xFFFFFFB0  }
0x2e: {  	[tilespmem:s14], [sflag:$0x1] =	stream.indirect.gather [hbm4b:s4+s13], $0x80, s3, s13, $0xb8;
	[tilespmem:$0x17180] =	vst v63  }
0x2f: {  	v2 =	vld [tilespmem:$0xC0]  }
0x30: {  	v3 =	vld [tilespmem:$0xA0]  }
0x31: {  	v4 =	vld [tilespmem:$0xB0]  }
0x32: {  	v5 =	vld [tilespmem:$0x80]  }
0x33: {  	v6 =	vld [tilespmem:$0x90]  }
0x34: {  	v2 =	vsub.s32 v2, v0  }
0x35: {  	v3 =	vsub.s32 v3, v0;
	v2 =	vmin.u32 v2, $0x1400  }
0x36: {  	v4 =	vsub.s32 v4, v0;
	v3 =	vmin.u32 v3, $0x1400;
	[tilespmem:$0x140] =	vst v2  }
0x37: {  	v2 =	vsub.s32 v5, v0;
	[tilespmem:$0x120] =	vst v3;
	v3 =	vmin.u32 v4, $0x1400  }
0x38: {  	v63 =	vsub.s32 v6, v0;
	v2 =	vmin.u32 v2, $0x1400;
	[tilespmem:$0x130] =	vst v3  }
0x39: {  	[tilespmem:$0x100] =	vst v2;
	v2 =	vmin.u32 v63, $0x1400  }
0x3a: {  	[tilespmem:$0x110] =	vst v2  }
0x3b: {  	_ =	swait.ge [sflag:s15], $0x2800  }
0x3c: {  	s20 =	simm.s32 $0xA;
	[sflag:s15] =	ssyncset.done $0x0  }
.LBB2_4:
0x3d: {  	p0 =	sne.s32 s20, $0x9BA  }
0x3e: {  	[sflag:s15] =	ssyncadd.s32 $0xFFFFD800;
	s21 =	smov.u32 s20;
	s20 =	sadd.s32 $0xA, s20  }
0x3f: {  	[spmem:s2] =	stream.indirect.scatter.add.f32 [tilespmem:s14], [sflag:$0x2], $0x80, s16, s13, $0xb8;
	[tilespmem:$0x17180] =	vst v63  }
0x40: {  	_ =	swait.ge [sflag:s11], $0x2800  }
0x41: {  	[sflag:s11] =	ssyncset.done $0x0  }
0x42: {  	s22 =	sadd.s32 s21, s9;
	[sflag:s11] =	ssyncadd.s32 $0xFFFFD800  }
0x43: {  	[tilespmem:s3], [sflag:$0x2] =	stream.linear.gather [hbm4b:s22+s3], $0x50, $0x38;
	[tilespmem:$0x17180] =	vst v63  }
0x44: {  	_ =	swait.ge [sflag:s11], $0x50  }
0x45: {  	[sflag:s11] =	ssyncset.done $0x0  }
0x46: {  	s21 =	sadd.s32 s21, s8;
	[sflag:s11] =	ssyncadd.s32 $0xFFFFFFB0  }
0x47: {  	[tilespmem:s12], [sflag:$0x2] =	stream.linear.gather [hbm4b:s21+s3], $0x50, $0x38;
	[tilespmem:$0x17180] =	vst v63  }
0x48: {  	_ =	swait.ge [sflag:s11], $0x50  }
0x49: {  	[sflag:s11] =	ssyncset.done $0x0  }
0x4a: {  	[sflag:s11] =	ssyncadd.s32 $0xFFFFFFB0  }
0x4b: {  	[tilespmem:s14], [sflag:$0x1] =	stream.indirect.gather [hbm4b:s4+s13], $0x80, s3, s13, $0xb8;
	[tilespmem:$0x17180] =	vst v63  }
0x4c: {  	v2 =	vld [tilespmem:$0xC0]  }
0x4d: {  	v3 =	vld [tilespmem:$0xA0]  }
0x4e: {  	v4 =	vld [tilespmem:$0xB0]  }
0x4f: {  	v5 =	vld [tilespmem:$0x80]  }
0x50: {  	v6 =	vld [tilespmem:$0x90]  }
0x51: {  	v2 =	vsub.s32 v2, v0  }
0x52: {  	v3 =	vsub.s32 v3, v0;
	v2 =	vmin.u32 v2, $0x1400  }
0x53: {  	v3 =	vmin.u32 v3, $0x1400;
	v4 =	vsub.s32 v4, v0;
	[tilespmem:$0x140] =	vst v2  }
0x54: {  	v2 =	vsub.s32 v5, v0;
	[tilespmem:$0x120] =	vst v3;
	v3 =	vmin.u32 v4, $0x1400  }
.Ltmp1:
0x55: {  	v2 =	vmin.u32 v2, $0x1400;
	v4 =	vsub.s32 v6, v0;
	[tilespmem:$0x130] =	vst v3;
	(pc) =	sbr.rel @p0 .LBB2_4-.Ltmp1, $4  }
0x56: {  	[tilespmem:$0x100] =	vst v2;
	v2 =	vmin.u32 v4, $0x1400  }
0x57: {  	[tilespmem:$0x110] =	vst v2  }
0x58: {  	_ =	swait.ge [sflag:s15], $0x2800  }
0x59: {  	[sflag:s15] =	ssyncset.done $0x0  }
0x5a: {  	[sflag:s15] =	ssyncadd.s32 $0xFFFFD800  }
0x5b: {  	[spmem:s2] =	stream.indirect.scatter.add.f32 [tilespmem:s14], [sflag:$0x2], $0x80, s16, s13, $0xb8;
	[tilespmem:$0x17180] =	vst v63  }
0x5c: {  	_ =	swait.ge [sflag:s11], $0x2800  }
0x5d: {  	s19 =	sadd.s32 $0x1, s19;
	[sflag:s11] =	ssyncset.done $0x0  }
0x5e: {  	p0 =	sne.s32 s19, s6;
	[sflag:s11] =	ssyncadd.s32 $0xFFFFD800  }
.Ltmp2:
0x5f: {  	[bflag:$0x0] =	sbarrier.arrive $0xFFFF;
	(pc) =	sbr.rel @p0 .LBB2_1-.Ltmp2, $4  }
0x60: {  	[hbm:s7], [sflag:s17] =	dma.local [spmem:s18], $0x1480  }
0x61: {  	_ =	swait.ge [sflag:s11], $0x1480  }
0x62: {  	[sflag:s11] =	ssyncset.done $0x0  }
0x63: {  	[sflag:s11] =	ssyncadd.s32 $0xFFFFEB80  }
0x64: {  	_ =	sfence.sel $0x180000  }
0x65: {  	[bflag:$0x0] =	sbarrier.arrive $0xFFFF  }
0x66: {  	p0 =	sne.s32 s1, $0x0;
	_ =	strace $0x9000004D  }
0x67: {  	s0 =	sadd.s32 @!p0 $0x100000, s0;
	[bflag:$0x2] =	sbarrier.arrive $0xFFFF  }
0x68: {  	[sflag:s0] =	ssyncadd.tile.s32 @!p0 $0x1;
	_ =	shalt  }
.Lfunc_end2:
_tile_overlayer_lowered:
.L_overlay_start_2:
0x69: {  	(tag) =	ssettag $0x2  }
0x6a: {  	s0 =	rddreg [dreg:$0x0];
	s2 =	stileid.u32  }
0x6b: {  	s1 =	rddreg [dreg:$0x1];
	p0 =	sne.s32 s2, $0x0  }
0x6c: {  	s3 =	rddreg [dreg:$0x2];
	[bflag:$0x3] =	sbarrier.arrive $0xFFFF;
	s2 =	simm.s32 @!p0 $0x1C02  }
0x6d: {  	[timem:s3], [sflag:s2] =	dma.local @!p0 [hbm:s0], s1  }
0x6e: {  	s0 =	simm.s32 @!p0 $0x2  }
0x6f: {  	_ =	swait.ge @!p0 [sflag:s0], s1  }
0x70: {  	s1 =	ssub.s32 @!p0 $0x0, s1;
	[sflag:s0] =	ssyncset.done @!p0 $0x0  }
0x71: {  	[sflag:s0] =	ssyncadd.s32 @!p0 s1  }
0x72: {  	[bflag:$0x3] =	sbarrier.arrive $0xFFFF  }
0x73: {  	_ =	shalt  }

// kernel: kernel.15.cloned.1.call-start
scs
__scs_entry_jumppad:
0x0: {  	(pc) =	sbr.rel $0x88, $3  }
0x1: {  	(tag) =	ssettag $0x0;
	lr =	simm.s32 $0x1  }
0x2: {  	[smem:$0x3F8C] =	sst lr;
	_ =	strace $0xD0000000  }
0x3: {  	_ = 	snop  }
0x4: {  	_ = 	snop  }
0x5: {  	_ = 	snop  }
0x6: {  	_ = 	snop  }
0x7: {  	_ = 	snop  }
__scs_overlays_trampoline_lowered:
0x8: {  	[smem:$0x3F9B] =	sst s0  }
0x9: {  	[smem:$0x3F9C] =	sst s1  }
0xa: {  	[smem:$0x3F9D] =	sst s2  }
0xb: {  	[smem:$0x3F9E] =	sst s3  }
0xc: {  	[smem:$0x3F9F] =	sst s4  }
0xd: {  	[smem:$0x3FA0] =	sst s5  }
0xe: {  	[smem:$0x3FA1] =	sst s6  }
0xf: {  	[smem:$0x3FA2] =	sst s7  }
0x10: {  	[smem:$0x3FA3] =	sst s8  }
0x11: {  	[smem:$0x3FA4] =	sst s9;
	s0 =	simm.s32 @!p0 $0x0  }
0x12: {  	s1 =	sld [smem:$0x3F8A];
	s0 =	simm.s32 @p0 $0x1  }
0x13: {  	[smem:$0x3FA5] =	sst s0;
	s0 =	simm.s32 @!p1 $0x0  }
0x14: {  	s2 =	sld [smem:$0x3F89];
	s0 =	simm.s32 @p1 $0x1  }
0x15: {  	[smem:$0x3FA6] =	sst s0;
	s0 =	simm.s32 @!p2 $0x0  }
0x16: {  	s3 =	sld [smem:$0x3FDB];
	s0 =	simm.s32 @p2 $0x1  }
0x17: {  	s4 =	simm.s32 $0x1BF5;
	[smem:$0x3FA8] =	sst s0  }
0x18: {  	s0 =	sld [smem:$0x3F8B];
	_ =	swait.ge [sflag:s4], $0x0  }
0x19: {  	s7 =	sld [smem:$0x3F8C]  }
0x1a: {  	s8 =	sadd.s32 $0xFFFFE003, lr  }
0x1b: {  	s9 =	sadd.s32 $0xFFFFFEF7, lr;
	s5 =	simm.s32 $0xFFFFFFFF;
	p2 =	slt.u32 s8, $0xFFFFF086  }
0x1c: {  	p1 =	slt.u32 s9, $0xF7A;
	s5 =	simm.s32 @!p2 $0x0  }
0x1d: {  	s5 =	simm.s32 @p1 $0x1;
	p0 =	seq.s32 s7, s2  }
0x1e: {  	s7 =	smul.u32 @!p0 $0xF7A, s2;
	p2 =	seq.s32 @!p0 s5, $0x0  }
0x1f: {  	s9 =	smul.u32 $0xF7A, s1;
	s8 =	simm.s32 @!p0 $0x1BF5;
	p2 =	por !p2, p0  }
0x20: {  	[sflag:s8] =	ssyncset.s32 @!p0 $0xFFFFF086;
	s6 =	sadd.s32 @!p0 s3, s7;
	s7 =	simm.s32 @!p0 $0x108  }
0x21: {  	s3 =	sadd.s32 s3, s9;
	s6 =	sadd.s32 @!p0 $0x88, s6;
	s7 =	simm.s32 @p2 $0x1082  }
0x22: {  	[simem:s7], [sflag:s8] =	dma.local @!p0 [hbm:s6], $0xF7A  }
0x23: {  	s9 =	sor.u32 $0xD0000000, s2;
	s6 =	simm.s32 $0x108;
	_ =	swait.ge @!p0 [sflag:s8], $0x0  }
0x24: {  	s3 =	sadd.s32 $0x88, s3;
	s6 =	simm.s32 @!p1 $0x1082;
	[sflag:s4] =	ssyncset.s32 $0xFFFFF086  }
0x25: {  	[simem:s6], [sflag:s4] =	dma.local [hbm:s3], $0xF7A  }
0x26: {  	[smem:$0x3F8C] =	sst s1;
	(tag) =	ssettag s2;
	_ =	strace s9  }
0x27: {  	s1 =	sld [smem:$0x3F9C]  }
0x28: {  	s2 =	sld [smem:$0x3F9D]  }
0x29: {  	s4 =	sld [smem:$0x3F9F]  }
0x2a: {  	p0 =	seq.s32 s5, $0x0;
	s5 =	sld [smem:$0x3FA0]  }
0x2b: {  	s6 =	sld [smem:$0x3FA1]  }
0x2c: {  	s7 =	sld [smem:$0x3FA2]  }
0x2d: {  	s3 =	simm.s32 $0x108;
	s8 =	sld [smem:$0x3FA3]  }
0x2e: {  	s3 =	simm.s32 @!p0 $0x1082;
	s9 =	sld [smem:$0x3FA4]  }
0x2f: {  	lr =	sadd.s32 s0, s3;
	s0 =	sld [smem:$0x3F9B]  }
0x30: {  	s3 =	sld [smem:$0x3F9E]  }
0x31: {  	[smem:$0x3FA7] =	sst s10  }
0x32: {  	s10 =	sld [smem:$0x3FA5];
	_ =	sdelay $0x3  }
0x33: {  	p0 =	seq.s32 s10, $0x1;
	s10 =	sld [smem:$0x3FA7];
	_ =	sdelay $0x3  }
0x34: {  	[smem:$0x3FA7] =	sst s10  }
0x35: {  	s10 =	sld [smem:$0x3FA6];
	_ =	sdelay $0x3  }
0x36: {  	p1 =	seq.s32 s10, $0x1;
	s10 =	sld [smem:$0x3FA7];
	_ =	sdelay $0x3  }
0x37: {  	[smem:$0x3FA7] =	sst s10  }
0x38: {  	s10 =	sld [smem:$0x3FA8]  }
0x39: {  	_ = 	snop;
	(pc) =	sbr.ind lr, $3  }
0x3a: {  	_ = 	snop  }
0x3b: {  	_ = 	snop  }
0x3c: {  	p2 =	seq.s32 s10, $0x1;
	s10 =	sld [smem:$0x3FA7]  }
0x3d: {  	_ =	shalt  }
0x3e: {  	_ =	shalt  }
0x3f: {  	_ =	shalt  }
0x40: {  	_ =	shalt  }
0x41: {  	_ =	shalt  }
0x42: {  	_ =	shalt  }
0x43: {  	_ =	shalt  }
0x44: {  	_ =	shalt  }
0x45: {  	_ =	shalt  }
0x46: {  	_ =	shalt  }
0x47: {  	_ =	shalt  }
0x48: {  	_ =	shalt  }
0x49: {  	_ =	shalt  }
0x4a: {  	_ =	shalt  }
0x4b: {  	_ =	shalt  }
0x4c: {  	_ =	shalt  }
0x4d: {  	_ =	shalt  }
0x4e: {  	_ =	shalt  }
0x4f: {  	_ =	shalt  }
0x50: {  	_ =	shalt  }
0x51: {  	_ =	shalt  }
0x52: {  	_ =	shalt  }
0x53: {  	_ =	shalt  }
0x54: {  	_ =	shalt  }
0x55: {  	_ =	shalt  }
0x56: {  	_ =	shalt  }
0x57: {  	_ =	shalt  }
0x58: {  	_ =	shalt  }
0x59: {  	_ =	shalt  }
0x5a: {  	_ =	shalt  }
0x5b: {  	_ =	shalt  }
0x5c: {  	_ =	shalt  }
0x5d: {  	_ =	shalt  }
0x5e: {  	_ =	shalt  }
0x5f: {  	_ =	shalt  }
0x60: {  	_ =	shalt  }
0x61: {  	_ =	shalt  }
0x62: {  	_ =	shalt  }
0x63: {  	_ =	shalt  }
0x64: {  	_ =	shalt  }
0x65: {  	_ =	shalt  }
0x66: {  	_ =	shalt  }
0x67: {  	_ =	shalt  }
0x68: {  	_ =	shalt  }
0x69: {  	_ =	shalt  }
0x6a: {  	_ =	shalt  }
0x6b: {  	_ =	shalt  }
0x6c: {  	_ =	shalt  }
0x6d: {  	_ =	shalt  }
0x6e: {  	_ =	shalt  }
0x6f: {  	_ =	shalt  }
0x70: {  	_ =	shalt  }
0x71: {  	_ =	shalt  }
0x72: {  	_ =	shalt  }
0x73: {  	_ =	shalt  }
0x74: {  	_ =	shalt  }
0x75: {  	_ =	shalt  }
0x76: {  	_ =	shalt  }
0x77: {  	_ =	shalt  }
0x78: {  	_ =	shalt  }
0x79: {  	_ =	shalt  }
0x7a: {  	_ =	shalt  }
0x7b: {  	_ =	shalt  }
0x7c: {  	_ =	shalt  }
0x7d: {  	_ =	shalt  }
0x7e: {  	_ =	shalt  }
0x7f: {  	_ =	shalt  }
0x80: {  	_ =	shalt  }
0x81: {  	_ =	shalt  }
0x82: {  	_ =	shalt  }
0x83: {  	_ =	shalt  }
0x84: {  	_ =	shalt  }
0x85: {  	_ =	shalt  }
0x86: {  	_ =	shalt  }
0x87: {  	_ =	shalt  }
.Lfunc_end0:
.L_simem_size_0:
called_computation.2_lowered:
.L_overlay_start_0:
0x88: {  	s2 =	sld [smem:$0x3FD9]  }
0x89: {  	s3 =	sld [smem:$0x3FFE];
	_ =	sdelay $0x1  }
0x8a: {  	s1 =	srdreg.scid  }
0x8b: {  	s0 =	sand.u32 $0x1, s1  }
0x8c: {  	s16 =	sshll.u32 s0, $0xA;
	s2 =	sadd.s32 s3, s2  }
0x8d: {  	s2 =	sadd.s32 s2, s16  }
0x8e: {  	[smem:$0x3FB3] =	sst s2  }
0x8f: {  	_ = 	snop  }
0x90: {  	(tm) =	ssettm $0x1  }
0x91: {  	s17 =	sld [smem:$0x3FFB];
	_ =	sdelay $0x3  }
0x92: {  	_ =	strace s17  }
0x93: {  	s2 =	sld [smem:$0x3FFC];
	_ =	sdelay $0x3  }
0x94: {  	_ =	strace s2  }
0x95: {  	s2 =	sld [smem:$0x3FFD];
	_ =	sdelay $0x3  }
0x96: {  	_ =	strace s2  }
0x97: {  	_ =	strace $0x8FFFFFFF  }
0x98: {  	s18 =	sld [smem:$0x3FDB];
	_ =	sdelay $0x1  }
0x99: {  	s19 =	simm.s32 $_scs_section_size  }
0x9a: {  	s4 =	simm.s32 $_size__tile_overlayer_lowered;
	s5 =	simm.s32 $_tile_overlayer_lowered  }
0x9b: {  	s22 =	simm.s32 $0x1BFF;
	s21 =	sshll.u32 s5, $0x1;
	s2 =	sadd.s32 s19, s18  }
0x9c: {  	s6 =	simm.s32 $0x0;
	s20 =	sshll.u32 s4, $0x1;
	s4 =	sadd.s32 s21, s2  }
0x9d: {  	[timem:s6], [sflag:s22] =	dma.local [hbm:s4], s20  }
0x9e: {  	_ =	swait.ge [sflag:s22], s20  }
0x9f: {  	s3 =	ssub.s32 $0x0, s20;
	[sflag:s22] =	ssyncset.done $0x0  }
0xa0: {  	[sflag:s22] =	ssyncadd.s32 s3;
	_ =	sdelay $0x1  }
0xa1: {  	s23 =	simm.s32 $0x1B8B  }
0xa2: {  	_ =	swait.ge [sflag:s23], $0x1  }
0xa3: {  	[sflag:s23] =	ssyncset.done $0x0  }
0xa4: {  	s25 =	simm.s32 $0x1B8E;
	s24 =	sld [smem:$0x3FFE];
	[sflag:s23] =	ssyncadd.s32 $0xFFFFFFFF  }
0xa5: {  	s26 =	simm.s32 $execute0_lowered;
	[smem:$0x3FD2] =	sst s25  }
0xa6: {  	s4 =	sshll.u32 s26, $0x1;
	_ =	strace $0x80000049;
	[dreg:$0x1] =	wrdreg $0xFFFFFFFF  }
0xa7: {  	s28 =	simm.s32 $_size_execute0_lowered;
	s2 =	sadd.s32 s2, s4;
	[dreg:$0x0] =	wrdreg $0x0  }
0xa8: {  	s4 =	sshll.u32 s28, $0x1;
	[dreg:$0x2] =	wrdreg s2  }
0xa9: {  	[dreg:$0x3] =	wrdreg s4  }
0xaa: {  	[dreg:$0x4] =	wrdreg $0xC0  }
0xab: {  	_ =	task [dreg:s6], $0x5FFFF  }
0xac: {  	[dreg:$0x1] =	wrdreg $0xFFFFFFFF  }
0xad: {  	[dreg:$0x0] =	wrdreg $0x60  }
0xae: {  	[dreg:$0x2] =	wrdreg s24  }
0xaf: {  	[dreg:$0x3] =	wrdreg $0x145800  }
0xb0: {  	[dreg:$0x4] =	wrdreg $0xA  }
0xb1: {  	_ =	task.clear_ibuf [dreg:s6], $0x5FFFF;
	_ =	strace $0x90000049  }
0xb2: {  	s29 =	simm.s32 $0xA;
	_ =	strace $0x8000004B  }
0xb3: {  	_ =	swait.ge [sflag:s29], $0x1  }
0xb4: {  	[sflag:s29] =	ssyncadd.s32 $0xFFFFFFFF  }
0xb5: {  	_ =	strace $0x9000004B  }
0xb6: {  	_ =	sfence  }
0xb7: {  	s30 =	sld [smem:$0x0];
	_ =	sdelay $0x2  }
0xb8: {  	s31 =	sshll.u32 s1, $0xD;
	s1 =	sshrl.u32 s1, $0x2  }
0xb9: {  	s3 =	sand.u32 $0x4000, s31;
	s1 =	sadd.s32 s1, s30  }
0xba: {  	s0 =	sor.u32 s3, s0;
	s1 =	sshll.u32 s1, $0x11  }
0xbb: {  	s0 =	sor.u32 s1, s0  }
0xbc: {  	s0 =	sadd.s32 $0x8F2B, s0  }
0xbd: {  	[sflag:s0] =	ssyncadd.remote.s32 $0x1  }
0xbe: {  	_ =	sfence.sel $0xFFFF  }
0xbf: {  	[dreg:$0x0] =	wrdreg $0xFFFFFFFF;
	(pc) =	sbr.abs _section_cstart, $3  }
0xc0: {  	[dreg:$0x1] =	wrdreg $0xFFFFFFFF  }
0xc1: {  	_ =	task.clear_ibuf [dreg:s6], $0x2FFFF;
	_ =	strace $0x9FFFFFFF  }
0xc2: {  	(tm) =	ssettm $0x7FFFFFFF  }
0xc3: {  	_ =	shalt  }
tec
execute0_lowered:
.L_overlay_start_1:
0x0: {  	(tag) =	ssettag $0x1  }
0x1: {  	s0 =	rddreg [dreg:$0x0]  }
0x2: {  	s1 =	rddreg [dreg:$0x1];
	s2 =	simm.s32 $0x0  }
0x3: {  	s3 =	srdreg.scid;
	s12 =	stileid.u32;
	s13 =	simm.s32 $0x2  }
0x4: {  	s14 =	simm.s32 $0x80;
	s15 =	simm.s32 $0x180;
	s16 =	simm.s32 $0x980  }
0x5: {  	s17 =	simm.s32 $0x1180;
	s18 =	simm.s32 $0x1980;
	s19 =	simm.s32 $0x2180  }
0x6: {  	s20 =	simm.s32 $0x2980;
	s21 =	simm.s32 $0x3180;
	s22 =	simm.s32 $0x3980  }
0x7: {  	s23 =	simm.s32 $0x4180;
	s24 =	simm.s32 $0x4980;
	s25 =	simm.s32 $0x50  }
0x8: {  	s26 =	simm.s32 $0x5180;
	s28 =	simm.s32 $0x1;
	s29 =	simm.s32 $0x100  }
0x9: {  	[smem:$0x7FF] =	sst s2;
	s4 =	sadd.s32 $0x165E00, s0;
	s5 =	sadd.s32 $0x15C000, s0  }
0xa: {  	s3 =	sand.u32 $0x1, s3;
	s6 =	sadd.s32 $0x1C000, s0;
	s10 =	smul.u32 $0x29000, s12  }
0xb: {  	s7 =	sadd.s32 $0x6C000, s0;
	s11 =	smul.u32 $0x1480, s12;
	s8 =	ssub.s32 $0x2, s3  }
0xc: {  	_ =	strace $0x8000004A;
	p0 =	seq.s32 s3, $0x1;
	s9 =	sshrl.u32 s8, $0x1  }
0xd: {  	s10 =	sshrl.u32 s10, $0x2;
	s8 =	ssub.s32 s8, s9;
	s9 =	simm.s32 $0x16FC00  }
0xe: {  	s3 =	smul.u32 $0x1400, s3;
	s10 =	sadd.s32 s10, s1;
	s9 =	simm.s32 @!p0 $0x6800  }
0xf: {  	v4 =	vlaneseq.u32;
	v1 =	vimm.f32 $0.0e+00;
	s8 =	smax.u32 s8, $0x1;
	[dreg:$0x4] =	wrdreg s10;
	s0 =	sadd.s32 s9, s0  }
0x10: {  	vm0 =	vmmov $0xffff;
	s30 =	simm.s32 $0x7980;
	v2 =	vand.u32 $0x7, v4;
	v3 =	vshrl.u32 v4, $0x3;
	[dreg:$0x5] =	wrdreg s8;
	s0 =	sadd.s32 s0, s11  }
0x11: {  	s31 =	simm.s32 $0x0;
	v4 =	vor.u32 $0x8, v4;
	v3 =	vmul.u32 $0x8, v3;
	v0 =	vmov s3;
	s9 =	smul.u32 $0x4E20, s12;
	[dreg:$0x6] =	wrdreg s0  }
.LBB2_1:
0x12: {  	s0 =	simm.s32 $0x0;
	s3 =	simm.s32 $0x200  }
.LBB2_2:
0x13: {  	p0 =	sne.s32 s3, $0x28E00;
	[tilespmem:s0+$0xA1F0] =	vst v1  }
0x14: {  	[tilespmem:s0+$0xA180] =	vst v1  }
0x15: {  	[tilespmem:s0+$0xA190] =	vst v1  }
.Ltmp0:
0x16: {  	[tilespmem:s0+$0xA1A0] =	vst v1;
	(pc) =	sbr.rel @p0 .LBB2_2-.Ltmp0, $4  }
0x17: {  	[tilespmem:s0+$0xA1B0] =	vst v1  }
0x18: {  	[tilespmem:s0+$0xA1C0] =	vst v1  }
0x19: {  	[tilespmem:s0+$0xA1D0] =	vst v1  }
0x1a: {  	[tilespmem:s0+$0xA1E0] =	vst v1;
	s0 =	sshra.s32 s3, $0x2;
	s3 =	sadd.s32 $0x200, s3  }
0x1b: {  	[tilespmem:s0+$0xA1F0] =	vst v1  }
0x1c: {  	[tilespmem:s0+$0xA180] =	vst v1  }
0x1d: {  	[tilespmem:s0+$0xA190] =	vst v1  }
0x1e: {  	[tilespmem:s0+$0xA1A0] =	vst v1  }
0x1f: {  	[tilespmem:s0+$0xA1B0] =	vst v1  }
0x20: {  	[tilespmem:s0+$0xA1C0] =	vst v1  }
0x21: {  	[tilespmem:s0+$0xA1D0] =	vst v1  }
0x22: {  	[dreg:$0x3] =	wrdreg s2;
	[tilespmem:s0+$0xA1E0] =	vst v1;
	s12 =	simm.s32 $0xA180  }
0x23: {  	[spmem:s10] =	stream.linear.scatter [tilespmem:s12], [sflag:$0x2], $0xA400, $0x38;
	[tilespmem:$0x1E980] =	vst v63  }
0x24: {  	_ =	swait.ge [sflag:s13], $0xA400  }
0x25: {  	[sflag:s13] =	ssyncset.done $0x0  }
0x26: {  	[sflag:s13] =	ssyncadd.s32 $0xFFFF5C00  }
0x27: {  	s0 =	simm.s32 $0x0;
	[bflag:$0x0] =	sbarrier.arrive $0xFFFF  }
.LBB2_4:
0x28: {  	s3 =	smul.u32 $0x50, s0;
	_ =	sdelay $0x1  }
0x29: {  	s3 =	sadd.s32 s9, s3  }
0x2a: {  	s3 =	sshrl.u32 s3, $0x3  }
0x2b: {  	s8 =	sadd.s32 s4, s3  }
0x2c: {  	[tilespmem:s31], [sflag:$0x2] =	stream.linear.gather [hbm4b:s8+s31], $0x50, $0x38;
	[tilespmem:$0x1E980] =	vst v63  }
0x2d: {  	_ =	swait.ge [sflag:s13], $0x50  }
0x2e: {  	[sflag:s13] =	ssyncset.done $0x0  }
0x2f: {  	s3 =	sadd.s32 s5, s3;
	[sflag:s13] =	ssyncadd.s32 $0xFFFFFFB0  }
0x30: {  	[tilespmem:s14], [sflag:$0x2] =	stream.linear.gather [hbm4b:s3+s31], $0x50, $0x38;
	[tilespmem:$0x1E980] =	vst v63  }
0x31: {  	_ =	swait.ge [sflag:s13], $0x50  }
0x32: {  	[sflag:s13] =	ssyncset.done $0x0  }
0x33: {  	[sflag:s13] =	ssyncadd.s32 $0xFFFFFFB0  }
0x34: {  	v5 =	vld [tilespmem:$0x0];
	_ =	sdelay $0x4  }
0x35: {  	v6 =	vshll.u32 v5, $0x1  }
0x36: {  	v5 =	vand.u32 $0x7, v5;
	v6 =	vand.u32 $0xFFFFFFF0, v6  }
0x37: {  	v5 =	vor.u32 v5, v6  }
0x38: {  	v6 =	vperm.xlane v5, v2;
	_ =	sdelay $0x1  }
0x39: {  	v5 =	vperm.xlane v5, v4;
	v6 =	vadd.s32 v3, v6;
	_ =	sdelay $0x1  }
0x3a: {  	v5 =	vadd.s32 v3, v5;
	_ =	sdelay $0x2  }
0x3b: {  	[tilespmem:s15], [sflag:$0x1] =	stream.indirect_vreg.gather [hbm4b:s6+s31], $0x80, v6, vm0, $0xb8;
	[tilespmem:$0x1E980] =	vst v63  }
0x3c: {  	_ = 	snop  }
0x3d: {  	[tilespmem:s16], [sflag:$0x1] =	stream.indirect_vreg.gather [hbm4b:s6+s31], $0x80, v5, vm0, $0xb8;
	[tilespmem:$0x1E980] =	vst v63  }
0x3e: {  	v5 =	vld [tilespmem:$0x10];
	_ =	sdelay $0x4  }
0x3f: {  	v6 =	vshll.u32 v5, $0x1  }
0x40: {  	v5 =	vand.u32 $0x7, v5;
	v6 =	vand.u32 $0xFFFFFFF0, v6  }
0x41: {  	v5 =	vor.u32 v5, v6  }
0x42: {  	v6 =	vperm.xlane v5, v2;
	_ =	sdelay $0x1  }
0x43: {  	v5 =	vperm.xlane v5, v4;
	v6 =	vadd.s32 v3, v6;
	_ =	sdelay $0x1  }
0x44: {  	v5 =	vadd.s32 v3, v5;
	_ =	sdelay $0x2  }
0x45: {  	[tilespmem:s17], [sflag:$0x1] =	stream.indirect_vreg.gather [hbm4b:s6+s31], $0x80, v6, vm0, $0xb8;
	[tilespmem:$0x1E980] =	vst v63  }
0x46: {  	_ = 	snop  }
0x47: {  	[tilespmem:s18], [sflag:$0x1] =	stream.indirect_vreg.gather [hbm4b:s6+s31], $0x80, v5, vm0, $0xb8;
	[tilespmem:$0x1E980] =	vst v63  }
0x48: {  	v5 =	vld [tilespmem:$0x20];
	_ =	sdelay $0x4  }
0x49: {  	v6 =	vshll.u32 v5, $0x1  }
0x4a: {  	v5 =	vand.u32 $0x7, v5;
	v6 =	vand.u32 $0xFFFFFFF0, v6  }
0x4b: {  	v5 =	vor.u32 v5, v6  }
0x4c: {  	v6 =	vperm.xlane v5, v2;
	_ =	sdelay $0x1  }
0x4d: {  	v5 =	vperm.xlane v5, v4;
	v6 =	vadd.s32 v3, v6;
	_ =	sdelay $0x1  }
0x4e: {  	v5 =	vadd.s32 v3, v5;
	_ =	sdelay $0x2  }
0x4f: {  	[tilespmem:s19], [sflag:$0x1] =	stream.indirect_vreg.gather [hbm4b:s6+s31], $0x80, v6, vm0, $0xb8;
	[tilespmem:$0x1E980] =	vst v63  }
0x50: {  	_ = 	snop  }
0x51: {  	[tilespmem:s20], [sflag:$0x1] =	stream.indirect_vreg.gather [hbm4b:s6+s31], $0x80, v5, vm0, $0xb8;
	[tilespmem:$0x1E980] =	vst v63  }
0x52: {  	v5 =	vld [tilespmem:$0x30];
	_ =	sdelay $0x4  }
0x53: {  	v6 =	vshll.u32 v5, $0x1  }
0x54: {  	v5 =	vand.u32 $0x7, v5;
	v6 =	vand.u32 $0xFFFFFFF0, v6  }
0x55: {  	v5 =	vor.u32 v5, v6  }
0x56: {  	v6 =	vperm.xlane v5, v2;
	_ =	sdelay $0x1  }
0x57: {  	v5 =	vperm.xlane v5, v4;
	v6 =	vadd.s32 v3, v6;
	_ =	sdelay $0x1  }
0x58: {  	v5 =	vadd.s32 v3, v5;
	_ =	sdelay $0x2  }
0x59: {  	[tilespmem:s21], [sflag:$0x1] =	stream.indirect_vreg.gather [hbm4b:s6+s31], $0x80, v6, vm0, $0xb8;
	[tilespmem:$0x1E980] =	vst v63  }
0x5a: {  	_ = 	snop  }
0x5b: {  	[tilespmem:s22], [sflag:$0x1] =	stream.indirect_vreg.gather [hbm4b:s6+s31], $0x80, v5, vm0, $0xb8;
	[tilespmem:$0x1E980] =	vst v63  }
0x5c: {  	v5 =	vld [tilespmem:$0x40];
	_ =	sdelay $0x4  }
0x5d: {  	v6 =	vshll.u32 v5, $0x1  }
0x5e: {  	v5 =	vand.u32 $0x7, v5;
	v6 =	vand.u32 $0xFFFFFFF0, v6  }
0x5f: {  	v5 =	vor.u32 v5, v6  }
0x60: {  	v6 =	vperm.xlane v5, v2;
	_ =	sdelay $0x1  }
0x61: {  	v5 =	vperm.xlane v5, v4;
	v6 =	vadd.s32 v3, v6;
	_ =	sdelay $0x1  }
0x62: {  	v5 =	vadd.s32 v3, v5;
	_ =	sdelay $0x2  }
0x63: {  	[tilespmem:s23], [sflag:$0x1] =	stream.indirect_vreg.gather [hbm4b:s6+s31], $0x80, v6, vm0, $0xb8;
	[tilespmem:$0x1E980] =	vst v63  }
0x64: {  	_ = 	snop  }
0x65: {  	[tilespmem:s24], [sflag:$0x1] =	stream.indirect_vreg.gather [hbm4b:s6+s31], $0x80, v5, vm0, $0xb8;
	[tilespmem:$0x1E980] =	vst v63  }
0x66: {  	_ = 	snop  }
0x67: {  	[tilespmem:s26], [sflag:$0x1] =	stream.indirect.gather [hbm4b:s7+s25], $0x80, s14, s25, $0xb8;
	[tilespmem:$0x1E980] =	vst v63  }
0x68: {  	v5 =	vld [tilespmem:$0x80]  }
0x69: {  	v6 =	vld [tilespmem:$0x90]  }
0x6a: {  	v7 =	vld [tilespmem:$0xA0]  }
0x6b: {  	v8 =	vld [tilespmem:$0xB0]  }
0x6c: {  	v9 =	vld [tilespmem:$0xC0]  }
0x6d: {  	v5 =	vsub.s32 v5, v0  }
0x6e: {  	v6 =	vsub.s32 v6, v0;
	v5 =	vmin.u32 v5, $0x1400  }
0x6f: {  	[tilespmem:$0x100] =	vst v5;
	v5 =	vmin.u32 v6, $0x1400;
	v6 =	vsub.s32 v7, v0  }
0x70: {  	[tilespmem:$0x110] =	vst v5;
	v5 =	vmin.u32 v6, $0x1400;
	v6 =	vsub.s32 v8, v0  }
0x71: {  	[tilespmem:$0x120] =	vst v5;
	v5 =	vmin.u32 v6, $0x1400;
	v6 =	vsub.s32 v9, v0  }
0x72: {  	[tilespmem:$0x130] =	vst v5;
	v5 =	vmin.u32 v6, $0x1400  }
0x73: {  	[tilespmem:$0x140] =	vst v5  }
0x74: {  	_ =	swait.ge [sflag:s28], $0x5000  }
0x75: {  	[sflag:s28] =	ssyncset.done $0x0  }
0x76: {  	[sflag:s28] =	ssyncadd.s32 $0xFFFFB000  }
0x77: {  	_ =	swait.ge [sflag:s28], $0x2800  }
0x78: {  	s12 =	simm.s32 $0x79C0;
	s10 =	simm.s32 $0x0;
	[sflag:s28] =	ssyncset.done $0x0  }
0x79: {  	s11 =	simm.s32 $0x0;
	s3 =	simm.s32 $0x51C0;
	[sflag:s28] =	ssyncadd.s32 $0xFFFFD800  }
.LBB2_5:
0x7a: {  	s8 =	sand.u32 $0x7800, s11;
	s2 =	sand.u32 $0x380, s10  }
0x7b: {  	v6 =	vld [tilespmem:s3+$0xFFFFFFC0];
	s8 =	sor.u32 s2, s8  }
0x7c: {  	v5 =	vld [tilespmem:s8+$0x580];
	_ =	sdelay $0x4  }
0x7d: {  	v5 =	vadd.f32 v6, v5;
	_ =	sdelay $0x1  }
0x7e: {  	v5 =	vmul.f32 $1.442695020e+00, v5;
	_ =	sdelay $0x1  }
0x7f: {  	(erf) = vpow2.f32 v5;
	_ =	sdelay $0x8  }
0x80: {  	v5 =	vpop (erf)  }
0x81: {  	v5 =	vadd.f32 $1.000000000e+00, v5;
	_ =	sdelay $0x1  }
0x82: {  	(erf) = vrcp.f32 v5;
	_ =	sdelay $0x4  }
0x83: {  	v5 =	vld [tilespmem:s8+$0x180];
	_ =	sdelay $0x3  }
0x84: {  	v6 =	vpop (erf)  }
0x85: {  	v5 =	vmul.f32 v6, v5;
	_ =	sdelay $0x1  }
0x86: {  	[tilespmem:s12+$0xFFFFFFC0] =	vst v5  }
0x87: {  	v5 =	vld [tilespmem:s8+$0x590]  }
0x88: {  	v6 =	vld [tilespmem:s3+$0xFFFFFFD0];
	_ =	sdelay $0x4  }
0x89: {  	v5 =	vadd.f32 v6, v5;
	_ =	sdelay $0x1  }
0x8a: {  	v5 =	vmul.f32 $1.442695020e+00, v5;
	_ =	sdelay $0x1  }
0x8b: {  	(erf) = vpow2.f32 v5;
	_ =	sdelay $0x8  }
0x8c: {  	v5 =	vpop (erf)  }
0x8d: {  	v5 =	vadd.f32 $1.000000000e+00, v5;
	_ =	sdelay $0x1  }
0x8e: {  	(erf) = vrcp.f32 v5;
	_ =	sdelay $0x4  }
0x8f: {  	v5 =	vld [tilespmem:s8+$0x190];
	_ =	sdelay $0x3  }
0x90: {  	v6 =	vpop (erf)  }
0x91: {  	v5 =	vmul.f32 v6, v5;
	_ =	sdelay $0x1  }
0x92: {  	[tilespmem:s12+$0xFFFFFFD0] =	vst v5  }
0x93: {  	v5 =	vld [tilespmem:s8+$0x5A0]  }
0x94: {  	v6 =	vld [tilespmem:s3+$0xFFFFFFE0];
	_ =	sdelay $0x4  }
0x95: {  	v5 =	vadd.f32 v6, v5;
	_ =	sdelay $0x1  }
0x96: {  	v5 =	vmul.f32 $1.442695020e+00, v5;
	_ =	sdelay $0x1  }
0x97: {  	(erf) = vpow2.f32 v5;
	_ =	sdelay $0x8  }
0x98: {  	v5 =	vpop (erf)  }
0x99: {  	v5 =	vadd.f32 $1.000000000e+00, v5;
	_ =	sdelay $0x1  }
0x9a: {  	(erf) = vrcp.f32 v5;
	_ =	sdelay $0x4  }
0x9b: {  	v5 =	vld [tilespmem:s8+$0x1A0];
	_ =	sdelay $0x3  }
0x9c: {  	v6 =	vpop (erf)  }
0x9d: {  	v5 =	vmul.f32 v6, v5;
	_ =	sdelay $0x1  }
0x9e: {  	[tilespmem:s12+$0xFFFFFFE0] =	vst v5  }
0x9f: {  	v5 =	vld [tilespmem:s8+$0x5B0]  }
0xa0: {  	v6 =	vld [tilespmem:s3+$0xFFFFFFF0];
	_ =	sdelay $0x4  }
0xa1: {  	v5 =	vadd.f32 v6, v5;
	_ =	sdelay $0x1  }
0xa2: {  	v5 =	vmul.f32 $1.442695020e+00, v5;
	_ =	sdelay $0x1  }
0xa3: {  	(erf) = vpow2.f32 v5;
	_ =	sdelay $0x8  }
0xa4: {  	v5 =	vpop (erf)  }
0xa5: {  	v5 =	vadd.f32 $1.000000000e+00, v5;
	_ =	sdelay $0x1  }
0xa6: {  	(erf) = vrcp.f32 v5;
	_ =	sdelay $0x4  }
0xa7: {  	v5 =	vld [tilespmem:s8+$0x1B0];
	_ =	sdelay $0x3  }
0xa8: {  	v6 =	vpop (erf)  }
0xa9: {  	v5 =	vmul.f32 v6, v5;
	_ =	sdelay $0x1  }
0xaa: {  	[tilespmem:s12+$0xFFFFFFF0] =	vst v5  }
0xab: {  	v5 =	vld [tilespmem:s8+$0x5C0]  }
0xac: {  	v6 =	vld [tilespmem:s3+$0x0];
	_ =	sdelay $0x4  }
0xad: {  	v5 =	vadd.f32 v6, v5;
	_ =	sdelay $0x1  }
0xae: {  	v5 =	vmul.f32 $1.442695020e+00, v5;
	_ =	sdelay $0x1  }
0xaf: {  	(erf) = vpow2.f32 v5;
	_ =	sdelay $0x8  }
0xb0: {  	v5 =	vpop (erf)  }
0xb1: {  	v5 =	vadd.f32 $1.000000000e+00, v5;
	_ =	sdelay $0x1  }
0xb2: {  	(erf) = vrcp.f32 v5;
	_ =	sdelay $0x4  }
0xb3: {  	v5 =	vld [tilespmem:s8+$0x1C0];
	_ =	sdelay $0x3  }
0xb4: {  	v6 =	vpop (erf)  }
0xb5: {  	v5 =	vmul.f32 v6, v5;
	_ =	sdelay $0x1  }
0xb6: {  	[tilespmem:s12+$0x0] =	vst v5  }
0xb7: {  	v5 =	vld [tilespmem:s8+$0x5D0]  }
0xb8: {  	v6 =	vld [tilespmem:s3+$0x10];
	_ =	sdelay $0x4  }
0xb9: {  	v5 =	vadd.f32 v6, v5;
	_ =	sdelay $0x1  }
0xba: {  	v5 =	vmul.f32 $1.442695020e+00, v5;
	_ =	sdelay $0x1  }
0xbb: {  	(erf) = vpow2.f32 v5;
	_ =	sdelay $0x8  }
0xbc: {  	v5 =	vpop (erf)  }
0xbd: {  	v5 =	vadd.f32 $1.000000000e+00, v5;
	_ =	sdelay $0x1  }
0xbe: {  	(erf) = vrcp.f32 v5;
	_ =	sdelay $0x4  }
0xbf: {  	v5 =	vld [tilespmem:s8+$0x1D0];
	_ =	sdelay $0x3  }
0xc0: {  	v6 =	vpop (erf)  }
0xc1: {  	v5 =	vmul.f32 v6, v5;
	_ =	sdelay $0x1  }
0xc2: {  	[tilespmem:s12+$0x10] =	vst v5  }
0xc3: {  	v5 =	vld [tilespmem:s8+$0x5E0]  }
0xc4: {  	v6 =	vld [tilespmem:s3+$0x20];
	_ =	sdelay $0x4  }
0xc5: {  	v5 =	vadd.f32 v6, v5;
	_ =	sdelay $0x1  }
0xc6: {  	v5 =	vmul.f32 $1.442695020e+00, v5;
	_ =	sdelay $0x1  }
0xc7: {  	(erf) = vpow2.f32 v5;
	_ =	sdelay $0x8  }
0xc8: {  	v5 =	vpop (erf)  }
0xc9: {  	v5 =	vadd.f32 $1.000000000e+00, v5;
	_ =	sdelay $0x1  }
0xca: {  	(erf) = vrcp.f32 v5;
	_ =	sdelay $0x4  }
0xcb: {  	v5 =	vld [tilespmem:s8+$0x1E0];
	_ =	sdelay $0x3  }
0xcc: {  	v6 =	vpop (erf)  }
0xcd: {  	v5 =	vmul.f32 v6, v5;
	_ =	sdelay $0x1  }
0xce: {  	[tilespmem:s12+$0x20] =	vst v5  }
0xcf: {  	v5 =	vld [tilespmem:s8+$0x5F0]  }
0xd0: {  	v6 =	vld [tilespmem:s3+$0x30];
	_ =	sdelay $0x4  }
0xd1: {  	v5 =	vadd.f32 v6, v5;
	_ =	sdelay $0x1  }
0xd2: {  	v5 =	vmul.f32 $1.442695020e+00, v5;
	_ =	sdelay $0x1  }
0xd3: {  	(erf) = vpow2.f32 v5;
	_ =	sdelay $0x8  }
0xd4: {  	v5 =	vpop (erf)  }
0xd5: {  	v5 =	vadd.f32 $1.000000000e+00, v5;
	_ =	sdelay $0x1  }
0xd6: {  	(erf) = vrcp.f32 v5;
	_ =	sdelay $0x4  }
0xd7: {  	v5 =	vld [tilespmem:s8+$0x1F0];
	_ =	sdelay $0x1  }
0xd8: {  	p0 =	sne.s32 s11, $0x4F00  }
.Ltmp1:
0xd9: {  	_ = 	snop;
	(pc) =	sbr.rel @p0 .LBB2_5-.Ltmp1, $4  }
0xda: {  	v6 =	vpop (erf)  }
0xdb: {  	v5 =	vmul.f32 v6, v5  }
0xdc: {  	s10 =	sadd.s32 $0x80, s10  }
0xdd: {  	s11 =	sadd.s32 $0x100, s11;
	s3 =	sadd.s32 $0x80, s3;
	[tilespmem:s12+$0x30] =	vst v5;
	s12 =	sadd.s32 $0x80, s12  }
0xde: {  	s0 =	sadd.s32 $0x1, s0  }
0xdf: {  	p0 =	sne.s32 s0, $0xFA  }
.Ltmp2:
0xe0: {  	_ = 	snop;
	(pc) =	sbr.rel @p0 .LBB2_4-.Ltmp2, $4  }
0xe1: {  	[spmem:s1] =	stream.indirect.scatter.add.f32 [tilespmem:s30], [sflag:$0x2], $0x80, s29, s25, $0xb8;
	[tilespmem:$0x1E980] =	vst v63  }
0xe2: {  	_ =	swait.ge [sflag:s13], $0x2800  }
0xe3: {  	[sflag:s13] =	ssyncset.done $0x0  }
0xe4: {  	[sflag:s13] =	ssyncadd.s32 $0xFFFFD800  }
0xe5: {  	s0 =	stileid.u32;
	[bflag:$0x0] =	sbarrier.arrive $0xFFFF  }
0xe6: {  	s0 =	sshll.u32 s0, $0x6;
	s10 =	rddreg [dreg:$0x4]  }
0xe7: {  	s3 =	rddreg [dreg:$0x6];
	s0 =	sor.u32 $0x1C02, s0;
	s2 =	sshrl.u32 s10, $0x3  }
0xe8: {  	[hbm:s3], [sflag:s0] =	dma.local [spmem:s2], $0x1480  }
0xe9: {  	_ =	swait.ge [sflag:s13], $0x1480  }
0xea: {  	s11 =	rddreg [dreg:$0x3]  }
0xeb: {  	s12 =	rddreg [dreg:$0x5];
	s2 =	sadd.s32 $0x1, s11  }
0xec: {  	p0 =	sne.s32 s2, s12  }
.Ltmp3:
0xed: {  	_ = 	snop;
	(pc) =	sbr.rel @p0 .LBB2_1-.Ltmp3, $3  }
0xee: {  	_ =	sdelay $0x1  }
0xef: {  	[sflag:s13] =	ssyncset.done $0x0  }
0xf0: {  	[sflag:s13] =	ssyncadd.s32 $0xFFFFEB80  }
0xf1: {  	_ =	sfence.sel $0x180000  }
0xf2: {  	[bflag:$0x0] =	sbarrier.arrive $0xFFFF  }
0xf3: {  	_ =	strace $0x9000004A  }
0xf4: {  	s0 =	stileid.u32;
	[bflag:$0x2] =	sbarrier.arrive $0xFFFF  }
0xf5: {  	p0 =	sne.s32 s0, $0x0;
	s0 =	rddreg [dreg:$0x2]  }
0xf6: {  	s0 =	sadd.s32 @!p0 $0x100000, s0  }
0xf7: {  	[sflag:s0] =	ssyncadd.tile.s32 @!p0 $0x1;
	_ =	shalt  }
.Lfunc_end2:
_tile_overlayer_lowered:
.L_overlay_start_2:
0xf8: {  	(tag) =	ssettag $0x2  }
0xf9: {  	s0 =	rddreg [dreg:$0x0];
	s2 =	stileid.u32  }
0xfa: {  	s1 =	rddreg [dreg:$0x1];
	p0 =	sne.s32 s2, $0x0  }
0xfb: {  	s3 =	rddreg [dreg:$0x2];
	[bflag:$0x3] =	sbarrier.arrive $0xFFFF;
	s2 =	simm.s32 @!p0 $0x1C02  }
0xfc: {  	[timem:s3], [sflag:s2] =	dma.local @!p0 [hbm:s0], s1  }
0xfd: {  	s0 =	simm.s32 @!p0 $0x2  }
0xfe: {  	_ =	swait.ge @!p0 [sflag:s0], s1  }
0xff: {  	s1 =	ssub.s32 @!p0 $0x0, s1;
	[sflag:s0] =	ssyncset.done @!p0 $0x0  }
0x100: {  	[sflag:s0] =	ssyncadd.s32 @!p0 s1  }
0x101: {  	[bflag:$0x3] =	sbarrier.arrive $0xFFFF  }
0x102: {  	_ =	shalt  }

// kernel: kernel.18.cloned.1.call-start
scs
__scs_entry_jumppad:
0x0: {  	(pc) =	sbr.rel $0x88, $3  }
0x1: {  	(tag) =	ssettag $0x0;
	lr =	simm.s32 $0x1  }
0x2: {  	[smem:$0x3F8C] =	sst lr;
	_ =	strace $0xD0000000  }
0x3: {  	_ = 	snop  }
0x4: {  	_ = 	snop  }
0x5: {  	_ = 	snop  }
0x6: {  	_ = 	snop  }
0x7: {  	_ = 	snop  }
__scs_overlays_trampoline_lowered:
0x8: {  	[smem:$0x3F9B] =	sst s0  }
0x9: {  	[smem:$0x3F9C] =	sst s1  }
0xa: {  	[smem:$0x3F9D] =	sst s2  }
0xb: {  	[smem:$0x3F9E] =	sst s3  }
0xc: {  	[smem:$0x3F9F] =	sst s4  }
0xd: {  	[smem:$0x3FA0] =	sst s5  }
0xe: {  	[smem:$0x3FA1] =	sst s6  }
0xf: {  	[smem:$0x3FA2] =	sst s7  }
0x10: {  	[smem:$0x3FA3] =	sst s8  }
0x11: {  	[smem:$0x3FA4] =	sst s9;
	s0 =	simm.s32 @!p0 $0x0  }
0x12: {  	s1 =	sld [smem:$0x3F8A];
	s0 =	simm.s32 @p0 $0x1  }
0x13: {  	[smem:$0x3FA5] =	sst s0;
	s0 =	simm.s32 @!p1 $0x0  }
0x14: {  	s2 =	sld [smem:$0x3F89];
	s0 =	simm.s32 @p1 $0x1  }
0x15: {  	[smem:$0x3FA6] =	sst s0;
	s0 =	simm.s32 @!p2 $0x0  }
0x16: {  	s3 =	sld [smem:$0x3FDB];
	s0 =	simm.s32 @p2 $0x1  }
0x17: {  	s4 =	simm.s32 $0x1BF5;
	[smem:$0x3FA8] =	sst s0  }
0x18: {  	s0 =	sld [smem:$0x3F8B];
	_ =	swait.ge [sflag:s4], $0x0  }
0x19: {  	s7 =	sld [smem:$0x3F8C]  }
0x1a: {  	s8 =	sadd.s32 $0xFFFFE003, lr  }
0x1b: {  	s9 =	sadd.s32 $0xFFFFFEF7, lr;
	s5 =	simm.s32 $0xFFFFFFFF;
	p2 =	slt.u32 s8, $0xFFFFF086  }
0x1c: {  	p1 =	slt.u32 s9, $0xF7A;
	s5 =	simm.s32 @!p2 $0x0  }
0x1d: {  	s5 =	simm.s32 @p1 $0x1;
	p0 =	seq.s32 s7, s2  }
0x1e: {  	s7 =	smul.u32 @!p0 $0xF7A, s2;
	p2 =	seq.s32 @!p0 s5, $0x0  }
0x1f: {  	s9 =	smul.u32 $0xF7A, s1;
	s8 =	simm.s32 @!p0 $0x1BF5;
	p2 =	por !p2, p0  }
0x20: {  	[sflag:s8] =	ssyncset.s32 @!p0 $0xFFFFF086;
	s6 =	sadd.s32 @!p0 s3, s7;
	s7 =	simm.s32 @!p0 $0x108  }
0x21: {  	s3 =	sadd.s32 s3, s9;
	s6 =	sadd.s32 @!p0 $0x88, s6;
	s7 =	simm.s32 @p2 $0x1082  }
0x22: {  	[simem:s7], [sflag:s8] =	dma.local @!p0 [hbm:s6], $0xF7A  }
0x23: {  	s9 =	sor.u32 $0xD0000000, s2;
	s6 =	simm.s32 $0x108;
	_ =	swait.ge @!p0 [sflag:s8], $0x0  }
0x24: {  	s3 =	sadd.s32 $0x88, s3;
	s6 =	simm.s32 @!p1 $0x1082;
	[sflag:s4] =	ssyncset.s32 $0xFFFFF086  }
0x25: {  	[simem:s6], [sflag:s4] =	dma.local [hbm:s3], $0xF7A  }
0x26: {  	[smem:$0x3F8C] =	sst s1;
	(tag) =	ssettag s2;
	_ =	strace s9  }
0x27: {  	s1 =	sld [smem:$0x3F9C]  }
0x28: {  	s2 =	sld [smem:$0x3F9D]  }
0x29: {  	s4 =	sld [smem:$0x3F9F]  }
0x2a: {  	p0 =	seq.s32 s5, $0x0;
	s5 =	sld [smem:$0x3FA0]  }
0x2b: {  	s6 =	sld [smem:$0x3FA1]  }
0x2c: {  	s7 =	sld [smem:$0x3FA2]  }
0x2d: {  	s3 =	simm.s32 $0x108;
	s8 =	sld [smem:$0x3FA3]  }
0x2e: {  	s3 =	simm.s32 @!p0 $0x1082;
	s9 =	sld [smem:$0x3FA4]  }
0x2f: {  	lr =	sadd.s32 s0, s3;
	s0 =	sld [smem:$0x3F9B]  }
0x30: {  	s3 =	sld [smem:$0x3F9E]  }
0x31: {  	[smem:$0x3FA7] =	sst s10  }
0x32: {  	s10 =	sld [smem:$0x3FA5];
	_ =	sdelay $0x3  }
0x33: {  	p0 =	seq.s32 s10, $0x1;
	s10 =	sld [smem:$0x3FA7];
	_ =	sdelay $0x3  }
0x34: {  	[smem:$0x3FA7] =	sst s10  }
0x35: {  	s10 =	sld [smem:$0x3FA6];
	_ =	sdelay $0x3  }
0x36: {  	p1 =	seq.s32 s10, $0x1;
	s10 =	sld [smem:$0x3FA7];
	_ =	sdelay $0x3  }
0x37: {  	[smem:$0x3FA7] =	sst s10  }
0x38: {  	s10 =	sld [smem:$0x3FA8]  }
0x39: {  	_ = 	snop;
	(pc) =	sbr.ind lr, $3  }
0x3a: {  	_ = 	snop  }
0x3b: {  	_ = 	snop  }
0x3c: {  	p2 =	seq.s32 s10, $0x1;
	s10 =	sld [smem:$0x3FA7]  }
0x3d: {  	_ =	shalt  }
0x3e: {  	_ =	shalt  }
0x3f: {  	_ =	shalt  }
0x40: {  	_ =	shalt  }
0x41: {  	_ =	shalt  }
0x42: {  	_ =	shalt  }
0x43: {  	_ =	shalt  }
0x44: {  	_ =	shalt  }
0x45: {  	_ =	shalt  }
0x46: {  	_ =	shalt  }
0x47: {  	_ =	shalt  }
0x48: {  	_ =	shalt  }
0x49: {  	_ =	shalt  }
0x4a: {  	_ =	shalt  }
0x4b: {  	_ =	shalt  }
0x4c: {  	_ =	shalt  }
0x4d: {  	_ =	shalt  }
0x4e: {  	_ =	shalt  }
0x4f: {  	_ =	shalt  }
0x50: {  	_ =	shalt  }
0x51: {  	_ =	shalt  }
0x52: {  	_ =	shalt  }
0x53: {  	_ =	shalt  }
0x54: {  	_ =	shalt  }
0x55: {  	_ =	shalt  }
0x56: {  	_ =	shalt  }
0x57: {  	_ =	shalt  }
0x58: {  	_ =	shalt  }
0x59: {  	_ =	shalt  }
0x5a: {  	_ =	shalt  }
0x5b: {  	_ =	shalt  }
0x5c: {  	_ =	shalt  }
0x5d: {  	_ =	shalt  }
0x5e: {  	_ =	shalt  }
0x5f: {  	_ =	shalt  }
0x60: {  	_ =	shalt  }
0x61: {  	_ =	shalt  }
0x62: {  	_ =	shalt  }
0x63: {  	_ =	shalt  }
0x64: {  	_ =	shalt  }
0x65: {  	_ =	shalt  }
0x66: {  	_ =	shalt  }
0x67: {  	_ =	shalt  }
0x68: {  	_ =	shalt  }
0x69: {  	_ =	shalt  }
0x6a: {  	_ =	shalt  }
0x6b: {  	_ =	shalt  }
0x6c: {  	_ =	shalt  }
0x6d: {  	_ =	shalt  }
0x6e: {  	_ =	shalt  }
0x6f: {  	_ =	shalt  }
0x70: {  	_ =	shalt  }
0x71: {  	_ =	shalt  }
0x72: {  	_ =	shalt  }
0x73: {  	_ =	shalt  }
0x74: {  	_ =	shalt  }
0x75: {  	_ =	shalt  }
0x76: {  	_ =	shalt  }
0x77: {  	_ =	shalt  }
0x78: {  	_ =	shalt  }
0x79: {  	_ =	shalt  }
0x7a: {  	_ =	shalt  }
0x7b: {  	_ =	shalt  }
0x7c: {  	_ =	shalt  }
0x7d: {  	_ =	shalt  }
0x7e: {  	_ =	shalt  }
0x7f: {  	_ =	shalt  }
0x80: {  	_ =	shalt  }
0x81: {  	_ =	shalt  }
0x82: {  	_ =	shalt  }
0x83: {  	_ =	shalt  }
0x84: {  	_ =	shalt  }
0x85: {  	_ =	shalt  }
0x86: {  	_ =	shalt  }
0x87: {  	_ =	shalt  }
.Lfunc_end0:
.L_simem_size_0:
called_computation.3_lowered:
.L_overlay_start_0:
0x88: {  	s2 =	sld [smem:$0x3FD9]  }
0x89: {  	s3 =	sld [smem:$0x3FFE];
	_ =	sdelay $0x1  }
0x8a: {  	s1 =	srdreg.scid  }
0x8b: {  	s0 =	sand.u32 $0x1, s1  }
0x8c: {  	s16 =	sshll.u32 s0, $0xA;
	s2 =	sadd.s32 s3, s2  }
0x8d: {  	s2 =	sadd.s32 s2, s16  }
0x8e: {  	[smem:$0x3FB3] =	sst s2  }
0x8f: {  	_ = 	snop  }
0x90: {  	(tm) =	ssettm $0x1  }
0x91: {  	s17 =	sld [smem:$0x3FFB];
	_ =	sdelay $0x3  }
0x92: {  	_ =	strace s17  }
0x93: {  	s2 =	sld [smem:$0x3FFC];
	_ =	sdelay $0x3  }
0x94: {  	_ =	strace s2  }
0x95: {  	s2 =	sld [smem:$0x3FFD];
	_ =	sdelay $0x3  }
0x96: {  	_ =	strace s2  }
0x97: {  	_ =	strace $0x8FFFFFFF  }
0x98: {  	s18 =	sld [smem:$0x3FDB];
	_ =	sdelay $0x1  }
0x99: {  	s19 =	simm.s32 $_scs_section_size  }
0x9a: {  	s4 =	simm.s32 $_size__tile_overlayer_lowered;
	s5 =	simm.s32 $_tile_overlayer_lowered  }
0x9b: {  	s22 =	simm.s32 $0x1BFF;
	s21 =	sshll.u32 s5, $0x1;
	s2 =	sadd.s32 s19, s18  }
0x9c: {  	s6 =	simm.s32 $0x0;
	s20 =	sshll.u32 s4, $0x1;
	s4 =	sadd.s32 s21, s2  }
0x9d: {  	[timem:s6], [sflag:s22] =	dma.local [hbm:s4], s20  }
0x9e: {  	_ =	swait.ge [sflag:s22], s20  }
0x9f: {  	s3 =	ssub.s32 $0x0, s20;
	[sflag:s22] =	ssyncset.done $0x0  }
0xa0: {  	[sflag:s22] =	ssyncadd.s32 s3;
	_ =	sdelay $0x1  }
0xa1: {  	s23 =	simm.s32 $0x1B8B  }
0xa2: {  	_ =	swait.ge [sflag:s23], $0x1  }
0xa3: {  	[sflag:s23] =	ssyncset.done $0x0  }
0xa4: {  	s25 =	simm.s32 $0x1B8E;
	s24 =	sld [smem:$0x3FFE];
	[sflag:s23] =	ssyncadd.s32 $0xFFFFFFFF  }
0xa5: {  	s26 =	simm.s32 $execute0_lowered;
	[smem:$0x3FD2] =	sst s25  }
0xa6: {  	s4 =	sshll.u32 s26, $0x1;
	_ =	strace $0x8000004F;
	[dreg:$0x1] =	wrdreg $0xFFFFFFFF  }
0xa7: {  	s28 =	simm.s32 $_size_execute0_lowered;
	s2 =	sadd.s32 s2, s4;
	[dreg:$0x0] =	wrdreg $0x0  }
0xa8: {  	s4 =	sshll.u32 s28, $0x1;
	[dreg:$0x2] =	wrdreg s2  }
0xa9: {  	[dreg:$0x3] =	wrdreg s4  }
0xaa: {  	[dreg:$0x4] =	wrdreg $0xC0  }
0xab: {  	_ =	task [dreg:s6], $0x5FFFF  }
0xac: {  	[dreg:$0x1] =	wrdreg $0xFFFFFFFF  }
0xad: {  	[dreg:$0x0] =	wrdreg $0x60  }
0xae: {  	[dreg:$0x2] =	wrdreg s24  }
0xaf: {  	[dreg:$0x3] =	wrdreg $0xCD800  }
0xb0: {  	[dreg:$0x4] =	wrdreg $0x9  }
0xb1: {  	_ =	task.clear_ibuf [dreg:s6], $0x5FFFF;
	_ =	strace $0x9000004F  }
0xb2: {  	s29 =	simm.s32 $0x9;
	_ =	strace $0x80000051  }
0xb3: {  	_ =	swait.ge [sflag:s29], $0x1  }
0xb4: {  	[sflag:s29] =	ssyncadd.s32 $0xFFFFFFFF  }
0xb5: {  	_ =	strace $0x90000051  }
0xb6: {  	_ =	sfence  }
0xb7: {  	s30 =	sld [smem:$0x0];
	_ =	sdelay $0x2  }
0xb8: {  	s31 =	sshll.u32 s1, $0xD;
	s1 =	sshrl.u32 s1, $0x2  }
0xb9: {  	s3 =	sand.u32 $0x4000, s31;
	s1 =	sadd.s32 s1, s30  }
0xba: {  	s0 =	sor.u32 s3, s0;
	s1 =	sshll.u32 s1, $0x11  }
0xbb: {  	s0 =	sor.u32 s1, s0  }
0xbc: {  	s0 =	sadd.s32 $0x8F2B, s0  }
0xbd: {  	[sflag:s0] =	ssyncadd.remote.s32 $0x1  }
0xbe: {  	_ =	sfence.sel $0xFFFF  }
0xbf: {  	[dreg:$0x0] =	wrdreg $0xFFFFFFFF;
	(pc) =	sbr.abs _section_cstart, $3  }
0xc0: {  	[dreg:$0x1] =	wrdreg $0xFFFFFFFF  }
0xc1: {  	_ =	task.clear_ibuf [dreg:s6], $0x2FFFF;
	_ =	strace $0x9FFFFFFF  }
0xc2: {  	(tm) =	ssettm $0x7FFFFFFF  }
0xc3: {  	_ =	shalt  }
tec
execute0_lowered:
.L_overlay_start_1:
0x0: {  	(tag) =	ssettag $0x1  }
0x1: {  	s6 =	rddreg [dreg:$0x0]  }
0x2: {  	s2 =	rddreg [dreg:$0x1]  }
0x3: {  	s0 =	rddreg [dreg:$0x2]  }
0x4: {  	s1 =	stileid.u32;
	s3 =	simm.s32 $0x0;
	s5 =	srdreg.scid  }
0x5: {  	s11 =	simm.s32 $0x42200;
	s12 =	simm.s32 $0x80;
	s13 =	simm.s32 $0x50  }
0x6: {  	s14 =	simm.s32 $0x180;
	s15 =	simm.s32 $0x1;
	s4 =	smul.u32 $0x9C4, s1  }
0x7: {  	s16 =	simm.s32 $0x100;
	s19 =	simm.s32 $0x0;
	s10 =	smul.u32 $0x29000, s1  }
0x8: {  	[smem:$0x7FF] =	sst s3;
	s7 =	sand.u32 $0x1, s5;
	s30 =	smul.u32 $0x1480, s1  }
0x9: {  	s18 =	sshll.u32 s1, $0x6;
	_ =	strace $0x80000050;
	s5 =	ssub.s32 $0x2, s7  }
0xa: {  	p0 =	seq.s32 s7, $0x1;
	s17 =	smul.u32 $0x1400, s7;
	s9 =	sadd.s32 s4, s6  }
0xb: {  	s4 =	sadd.s32 $0x6800, s6;
	s8 =	sshrl.u32 s5, $0x1;
	s29 =	sshrl.u32 s10, $0x2  }
0xc: {  	s11 =	simm.s32 @!p0 $0x2DA00;
	s10 =	simm.s32 $0x2980;
	s8 =	ssub.s32 s5, s8  }
0xd: {  	s5 =	sadd.s32 s29, s2;
	s31 =	sadd.s32 s11, s6;
	s11 =	simm.s32 $0x2  }
0xe: {  	v0 =	vmov s17;
	s17 =	sor.u32 $0x1C02, s18;
	s6 =	smax.u32 s8, $0x1;
	s7 =	sadd.s32 s31, s30  }
0xf: {  	v1 =	vimm.f32 $0.0e+00;
	s8 =	sadd.s32 $0x15C000, s9;
	s9 =	sadd.s32 $0x165E00, s9;
	s18 =	sshrl.u32 s5, $0x3  }
.LBB2_1:
0x10: {  	s20 =	simm.s32 $0x0;
	s21 =	simm.s32 $0x200  }
.LBB2_2:
0x11: {  	p0 =	sne.s32 s21, $0x28E00;
	[tilespmem:s20+$0x29F0] =	vst v1  }
0x12: {  	[tilespmem:s20+$0x2980] =	vst v1  }
0x13: {  	[tilespmem:s20+$0x2990] =	vst v1  }
.Ltmp0:
0x14: {  	[tilespmem:s20+$0x29A0] =	vst v1;
	(pc) =	sbr.rel @p0 .LBB2_2-.Ltmp0, $4  }
0x15: {  	[tilespmem:s20+$0x29B0] =	vst v1  }
0x16: {  	[tilespmem:s20+$0x29C0] =	vst v1  }
0x17: {  	[tilespmem:s20+$0x29D0] =	vst v1  }
0x18: {  	[tilespmem:s20+$0x29E0] =	vst v1;
	s20 =	sshra.s32 s21, $0x2;
	s21 =	sadd.s32 $0x200, s21  }
0x19: {  	[tilespmem:s20+$0x29F0] =	vst v1  }
0x1a: {  	[tilespmem:s20+$0x2980] =	vst v1  }
0x1b: {  	[tilespmem:s20+$0x2990] =	vst v1  }
0x1c: {  	[tilespmem:s20+$0x29A0] =	vst v1  }
0x1d: {  	[tilespmem:s20+$0x29B0] =	vst v1  }
0x1e: {  	[tilespmem:s20+$0x29C0] =	vst v1  }
0x1f: {  	[tilespmem:s20+$0x29D0] =	vst v1  }
0x20: {  	[tilespmem:s20+$0x29E0] =	vst v1  }
0x21: {  	[spmem:s5] =	stream.linear.scatter [tilespmem:s10], [sflag:$0x2], $0xA400, $0x38;
	[tilespmem:$0x17180] =	vst v63  }
0x22: {  	_ =	swait.ge [sflag:s11], $0xA400  }
0x23: {  	[sflag:s11] =	ssyncset.done $0x0  }
0x24: {  	[sflag:s11] =	ssyncadd.s32 $0xFFFF5C00  }
0x25: {  	s30 =	sadd.s32 $0x0, s9;
	[bflag:$0x0] =	sbarrier.arrive $0xFFFF  }
0x26: {  	[tilespmem:s3], [sflag:$0x2] =	stream.linear.gather [hbm4b:s30+s3], $0x50, $0x38;
	[tilespmem:$0x17180] =	vst v63  }
0x27: {  	_ =	swait.ge [sflag:s11], $0x50  }
0x28: {  	[sflag:s11] =	ssyncset.done $0x0  }
0x29: {  	s31 =	sadd.s32 $0x0, s8;
	[sflag:s11] =	ssyncadd.s32 $0xFFFFFFB0  }
0x2a: {  	[tilespmem:s12], [sflag:$0x2] =	stream.linear.gather [hbm4b:s31+s3], $0x50, $0x38;
	[tilespmem:$0x17180] =	vst v63  }
0x2b: {  	_ =	swait.ge [sflag:s11], $0x50  }
0x2c: {  	[sflag:s11] =	ssyncset.done $0x0  }
0x2d: {  	[sflag:s11] =	ssyncadd.s32 $0xFFFFFFB0  }
0x2e: {  	[tilespmem:s14], [sflag:$0x1] =	stream.indirect.gather [hbm4b:s4+s13], $0x80, s3, s13, $0xb8;
	[tilespmem:$0x17180] =	vst v63  }
0x2f: {  	v2 =	vld [tilespmem:$0xC0]  }
0x30: {  	v3 =	vld [tilespmem:$0xA0]  }
0x31: {  	v4 =	vld [tilespmem:$0xB0]  }
0x32: {  	v5 =	vld [tilespmem:$0x80]  }
0x33: {  	v6 =	vld [tilespmem:$0x90]  }
0x34: {  	v2 =	vsub.s32 v2, v0  }
0x35: {  	v3 =	vsub.s32 v3, v0;
	v2 =	vmin.u32 v2, $0x1400  }
0x36: {  	v4 =	vsub.s32 v4, v0;
	v3 =	vmin.u32 v3, $0x1400;
	[tilespmem:$0x140] =	vst v2  }
0x37: {  	v2 =	vsub.s32 v5, v0;
	[tilespmem:$0x120] =	vst v3;
	v3 =	vmin.u32 v4, $0x1400  }
0x38: {  	v63 =	vsub.s32 v6, v0;
	v2 =	vmin.u32 v2, $0x1400;
	[tilespmem:$0x130] =	vst v3  }
0x39: {  	[tilespmem:$0x100] =	vst v2;
	v2 =	vmin.u32 v63, $0x1400  }
0x3a: {  	[tilespmem:$0x110] =	vst v2  }
0x3b: {  	_ =	swait.ge [sflag:s15], $0x2800  }
0x3c: {  	s20 =	simm.s32 $0xA;
	[sflag:s15] =	ssyncset.done $0x0  }
.LBB2_4:
0x3d: {  	p0 =	sne.s32 s20, $0x9BA  }
0x3e: {  	[sflag:s15] =	ssyncadd.s32 $0xFFFFD800;
	s21 =	smov.u32 s20;
	s20 =	sadd.s32 $0xA, s20  }
0x3f: {  	[spmem:s2] =	stream.indirect.scatter.add.f32 [tilespmem:s14], [sflag:$0x2], $0x80, s16, s13, $0xb8;
	[tilespmem:$0x17180] =	vst v63  }
0x40: {  	_ =	swait.ge [sflag:s11], $0x2800  }
0x41: {  	[sflag:s11] =	ssyncset.done $0x0  }
0x42: {  	s22 =	sadd.s32 s21, s9;
	[sflag:s11] =	ssyncadd.s32 $0xFFFFD800  }
0x43: {  	[tilespmem:s3], [sflag:$0x2] =	stream.linear.gather [hbm4b:s22+s3], $0x50, $0x38;
	[tilespmem:$0x17180] =	vst v63  }
0x44: {  	_ =	swait.ge [sflag:s11], $0x50  }
0x45: {  	[sflag:s11] =	ssyncset.done $0x0  }
0x46: {  	s21 =	sadd.s32 s21, s8;
	[sflag:s11] =	ssyncadd.s32 $0xFFFFFFB0  }
0x47: {  	[tilespmem:s12], [sflag:$0x2] =	stream.linear.gather [hbm4b:s21+s3], $0x50, $0x38;
	[tilespmem:$0x17180] =	vst v63  }
0x48: {  	_ =	swait.ge [sflag:s11], $0x50  }
0x49: {  	[sflag:s11] =	ssyncset.done $0x0  }
0x4a: {  	[sflag:s11] =	ssyncadd.s32 $0xFFFFFFB0  }
0x4b: {  	[tilespmem:s14], [sflag:$0x1] =	stream.indirect.gather [hbm4b:s4+s13], $0x80, s3, s13, $0xb8;
	[tilespmem:$0x17180] =	vst v63  }
0x4c: {  	v2 =	vld [tilespmem:$0xC0]  }
0x4d: {  	v3 =	vld [tilespmem:$0xA0]  }
0x4e: {  	v4 =	vld [tilespmem:$0xB0]  }
0x4f: {  	v5 =	vld [tilespmem:$0x80]  }
0x50: {  	v6 =	vld [tilespmem:$0x90]  }
0x51: {  	v2 =	vsub.s32 v2, v0  }
0x52: {  	v3 =	vsub.s32 v3, v0;
	v2 =	vmin.u32 v2, $0x1400  }
0x53: {  	v3 =	vmin.u32 v3, $0x1400;
	v4 =	vsub.s32 v4, v0;
	[tilespmem:$0x140] =	vst v2  }
0x54: {  	v2 =	vsub.s32 v5, v0;
	[tilespmem:$0x120] =	vst v3;
	v3 =	vmin.u32 v4, $0x1400  }
.Ltmp1:
0x55: {  	v2 =	vmin.u32 v2, $0x1400;
	v4 =	vsub.s32 v6, v0;
	[tilespmem:$0x130] =	vst v3;
	(pc) =	sbr.rel @p0 .LBB2_4-.Ltmp1, $4  }
0x56: {  	[tilespmem:$0x100] =	vst v2;
	v2 =	vmin.u32 v4, $0x1400  }
0x57: {  	[tilespmem:$0x110] =	vst v2  }
0x58: {  	_ =	swait.ge [sflag:s15], $0x2800  }
0x59: {  	[sflag:s15] =	ssyncset.done $0x0  }
0x5a: {  	[sflag:s15] =	ssyncadd.s32 $0xFFFFD800  }
0x5b: {  	[spmem:s2] =	stream.indirect.scatter.add.f32 [tilespmem:s14], [sflag:$0x2], $0x80, s16, s13, $0xb8;
	[tilespmem:$0x17180] =	vst v63  }
0x5c: {  	_ =	swait.ge [sflag:s11], $0x2800  }
0x5d: {  	s19 =	sadd.s32 $0x1, s19;
	[sflag:s11] =	ssyncset.done $0x0  }
0x5e: {  	p0 =	sne.s32 s19, s6;
	[sflag:s11] =	ssyncadd.s32 $0xFFFFD800  }
.Ltmp2:
0x5f: {  	[bflag:$0x0] =	sbarrier.arrive $0xFFFF;
	(pc) =	sbr.rel @p0 .LBB2_1-.Ltmp2, $4  }
0x60: {  	[hbm:s7], [sflag:s17] =	dma.local [spmem:s18], $0x1480  }
0x61: {  	_ =	swait.ge [sflag:s11], $0x1480  }
0x62: {  	[sflag:s11] =	ssyncset.done $0x0  }
0x63: {  	[sflag:s11] =	ssyncadd.s32 $0xFFFFEB80  }
0x64: {  	_ =	sfence.sel $0x180000  }
0x65: {  	[bflag:$0x0] =	sbarrier.arrive $0xFFFF  }
0x66: {  	p0 =	sne.s32 s1, $0x0;
	_ =	strace $0x90000050  }
0x67: {  	s0 =	sadd.s32 @!p0 $0x100000, s0;
	[bflag:$0x2] =	sbarrier.arrive $0xFFFF  }
0x68: {  	[sflag:s0] =	ssyncadd.tile.s32 @!p0 $0x1;
	_ =	shalt  }
.Lfunc_end2:
_tile_overlayer_lowered:
.L_overlay_start_2:
0x69: {  	(tag) =	ssettag $0x2  }
0x6a: {  	s0 =	rddreg [dreg:$0x0];
	s2 =	stileid.u32  }
0x6b: {  	s1 =	rddreg [dreg:$0x1];
	p0 =	sne.s32 s2, $0x0  }
0x6c: {  	s3 =	rddreg [dreg:$0x2];
	[bflag:$0x3] =	sbarrier.arrive $0xFFFF;
	s2 =	simm.s32 @!p0 $0x1C02  }
0x6d: {  	[timem:s3], [sflag:s2] =	dma.local @!p0 [hbm:s0], s1  }
0x6e: {  	s0 =	simm.s32 @!p0 $0x2  }
0x6f: {  	_ =	swait.ge @!p0 [sflag:s0], s1  }
0x70: {  	s1 =	ssub.s32 @!p0 $0x0, s1;
	[sflag:s0] =	ssyncset.done @!p0 $0x0  }
0x71: {  	[sflag:s0] =	ssyncadd.s32 @!p0 s1  }
0x72: {  	[bflag:$0x3] =	sbarrier.arrive $0xFFFF  }
0x73: {  	_ =	shalt  }

// kernel: kernel.9.cloned.1.call-start
scs
__scs_entry_jumppad:
0x0: {  	(pc) =	sbr.rel $0x88, $3  }
0x1: {  	(tag) =	ssettag $0x0;
	lr =	simm.s32 $0x1  }
0x2: {  	[smem:$0x3F8C] =	sst lr;
	_ =	strace $0xD0000000  }
0x3: {  	_ = 	snop  }
0x4: {  	_ = 	snop  }
0x5: {  	_ = 	snop  }
0x6: {  	_ = 	snop  }
0x7: {  	_ = 	snop  }
__scs_overlays_trampoline_lowered:
0x8: {  	[smem:$0x3F9B] =	sst s0  }
0x9: {  	[smem:$0x3F9C] =	sst s1  }
0xa: {  	[smem:$0x3F9D] =	sst s2  }
0xb: {  	[smem:$0x3F9E] =	sst s3  }
0xc: {  	[smem:$0x3F9F] =	sst s4  }
0xd: {  	[smem:$0x3FA0] =	sst s5  }
0xe: {  	[smem:$0x3FA1] =	sst s6  }
0xf: {  	[smem:$0x3FA2] =	sst s7  }
0x10: {  	[smem:$0x3FA3] =	sst s8  }
0x11: {  	[smem:$0x3FA4] =	sst s9;
	s0 =	simm.s32 @!p0 $0x0  }
0x12: {  	s1 =	sld [smem:$0x3F8A];
	s0 =	simm.s32 @p0 $0x1  }
0x13: {  	[smem:$0x3FA5] =	sst s0;
	s0 =	simm.s32 @!p1 $0x0  }
0x14: {  	s2 =	sld [smem:$0x3F89];
	s0 =	simm.s32 @p1 $0x1  }
0x15: {  	[smem:$0x3FA6] =	sst s0;
	s0 =	simm.s32 @!p2 $0x0  }
0x16: {  	s3 =	sld [smem:$0x3FDB];
	s0 =	simm.s32 @p2 $0x1  }
0x17: {  	s4 =	simm.s32 $0x1BF5;
	[smem:$0x3FA8] =	sst s0  }
0x18: {  	s0 =	sld [smem:$0x3F8B];
	_ =	swait.ge [sflag:s4], $0x0  }
0x19: {  	s7 =	sld [smem:$0x3F8C]  }
0x1a: {  	s8 =	sadd.s32 $0xFFFFE003, lr  }
0x1b: {  	s9 =	sadd.s32 $0xFFFFFEF7, lr;
	s5 =	simm.s32 $0xFFFFFFFF;
	p2 =	slt.u32 s8, $0xFFFFF086  }
0x1c: {  	p1 =	slt.u32 s9, $0xF7A;
	s5 =	simm.s32 @!p2 $0x0  }
0x1d: {  	s5 =	simm.s32 @p1 $0x1;
	p0 =	seq.s32 s7, s2  }
0x1e: {  	s7 =	smul.u32 @!p0 $0xF7A, s2;
	p2 =	seq.s32 @!p0 s5, $0x0  }
0x1f: {  	s9 =	smul.u32 $0xF7A, s1;
	s8 =	simm.s32 @!p0 $0x1BF5;
	p2 =	por !p2, p0  }
0x20: {  	[sflag:s8] =	ssyncset.s32 @!p0 $0xFFFFF086;
	s6 =	sadd.s32 @!p0 s3, s7;
	s7 =	simm.s32 @!p0 $0x108  }
0x21: {  	s3 =	sadd.s32 s3, s9;
	s6 =	sadd.s32 @!p0 $0x88, s6;
	s7 =	simm.s32 @p2 $0x1082  }
0x22: {  	[simem:s7], [sflag:s8] =	dma.local @!p0 [hbm:s6], $0xF7A  }
0x23: {  	s9 =	sor.u32 $0xD0000000, s2;
	s6 =	simm.s32 $0x108;
	_ =	swait.ge @!p0 [sflag:s8], $0x0  }
0x24: {  	s3 =	sadd.s32 $0x88, s3;
	s6 =	simm.s32 @!p1 $0x1082;
	[sflag:s4] =	ssyncset.s32 $0xFFFFF086  }
0x25: {  	[simem:s6], [sflag:s4] =	dma.local [hbm:s3], $0xF7A  }
0x26: {  	[smem:$0x3F8C] =	sst s1;
	(tag) =	ssettag s2;
	_ =	strace s9  }
0x27: {  	s1 =	sld [smem:$0x3F9C]  }
0x28: {  	s2 =	sld [smem:$0x3F9D]  }
0x29: {  	s4 =	sld [smem:$0x3F9F]  }
0x2a: {  	p0 =	seq.s32 s5, $0x0;
	s5 =	sld [smem:$0x3FA0]  }
0x2b: {  	s6 =	sld [smem:$0x3FA1]  }
0x2c: {  	s7 =	sld [smem:$0x3FA2]  }
0x2d: {  	s3 =	simm.s32 $0x108;
	s8 =	sld [smem:$0x3FA3]  }
0x2e: {  	s3 =	simm.s32 @!p0 $0x1082;
	s9 =	sld [smem:$0x3FA4]  }
0x2f: {  	lr =	sadd.s32 s0, s3;
	s0 =	sld [smem:$0x3F9B]  }
0x30: {  	s3 =	sld [smem:$0x3F9E]  }
0x31: {  	[smem:$0x3FA7] =	sst s10  }
0x32: {  	s10 =	sld [smem:$0x3FA5];
	_ =	sdelay $0x3  }
0x33: {  	p0 =	seq.s32 s10, $0x1;
	s10 =	sld [smem:$0x3FA7];
	_ =	sdelay $0x3  }
0x34: {  	[smem:$0x3FA7] =	sst s10  }
0x35: {  	s10 =	sld [smem:$0x3FA6];
	_ =	sdelay $0x3  }
0x36: {  	p1 =	seq.s32 s10, $0x1;
	s10 =	sld [smem:$0x3FA7];
	_ =	sdelay $0x3  }
0x37: {  	[smem:$0x3FA7] =	sst s10  }
0x38: {  	s10 =	sld [smem:$0x3FA8]  }
0x39: {  	_ = 	snop;
	(pc) =	sbr.ind lr, $3  }
0x3a: {  	_ = 	snop  }
0x3b: {  	_ = 	snop  }
0x3c: {  	p2 =	seq.s32 s10, $0x1;
	s10 =	sld [smem:$0x3FA7]  }
0x3d: {  	_ =	shalt  }
0x3e: {  	_ =	shalt  }
0x3f: {  	_ =	shalt  }
0x40: {  	_ =	shalt  }
0x41: {  	_ =	shalt  }
0x42: {  	_ =	shalt  }
0x43: {  	_ =	shalt  }
0x44: {  	_ =	shalt  }
0x45: {  	_ =	shalt  }
0x46: {  	_ =	shalt  }
0x47: {  	_ =	shalt  }
0x48: {  	_ =	shalt  }
0x49: {  	_ =	shalt  }
0x4a: {  	_ =	shalt  }
0x4b: {  	_ =	shalt  }
0x4c: {  	_ =	shalt  }
0x4d: {  	_ =	shalt  }
0x4e: {  	_ =	shalt  }
0x4f: {  	_ =	shalt  }
0x50: {  	_ =	shalt  }
0x51: {  	_ =	shalt  }
0x52: {  	_ =	shalt  }
0x53: {  	_ =	shalt  }
0x54: {  	_ =	shalt  }
0x55: {  	_ =	shalt  }
0x56: {  	_ =	shalt  }
0x57: {  	_ =	shalt  }
0x58: {  	_ =	shalt  }
0x59: {  	_ =	shalt  }
0x5a: {  	_ =	shalt  }
0x5b: {  	_ =	shalt  }
0x5c: {  	_ =	shalt  }
0x5d: {  	_ =	shalt  }
0x5e: {  	_ =	shalt  }
0x5f: {  	_ =	shalt  }
0x60: {  	_ =	shalt  }
0x61: {  	_ =	shalt  }
0x62: {  	_ =	shalt  }
0x63: {  	_ =	shalt  }
0x64: {  	_ =	shalt  }
0x65: {  	_ =	shalt  }
0x66: {  	_ =	shalt  }
0x67: {  	_ =	shalt  }
0x68: {  	_ =	shalt  }
0x69: {  	_ =	shalt  }
0x6a: {  	_ =	shalt  }
0x6b: {  	_ =	shalt  }
0x6c: {  	_ =	shalt  }
0x6d: {  	_ =	shalt  }
0x6e: {  	_ =	shalt  }
0x6f: {  	_ =	shalt  }
0x70: {  	_ =	shalt  }
0x71: {  	_ =	shalt  }
0x72: {  	_ =	shalt  }
0x73: {  	_ =	shalt  }
0x74: {  	_ =	shalt  }
0x75: {  	_ =	shalt  }
0x76: {  	_ =	shalt  }
0x77: {  	_ =	shalt  }
0x78: {  	_ =	shalt  }
0x79: {  	_ =	shalt  }
0x7a: {  	_ =	shalt  }
0x7b: {  	_ =	shalt  }
0x7c: {  	_ =	shalt  }
0x7d: {  	_ =	shalt  }
0x7e: {  	_ =	shalt  }
0x7f: {  	_ =	shalt  }
0x80: {  	_ =	shalt  }
0x81: {  	_ =	shalt  }
0x82: {  	_ =	shalt  }
0x83: {  	_ =	shalt  }
0x84: {  	_ =	shalt  }
0x85: {  	_ =	shalt  }
0x86: {  	_ =	shalt  }
0x87: {  	_ =	shalt  }
.Lfunc_end0:
.L_simem_size_0:
called_computation_lowered:
.L_overlay_start_0:
0x88: {  	s2 =	sld [smem:$0x3FD9]  }
0x89: {  	s3 =	sld [smem:$0x3FFE];
	_ =	sdelay $0x1  }
0x8a: {  	s1 =	srdreg.scid  }
0x8b: {  	s0 =	sand.u32 $0x1, s1  }
0x8c: {  	s17 =	sshll.u32 s0, $0xA;
	s2 =	sadd.s32 s3, s2  }
0x8d: {  	s2 =	sadd.s32 s2, s17  }
0x8e: {  	[smem:$0x3FB3] =	sst s2  }
0x8f: {  	_ = 	snop  }
0x90: {  	s2 =	sld [smem:$0x3FC4];
	(tm) =	ssettm $0x1  }
0x91: {  	s18 =	sld [smem:$0x3FFB];
	_ =	sdelay $0x3  }
0x92: {  	_ =	strace s18  }
0x93: {  	s3 =	sld [smem:$0x3FFC];
	_ =	sdelay $0x3  }
0x94: {  	_ =	strace s3  }
0x95: {  	s3 =	sld [smem:$0x3FFD];
	_ =	sdelay $0x3  }
0x96: {  	_ =	strace s3  }
0x97: {  	_ =	strace $0x8FFFFFFF  }
0x98: {  	s19 =	sld [smem:$0x3FDB];
	_ =	sdelay $0x1  }
0x99: {  	s4 =	simm.s32 $_scs_section_size  }
0x9a: {  	s5 =	simm.s32 $_size__tile_overlayer_lowered;
	s6 =	simm.s32 $_tile_overlayer_lowered  }
0x9b: {  	s22 =	simm.s32 $0x1BFF;
	s21 =	sshll.u32 s6, $0x1;
	s3 =	sadd.s32 s4, s19  }
0x9c: {  	s7 =	simm.s32 $0x0;
	s20 =	sshll.u32 s5, $0x1;
	s5 =	sadd.s32 s21, s3  }
0x9d: {  	[timem:s7], [sflag:s22] =	dma.local [hbm:s5], s20  }
0x9e: {  	_ =	swait.ge [sflag:s22], s20  }
0x9f: {  	s4 =	ssub.s32 $0x0, s20;
	[sflag:s22] =	ssyncset.done $0x0  }
0xa0: {  	[sflag:s22] =	ssyncadd.s32 s4;
	_ =	sdelay $0x1  }
0xa1: {  	s23 =	simm.s32 $0x1B8B  }
0xa2: {  	_ =	swait.ge [sflag:s23], $0x1  }
0xa3: {  	[sflag:s23] =	ssyncset.done $0x0  }
0xa4: {  	s25 =	simm.s32 $0x1B8E;
	s24 =	sld [smem:$0x3FFE];
	[sflag:s23] =	ssyncadd.s32 $0xFFFFFFFF  }
0xa5: {  	s26 =	simm.s32 $execute0_lowered;
	[smem:$0x3FD2] =	sst s25  }
0xa6: {  	s5 =	sshll.u32 s26, $0x1;
	_ =	strace $0x80000046;
	[dreg:$0x1] =	wrdreg $0xFFFFFFFF  }
0xa7: {  	s28 =	simm.s32 $_size_execute0_lowered;
	s3 =	sadd.s32 s3, s5;
	[dreg:$0x0] =	wrdreg $0x0  }
0xa8: {  	s5 =	sshll.u32 s28, $0x1;
	[dreg:$0x2] =	wrdreg s3  }
0xa9: {  	[dreg:$0x3] =	wrdreg s5  }
0xaa: {  	[dreg:$0x4] =	wrdreg $0xC0  }
0xab: {  	_ =	task [dreg:s7], $0x5FFFF  }
0xac: {  	[dreg:$0x1] =	wrdreg $0xFFFFFFFF  }
0xad: {  	[dreg:$0x0] =	wrdreg $0x60  }
0xae: {  	[dreg:$0x2] =	wrdreg s24  }
0xaf: {  	[dreg:$0x3] =	wrdreg s2  }
0xb0: {  	[dreg:$0x4] =	wrdreg $0x9  }
0xb1: {  	_ =	task.clear_ibuf [dreg:s7], $0x5FFFF;
	_ =	strace $0x90000046  }
0xb2: {  	s29 =	simm.s32 $0x9;
	_ =	strace $0x80000048  }
0xb3: {  	_ =	swait.ge [sflag:s29], $0x1  }
0xb4: {  	[sflag:s29] =	ssyncadd.s32 $0xFFFFFFFF  }
0xb5: {  	_ =	strace $0x90000048  }
0xb6: {  	_ =	sfence  }
0xb7: {  	s30 =	sld [smem:$0x0];
	_ =	sdelay $0x2  }
0xb8: {  	s31 =	sshll.u32 s1, $0xD;
	s1 =	sshrl.u32 s1, $0x2  }
0xb9: {  	s3 =	sand.u32 $0x4000, s31;
	s1 =	sadd.s32 s1, s30  }
0xba: {  	s0 =	sor.u32 s3, s0;
	s1 =	sshll.u32 s1, $0x11  }
0xbb: {  	s0 =	sor.u32 s1, s0  }
0xbc: {  	s0 =	sadd.s32 $0x8F2B, s0  }
0xbd: {  	[sflag:s0] =	ssyncadd.remote.s32 $0x1  }
0xbe: {  	_ =	sfence.sel $0xFFFF  }
0xbf: {  	[dreg:$0x0] =	wrdreg $0xFFFFFFFF;
	(pc) =	sbr.abs _section_cstart, $3  }
0xc0: {  	[dreg:$0x1] =	wrdreg $0xFFFFFFFF  }
0xc1: {  	_ =	task.clear_ibuf [dreg:s7], $0x2FFFF;
	_ =	strace $0x9FFFFFFF  }
0xc2: {  	(tm) =	ssettm $0x7FFFFFFF  }
0xc3: {  	_ =	shalt  }
tec
execute0_lowered:
.L_overlay_start_1:
0x0: {  	(tag) =	ssettag $0x1  }
0x1: {  	s9 =	rddreg [dreg:$0x0];
	s1 =	srdreg.scid  }
0x2: {  	s0 =	stileid.u32;
	s2 =	rddreg [dreg:$0x1]  }
0x3: {  	s3 =	simm.s32 $0x0;
	s18 =	sand.u32 $0x1, s1;
	s26 =	sshll.u32 s0, $0x1  }
0x4: {  	s28 =	simm.s32 $0x5080;
	[smem:$0x7FF] =	sst s3;
	s4 =	sor.u32 s18, s26  }
0x5: {  	s11 =	sadd.s32 $0x6800, s9;
	s1 =	sadd.s32 $0x6E00, s9;
	s6 =	smul.u32 $0x1400, s4  }
0x6: {  	s12 =	sadd.s32 $0x94000, s9;
	s10 =	sadd.s32 $0x6C000, s9;
	s13 =	sadd.s32 $0xBC000, s9  }
0x7: {  	s14 =	sadd.s32 $0xE4000, s9;
	s16 =	sadd.s32 $0x10C000, s9;
	s0 =	sadd.s32 s12, s6  }
0x8: {  	_ =	strace $0x80000047;
	s8 =	sadd.s32 s10, s6;
	[dreg:$0x4] =	wrdreg s0  }
0x9: {  	s15 =	smul.u32 $0x140, s4;
	s17 =	sadd.s32 s13, s6;
	[dreg:$0x5] =	wrdreg s8  }
0xa: {  	s4 =	smul.u32 $0x2800, s4;
	s19 =	sadd.s32 s14, s6;
	[dreg:$0x6] =	wrdreg s17  }
0xb: {  	s5 =	sshrl.u32 s15, $0x3;
	s20 =	sadd.s32 s16, s6;
	[dreg:$0x7] =	wrdreg s19  }
0xc: {  	s7 =	sadd.s32 s11, s5;
	s17 =	sadd.s32 $0x1C000, s9;
	[dreg:$0x8] =	wrdreg s20  }
0xd: {  	s19 =	sadd.s32 $0x134000, s9;
	s21 =	sadd.s32 s1, s5;
	[dreg:$0x3] =	wrdreg s7  }
0xe: {  	s4 =	sadd.s32 s17, s4;
	s7 =	sadd.s32 $0x50, s15;
	[dreg:$0xa] =	wrdreg s21  }
0xf: {  	s22 =	sadd.s32 s19, s6;
	[dreg:$0x9] =	wrdreg s4;
	s8 =	sshrl.u32 s7, $0x3  }
0x10: {  	[dreg:$0xb] =	wrdreg s22;
	s20 =	sshll.u32 s7, $0x4;
	s23 =	sadd.s32 s11, s8  }
0x11: {  	s29 =	simm.s32 $0x5880;
	s24 =	sadd.s32 s12, s20;
	[dreg:$0xc] =	wrdreg s23  }
0x12: {  	s30 =	simm.s32 $0x6080;
	s25 =	sadd.s32 s10, s20;
	[dreg:$0xd] =	wrdreg s24  }
0x13: {  	s31 =	simm.s32 $0x6880;
	s26 =	sadd.s32 s13, s20;
	[dreg:$0xe] =	wrdreg s25  }
0x14: {  	s18 =	ssub.s32 $0x2, s18;
	s0 =	sadd.s32 s14, s20;
	[dreg:$0xf] =	wrdreg s26  }
0x15: {  	s7 =	sshll.u32 s7, $0x5;
	s21 =	sadd.s32 s16, s20;
	[dreg:$0x10] =	wrdreg s0  }
0x16: {  	s5 =	sadd.s32 $0x9400, s9;
	s7 =	sadd.s32 s17, s7;
	[dreg:$0x11] =	wrdreg s21  }
0x17: {  	s6 =	sadd.s32 $0x12A00, s9;
	s8 =	sadd.s32 s1, s8;
	[dreg:$0x12] =	wrdreg s7  }
0x18: {  	s22 =	sadd.s32 s19, s20;
	s21 =	sadd.s32 $0xA0, s15;
	[dreg:$0x13] =	wrdreg s8  }
0x19: {  	s4 =	sadd.s32 $0xF800, s9;
	[dreg:$0x14] =	wrdreg s22;
	s20 =	sshrl.u32 s21, $0x3  }
0x1a: {  	s7 =	sadd.s32 $0x15C00, s9;
	s22 =	sshll.u32 s21, $0x4;
	s23 =	sadd.s32 s11, s20  }
0x1b: {  	s8 =	sadd.s32 $0x18E00, s9;
	s24 =	sadd.s32 s10, s22;
	[dreg:$0x15] =	wrdreg s23  }
0x1c: {  	s9 =	sadd.s32 $0x7400, s9;
	s25 =	sadd.s32 s13, s22;
	[dreg:$0x17] =	wrdreg s24  }
0x1d: {  	s15 =	sadd.s32 $0xF0, s15;
	s26 =	sadd.s32 s14, s22;
	[dreg:$0x18] =	wrdreg s25  }
0x1e: {  	s21 =	sshll.u32 s21, $0x5;
	s0 =	sadd.s32 s16, s22;
	[dreg:$0x19] =	wrdreg s26  }
0x1f: {  	s21 =	sadd.s32 s17, s21;
	s20 =	sadd.s32 s1, s20;
	[dreg:$0x1a] =	wrdreg s0  }
0x20: {  	s23 =	sadd.s32 s12, s22;
	s24 =	sshrl.u32 s18, $0x1;
	[dreg:$0x1b] =	wrdreg s21  }
0x21: {  	[dreg:$0x1c] =	wrdreg s20;
	s21 =	sadd.s32 s19, s22;
	s22 =	sshrl.u32 s15, $0x3  }
0x22: {  	s26 =	sshll.u32 s15, $0x5;
	s20 =	simm.s32 $0x80;
	[dreg:$0x16] =	wrdreg s23  }
0x23: {  	[dreg:$0x1d] =	wrdreg s21;
	s11 =	sadd.s32 s11, s22;
	s23 =	sshll.u32 s15, $0x4  }
0x24: {  	s18 =	ssub.s32 s18, s24;
	s15 =	sadd.s32 s1, s22;
	s21 =	simm.s32 $0x1  }
0x25: {  	s22 =	simm.s32 $0x2880;
	s24 =	simm.s32 $0x3880;
	s1 =	simm.s32 $0x7080  }
0x26: {  	[dreg:$0x1e] =	wrdreg s11;
	s25 =	sadd.s32 s12, s23;
	s10 =	sadd.s32 s10, s23  }
0x27: {  	s11 =	sadd.s32 s13, s23;
	s12 =	sadd.s32 s14, s23;
	s13 =	sadd.s32 s16, s23  }
0x28: {  	v2 =	vlaneseq.u32;
	s14 =	sadd.s32 s17, s26;
	s16 =	sadd.s32 s19, s23;
	s17 =	smax.u32 s18, $0x1  }
0x29: {  	vm0 =	vmmov $0xffff;
	v1 =	vshrl.u32 v2, $0x3;
	s18 =	simm.s32 $0x2;
	s19 =	simm.s32 $0x50;
	s23 =	simm.s32 $0x3080  }
0x2a: {  	v0 =	vand.u32 $0x7, v2;
	v2 =	vor.u32 $0x8, v2;
	v1 =	vmul.u32 $0x8, v1;
	s26 =	simm.s32 $0x4880;
	[dreg:$0x1f] =	wrdreg s25;
	s25 =	simm.s32 $0x4080  }
.LBB2_1:
0x2b: {  	s0 =	rddreg [dreg:$0x3]  }
0x2c: {  	[tilespmem:s3], [sflag:$0x2] =	stream.linear.gather [hbm4b:s0+s3], $0x50, $0x38;
	[tilespmem:$0x7880] =	vst v63  }
0x2d: {  	_ =	swait.ge [sflag:s18], $0x50  }
0x2e: {  	[sflag:s18] =	ssyncset.done $0x0  }
0x2f: {  	[sflag:s18] =	ssyncadd.s32 $0xFFFFFFB0  }
0x30: {  	[tilespmem:s20], [sflag:$0x1] =	stream.indirect.gather [hbm4b:s4+s19], $0x80, s3, s19, $0xb8;
	[tilespmem:$0x7880] =	vst v63  }
0x31: {  	_ =	swait.ge [sflag:s21], $0x2800  }
0x32: {  	[sflag:s21] =	ssyncset.done $0x0  }
0x33: {  	s0 =	rddreg [dreg:$0x4];
	[sflag:s21] =	ssyncadd.s32 $0xFFFFD800  }
0x34: {  	[hbm4b:s0+s3] =	stream.linear.scatter [tilespmem:s20], [sflag:$0x2], $0x2800, $0x38;
	[tilespmem:$0x7880] =	vst v63  }
0x35: {  	_ =	swait.ge [sflag:s18], $0x2800  }
0x36: {  	[sflag:s18] =	ssyncset.done $0x0  }
0x37: {  	[sflag:s18] =	ssyncadd.s32 $0xFFFFD800  }
0x38: {  	[tilespmem:s20], [sflag:$0x1] =	stream.indirect.gather [hbm4b:s6+s19], $0x80, s3, s19, $0xb8;
	[tilespmem:$0x7880] =	vst v63  }
0x39: {  	_ =	swait.ge [sflag:s21], $0x2800  }
0x3a: {  	[sflag:s21] =	ssyncset.done $0x0  }
0x3b: {  	s0 =	rddreg [dreg:$0x5];
	[sflag:s21] =	ssyncadd.s32 $0xFFFFD800  }
0x3c: {  	[hbm4b:s0+s3] =	stream.linear.scatter [tilespmem:s20], [sflag:$0x2], $0x2800, $0x38;
	[tilespmem:$0x7880] =	vst v63  }
0x3d: {  	_ =	swait.ge [sflag:s18], $0x2800  }
0x3e: {  	[sflag:s18] =	ssyncset.done $0x0  }
0x3f: {  	[sflag:s18] =	ssyncadd.s32 $0xFFFFD800  }
0x40: {  	[tilespmem:s20], [sflag:$0x1] =	stream.indirect.gather [hbm4b:s7+s19], $0x80, s3, s19, $0xb8;
	[tilespmem:$0x7880] =	vst v63  }
0x41: {  	_ =	swait.ge [sflag:s21], $0x2800  }
0x42: {  	[sflag:s21] =	ssyncset.done $0x0  }
0x43: {  	s0 =	rddreg [dreg:$0x6];
	[sflag:s21] =	ssyncadd.s32 $0xFFFFD800  }
0x44: {  	[hbm4b:s0+s3] =	stream.linear.scatter [tilespmem:s20], [sflag:$0x2], $0x2800, $0x38;
	[tilespmem:$0x7880] =	vst v63  }
0x45: {  	_ =	swait.ge [sflag:s18], $0x2800  }
0x46: {  	[sflag:s18] =	ssyncset.done $0x0  }
0x47: {  	[sflag:s18] =	ssyncadd.s32 $0xFFFFD800  }
0x48: {  	[tilespmem:s20], [sflag:$0x1] =	stream.indirect.gather [hbm4b:s8+s19], $0x80, s3, s19, $0xb8;
	[tilespmem:$0x7880] =	vst v63  }
0x49: {  	_ =	swait.ge [sflag:s21], $0x2800  }
0x4a: {  	[sflag:s21] =	ssyncset.done $0x0  }
0x4b: {  	s0 =	rddreg [dreg:$0x7];
	[sflag:s21] =	ssyncadd.s32 $0xFFFFD800  }
0x4c: {  	[hbm4b:s0+s3] =	stream.linear.scatter [tilespmem:s20], [sflag:$0x2], $0x2800, $0x38;
	[tilespmem:$0x7880] =	vst v63  }
0x4d: {  	_ =	swait.ge [sflag:s18], $0x2800  }
0x4e: {  	[sflag:s18] =	ssyncset.done $0x0  }
0x4f: {  	[sflag:s18] =	ssyncadd.s32 $0xFFFFD800  }
0x50: {  	[tilespmem:s20], [sflag:$0x1] =	stream.indirect.gather [hbm4b:s2+s19], $0x80, s3, s19, $0xb8;
	[tilespmem:$0x7880] =	vst v63  }
0x51: {  	_ =	swait.ge [sflag:s21], $0x2800  }
0x52: {  	[sflag:s21] =	ssyncset.done $0x0  }
0x53: {  	s0 =	rddreg [dreg:$0x8];
	[sflag:s21] =	ssyncadd.s32 $0xFFFFD800  }
0x54: {  	[hbm4b:s0+s3] =	stream.linear.scatter [tilespmem:s20], [sflag:$0x2], $0x2800, $0x38;
	[tilespmem:$0x7880] =	vst v63  }
0x55: {  	_ =	swait.ge [sflag:s18], $0x2800  }
0x56: {  	[sflag:s18] =	ssyncset.done $0x0  }
0x57: {  	[sflag:s18] =	ssyncadd.s32 $0xFFFFD800  }
0x58: {  	v3 =	vld [tilespmem:$0x0];
	_ =	sdelay $0x4  }
0x59: {  	v4 =	vshll.u32 v3, $0x1  }
0x5a: {  	v3 =	vand.u32 $0x7, v3;
	v4 =	vand.u32 $0xFFFFFFF0, v4  }
0x5b: {  	v3 =	vor.u32 v3, v4  }
0x5c: {  	v4 =	vperm.xlane v3, v0;
	_ =	sdelay $0x1  }
0x5d: {  	v3 =	vperm.xlane v3, v2;
	v4 =	vadd.s32 v1, v4;
	_ =	sdelay $0x1  }
0x5e: {  	v3 =	vadd.s32 v1, v3;
	_ =	sdelay $0x2  }
0x5f: {  	[tilespmem:s22], [sflag:$0x1] =	stream.indirect_vreg.gather [hbm4b:s5+s3], $0x80, v4, vm0, $0xb8;
	[tilespmem:$0x7880] =	vst v63  }
0x60: {  	_ = 	snop  }
0x61: {  	[tilespmem:s23], [sflag:$0x1] =	stream.indirect_vreg.gather [hbm4b:s5+s3], $0x80, v3, vm0, $0xb8;
	[tilespmem:$0x7880] =	vst v63  }
0x62: {  	v3 =	vld [tilespmem:$0x10];
	_ =	sdelay $0x4  }
0x63: {  	v45 =	vshll.u32 v3, $0x1  }
0x64: {  	v3 =	vand.u32 $0x7, v3;
	v4 =	vand.u32 $0xFFFFFFF0, v45  }
0x65: {  	v3 =	vor.u32 v3, v4  }
0x66: {  	v4 =	vperm.xlane v3, v0;
	_ =	sdelay $0x1  }
0x67: {  	v3 =	vperm.xlane v3, v2;
	v4 =	vadd.s32 v1, v4;
	_ =	sdelay $0x1  }
0x68: {  	v3 =	vadd.s32 v1, v3;
	_ =	sdelay $0x2  }
0x69: {  	[tilespmem:s24], [sflag:$0x1] =	stream.indirect_vreg.gather [hbm4b:s5+s3], $0x80, v4, vm0, $0xb8;
	[tilespmem:$0x7880] =	vst v63  }
0x6a: {  	_ = 	snop  }
0x6b: {  	[tilespmem:s25], [sflag:$0x1] =	stream.indirect_vreg.gather [hbm4b:s5+s3], $0x80, v3, vm0, $0xb8;
	[tilespmem:$0x7880] =	vst v63  }
0x6c: {  	v3 =	vld [tilespmem:$0x20];
	_ =	sdelay $0x4  }
0x6d: {  	v46 =	vshll.u32 v3, $0x1  }
0x6e: {  	v3 =	vand.u32 $0x7, v3;
	v4 =	vand.u32 $0xFFFFFFF0, v46  }
0x6f: {  	v3 =	vor.u32 v3, v4  }
0x70: {  	v4 =	vperm.xlane v3, v0;
	_ =	sdelay $0x1  }
0x71: {  	v3 =	vperm.xlane v3, v2;
	v4 =	vadd.s32 v1, v4;
	_ =	sdelay $0x1  }
0x72: {  	v3 =	vadd.s32 v1, v3;
	_ =	sdelay $0x2  }
0x73: {  	[tilespmem:s26], [sflag:$0x1] =	stream.indirect_vreg.gather [hbm4b:s5+s3], $0x80, v4, vm0, $0xb8;
	[tilespmem:$0x7880] =	vst v63  }
0x74: {  	_ = 	snop  }
0x75: {  	[tilespmem:s28], [sflag:$0x1] =	stream.indirect_vreg.gather [hbm4b:s5+s3], $0x80, v3, vm0, $0xb8;
	[tilespmem:$0x7880] =	vst v63  }
0x76: {  	v3 =	vld [tilespmem:$0x30];
	_ =	sdelay $0x4  }
0x77: {  	v47 =	vshll.u32 v3, $0x1  }
0x78: {  	v3 =	vand.u32 $0x7, v3;
	v4 =	vand.u32 $0xFFFFFFF0, v47  }
0x79: {  	v3 =	vor.u32 v3, v4  }
0x7a: {  	v4 =	vperm.xlane v3, v0;
	_ =	sdelay $0x1  }
0x7b: {  	v3 =	vperm.xlane v3, v2;
	v4 =	vadd.s32 v1, v4;
	_ =	sdelay $0x1  }
0x7c: {  	v3 =	vadd.s32 v1, v3;
	_ =	sdelay $0x2  }
0x7d: {  	[tilespmem:s29], [sflag:$0x1] =	stream.indirect_vreg.gather [hbm4b:s5+s3], $0x80, v4, vm0, $0xb8;
	[tilespmem:$0x7880] =	vst v63  }
0x7e: {  	_ = 	snop  }
0x7f: {  	[tilespmem:s30], [sflag:$0x1] =	stream.indirect_vreg.gather [hbm4b:s5+s3], $0x80, v3, vm0, $0xb8;
	[tilespmem:$0x7880] =	vst v63  }
0x80: {  	v3 =	vld [tilespmem:$0x40];
	_ =	sdelay $0x4  }
0x81: {  	v48 =	vshll.u32 v3, $0x1  }
0x82: {  	v3 =	vand.u32 $0x7, v3;
	v4 =	vand.u32 $0xFFFFFFF0, v48  }
0x83: {  	v3 =	vor.u32 v3, v4  }
0x84: {  	v4 =	vperm.xlane v3, v0;
	_ =	sdelay $0x1  }
0x85: {  	v3 =	vperm.xlane v3, v2;
	v4 =	vadd.s32 v1, v4;
	_ =	sdelay $0x1  }
0x86: {  	v3 =	vadd.s32 v1, v3;
	_ =	sdelay $0x2  }
0x87: {  	[tilespmem:s31], [sflag:$0x1] =	stream.indirect_vreg.gather [hbm4b:s5+s3], $0x80, v4, vm0, $0xb8;
	[tilespmem:$0x7880] =	vst v63  }
0x88: {  	_ = 	snop  }
0x89: {  	[tilespmem:s1], [sflag:$0x1] =	stream.indirect_vreg.gather [hbm4b:s5+s3], $0x80, v3, vm0, $0xb8;
	[tilespmem:$0x7880] =	vst v63  }
0x8a: {  	_ =	swait.ge [sflag:s21], $0x5000  }
0x8b: {  	[sflag:s21] =	ssyncset.done $0x0  }
0x8c: {  	s0 =	rddreg [dreg:$0x9];
	[sflag:s21] =	ssyncadd.s32 $0xFFFFB000  }
0x8d: {  	[hbm4b:s0+s3] =	stream.linear.scatter [tilespmem:s22], [sflag:$0x2], $0x5000, $0x38;
	[tilespmem:$0x7880] =	vst v63  }
0x8e: {  	_ =	swait.ge [sflag:s18], $0x5000  }
0x8f: {  	[sflag:s18] =	ssyncset.done $0x0  }
0x90: {  	s0 =	rddreg [dreg:$0xa];
	[sflag:s18] =	ssyncadd.s32 $0xFFFFB000  }
0x91: {  	[tilespmem:s3], [sflag:$0x2] =	stream.linear.gather [hbm4b:s0+s3], $0x50, $0x38;
	[tilespmem:$0x7880] =	vst v63  }
0x92: {  	_ =	swait.ge [sflag:s18], $0x50  }
0x93: {  	[sflag:s18] =	ssyncset.done $0x0  }
0x94: {  	[sflag:s18] =	ssyncadd.s32 $0xFFFFFFB0  }
0x95: {  	[tilespmem:s20], [sflag:$0x1] =	stream.indirect.gather [hbm4b:s9+s19], $0x80, s3, s19, $0xb8;
	[tilespmem:$0x7880] =	vst v63  }
0x96: {  	_ =	swait.ge [sflag:s21], $0x2800  }
0x97: {  	[sflag:s21] =	ssyncset.done $0x0  }
0x98: {  	s0 =	rddreg [dreg:$0xb];
	[sflag:s21] =	ssyncadd.s32 $0xFFFFD800  }
0x99: {  	[hbm4b:s0+s3] =	stream.linear.scatter [tilespmem:s20], [sflag:$0x2], $0x2800, $0x38;
	[tilespmem:$0x7880] =	vst v63  }
0x9a: {  	_ =	swait.ge [sflag:s18], $0x2800  }
0x9b: {  	[sflag:s18] =	ssyncset.done $0x0  }
0x9c: {  	s0 =	rddreg [dreg:$0xc];
	[sflag:s18] =	ssyncadd.s32 $0xFFFFD800  }
0x9d: {  	[tilespmem:s3], [sflag:$0x2] =	stream.linear.gather [hbm4b:s0+s3], $0x50, $0x38;
	[tilespmem:$0x7880] =	vst v63  }
0x9e: {  	_ =	swait.ge [sflag:s18], $0x50  }
0x9f: {  	[sflag:s18] =	ssyncset.done $0x0  }
0xa0: {  	[sflag:s18] =	ssyncadd.s32 $0xFFFFFFB0  }
0xa1: {  	[tilespmem:s20], [sflag:$0x1] =	stream.indirect.gather [hbm4b:s4+s19], $0x80, s3, s19, $0xb8;
	[tilespmem:$0x7880] =	vst v63  }
0xa2: {  	_ =	swait.ge [sflag:s21], $0x2800  }
0xa3: {  	[sflag:s21] =	ssyncset.done $0x0  }
0xa4: {  	s0 =	rddreg [dreg:$0xd];
	[sflag:s21] =	ssyncadd.s32 $0xFFFFD800  }
0xa5: {  	[hbm4b:s0+s3] =	stream.linear.scatter [tilespmem:s20], [sflag:$0x2], $0x2800, $0x38;
	[tilespmem:$0x7880] =	vst v63  }
0xa6: {  	_ =	swait.ge [sflag:s18], $0x2800  }
0xa7: {  	[sflag:s18] =	ssyncset.done $0x0  }
0xa8: {  	[sflag:s18] =	ssyncadd.s32 $0xFFFFD800  }
0xa9: {  	[tilespmem:s20], [sflag:$0x1] =	stream.indirect.gather [hbm4b:s6+s19], $0x80, s3, s19, $0xb8;
	[tilespmem:$0x7880] =	vst v63  }
0xaa: {  	_ =	swait.ge [sflag:s21], $0x2800  }
0xab: {  	[sflag:s21] =	ssyncset.done $0x0  }
0xac: {  	s0 =	rddreg [dreg:$0xe];
	[sflag:s21] =	ssyncadd.s32 $0xFFFFD800  }
0xad: {  	[hbm4b:s0+s3] =	stream.linear.scatter [tilespmem:s20], [sflag:$0x2], $0x2800, $0x38;
	[tilespmem:$0x7880] =	vst v63  }
0xae: {  	_ =	swait.ge [sflag:s18], $0x2800  }
0xaf: {  	[sflag:s18] =	ssyncset.done $0x0  }
0xb0: {  	[sflag:s18] =	ssyncadd.s32 $0xFFFFD800  }
0xb1: {  	[tilespmem:s20], [sflag:$0x1] =	stream.indirect.gather [hbm4b:s7+s19], $0x80, s3, s19, $0xb8;
	[tilespmem:$0x7880] =	vst v63  }
0xb2: {  	_ =	swait.ge [sflag:s21], $0x2800  }
0xb3: {  	[sflag:s21] =	ssyncset.done $0x0  }
0xb4: {  	s0 =	rddreg [dreg:$0xf];
	[sflag:s21] =	ssyncadd.s32 $0xFFFFD800  }
0xb5: {  	[hbm4b:s0+s3] =	stream.linear.scatter [tilespmem:s20], [sflag:$0x2], $0x2800, $0x38;
	[tilespmem:$0x7880] =	vst v63  }
0xb6: {  	_ =	swait.ge [sflag:s18], $0x2800  }
0xb7: {  	[sflag:s18] =	ssyncset.done $0x0  }
0xb8: {  	[sflag:s18] =	ssyncadd.s32 $0xFFFFD800  }
0xb9: {  	[tilespmem:s20], [sflag:$0x1] =	stream.indirect.gather [hbm4b:s8+s19], $0x80, s3, s19, $0xb8;
	[tilespmem:$0x7880] =	vst v63  }
0xba: {  	_ =	swait.ge [sflag:s21], $0x2800  }
0xbb: {  	[sflag:s21] =	ssyncset.done $0x0  }
0xbc: {  	s0 =	rddreg [dreg:$0x10];
	[sflag:s21] =	ssyncadd.s32 $0xFFFFD800  }
0xbd: {  	[hbm4b:s0+s3] =	stream.linear.scatter [tilespmem:s20], [sflag:$0x2], $0x2800, $0x38;
	[tilespmem:$0x7880] =	vst v63  }
0xbe: {  	_ =	swait.ge [sflag:s18], $0x2800  }
0xbf: {  	[sflag:s18] =	ssyncset.done $0x0  }
0xc0: {  	[sflag:s18] =	ssyncadd.s32 $0xFFFFD800  }
0xc1: {  	[tilespmem:s20], [sflag:$0x1] =	stream.indirect.gather [hbm4b:s2+s19], $0x80, s3, s19, $0xb8;
	[tilespmem:$0x7880] =	vst v63  }
0xc2: {  	_ =	swait.ge [sflag:s21], $0x2800  }
0xc3: {  	[sflag:s21] =	ssyncset.done $0x0  }
0xc4: {  	s0 =	rddreg [dreg:$0x11];
	[sflag:s21] =	ssyncadd.s32 $0xFFFFD800  }
0xc5: {  	[hbm4b:s0+s3] =	stream.linear.scatter [tilespmem:s20], [sflag:$0x2], $0x2800, $0x38;
	[tilespmem:$0x7880] =	vst v63  }
0xc6: {  	_ =	swait.ge [sflag:s18], $0x2800  }
0xc7: {  	[sflag:s18] =	ssyncset.done $0x0  }
0xc8: {  	[sflag:s18] =	ssyncadd.s32 $0xFFFFD800  }
0xc9: {  	v3 =	vld [tilespmem:$0x0];
	_ =	sdelay $0x4  }
0xca: {  	v49 =	vshll.u32 v3, $0x1  }
0xcb: {  	v3 =	vand.u32 $0x7, v3;
	v4 =	vand.u32 $0xFFFFFFF0, v49  }
0xcc: {  	v3 =	vor.u32 v3, v4  }
0xcd: {  	v4 =	vperm.xlane v3, v0;
	_ =	sdelay $0x1  }
0xce: {  	v3 =	vperm.xlane v3, v2;
	v4 =	vadd.s32 v1, v4;
	_ =	sdelay $0x1  }
0xcf: {  	v3 =	vadd.s32 v1, v3;
	_ =	sdelay $0x2  }
0xd0: {  	[tilespmem:s22], [sflag:$0x1] =	stream.indirect_vreg.gather [hbm4b:s5+s3], $0x80, v4, vm0, $0xb8;
	[tilespmem:$0x7880] =	vst v63  }
0xd1: {  	_ = 	snop  }
0xd2: {  	[tilespmem:s23], [sflag:$0x1] =	stream.indirect_vreg.gather [hbm4b:s5+s3], $0x80, v3, vm0, $0xb8;
	[tilespmem:$0x7880] =	vst v63  }
0xd3: {  	v3 =	vld [tilespmem:$0x10];
	_ =	sdelay $0x4  }
0xd4: {  	v50 =	vshll.u32 v3, $0x1  }
0xd5: {  	v3 =	vand.u32 $0x7, v3;
	v4 =	vand.u32 $0xFFFFFFF0, v50  }
0xd6: {  	v3 =	vor.u32 v3, v4  }
0xd7: {  	v4 =	vperm.xlane v3, v0;
	_ =	sdelay $0x1  }
0xd8: {  	v3 =	vperm.xlane v3, v2;
	v4 =	vadd.s32 v1, v4;
	_ =	sdelay $0x1  }
0xd9: {  	v3 =	vadd.s32 v1, v3;
	_ =	sdelay $0x2  }
0xda: {  	[tilespmem:s24], [sflag:$0x1] =	stream.indirect_vreg.gather [hbm4b:s5+s3], $0x80, v4, vm0, $0xb8;
	[tilespmem:$0x7880] =	vst v63  }
0xdb: {  	_ = 	snop  }
0xdc: {  	[tilespmem:s25], [sflag:$0x1] =	stream.indirect_vreg.gather [hbm4b:s5+s3], $0x80, v3, vm0, $0xb8;
	[tilespmem:$0x7880] =	vst v63  }
0xdd: {  	v3 =	vld [tilespmem:$0x20];
	_ =	sdelay $0x4  }
0xde: {  	v51 =	vshll.u32 v3, $0x1  }
0xdf: {  	v3 =	vand.u32 $0x7, v3;
	v4 =	vand.u32 $0xFFFFFFF0, v51  }
0xe0: {  	v3 =	vor.u32 v3, v4  }
0xe1: {  	v4 =	vperm.xlane v3, v0;
	_ =	sdelay $0x1  }
0xe2: {  	v3 =	vperm.xlane v3, v2;
	v4 =	vadd.s32 v1, v4;
	_ =	sdelay $0x1  }
0xe3: {  	v3 =	vadd.s32 v1, v3;
	_ =	sdelay $0x2  }
0xe4: {  	[tilespmem:s26], [sflag:$0x1] =	stream.indirect_vreg.gather [hbm4b:s5+s3], $0x80, v4, vm0, $0xb8;
	[tilespmem:$0x7880] =	vst v63  }
0xe5: {  	_ = 	snop  }
0xe6: {  	[tilespmem:s28], [sflag:$0x1] =	stream.indirect_vreg.gather [hbm4b:s5+s3], $0x80, v3, vm0, $0xb8;
	[tilespmem:$0x7880] =	vst v63  }
0xe7: {  	v3 =	vld [tilespmem:$0x30];
	_ =	sdelay $0x4  }
0xe8: {  	v52 =	vshll.u32 v3, $0x1  }
0xe9: {  	v3 =	vand.u32 $0x7, v3;
	v4 =	vand.u32 $0xFFFFFFF0, v52  }
0xea: {  	v3 =	vor.u32 v3, v4  }
0xeb: {  	v4 =	vperm.xlane v3, v0;
	_ =	sdelay $0x1  }
0xec: {  	v3 =	vperm.xlane v3, v2;
	v4 =	vadd.s32 v1, v4;
	_ =	sdelay $0x1  }
0xed: {  	v3 =	vadd.s32 v1, v3;
	_ =	sdelay $0x2  }
0xee: {  	[tilespmem:s29], [sflag:$0x1] =	stream.indirect_vreg.gather [hbm4b:s5+s3], $0x80, v4, vm0, $0xb8;
	[tilespmem:$0x7880] =	vst v63  }
0xef: {  	_ = 	snop  }
0xf0: {  	[tilespmem:s30], [sflag:$0x1] =	stream.indirect_vreg.gather [hbm4b:s5+s3], $0x80, v3, vm0, $0xb8;
	[tilespmem:$0x7880] =	vst v63  }
0xf1: {  	v3 =	vld [tilespmem:$0x40];
	_ =	sdelay $0x4  }
0xf2: {  	v53 =	vshll.u32 v3, $0x1  }
0xf3: {  	v3 =	vand.u32 $0x7, v3;
	v4 =	vand.u32 $0xFFFFFFF0, v53  }
0xf4: {  	v3 =	vor.u32 v3, v4  }
0xf5: {  	v4 =	vperm.xlane v3, v0;
	_ =	sdelay $0x1  }
0xf6: {  	v3 =	vperm.xlane v3, v2;
	v4 =	vadd.s32 v1, v4;
	_ =	sdelay $0x1  }
0xf7: {  	v3 =	vadd.s32 v1, v3;
	_ =	sdelay $0x2  }
0xf8: {  	[tilespmem:s31], [sflag:$0x1] =	stream.indirect_vreg.gather [hbm4b:s5+s3], $0x80, v4, vm0, $0xb8;
	[tilespmem:$0x7880] =	vst v63  }
0xf9: {  	_ = 	snop  }
0xfa: {  	[tilespmem:s1], [sflag:$0x1] =	stream.indirect_vreg.gather [hbm4b:s5+s3], $0x80, v3, vm0, $0xb8;
	[tilespmem:$0x7880] =	vst v63  }
0xfb: {  	_ =	swait.ge [sflag:s21], $0x5000  }
0xfc: {  	[sflag:s21] =	ssyncset.done $0x0  }
0xfd: {  	s0 =	rddreg [dreg:$0x12];
	[sflag:s21] =	ssyncadd.s32 $0xFFFFB000  }
0xfe: {  	[hbm4b:s0+s3] =	stream.linear.scatter [tilespmem:s22], [sflag:$0x2], $0x5000, $0x38;
	[tilespmem:$0x7880] =	vst v63  }
0xff: {  	_ =	swait.ge [sflag:s18], $0x5000  }
0x100: {  	[sflag:s18] =	ssyncset.done $0x0  }
0x101: {  	s0 =	rddreg [dreg:$0x13];
	[sflag:s18] =	ssyncadd.s32 $0xFFFFB000  }
0x102: {  	[tilespmem:s3], [sflag:$0x2] =	stream.linear.gather [hbm4b:s0+s3], $0x50, $0x38;
	[tilespmem:$0x7880] =	vst v63  }
0x103: {  	_ =	swait.ge [sflag:s18], $0x50  }
0x104: {  	[sflag:s18] =	ssyncset.done $0x0  }
0x105: {  	[sflag:s18] =	ssyncadd.s32 $0xFFFFFFB0  }
0x106: {  	[tilespmem:s20], [sflag:$0x1] =	stream.indirect.gather [hbm4b:s9+s19], $0x80, s3, s19, $0xb8;
	[tilespmem:$0x7880] =	vst v63  }
0x107: {  	_ =	swait.ge [sflag:s21], $0x2800  }
0x108: {  	[sflag:s21] =	ssyncset.done $0x0  }
0x109: {  	s0 =	rddreg [dreg:$0x14];
	[sflag:s21] =	ssyncadd.s32 $0xFFFFD800  }
0x10a: {  	[hbm4b:s0+s3] =	stream.linear.scatter [tilespmem:s20], [sflag:$0x2], $0x2800, $0x38;
	[tilespmem:$0x7880] =	vst v63  }
0x10b: {  	_ =	swait.ge [sflag:s18], $0x2800  }
0x10c: {  	[sflag:s18] =	ssyncset.done $0x0  }
0x10d: {  	s0 =	rddreg [dreg:$0x15];
	[sflag:s18] =	ssyncadd.s32 $0xFFFFD800  }
0x10e: {  	[tilespmem:s3], [sflag:$0x2] =	stream.linear.gather [hbm4b:s0+s3], $0x50, $0x38;
	[tilespmem:$0x7880] =	vst v63  }
0x10f: {  	_ =	swait.ge [sflag:s18], $0x50  }
0x110: {  	[sflag:s18] =	ssyncset.done $0x0  }
0x111: {  	[sflag:s18] =	ssyncadd.s32 $0xFFFFFFB0  }
0x112: {  	[tilespmem:s20], [sflag:$0x1] =	stream.indirect.gather [hbm4b:s4+s19], $0x80, s3, s19, $0xb8;
	[tilespmem:$0x7880] =	vst v63  }
0x113: {  	_ =	swait.ge [sflag:s21], $0x2800  }
0x114: {  	[sflag:s21] =	ssyncset.done $0x0  }
0x115: {  	s0 =	rddreg [dreg:$0x16];
	[sflag:s21] =	ssyncadd.s32 $0xFFFFD800  }
0x116: {  	[hbm4b:s0+s3] =	stream.linear.scatter [tilespmem:s20], [sflag:$0x2], $0x2800, $0x38;
	[tilespmem:$0x7880] =	vst v63  }
0x117: {  	_ =	swait.ge [sflag:s18], $0x2800  }
0x118: {  	[sflag:s18] =	ssyncset.done $0x0  }
0x119: {  	[sflag:s18] =	ssyncadd.s32 $0xFFFFD800  }
0x11a: {  	[tilespmem:s20], [sflag:$0x1] =	stream.indirect.gather [hbm4b:s6+s19], $0x80, s3, s19, $0xb8;
	[tilespmem:$0x7880] =	vst v63  }
0x11b: {  	_ =	swait.ge [sflag:s21], $0x2800  }
0x11c: {  	[sflag:s21] =	ssyncset.done $0x0  }
0x11d: {  	s0 =	rddreg [dreg:$0x17];
	[sflag:s21] =	ssyncadd.s32 $0xFFFFD800  }
0x11e: {  	[hbm4b:s0+s3] =	stream.linear.scatter [tilespmem:s20], [sflag:$0x2], $0x2800, $0x38;
	[tilespmem:$0x7880] =	vst v63  }
0x11f: {  	_ =	swait.ge [sflag:s18], $0x2800  }
0x120: {  	[sflag:s18] =	ssyncset.done $0x0  }
0x121: {  	[sflag:s18] =	ssyncadd.s32 $0xFFFFD800  }
0x122: {  	[tilespmem:s20], [sflag:$0x1] =	stream.indirect.gather [hbm4b:s7+s19], $0x80, s3, s19, $0xb8;
	[tilespmem:$0x7880] =	vst v63  }
0x123: {  	_ =	swait.ge [sflag:s21], $0x2800  }
0x124: {  	[sflag:s21] =	ssyncset.done $0x0  }
0x125: {  	s0 =	rddreg [dreg:$0x18];
	[sflag:s21] =	ssyncadd.s32 $0xFFFFD800  }
0x126: {  	[hbm4b:s0+s3] =	stream.linear.scatter [tilespmem:s20], [sflag:$0x2], $0x2800, $0x38;
	[tilespmem:$0x7880] =	vst v63  }
0x127: {  	_ =	swait.ge [sflag:s18], $0x2800  }
0x128: {  	[sflag:s18] =	ssyncset.done $0x0  }
0x129: {  	[sflag:s18] =	ssyncadd.s32 $0xFFFFD800  }
0x12a: {  	[tilespmem:s20], [sflag:$0x1] =	stream.indirect.gather [hbm4b:s8+s19], $0x80, s3, s19, $0xb8;
	[tilespmem:$0x7880] =	vst v63  }
0x12b: {  	_ =	swait.ge [sflag:s21], $0x2800  }
0x12c: {  	[sflag:s21] =	ssyncset.done $0x0  }
0x12d: {  	s0 =	rddreg [dreg:$0x19];
	[sflag:s21] =	ssyncadd.s32 $0xFFFFD800  }
0x12e: {  	[hbm4b:s0+s3] =	stream.linear.scatter [tilespmem:s20], [sflag:$0x2], $0x2800, $0x38;
	[tilespmem:$0x7880] =	vst v63  }
0x12f: {  	_ =	swait.ge [sflag:s18], $0x2800  }
0x130: {  	[sflag:s18] =	ssyncset.done $0x0  }
0x131: {  	[sflag:s18] =	ssyncadd.s32 $0xFFFFD800  }
0x132: {  	[tilespmem:s20], [sflag:$0x1] =	stream.indirect.gather [hbm4b:s2+s19], $0x80, s3, s19, $0xb8;
	[tilespmem:$0x7880] =	vst v63  }
0x133: {  	_ =	swait.ge [sflag:s21], $0x2800  }
0x134: {  	[sflag:s21] =	ssyncset.done $0x0  }
0x135: {  	s0 =	rddreg [dreg:$0x1a];
	[sflag:s21] =	ssyncadd.s32 $0xFFFFD800  }
0x136: {  	[hbm4b:s0+s3] =	stream.linear.scatter [tilespmem:s20], [sflag:$0x2], $0x2800, $0x38;
	[tilespmem:$0x7880] =	vst v63  }
0x137: {  	_ =	swait.ge [sflag:s18], $0x2800  }
0x138: {  	[sflag:s18] =	ssyncset.done $0x0  }
0x139: {  	[sflag:s18] =	ssyncadd.s32 $0xFFFFD800  }
0x13a: {  	v3 =	vld [tilespmem:$0x0];
	_ =	sdelay $0x4  }
0x13b: {  	v54 =	vshll.u32 v3, $0x1  }
0x13c: {  	v3 =	vand.u32 $0x7, v3;
	v4 =	vand.u32 $0xFFFFFFF0, v54  }
0x13d: {  	v3 =	vor.u32 v3, v4  }
0x13e: {  	v4 =	vperm.xlane v3, v0;
	_ =	sdelay $0x1  }
0x13f: {  	v3 =	vperm.xlane v3, v2;
	v4 =	vadd.s32 v1, v4;
	_ =	sdelay $0x1  }
0x140: {  	v3 =	vadd.s32 v1, v3;
	_ =	sdelay $0x2  }
0x141: {  	[tilespmem:s22], [sflag:$0x1] =	stream.indirect_vreg.gather [hbm4b:s5+s3], $0x80, v4, vm0, $0xb8;
	[tilespmem:$0x7880] =	vst v63  }
0x142: {  	_ = 	snop  }
0x143: {  	[tilespmem:s23], [sflag:$0x1] =	stream.indirect_vreg.gather [hbm4b:s5+s3], $0x80, v3, vm0, $0xb8;
	[tilespmem:$0x7880] =	vst v63  }
0x144: {  	v3 =	vld [tilespmem:$0x10];
	_ =	sdelay $0x4  }
0x145: {  	v55 =	vshll.u32 v3, $0x1  }
0x146: {  	v3 =	vand.u32 $0x7, v3;
	v4 =	vand.u32 $0xFFFFFFF0, v55  }
0x147: {  	v3 =	vor.u32 v3, v4  }
0x148: {  	v4 =	vperm.xlane v3, v0;
	_ =	sdelay $0x1  }
0x149: {  	v3 =	vperm.xlane v3, v2;
	v4 =	vadd.s32 v1, v4;
	_ =	sdelay $0x1  }
0x14a: {  	v3 =	vadd.s32 v1, v3;
	_ =	sdelay $0x2  }
0x14b: {  	[tilespmem:s24], [sflag:$0x1] =	stream.indirect_vreg.gather [hbm4b:s5+s3], $0x80, v4, vm0, $0xb8;
	[tilespmem:$0x7880] =	vst v63  }
0x14c: {  	_ = 	snop  }
0x14d: {  	[tilespmem:s25], [sflag:$0x1] =	stream.indirect_vreg.gather [hbm4b:s5+s3], $0x80, v3, vm0, $0xb8;
	[tilespmem:$0x7880] =	vst v63  }
0x14e: {  	v3 =	vld [tilespmem:$0x20];
	_ =	sdelay $0x4  }
0x14f: {  	v56 =	vshll.u32 v3, $0x1  }
0x150: {  	v3 =	vand.u32 $0x7, v3;
	v4 =	vand.u32 $0xFFFFFFF0, v56  }
0x151: {  	v3 =	vor.u32 v3, v4  }
0x152: {  	v4 =	vperm.xlane v3, v0;
	_ =	sdelay $0x1  }
0x153: {  	v3 =	vperm.xlane v3, v2;
	v4 =	vadd.s32 v1, v4;
	_ =	sdelay $0x1  }
0x154: {  	v3 =	vadd.s32 v1, v3;
	_ =	sdelay $0x2  }
0x155: {  	[tilespmem:s26], [sflag:$0x1] =	stream.indirect_vreg.gather [hbm4b:s5+s3], $0x80, v4, vm0, $0xb8;
	[tilespmem:$0x7880] =	vst v63  }
0x156: {  	_ = 	snop  }
0x157: {  	[tilespmem:s28], [sflag:$0x1] =	stream.indirect_vreg.gather [hbm4b:s5+s3], $0x80, v3, vm0, $0xb8;
	[tilespmem:$0x7880] =	vst v63  }
0x158: {  	v3 =	vld [tilespmem:$0x30];
	_ =	sdelay $0x4  }
0x159: {  	v57 =	vshll.u32 v3, $0x1  }
0x15a: {  	v3 =	vand.u32 $0x7, v3;
	v4 =	vand.u32 $0xFFFFFFF0, v57  }
0x15b: {  	v3 =	vor.u32 v3, v4  }
0x15c: {  	v4 =	vperm.xlane v3, v0;
	_ =	sdelay $0x1  }
0x15d: {  	v3 =	vperm.xlane v3, v2;
	v4 =	vadd.s32 v1, v4;
	_ =	sdelay $0x1  }
0x15e: {  	v3 =	vadd.s32 v1, v3;
	_ =	sdelay $0x2  }
0x15f: {  	[tilespmem:s29], [sflag:$0x1] =	stream.indirect_vreg.gather [hbm4b:s5+s3], $0x80, v4, vm0, $0xb8;
	[tilespmem:$0x7880] =	vst v63  }
0x160: {  	_ = 	snop  }
0x161: {  	[tilespmem:s30], [sflag:$0x1] =	stream.indirect_vreg.gather [hbm4b:s5+s3], $0x80, v3, vm0, $0xb8;
	[tilespmem:$0x7880] =	vst v63  }
0x162: {  	v3 =	vld [tilespmem:$0x40];
	_ =	sdelay $0x4  }
0x163: {  	v58 =	vshll.u32 v3, $0x1  }
0x164: {  	v3 =	vand.u32 $0x7, v3;
	v4 =	vand.u32 $0xFFFFFFF0, v58  }
0x165: {  	v3 =	vor.u32 v3, v4  }
0x166: {  	v4 =	vperm.xlane v3, v0;
	_ =	sdelay $0x1  }
0x167: {  	v3 =	vperm.xlane v3, v2;
	v4 =	vadd.s32 v1, v4;
	_ =	sdelay $0x1  }
0x168: {  	v3 =	vadd.s32 v1, v3;
	_ =	sdelay $0x2  }
0x169: {  	[tilespmem:s31], [sflag:$0x1] =	stream.indirect_vreg.gather [hbm4b:s5+s3], $0x80, v4, vm0, $0xb8;
	[tilespmem:$0x7880] =	vst v63  }
0x16a: {  	_ = 	snop  }
0x16b: {  	[tilespmem:s1], [sflag:$0x1] =	stream.indirect_vreg.gather [hbm4b:s5+s3], $0x80, v3, vm0, $0xb8;
	[tilespmem:$0x7880] =	vst v63  }
0x16c: {  	_ =	swait.ge [sflag:s21], $0x5000  }
0x16d: {  	[sflag:s21] =	ssyncset.done $0x0  }
0x16e: {  	s0 =	rddreg [dreg:$0x1b];
	[sflag:s21] =	ssyncadd.s32 $0xFFFFB000  }
0x16f: {  	[hbm4b:s0+s3] =	stream.linear.scatter [tilespmem:s22], [sflag:$0x2], $0x5000, $0x38;
	[tilespmem:$0x7880] =	vst v63  }
0x170: {  	_ =	swait.ge [sflag:s18], $0x5000  }
0x171: {  	[sflag:s18] =	ssyncset.done $0x0  }
0x172: {  	s0 =	rddreg [dreg:$0x1c];
	[sflag:s18] =	ssyncadd.s32 $0xFFFFB000  }
0x173: {  	[tilespmem:s3], [sflag:$0x2] =	stream.linear.gather [hbm4b:s0+s3], $0x50, $0x38;
	[tilespmem:$0x7880] =	vst v63  }
0x174: {  	_ =	swait.ge [sflag:s18], $0x50  }
0x175: {  	[sflag:s18] =	ssyncset.done $0x0  }
0x176: {  	[sflag:s18] =	ssyncadd.s32 $0xFFFFFFB0  }
0x177: {  	[tilespmem:s20], [sflag:$0x1] =	stream.indirect.gather [hbm4b:s9+s19], $0x80, s3, s19, $0xb8;
	[tilespmem:$0x7880] =	vst v63  }
0x178: {  	_ =	swait.ge [sflag:s21], $0x2800  }
0x179: {  	[sflag:s21] =	ssyncset.done $0x0  }
0x17a: {  	s0 =	rddreg [dreg:$0x1d];
	[sflag:s21] =	ssyncadd.s32 $0xFFFFD800  }
0x17b: {  	[hbm4b:s0+s3] =	stream.linear.scatter [tilespmem:s20], [sflag:$0x2], $0x2800, $0x38;
	[tilespmem:$0x7880] =	vst v63  }
0x17c: {  	_ =	swait.ge [sflag:s18], $0x2800  }
0x17d: {  	[sflag:s18] =	ssyncset.done $0x0  }
0x17e: {  	s0 =	rddreg [dreg:$0x1e];
	[sflag:s18] =	ssyncadd.s32 $0xFFFFD800  }
0x17f: {  	[tilespmem:s3], [sflag:$0x2] =	stream.linear.gather [hbm4b:s0+s3], $0x50, $0x38;
	[tilespmem:$0x7880] =	vst v63  }
0x180: {  	_ =	swait.ge [sflag:s18], $0x50  }
0x181: {  	[sflag:s18] =	ssyncset.done $0x0  }
0x182: {  	[sflag:s18] =	ssyncadd.s32 $0xFFFFFFB0  }
0x183: {  	[tilespmem:s20], [sflag:$0x1] =	stream.indirect.gather [hbm4b:s4+s19], $0x80, s3, s19, $0xb8;
	[tilespmem:$0x7880] =	vst v63  }
0x184: {  	_ =	swait.ge [sflag:s21], $0x2800  }
0x185: {  	[sflag:s21] =	ssyncset.done $0x0  }
0x186: {  	s0 =	rddreg [dreg:$0x1f];
	[sflag:s21] =	ssyncadd.s32 $0xFFFFD800  }
0x187: {  	[hbm4b:s0+s3] =	stream.linear.scatter [tilespmem:s20], [sflag:$0x2], $0x2800, $0x38;
	[tilespmem:$0x7880] =	vst v63  }
0x188: {  	_ =	swait.ge [sflag:s18], $0x2800  }
0x189: {  	[sflag:s18] =	ssyncset.done $0x0  }
0x18a: {  	[sflag:s18] =	ssyncadd.s32 $0xFFFFD800  }
0x18b: {  	[tilespmem:s20], [sflag:$0x1] =	stream.indirect.gather [hbm4b:s6+s19], $0x80, s3, s19, $0xb8;
	[tilespmem:$0x7880] =	vst v63  }
0x18c: {  	_ =	swait.ge [sflag:s21], $0x2800  }
0x18d: {  	[sflag:s21] =	ssyncset.done $0x0  }
0x18e: {  	[sflag:s21] =	ssyncadd.s32 $0xFFFFD800  }
0x18f: {  	[hbm4b:s10+s3] =	stream.linear.scatter [tilespmem:s20], [sflag:$0x2], $0x2800, $0x38;
	[tilespmem:$0x7880] =	vst v63  }
0x190: {  	_ =	swait.ge [sflag:s18], $0x2800  }
0x191: {  	[sflag:s18] =	ssyncset.done $0x0  }
0x192: {  	[sflag:s18] =	ssyncadd.s32 $0xFFFFD800  }
0x193: {  	[tilespmem:s20], [sflag:$0x1] =	stream.indirect.gather [hbm4b:s7+s19], $0x80, s3, s19, $0xb8;
	[tilespmem:$0x7880] =	vst v63  }
0x194: {  	_ =	swait.ge [sflag:s21], $0x2800  }
0x195: {  	[sflag:s21] =	ssyncset.done $0x0  }
0x196: {  	[sflag:s21] =	ssyncadd.s32 $0xFFFFD800  }
0x197: {  	[hbm4b:s11+s3] =	stream.linear.scatter [tilespmem:s20], [sflag:$0x2], $0x2800, $0x38;
	[tilespmem:$0x7880] =	vst v63  }
0x198: {  	_ =	swait.ge [sflag:s18], $0x2800  }
0x199: {  	[sflag:s18] =	ssyncset.done $0x0  }
0x19a: {  	[sflag:s18] =	ssyncadd.s32 $0xFFFFD800  }
0x19b: {  	[tilespmem:s20], [sflag:$0x1] =	stream.indirect.gather [hbm4b:s8+s19], $0x80, s3, s19, $0xb8;
	[tilespmem:$0x7880] =	vst v63  }
0x19c: {  	_ =	swait.ge [sflag:s21], $0x2800  }
0x19d: {  	[sflag:s21] =	ssyncset.done $0x0  }
0x19e: {  	[sflag:s21] =	ssyncadd.s32 $0xFFFFD800  }
0x19f: {  	[hbm4b:s12+s3] =	stream.linear.scatter [tilespmem:s20], [sflag:$0x2], $0x2800, $0x38;
	[tilespmem:$0x7880] =	vst v63  }
0x1a0: {  	_ =	swait.ge [sflag:s18], $0x2800  }
0x1a1: {  	[sflag:s18] =	ssyncset.done $0x0  }
0x1a2: {  	[sflag:s18] =	ssyncadd.s32 $0xFFFFD800  }
0x1a3: {  	[tilespmem:s20], [sflag:$0x1] =	stream.indirect.gather [hbm4b:s2+s19], $0x80, s3, s19, $0xb8;
	[tilespmem:$0x7880] =	vst v63  }
0x1a4: {  	_ =	swait.ge [sflag:s21], $0x2800  }
0x1a5: {  	[sflag:s21] =	ssyncset.done $0x0  }
0x1a6: {  	[sflag:s21] =	ssyncadd.s32 $0xFFFFD800  }
0x1a7: {  	[hbm4b:s13+s3] =	stream.linear.scatter [tilespmem:s20], [sflag:$0x2], $0x2800, $0x38;
	[tilespmem:$0x7880] =	vst v63  }
0x1a8: {  	_ =	swait.ge [sflag:s18], $0x2800  }
0x1a9: {  	[sflag:s18] =	ssyncset.done $0x0  }
0x1aa: {  	[sflag:s18] =	ssyncadd.s32 $0xFFFFD800  }
0x1ab: {  	v3 =	vld [tilespmem:$0x0];
	_ =	sdelay $0x4  }
0x1ac: {  	v59 =	vshll.u32 v3, $0x1  }
0x1ad: {  	v3 =	vand.u32 $0x7, v3;
	v4 =	vand.u32 $0xFFFFFFF0, v59  }
0x1ae: {  	v3 =	vor.u32 v3, v4  }
0x1af: {  	v4 =	vperm.xlane v3, v0;
	_ =	sdelay $0x1  }
0x1b0: {  	v3 =	vperm.xlane v3, v2;
	v4 =	vadd.s32 v1, v4;
	_ =	sdelay $0x1  }
0x1b1: {  	v3 =	vadd.s32 v1, v3;
	_ =	sdelay $0x2  }
0x1b2: {  	[tilespmem:s22], [sflag:$0x1] =	stream.indirect_vreg.gather [hbm4b:s5+s3], $0x80, v4, vm0, $0xb8;
	[tilespmem:$0x7880] =	vst v63  }
0x1b3: {  	_ = 	snop  }
0x1b4: {  	[tilespmem:s23], [sflag:$0x1] =	stream.indirect_vreg.gather [hbm4b:s5+s3], $0x80, v3, vm0, $0xb8;
	[tilespmem:$0x7880] =	vst v63  }
0x1b5: {  	v3 =	vld [tilespmem:$0x10];
	_ =	sdelay $0x4  }
0x1b6: {  	v60 =	vshll.u32 v3, $0x1  }
0x1b7: {  	v3 =	vand.u32 $0x7, v3;
	v4 =	vand.u32 $0xFFFFFFF0, v60  }
0x1b8: {  	v3 =	vor.u32 v3, v4  }
0x1b9: {  	v4 =	vperm.xlane v3, v0;
	_ =	sdelay $0x1  }
0x1ba: {  	v3 =	vperm.xlane v3, v2;
	v4 =	vadd.s32 v1, v4;
	_ =	sdelay $0x1  }
0x1bb: {  	v3 =	vadd.s32 v1, v3;
	_ =	sdelay $0x2  }
0x1bc: {  	[tilespmem:s24], [sflag:$0x1] =	stream.indirect_vreg.gather [hbm4b:s5+s3], $0x80, v4, vm0, $0xb8;
	[tilespmem:$0x7880] =	vst v63  }
0x1bd: {  	_ = 	snop  }
0x1be: {  	[tilespmem:s25], [sflag:$0x1] =	stream.indirect_vreg.gather [hbm4b:s5+s3], $0x80, v3, vm0, $0xb8;
	[tilespmem:$0x7880] =	vst v63  }
0x1bf: {  	v3 =	vld [tilespmem:$0x20];
	_ =	sdelay $0x4  }
0x1c0: {  	v61 =	vshll.u32 v3, $0x1  }
0x1c1: {  	v3 =	vand.u32 $0x7, v3;
	v4 =	vand.u32 $0xFFFFFFF0, v61  }
0x1c2: {  	v3 =	vor.u32 v3, v4  }
0x1c3: {  	v4 =	vperm.xlane v3, v0;
	_ =	sdelay $0x1  }
0x1c4: {  	v3 =	vperm.xlane v3, v2;
	v4 =	vadd.s32 v1, v4;
	_ =	sdelay $0x1  }
0x1c5: {  	v3 =	vadd.s32 v1, v3;
	_ =	sdelay $0x2  }
0x1c6: {  	[tilespmem:s26], [sflag:$0x1] =	stream.indirect_vreg.gather [hbm4b:s5+s3], $0x80, v4, vm0, $0xb8;
	[tilespmem:$0x7880] =	vst v63  }
0x1c7: {  	_ = 	snop  }
0x1c8: {  	[tilespmem:s28], [sflag:$0x1] =	stream.indirect_vreg.gather [hbm4b:s5+s3], $0x80, v3, vm0, $0xb8;
	[tilespmem:$0x7880] =	vst v63  }
0x1c9: {  	v3 =	vld [tilespmem:$0x30];
	_ =	sdelay $0x4  }
0x1ca: {  	v62 =	vshll.u32 v3, $0x1  }
0x1cb: {  	v3 =	vand.u32 $0x7, v3;
	v4 =	vand.u32 $0xFFFFFFF0, v62  }
0x1cc: {  	v3 =	vor.u32 v3, v4  }
0x1cd: {  	v4 =	vperm.xlane v3, v0;
	_ =	sdelay $0x1  }
0x1ce: {  	v3 =	vperm.xlane v3, v2;
	v4 =	vadd.s32 v1, v4;
	_ =	sdelay $0x1  }
0x1cf: {  	v3 =	vadd.s32 v1, v3;
	_ =	sdelay $0x2  }
0x1d0: {  	[tilespmem:s29], [sflag:$0x1] =	stream.indirect_vreg.gather [hbm4b:s5+s3], $0x80, v4, vm0, $0xb8;
	[tilespmem:$0x7880] =	vst v63  }
0x1d1: {  	_ = 	snop  }
0x1d2: {  	[tilespmem:s30], [sflag:$0x1] =	stream.indirect_vreg.gather [hbm4b:s5+s3], $0x80, v3, vm0, $0xb8;
	[tilespmem:$0x7880] =	vst v63  }
0x1d3: {  	v3 =	vld [tilespmem:$0x40];
	_ =	sdelay $0x4  }
0x1d4: {  	v63 =	vshll.u32 v3, $0x1  }
0x1d5: {  	v3 =	vand.u32 $0x7, v3;
	v4 =	vand.u32 $0xFFFFFFF0, v63  }
0x1d6: {  	v3 =	vor.u32 v3, v4  }
0x1d7: {  	v4 =	vperm.xlane v3, v0;
	_ =	sdelay $0x1  }
0x1d8: {  	v3 =	vperm.xlane v3, v2;
	v4 =	vadd.s32 v1, v4;
	_ =	sdelay $0x1  }
0x1d9: {  	v3 =	vadd.s32 v1, v3;
	_ =	sdelay $0x2  }
0x1da: {  	[tilespmem:s31], [sflag:$0x1] =	stream.indirect_vreg.gather [hbm4b:s5+s3], $0x80, v4, vm0, $0xb8;
	[tilespmem:$0x7880] =	vst v63  }
0x1db: {  	_ = 	snop  }
0x1dc: {  	[tilespmem:s1], [sflag:$0x1] =	stream.indirect_vreg.gather [hbm4b:s5+s3], $0x80, v3, vm0, $0xb8;
	[tilespmem:$0x7880] =	vst v63  }
0x1dd: {  	_ =	swait.ge [sflag:s21], $0x5000  }
0x1de: {  	[sflag:s21] =	ssyncset.done $0x0  }
0x1df: {  	[sflag:s21] =	ssyncadd.s32 $0xFFFFB000  }
0x1e0: {  	[hbm4b:s14+s3] =	stream.linear.scatter [tilespmem:s22], [sflag:$0x2], $0x5000, $0x38;
	[tilespmem:$0x7880] =	vst v63  }
0x1e1: {  	_ =	swait.ge [sflag:s18], $0x5000  }
0x1e2: {  	[sflag:s18] =	ssyncset.done $0x0  }
0x1e3: {  	[sflag:s18] =	ssyncadd.s32 $0xFFFFB000  }
0x1e4: {  	[tilespmem:s3], [sflag:$0x2] =	stream.linear.gather [hbm4b:s15+s3], $0x50, $0x38;
	[tilespmem:$0x7880] =	vst v63  }
0x1e5: {  	_ =	swait.ge [sflag:s18], $0x50  }
0x1e6: {  	[sflag:s18] =	ssyncset.done $0x0  }
0x1e7: {  	[sflag:s18] =	ssyncadd.s32 $0xFFFFFFB0  }
0x1e8: {  	[tilespmem:s20], [sflag:$0x1] =	stream.indirect.gather [hbm4b:s9+s19], $0x80, s3, s19, $0xb8;
	[tilespmem:$0x7880] =	vst v63  }
0x1e9: {  	_ =	swait.ge [sflag:s21], $0x2800  }
0x1ea: {  	p0 =	sne.s32 s17, $0x1;
	[sflag:s21] =	ssyncset.done $0x0  }
.Ltmp0:
0x1eb: {  	[sflag:s21] =	ssyncadd.s32 $0xFFFFD800;
	(pc) =	sbr.rel @p0 .LBB2_1-.Ltmp0, $4  }
0x1ec: {  	[hbm4b:s16+s3] =	stream.linear.scatter [tilespmem:s20], [sflag:$0x2], $0x2800, $0x38;
	[tilespmem:$0x7880] =	vst v63  }
0x1ed: {  	_ =	swait.ge [sflag:s18], $0x2800  }
0x1ee: {  	[sflag:s18] =	ssyncset.done $0x0  }
0x1ef: {  	s17 =	sadd.s32 $0xFFFFFFFF, s17;
	[sflag:s18] =	ssyncadd.s32 $0xFFFFD800  }
0x1f0: {  	_ =	sfence.sel $0x180000  }
0x1f1: {  	[bflag:$0x0] =	sbarrier.arrive $0xFFFF  }
0x1f2: {  	_ =	strace $0x90000047  }
0x1f3: {  	s0 =	stileid.u32;
	[bflag:$0x2] =	sbarrier.arrive $0xFFFF  }
0x1f4: {  	p0 =	sne.s32 s0, $0x0;
	s0 =	rddreg [dreg:$0x2]  }
0x1f5: {  	s0 =	sadd.s32 @!p0 $0x100000, s0  }
0x1f6: {  	[sflag:s0] =	ssyncadd.tile.s32 @!p0 $0x1;
	_ =	shalt  }
.Lfunc_end2:
_tile_overlayer_lowered:
.L_overlay_start_2:
0x1f7: {  	(tag) =	ssettag $0x2  }
0x1f8: {  	s0 =	rddreg [dreg:$0x0];
	s2 =	stileid.u32  }
0x1f9: {  	s1 =	rddreg [dreg:$0x1];
	p0 =	sne.s32 s2, $0x0  }
0x1fa: {  	s3 =	rddreg [dreg:$0x2];
	[bflag:$0x3] =	sbarrier.arrive $0xFFFF;
	s2 =	simm.s32 @!p0 $0x1C02  }
0x1fb: {  	[timem:s3], [sflag:s2] =	dma.local @!p0 [hbm:s0], s1  }
0x1fc: {  	s0 =	simm.s32 @!p0 $0x2  }
0x1fd: {  	_ =	swait.ge @!p0 [sflag:s0], s1  }
0x1fe: {  	s1 =	ssub.s32 @!p0 $0x0, s1;
	[sflag:s0] =	ssyncset.done @!p0 $0x0  }
0x1ff: {  	[sflag:s0] =	ssyncadd.s32 @!p0 s1  }
0x200: {  	[bflag:$0x3] =	sbarrier.arrive $0xFFFF  }
0x201: {  	_ =	shalt  }

</sc_bundles>
